<compile_context>
chip_gen: v7x
topology: tpu7x:2x2x1
jax: 0.10.2.dev20260603
libtpu: 0.0.44.dev20260713+nightly
codegen_flags: <defaults>
</compile_context>

<pallas_src>
import functools

import jax
import jax.numpy as jnp
from jax import lax
from jax.experimental import pallas as pl
from jax.experimental.pallas import tpu as pltpu
from jax.experimental.pallas import tpu_sc as plsc

CTX_DIM = 768
N_CLS = 1000
SEQ = 77
N_CTX = 4
LANES = 16
CTX_FLAT = N_CTX * CTX_DIM


def _sc_prompts(idx3, token_embedding, ctx_flat):
    info = plsc.get_sparse_core_info()
    nw = info.num_cores * info.num_subcores
    base = N_CLS // nw
    extra = N_CLS - base * nw
    mesh = plsc.VectorSubcoreMesh(core_axis_name="c", subcore_axis_name="s")

    @functools.partial(
        pl.kernel,
        mesh=mesh,
        out_type=jax.ShapeDtypeStruct((N_CLS, SEQ, CTX_DIM), jnp.float32),
        scratch_types=[
            pltpu.VMEM((2, 1, SEQ), jnp.int32),
            pltpu.VMEM((CTX_FLAT,), jnp.float32),
            pltpu.VMEM((2, SEQ, CTX_DIM), jnp.float32),
            pltpu.SemaphoreType.DMA,
            pltpu.SemaphoreType.DMA,
            pltpu.SemaphoreType.DMA,
        ],
    )
    def k(idx_hbm, table_hbm, ctx_hbm, out_hbm,
          idx_v, ctx_v, buf_v, sem_i, sem_g, sem_o):
        wid = lax.axis_index("s") * info.num_cores + lax.axis_index("c")
        start = wid * base + jnp.minimum(wid, extra)
        count = base + jnp.where(wid < extra, 1, 0)

        pltpu.sync_copy(ctx_hbm, ctx_v)
        pltpu.sync_copy(idx_hbm.at[start], idx_v.at[0])

        def body(i, carry):
            b = lax.rem(i, 2)
            c = start + i

            @pl.when(i >= 1)
            def _():
                pltpu.make_async_copy(
                    idx_hbm.at[c], idx_v.at[b], sem_i).wait()

            @pl.when(i >= 2)
            def _():
                pltpu.make_async_copy(
                    buf_v.at[b], out_hbm.at[c], sem_o).wait()

            gh = pltpu.async_copy(
                table_hbm.at[idx_v.at[b, 0]], buf_v.at[b], sem_g)

            @pl.when(i + 1 < count)
            def _():
                pltpu.async_copy(idx_hbm.at[c + 1], idx_v.at[1 - b], sem_i)

            gh.wait()
            for r in range(N_CTX):
                for j in range(CTX_DIM // LANES):
                    buf_v[b, 1 + r, pl.ds(j * LANES, LANES)] = (
                        ctx_v[pl.ds(r * CTX_DIM + j * LANES, LANES)])
            pltpu.async_copy(buf_v.at[b], out_hbm.at[c], sem_o)
            return carry

        lax.fori_loop(0, count, body, 0)

        @pl.when(count >= 1)
        def _():
            pltpu.make_async_copy(
                buf_v.at[0], out_hbm.at[start], sem_o).wait()

        @pl.when(count >= 2)
        def _():
            pltpu.make_async_copy(
                buf_v.at[1], out_hbm.at[start], sem_o).wait()

    return k(idx3, token_embedding, ctx_flat)


def kernel(tokenized_prompts, token_embedding, ctx):
    idx3 = tokenized_prompts.reshape(N_CLS, 1, SEQ)
    return _sc_prompts(idx3, token_embedding, ctx.reshape(CTX_FLAT))

# --- scband reference (transcript-rebuilt; emitter-appended) ---
"""Pipeline reference for scband-vlprompt-learner-72481868087979 (READ-ONLY COPY).

The authoritative reference and input builder live on the scoring server;
editing this copy changes nothing except your own understanding.
"""

import jax, jax.numpy as jnp
import numpy as np

VOCAB = 49408
CTX_DIM = 768
N_CLS = 1000
SEQ = 77
N_CTX = 4


def setup_inputs(seed: int = 0) -> dict:
    key = jax.random.key(seed)
    k1, k2, k3 = jax.random.split(key, 3)
    tokenized_prompts = jax.random.randint(k1, (N_CLS, SEQ), 0, VOCAB, dtype=jnp.int32)
    token_embedding = jax.random.normal(k2, (VOCAB, CTX_DIM), dtype=jnp.float32) * 0.02
    ctx = jax.random.normal(k3, (N_CTX, CTX_DIM), dtype=jnp.float32) * 0.02
    return {"tokenized_prompts": tokenized_prompts, "token_embedding": token_embedding, "ctx": ctx}


def reference(tokenized_prompts, token_embedding, ctx):
    # ctx: learned context vectors [n_ctx, ctx_dim]; expand over classes
    n_cls = tokenized_prompts.shape[0]
    ctx_e = jnp.broadcast_to(ctx[None, :, :], (n_cls, N_CTX, ctx.shape[1]))
    # token embedding lookup (gather): [n_cls, seq, ctx_dim]
    embedding = jnp.take(token_embedding, tokenized_prompts, axis=0)
    prefix = embedding[:, :1, :]              # SOS token embedding
    suffix = embedding[:, 1 + N_CTX:, :]      # class tokens + EOS + padding
    prompts = jnp.concatenate([prefix, ctx_e, suffix], axis=1)
    return prompts

if __name__ == "__main__":
    import jax
    _d = setup_inputs()
    print(jax.jit(kernel)(*tuple(_d.values())))

</pallas_src>

<mosaic_0001>
#map = affine_map<(d0, d1) -> (0, 0, 0)>
#map1 = affine_map<(d0, d1) -> (0, 0)>
#map2 = affine_map<(d0, d1) -> (0)>
module attributes {stable_mosaic.version = 14 : i64} {
  func.func @k(%arg0: i32, %arg1: i32, %arg2: memref<1000x1x77xi32, #tpu.memory_space<hbm>>, %arg3: memref<49408x768xf32, #tpu.memory_space<hbm>>, %arg4: memref<3072xf32, #tpu.memory_space<hbm>>, %arg5: memref<1000x77x768xf32, #tpu.memory_space<hbm>>, %arg6: memref<2x1x77xi32, #tpu.memory_space<vmem>>, %arg7: memref<3072xf32, #tpu.memory_space<vmem>>, %arg8: memref<2x77x768xf32, #tpu.memory_space<vmem>>, %arg9: memref<!tpu.dma_semaphore, #tpu.memory_space<semaphore_mem>>, %arg10: memref<!tpu.dma_semaphore, #tpu.memory_space<semaphore_mem>>, %arg11: memref<!tpu.dma_semaphore, #tpu.memory_space<semaphore_mem>>) attributes {dimension_semantics = [#tpu.dimension_semantics<core_parallel>, #tpu.dimension_semantics<subcore_parallel>], iteration_bounds = array<i64: 2, 16>, scalar_prefetch = 0 : i64, scratch_operands = 6 : i64, tpu.core_type = #tpu.core_type<sc_vector_subcore>, window_params = [{transform_indices = #map}, {transform_indices = #map1}, {transform_indices = #map2}, {transform_indices = #map}]} {
    %mul3A = arith.constant 2 : i32
    %mul3A_0 = arith.muli %arg1, %mul3A : i32
    %add3A = arith.addi %mul3A_0, %arg0 : i32
    %mul3A_1 = arith.constant 31 : i32
    %mul3A_2 = arith.muli %add3A, %mul3A_1 : i32
    %min3A = arith.constant 8 : i32
    %min3A_3 = arith.minsi %add3A, %min3A : i32
    %add3A_4 = arith.addi %mul3A_2, %min3A_3 : i32
    %lt3A = arith.constant 8 : i32
    %lt3A_5 = arith.cmpi slt, %add3A, %lt3A : i32
    %jit3A = arith.constant 1 : i32
    %jit3A_6 = arith.constant 0 : i32
    %select_n3A = arith.select %lt3A_5, %jit3A, %jit3A_6 : i32
    %add3A_7 = arith.constant 31 : i32
    %add3A_8 = arith.addi %add3A_7, %select_n3A : i32
    "tpu.region"() ({
      %run_scoped3A_25 = tpu.sem_alloc : memref<!tpu.dma_semaphore, #tpu.memory_space<semaphore_mem>>
      tpu.enqueue_dma source(%arg4 : memref<3072xf32, #tpu.memory_space<hbm>>) target(%arg7 : memref<3072xf32, #tpu.memory_space<vmem>>) target_semaphore(%run_scoped3A_25 : memref<!tpu.dma_semaphore, #tpu.memory_space<semaphore_mem>>)
      tpu.wait_dma2 semaphore(%run_scoped3A_25 : memref<!tpu.dma_semaphore, #tpu.memory_space<semaphore_mem>>) src(%arg4 : memref<3072xf32, #tpu.memory_space<hbm>>) dst(%arg7 : memref<3072xf32, #tpu.memory_space<vmem>>)
      tpu.yield
    }) : () -> ()
    %run_scoped3A = arith.constant 0 : i32
    "tpu.region"() ({
      %run_scoped3A_25 = tpu.sem_alloc : memref<!tpu.dma_semaphore, #tpu.memory_space<semaphore_mem>>
      %dma_start3A = arith.constant 0 : i32
      %dma_start3A_26 = arith.constant 0 : i32
      %dma_start3A_27 = tpu.memref_slice %arg6[%run_scoped3A, %dma_start3A, %dma_start3A_26] : memref<2x1x77xi32, #tpu.memory_space<vmem>> -> memref<1x1x77xi32, #tpu.memory_space<vmem>>
      %dma_start3A_28 = tpu.memref_squeeze %dma_start3A_27 : memref<1x1x77xi32, #tpu.memory_space<vmem>> -> memref<1x77xi32, #tpu.memory_space<vmem>>
      %dma_start3A_29 = arith.constant 0 : i32
      %dma_start3A_30 = arith.constant 0 : i32
      %dma_start3A_31 = tpu.memref_slice %arg2[%add3A_4, %dma_start3A_29, %dma_start3A_30] : memref<1000x1x77xi32, #tpu.memory_space<hbm>> -> memref<1x1x77xi32, #tpu.memory_space<hbm>>
      %dma_start3A_32 = tpu.memref_squeeze %dma_start3A_31 : memref<1x1x77xi32, #tpu.memory_space<hbm>> -> memref<1x77xi32, #tpu.memory_space<hbm>>
      %dma_start3A_33 = arith.constant 0 : i32
      %dma_start3A_34 = arith.constant 0 : i32
      %dma_start3A_35 = tpu.memref_slice %arg6[%run_scoped3A, %dma_start3A_33, %dma_start3A_34] : memref<2x1x77xi32, #tpu.memory_space<vmem>> -> memref<1x1x77xi32, #tpu.memory_space<vmem>>
      %dma_start3A_36 = tpu.memref_squeeze %dma_start3A_35 : memref<1x1x77xi32, #tpu.memory_space<vmem>> -> memref<1x77xi32, #tpu.memory_space<vmem>>
      %dma_start3A_37 = arith.constant 0 : i32
      %dma_start3A_38 = arith.constant 0 : i32
      %dma_start3A_39 = tpu.memref_slice %arg2[%add3A_4, %dma_start3A_37, %dma_start3A_38] : memref<1000x1x77xi32, #tpu.memory_space<hbm>> -> memref<1x1x77xi32, #tpu.memory_space<hbm>>
      %dma_start3A_40 = tpu.memref_squeeze %dma_start3A_39 : memref<1x1x77xi32, #tpu.memory_space<hbm>> -> memref<1x77xi32, #tpu.memory_space<hbm>>
      tpu.enqueue_dma source(%dma_start3A_40 : memref<1x77xi32, #tpu.memory_space<hbm>>) target(%dma_start3A_36 : memref<1x77xi32, #tpu.memory_space<vmem>>) target_semaphore(%run_scoped3A_25 : memref<!tpu.dma_semaphore, #tpu.memory_space<semaphore_mem>>)
      %dma_wait3A = arith.constant 0 : i32
      %dma_wait3A_41 = arith.constant 0 : i32
      %dma_wait3A_42 = tpu.memref_slice %arg6[%run_scoped3A, %dma_wait3A, %dma_wait3A_41] : memref<2x1x77xi32, #tpu.memory_space<vmem>> -> memref<1x1x77xi32, #tpu.memory_space<vmem>>
      %dma_wait3A_43 = tpu.memref_squeeze %dma_wait3A_42 : memref<1x1x77xi32, #tpu.memory_space<vmem>> -> memref<1x77xi32, #tpu.memory_space<vmem>>
      %dma_wait3A_44 = arith.constant 0 : i32
      %dma_wait3A_45 = arith.constant 0 : i32
      %dma_wait3A_46 = tpu.memref_slice %arg2[%add3A_4, %dma_wait3A_44, %dma_wait3A_45] : memref<1000x1x77xi32, #tpu.memory_space<hbm>> -> memref<1x1x77xi32, #tpu.memory_space<hbm>>
      %dma_wait3A_47 = tpu.memref_squeeze %dma_wait3A_46 : memref<1x1x77xi32, #tpu.memory_space<hbm>> -> memref<1x77xi32, #tpu.memory_space<hbm>>
      %dma_wait3A_48 = arith.constant 0 : i32
      %dma_wait3A_49 = arith.constant 0 : i32
      %dma_wait3A_50 = tpu.memref_slice %arg6[%run_scoped3A, %dma_wait3A_48, %dma_wait3A_49] : memref<2x1x77xi32, #tpu.memory_space<vmem>> -> memref<1x1x77xi32, #tpu.memory_space<vmem>>
      %dma_wait3A_51 = tpu.memref_squeeze %dma_wait3A_50 : memref<1x1x77xi32, #tpu.memory_space<vmem>> -> memref<1x77xi32, #tpu.memory_space<vmem>>
      %dma_wait3A_52 = arith.constant 0 : i32
      %dma_wait3A_53 = arith.constant 0 : i32
      %dma_wait3A_54 = tpu.memref_slice %arg2[%add3A_4, %dma_wait3A_52, %dma_wait3A_53] : memref<1000x1x77xi32, #tpu.memory_space<hbm>> -> memref<1x1x77xi32, #tpu.memory_space<hbm>>
      %dma_wait3A_55 = tpu.memref_squeeze %dma_wait3A_54 : memref<1x1x77xi32, #tpu.memory_space<hbm>> -> memref<1x77xi32, #tpu.memory_space<hbm>>
      tpu.wait_dma2 semaphore(%run_scoped3A_25 : memref<!tpu.dma_semaphore, #tpu.memory_space<semaphore_mem>>) src(%dma_wait3A_55 : memref<1x77xi32, #tpu.memory_space<hbm>>) dst(%dma_wait3A_51 : memref<1x77xi32, #tpu.memory_space<vmem>>)
      tpu.yield
    }) : () -> ()
    %while3A = arith.constant 0 : i32
    %while3A_9 = arith.constant 0 : i32
    %while3A_10 = arith.subi %add3A_8, %while3A_9 : i32
    %while3A_11 = arith.addi %while3A_9, %while3A_10 : i32
    %while3A_12 = arith.constant 1 : i32
    %while3A_13 = arith.divsi %while3A_10, %while3A_12 : i32
    %while3A_14 = arith.muli %while3A_13, %while3A_12 : i32
    %while3A_15 = arith.addi %while3A_9, %while3A_14 : i32
    %while3A_16 = arith.constant 1 : i32
    scf.for %while3A_25 = %while3A_9 to %while3A_15 step %while3A_16  : i32 {
      %rem3A = arith.constant 2 : i32
      %rem3A_26 = arith.remsi %while3A_25, %rem3A : i32
      %add3A_27 = arith.addi %add3A_4, %while3A_25 : i32
      %ge3A_28 = arith.constant 1 : i32
      %ge3A_29 = arith.cmpi sge, %while3A_25, %ge3A_28 : i32
      %convert_element_type3A_30 = arith.extui %ge3A_29 : i1 to i32
      %cond3A_31 = arith.constant 0 : i32
      %cond3A_32 = arith.cmpi ne, %convert_element_type3A_30, %cond3A_31 : i32
      scf.if %cond3A_32 {
        %dma_wait3A_1998 = arith.constant 0 : i32
        %dma_wait3A_1999 = arith.constant 0 : i32
        %dma_wait3A_2000 = tpu.memref_slice %arg6[%rem3A_26, %dma_wait3A_1998, %dma_wait3A_1999] : memref<2x1x77xi32, #tpu.memory_space<vmem>> -> memref<1x1x77xi32, #tpu.memory_space<vmem>>
        %dma_wait3A_2001 = tpu.memref_squeeze %dma_wait3A_2000 : memref<1x1x77xi32, #tpu.memory_space<vmem>> -> memref<1x77xi32, #tpu.memory_space<vmem>>
        %dma_wait3A_2002 = arith.constant 0 : i32
        %dma_wait3A_2003 = arith.constant 0 : i32
        %dma_wait3A_2004 = tpu.memref_slice %arg2[%add3A_27, %dma_wait3A_2002, %dma_wait3A_2003] : memref<1000x1x77xi32, #tpu.memory_space<hbm>> -> memref<1x1x77xi32, #tpu.memory_space<hbm>>
        %dma_wait3A_2005 = tpu.memref_squeeze %dma_wait3A_2004 : memref<1x1x77xi32, #tpu.memory_space<hbm>> -> memref<1x77xi32, #tpu.memory_space<hbm>>
        %dma_wait3A_2006 = arith.constant 0 : i32
        %dma_wait3A_2007 = arith.constant 0 : i32
        %dma_wait3A_2008 = tpu.memref_slice %arg6[%rem3A_26, %dma_wait3A_2006, %dma_wait3A_2007] : memref<2x1x77xi32, #tpu.memory_space<vmem>> -> memref<1x1x77xi32, #tpu.memory_space<vmem>>
        %dma_wait3A_2009 = tpu.memref_squeeze %dma_wait3A_2008 : memref<1x1x77xi32, #tpu.memory_space<vmem>> -> memref<1x77xi32, #tpu.memory_space<vmem>>
        %dma_wait3A_2010 = arith.constant 0 : i32
        %dma_wait3A_2011 = arith.constant 0 : i32
        %dma_wait3A_2012 = tpu.memref_slice %arg2[%add3A_27, %dma_wait3A_2010, %dma_wait3A_2011] : memref<1000x1x77xi32, #tpu.memory_space<hbm>> -> memref<1x1x77xi32, #tpu.memory_space<hbm>>
        %dma_wait3A_2013 = tpu.memref_squeeze %dma_wait3A_2012 : memref<1x1x77xi32, #tpu.memory_space<hbm>> -> memref<1x77xi32, #tpu.memory_space<hbm>>
        tpu.wait_dma2 semaphore(%arg9 : memref<!tpu.dma_semaphore, #tpu.memory_space<semaphore_mem>>) src(%dma_wait3A_2013 : memref<1x77xi32, #tpu.memory_space<hbm>>) dst(%dma_wait3A_2009 : memref<1x77xi32, #tpu.memory_space<vmem>>)
      } else {
      }
      %ge3A_33 = arith.constant 2 : i32
      %ge3A_34 = arith.cmpi sge, %while3A_25, %ge3A_33 : i32
      %convert_element_type3A_35 = arith.extui %ge3A_34 : i1 to i32
      %cond3A_36 = arith.constant 0 : i32
      %cond3A_37 = arith.cmpi ne, %convert_element_type3A_35, %cond3A_36 : i32
      scf.if %cond3A_37 {
        %dma_wait3A_1998 = arith.constant 0 : i32
        %dma_wait3A_1999 = arith.constant 0 : i32
        %dma_wait3A_2000 = tpu.memref_slice %arg8[%rem3A_26, %dma_wait3A_1998, %dma_wait3A_1999] : memref<2x77x768xf32, #tpu.memory_space<vmem>> -> memref<1x77x768xf32, #tpu.memory_space<vmem>>
        %dma_wait3A_2001 = tpu.memref_squeeze %dma_wait3A_2000 : memref<1x77x768xf32, #tpu.memory_space<vmem>> -> memref<77x768xf32, #tpu.memory_space<vmem>>
        %dma_wait3A_2002 = arith.constant 0 : i32
        %dma_wait3A_2003 = arith.constant 0 : i32
        %dma_wait3A_2004 = tpu.memref_slice %arg5[%add3A_27, %dma_wait3A_2002, %dma_wait3A_2003] : memref<1000x77x768xf32, #tpu.memory_space<hbm>> -> memref<1x77x768xf32, #tpu.memory_space<hbm>>
        %dma_wait3A_2005 = tpu.memref_squeeze %dma_wait3A_2004 : memref<1x77x768xf32, #tpu.memory_space<hbm>> -> memref<77x768xf32, #tpu.memory_space<hbm>>
        %dma_wait3A_2006 = arith.constant 0 : i32
        %dma_wait3A_2007 = arith.constant 0 : i32
        %dma_wait3A_2008 = tpu.memref_slice %arg5[%add3A_27, %dma_wait3A_2006, %dma_wait3A_2007] : memref<1000x77x768xf32, #tpu.memory_space<hbm>> -> memref<1x77x768xf32, #tpu.memory_space<hbm>>
        %dma_wait3A_2009 = tpu.memref_squeeze %dma_wait3A_2008 : memref<1x77x768xf32, #tpu.memory_space<hbm>> -> memref<77x768xf32, #tpu.memory_space<hbm>>
        %dma_wait3A_2010 = arith.constant 0 : i32
        %dma_wait3A_2011 = arith.constant 0 : i32
        %dma_wait3A_2012 = tpu.memref_slice %arg8[%rem3A_26, %dma_wait3A_2010, %dma_wait3A_2011] : memref<2x77x768xf32, #tpu.memory_space<vmem>> -> memref<1x77x768xf32, #tpu.memory_space<vmem>>
        %dma_wait3A_2013 = tpu.memref_squeeze %dma_wait3A_2012 : memref<1x77x768xf32, #tpu.memory_space<vmem>> -> memref<77x768xf32, #tpu.memory_space<vmem>>
        tpu.wait_dma2 semaphore(%arg11 : memref<!tpu.dma_semaphore, #tpu.memory_space<semaphore_mem>>) src(%dma_wait3A_2013 : memref<77x768xf32, #tpu.memory_space<vmem>>) dst(%dma_wait3A_2009 : memref<77x768xf32, #tpu.memory_space<hbm>>)
      } else {
      }
      %dma_start3A = arith.constant 0 : i32
      %dma_start3A_38 = arith.constant 0 : i32
      %dma_start3A_39 = arith.constant 0 : i32
      %dma_start3A_40 = tpu.memref_slice %arg8[%rem3A_26, %dma_start3A_38, %dma_start3A_39] : memref<2x77x768xf32, #tpu.memory_space<vmem>> -> memref<1x77x768xf32, #tpu.memory_space<vmem>>
      %dma_start3A_41 = tpu.memref_squeeze %dma_start3A_40 : memref<1x77x768xf32, #tpu.memory_space<vmem>> -> memref<77x768xf32, #tpu.memory_space<vmem>>
      %dma_start3A_42 = arith.constant 0 : i32
      %dma_start3A_43 = tpu.memref_slice %arg6[%rem3A_26, %dma_start3A, %dma_start3A_42] : memref<2x1x77xi32, #tpu.memory_space<vmem>> -> memref<1x1x77xi32, #tpu.memory_space<vmem>>
      %dma_start3A_44 = tpu.memref_squeeze %dma_start3A_43 : memref<1x1x77xi32, #tpu.memory_space<vmem>> -> memref<77xi32, #tpu.memory_space<vmem>>
      %dma_start3A_45 = arith.constant 0 : i32
      %dma_start3A_46 = arith.constant 0 : i32
      %dma_start3A_47 = tpu.memref_slice %arg3[%dma_start3A_45, %dma_start3A_46] : memref<49408x768xf32, #tpu.memory_space<hbm>> -> memref<49408x768xf32, #tpu.memory_space<hbm>>
      tpu.enqueue_indirect_dma source(%dma_start3A_47 : memref<49408x768xf32, #tpu.memory_space<hbm>>) target(%dma_start3A_41 : memref<77x768xf32, #tpu.memory_space<vmem>>) offsets(%dma_start3A_44 : memref<77xi32, #tpu.memory_space<vmem>>) semaphore(%arg10 : memref<!tpu.dma_semaphore, #tpu.memory_space<semaphore_mem>>)
      %add3A_48 = arith.constant 1 : i32
      %add3A_49 = arith.addi %while3A_25, %add3A_48 : i32
      %lt3A_50 = arith.cmpi slt, %add3A_49, %add3A_8 : i32
      %convert_element_type3A_51 = arith.extui %lt3A_50 : i1 to i32
      %cond3A_52 = arith.constant 0 : i32
      %cond3A_53 = arith.cmpi ne, %convert_element_type3A_51, %cond3A_52 : i32
      scf.if %cond3A_53 {
        %add3A_1998 = arith.constant 1 : i32
        %add3A_1999 = arith.addi %add3A_27, %add3A_1998 : i32
        %sub3A = arith.constant 1 : i32
        %sub3A_2000 = arith.subi %sub3A, %rem3A_26 : i32
        %dma_start3A_2001 = arith.constant 0 : i32
        %dma_start3A_2002 = arith.constant 0 : i32
        %dma_start3A_2003 = tpu.memref_slice %arg6[%sub3A_2000, %dma_start3A_2001, %dma_start3A_2002] : memref<2x1x77xi32, #tpu.memory_space<vmem>> -> memref<1x1x77xi32, #tpu.memory_space<vmem>>
        %dma_start3A_2004 = tpu.memref_squeeze %dma_start3A_2003 : memref<1x1x77xi32, #tpu.memory_space<vmem>> -> memref<1x77xi32, #tpu.memory_space<vmem>>
        %dma_start3A_2005 = arith.constant 0 : i32
        %dma_start3A_2006 = arith.constant 0 : i32
        %dma_start3A_2007 = tpu.memref_slice %arg2[%add3A_1999, %dma_start3A_2005, %dma_start3A_2006] : memref<1000x1x77xi32, #tpu.memory_space<hbm>> -> memref<1x1x77xi32, #tpu.memory_space<hbm>>
        %dma_start3A_2008 = tpu.memref_squeeze %dma_start3A_2007 : memref<1x1x77xi32, #tpu.memory_space<hbm>> -> memref<1x77xi32, #tpu.memory_space<hbm>>
        %dma_start3A_2009 = arith.constant 0 : i32
        %dma_start3A_2010 = arith.constant 0 : i32
        %dma_start3A_2011 = tpu.memref_slice %arg6[%sub3A_2000, %dma_start3A_2009, %dma_start3A_2010] : memref<2x1x77xi32, #tpu.memory_space<vmem>> -> memref<1x1x77xi32, #tpu.memory_space<vmem>>
        %dma_start3A_2012 = tpu.memref_squeeze %dma_start3A_2011 : memref<1x1x77xi32, #tpu.memory_space<vmem>> -> memref<1x77xi32, #tpu.memory_space<vmem>>
        %dma_start3A_2013 = arith.constant 0 : i32
        %dma_start3A_2014 = arith.constant 0 : i32
        %dma_start3A_2015 = tpu.memref_slice %arg2[%add3A_1999, %dma_start3A_2013, %dma_start3A_2014] : memref<1000x1x77xi32, #tpu.memory_space<hbm>> -> memref<1x1x77xi32, #tpu.memory_space<hbm>>
        %dma_start3A_2016 = tpu.memref_squeeze %dma_start3A_2015 : memref<1x1x77xi32, #tpu.memory_space<hbm>> -> memref<1x77xi32, #tpu.memory_space<hbm>>
        tpu.enqueue_dma source(%dma_start3A_2016 : memref<1x77xi32, #tpu.memory_space<hbm>>) target(%dma_start3A_2012 : memref<1x77xi32, #tpu.memory_space<vmem>>) target_semaphore(%arg9 : memref<!tpu.dma_semaphore, #tpu.memory_space<semaphore_mem>>)
      } else {
      }
      %dma_wait3A = arith.constant 0 : i32
      %dma_wait3A_54 = arith.constant 0 : i32
      %dma_wait3A_55 = arith.constant 0 : i32
      %dma_wait3A_56 = tpu.memref_slice %arg8[%rem3A_26, %dma_wait3A_54, %dma_wait3A_55] : memref<2x77x768xf32, #tpu.memory_space<vmem>> -> memref<1x77x768xf32, #tpu.memory_space<vmem>>
      %dma_wait3A_57 = tpu.memref_squeeze %dma_wait3A_56 : memref<1x77x768xf32, #tpu.memory_space<vmem>> -> memref<77x768xf32, #tpu.memory_space<vmem>>
      %dma_wait3A_58 = arith.constant 0 : i32
      %dma_wait3A_59 = tpu.memref_slice %arg6[%rem3A_26, %dma_wait3A, %dma_wait3A_58] : memref<2x1x77xi32, #tpu.memory_space<vmem>> -> memref<1x1x77xi32, #tpu.memory_space<vmem>>
      %dma_wait3A_60 = tpu.memref_squeeze %dma_wait3A_59 : memref<1x1x77xi32, #tpu.memory_space<vmem>> -> memref<77xi32, #tpu.memory_space<vmem>>
      %dma_wait3A_61 = arith.constant 0 : i32
      %dma_wait3A_62 = arith.constant 0 : i32
      %dma_wait3A_63 = tpu.memref_slice %arg3[%dma_wait3A_61, %dma_wait3A_62] : memref<49408x768xf32, #tpu.memory_space<hbm>> -> memref<49408x768xf32, #tpu.memory_space<hbm>>
      tpu.wait_indirect_dma semaphore(%arg10 : memref<!tpu.dma_semaphore, #tpu.memory_space<semaphore_mem>>) src(%dma_wait3A_63 : memref<49408x768xf32, #tpu.memory_space<hbm>>) dst(%dma_wait3A_57 : memref<77x768xf32, #tpu.memory_space<vmem>>)
      %get3A = arith.constant 0 : index
      %get3A_64 = tpu.vector_load %arg7[%get3A] {strides = array<i32>} : memref<3072xf32, #tpu.memory_space<vmem>>, vector<16xf32>,
      %get3A_65 = vector.shape_cast %get3A_64 : vector<16xf32> to vector<16xf32>
      %swap3A = arith.constant 1 : i32
      %swap3A_66 = arith.index_cast %rem3A_26 : i32 to index
      %swap3A_67 = arith.index_cast %swap3A : i32 to index
      %swap3A_68 = arith.constant 0 : index
      %swap3A_69 = tpu.vector_load %arg8[%swap3A_66, %swap3A_67, %swap3A_68] {strides = array<i32>} : memref<2x77x768xf32, #tpu.memory_space<vmem>>, vector<1x1x16xf32>,
      %swap3A_70 = vector.shape_cast %swap3A_69 : vector<1x1x16xf32> to vector<16xf32>
      %swap3A_71 = vector.shape_cast %get3A_65 : vector<16xf32> to vector<1x1x16xf32>
      tpu.vector_store %arg8[%swap3A_66, %swap3A_67, %swap3A_68], %swap3A_71 {strides = array<i32>} : memref<2x77x768xf32, #tpu.memory_space<vmem>>, vector<1x1x16xf32>,
      %get3A_72 = arith.constant 16 : index
      %get3A_73 = tpu.vector_load %arg7[%get3A_72] {strides = array<i32>} : memref<3072xf32, #tpu.memory_space<vmem>>, vector<16xf32>,
      %get3A_74 = vector.shape_cast %get3A_73 : vector<16xf32> to vector<16xf32>
      %swap3A_75 = arith.constant 1 : i32
      %swap3A_76 = arith.index_cast %rem3A_26 : i32 to index
      %swap3A_77 = arith.index_cast %swap3A_75 : i32 to index
      %swap3A_78 = arith.constant 16 : index
      %swap3A_79 = tpu.vector_load %arg8[%swap3A_76, %swap3A_77, %swap3A_78] {strides = array<i32>} : memref<2x77x768xf32, #tpu.memory_space<vmem>>, vector<1x1x16xf32>,
      %swap3A_80 = vector.shape_cast %swap3A_79 : vector<1x1x16xf32> to vector<16xf32>
      %swap3A_81 = vector.shape_cast %get3A_74 : vector<16xf32> to vector<1x1x16xf32>
      tpu.vector_store %arg8[%swap3A_76, %swap3A_77, %swap3A_78], %swap3A_81 {strides = array<i32>} : memref<2x77x768xf32, #tpu.memory_space<vmem>>, vector<1x1x16xf32>,
      %get3A_82 = arith.constant 32 : index
      %get3A_83 = tpu.vector_load %arg7[%get3A_82] {strides = array<i32>} : memref<3072xf32, #tpu.memory_space<vmem>>, vector<16xf32>,
      %get3A_84 = vector.shape_cast %get3A_83 : vector<16xf32> to vector<16xf32>
      %swap3A_85 = arith.constant 1 : i32
      %swap3A_86 = arith.index_cast %rem3A_26 : i32 to index
      %swap3A_87 = arith.index_cast %swap3A_85 : i32 to index
      %swap3A_88 = arith.constant 32 : index
      %swap3A_89 = tpu.vector_load %arg8[%swap3A_86, %swap3A_87, %swap3A_88] {strides = array<i32>} : memref<2x77x768xf32, #tpu.memory_space<vmem>>, vector<1x1x16xf32>,
      %swap3A_90 = vector.shape_cast %swap3A_89 : vector<1x1x16xf32> to vector<16xf32>
      %swap3A_91 = vector.shape_cast %get3A_84 : vector<16xf32> to vector<1x1x16xf32>
      tpu.vector_store %arg8[%swap3A_86, %swap3A_87, %swap3A_88], %swap3A_91 {strides = array<i32>} : memref<2x77x768xf32, #tpu.memory_space<vmem>>, vector<1x1x16xf32>,
      %get3A_92 = arith.constant 48 : index
      %get3A_93 = tpu.vector_load %arg7[%get3A_92] {strides = array<i32>} : memref<3072xf32, #tpu.memory_space<vmem>>, vector<16xf32>,
      %get3A_94 = vector.shape_cast %get3A_93 : vector<16xf32> to vector<16xf32>
      %swap3A_95 = arith.constant 1 : i32
      %swap3A_96 = arith.index_cast %rem3A_26 : i32 to index
      %swap3A_97 = arith.index_cast %swap3A_95 : i32 to index
      %swap3A_98 = arith.constant 48 : index
      %swap3A_99 = tpu.vector_load %arg8[%swap3A_96, %swap3A_97, %swap3A_98] {strides = array<i32>} : memref<2x77x768xf32, #tpu.memory_space<vmem>>, vector<1x1x16xf32>,
      %swap3A_100 = vector.shape_cast %swap3A_99 : vector<1x1x16xf32> to vector<16xf32>
      %swap3A_101 = vector.shape_cast %get3A_94 : vector<16xf32> to vector<1x1x16xf32>
      tpu.vector_store %arg8[%swap3A_96, %swap3A_97, %swap3A_98], %swap3A_101 {strides = array<i32>} : memref<2x77x768xf32, #tpu.memory_space<vmem>>, vector<1x1x16xf32>,
      %get3A_102 = arith.constant 64 : index
      %get3A_103 = tpu.vector_load %arg7[%get3A_102] {strides = array<i32>} : memref<3072xf32, #tpu.memory_space<vmem>>, vector<16xf32>,
      %get3A_104 = vector.shape_cast %get3A_103 : vector<16xf32> to vector<16xf32>
      %swap3A_105 = arith.constant 1 : i32
      %swap3A_106 = arith.index_cast %rem3A_26 : i32 to index
      %swap3A_107 = arith.index_cast %swap3A_105 : i32 to index
      %swap3A_108 = arith.constant 64 : index
      %swap3A_109 = tpu.vector_load %arg8[%swap3A_106, %swap3A_107, %swap3A_108] {strides = array<i32>} : memref<2x77x768xf32, #tpu.memory_space<vmem>>, vector<1x1x16xf32>,
      %swap3A_110 = vector.shape_cast %swap3A_109 : vector<1x1x16xf32> to vector<16xf32>
      %swap3A_111 = vector.shape_cast %get3A_104 : vector<16xf32> to vector<1x1x16xf32>
      tpu.vector_store %arg8[%swap3A_106, %swap3A_107, %swap3A_108], %swap3A_111 {strides = array<i32>} : memref<2x77x768xf32, #tpu.memory_space<vmem>>, vector<1x1x16xf32>,
      %get3A_112 = arith.constant 80 : index
      %get3A_113 = tpu.vector_load %arg7[%get3A_112] {strides = array<i32>} : memref<3072xf32, #tpu.memory_space<vmem>>, vector<16xf32>,
      %get3A_114 = vector.shape_cast %get3A_113 : vector<16xf32> to vector<16xf32>
      %swap3A_115 = arith.constant 1 : i32
      %swap3A_116 = arith.index_cast %rem3A_26 : i32 to index
      %swap3A_117 = arith.index_cast %swap3A_115 : i32 to index
      %swap3A_118 = arith.constant 80 : index
      %swap3A_119 = tpu.vector_load %arg8[%swap3A_116, %swap3A_117, %swap3A_118] {strides = array<i32>} : memref<2x77x768xf32, #tpu.memory_space<vmem>>, vector<1x1x16xf32>,
      %swap3A_120 = vector.shape_cast %swap3A_119 : vector<1x1x16xf32> to vector<16xf32>
      %swap3A_121 = vector.shape_cast %get3A_114 : vector<16xf32> to vector<1x1x16xf32>
      tpu.vector_store %arg8[%swap3A_116, %swap3A_117, %swap3A_118], %swap3A_121 {strides = array<i32>} : memref<2x77x768xf32, #tpu.memory_space<vmem>>, vector<1x1x16xf32>,
      %get3A_122 = arith.constant 96 : index
      %get3A_123 = tpu.vector_load %arg7[%get3A_122] {strides = array<i32>} : memref<3072xf32, #tpu.memory_space<vmem>>, vector<16xf32>,
      %get3A_124 = vector.shape_cast %get3A_123 : vector<16xf32> to vector<16xf32>
      %swap3A_125 = arith.constant 1 : i32
      %swap3A_126 = arith.index_cast %rem3A_26 : i32 to index
      %swap3A_127 = arith.index_cast %swap3A_125 : i32 to index
      %swap3A_128 = arith.constant 96 : index
      %swap3A_129 = tpu.vector_load %arg8[%swap3A_126, %swap3A_127, %swap3A_128] {strides = array<i32>} : memref<2x77x768xf32, #tpu.memory_space<vmem>>, vector<1x1x16xf32>,
      %swap3A_130 = vector.shape_cast %swap3A_129 : vector<1x1x16xf32> to vector<16xf32>
      %swap3A_131 = vector.shape_cast %get3A_124 : vector<16xf32> to vector<1x1x16xf32>
      tpu.vector_store %arg8[%swap3A_126, %swap3A_127, %swap3A_128], %swap3A_131 {strides = array<i32>} : memref<2x77x768xf32, #tpu.memory_space<vmem>>, vector<1x1x16xf32>,
      %get3A_132 = arith.constant 112 : index
      %get3A_133 = tpu.vector_load %arg7[%get3A_132] {strides = array<i32>} : memref<3072xf32, #tpu.memory_space<vmem>>, vector<16xf32>,
      %get3A_134 = vector.shape_cast %get3A_133 : vector<16xf32> to vector<16xf32>
      %swap3A_135 = arith.constant 1 : i32
      %swap3A_136 = arith.index_cast %rem3A_26 : i32 to index
      %swap3A_137 = arith.index_cast %swap3A_135 : i32 to index
      %swap3A_138 = arith.constant 112 : index
      %swap3A_139 = tpu.vector_load %arg8[%swap3A_136, %swap3A_137, %swap3A_138] {strides = array<i32>} : memref<2x77x768xf32, #tpu.memory_space<vmem>>, vector<1x1x16xf32>,
      %swap3A_140 = vector.shape_cast %swap3A_139 : vector<1x1x16xf32> to vector<16xf32>
      %swap3A_141 = vector.shape_cast %get3A_134 : vector<16xf32> to vector<1x1x16xf32>
      tpu.vector_store %arg8[%swap3A_136, %swap3A_137, %swap3A_138], %swap3A_141 {strides = array<i32>} : memref<2x77x768xf32, #tpu.memory_space<vmem>>, vector<1x1x16xf32>,
      %get3A_142 = arith.constant 128 : index
      %get3A_143 = tpu.vector_load %arg7[%get3A_142] {strides = array<i32>} : memref<3072xf32, #tpu.memory_space<vmem>>, vector<16xf32>,
      %get3A_144 = vector.shape_cast %get3A_143 : vector<16xf32> to vector<16xf32>
      %swap3A_145 = arith.constant 1 : i32
      %swap3A_146 = arith.index_cast %rem3A_26 : i32 to index
      %swap3A_147 = arith.index_cast %swap3A_145 : i32 to index
      %swap3A_148 = arith.constant 128 : index
      %swap3A_149 = tpu.vector_load %arg8[%swap3A_146, %swap3A_147, %swap3A_148] {strides = array<i32>} : memref<2x77x768xf32, #tpu.memory_space<vmem>>, vector<1x1x16xf32>,
      %swap3A_150 = vector.shape_cast %swap3A_149 : vector<1x1x16xf32> to vector<16xf32>
      %swap3A_151 = vector.shape_cast %get3A_144 : vector<16xf32> to vector<1x1x16xf32>
      tpu.vector_store %arg8[%swap3A_146, %swap3A_147, %swap3A_148], %swap3A_151 {strides = array<i32>} : memref<2x77x768xf32, #tpu.memory_space<vmem>>, vector<1x1x16xf32>,
      %get3A_152 = arith.constant 144 : index
      %get3A_153 = tpu.vector_load %arg7[%get3A_152] {strides = array<i32>} : memref<3072xf32, #tpu.memory_space<vmem>>, vector<16xf32>,
      %get3A_154 = vector.shape_cast %get3A_153 : vector<16xf32> to vector<16xf32>
      %swap3A_155 = arith.constant 1 : i32
      %swap3A_156 = arith.index_cast %rem3A_26 : i32 to index
      %swap3A_157 = arith.index_cast %swap3A_155 : i32 to index
      %swap3A_158 = arith.constant 144 : index
      %swap3A_159 = tpu.vector_load %arg8[%swap3A_156, %swap3A_157, %swap3A_158] {strides = array<i32>} : memref<2x77x768xf32, #tpu.memory_space<vmem>>, vector<1x1x16xf32>,
      %swap3A_160 = vector.shape_cast %swap3A_159 : vector<1x1x16xf32> to vector<16xf32>
      %swap3A_161 = vector.shape_cast %get3A_154 : vector<16xf32> to vector<1x1x16xf32>
      tpu.vector_store %arg8[%swap3A_156, %swap3A_157, %swap3A_158], %swap3A_161 {strides = array<i32>} : memref<2x77x768xf32, #tpu.memory_space<vmem>>, vector<1x1x16xf32>,
      %get3A_162 = arith.constant 160 : index
      %get3A_163 = tpu.vector_load %arg7[%get3A_162] {strides = array<i32>} : memref<3072xf32, #tpu.memory_space<vmem>>, vector<16xf32>,
      %get3A_164 = vector.shape_cast %get3A_163 : vector<16xf32> to vector<16xf32>
      %swap3A_165 = arith.constant 1 : i32
      %swap3A_166 = arith.index_cast %rem3A_26 : i32 to index
      %swap3A_167 = arith.index_cast %swap3A_165 : i32 to index
      %swap3A_168 = arith.constant 160 : index
      %swap3A_169 = tpu.vector_load %arg8[%swap3A_166, %swap3A_167, %swap3A_168] {strides = array<i32>} : memref<2x77x768xf32, #tpu.memory_space<vmem>>, vector<1x1x16xf32>,
      %swap3A_170 = vector.shape_cast %swap3A_169 : vector<1x1x16xf32> to vector<16xf32>
      %swap3A_171 = vector.shape_cast %get3A_164 : vector<16xf32> to vector<1x1x16xf32>
      tpu.vector_store %arg8[%swap3A_166, %swap3A_167, %swap3A_168], %swap3A_171 {strides = array<i32>} : memref<2x77x768xf32, #tpu.memory_space<vmem>>, vector<1x1x16xf32>,
      %get3A_172 = arith.constant 176 : index
      %get3A_173 = tpu.vector_load %arg7[%get3A_172] {strides = array<i32>} : memref<3072xf32, #tpu.memory_space<vmem>>, vector<16xf32>,
      %get3A_174 = vector.shape_cast %get3A_173 : vector<16xf32> to vector<16xf32>
      %swap3A_175 = arith.constant 1 : i32
      %swap3A_176 = arith.index_cast %rem3A_26 : i32 to index
      %swap3A_177 = arith.index_cast %swap3A_175 : i32 to index
      %swap3A_178 = arith.constant 176 : index
      %swap3A_179 = tpu.vector_load %arg8[%swap3A_176, %swap3A_177, %swap3A_178] {strides = array<i32>} : memref<2x77x768xf32, #tpu.memory_space<vmem>>, vector<1x1x16xf32>,
      %swap3A_180 = vector.shape_cast %swap3A_179 : vector<1x1x16xf32> to vector<16xf32>
      %swap3A_181 = vector.shape_cast %get3A_174 : vector<16xf32> to vector<1x1x16xf32>
      tpu.vector_store %arg8[%swap3A_176, %swap3A_177, %swap3A_178], %swap3A_181 {strides = array<i32>} : memref<2x77x768xf32, #tpu.memory_space<vmem>>, vector<1x1x16xf32>,
      %get3A_182 = arith.constant 192 : index
      %get3A_183 = tpu.vector_load %arg7[%get3A_182] {strides = array<i32>} : memref<3072xf32, #tpu.memory_space<vmem>>, vector<16xf32>,
      %get3A_184 = vector.shape_cast %get3A_183 : vector<16xf32> to vector<16xf32>
      %swap3A_185 = arith.constant 1 : i32
      %swap3A_186 = arith.index_cast %rem3A_26 : i32 to index
      %swap3A_187 = arith.index_cast %swap3A_185 : i32 to index
      %swap3A_188 = arith.constant 192 : index
      %swap3A_189 = tpu.vector_load %arg8[%swap3A_186, %swap3A_187, %swap3A_188] {strides = array<i32>} : memref<2x77x768xf32, #tpu.memory_space<vmem>>, vector<1x1x16xf32>,
      %swap3A_190 = vector.shape_cast %swap3A_189 : vector<1x1x16xf32> to vector<16xf32>
      %swap3A_191 = vector.shape_cast %get3A_184 : vector<16xf32> to vector<1x1x16xf32>
      tpu.vector_store %arg8[%swap3A_186, %swap3A_187, %swap3A_188], %swap3A_191 {strides = array<i32>} : memref<2x77x768xf32, #tpu.memory_space<vmem>>, vector<1x1x16xf32>,
      %get3A_192 = arith.constant 208 : index
      %get3A_193 = tpu.vector_load %arg7[%get3A_192] {strides = array<i32>} : memref<3072xf32, #tpu.memory_space<vmem>>, vector<16xf32>,
      %get3A_194 = vector.shape_cast %get3A_193 : vector<16xf32> to vector<16xf32>
      %swap3A_195 = arith.constant 1 : i32
      %swap3A_196 = arith.index_cast %rem3A_26 : i32 to index
      %swap3A_197 = arith.index_cast %swap3A_195 : i32 to index
      %swap3A_198 = arith.constant 208 : index
      %swap3A_199 = tpu.vector_load %arg8[%swap3A_196, %swap3A_197, %swap3A_198] {strides = array<i32>} : memref<2x77x768xf32, #tpu.memory_space<vmem>>, vector<1x1x16xf32>,
      %swap3A_200 = vector.shape_cast %swap3A_199 : vector<1x1x16xf32> to vector<16xf32>
      %swap3A_201 = vector.shape_cast %get3A_194 : vector<16xf32> to vector<1x1x16xf32>
      tpu.vector_store %arg8[%swap3A_196, %swap3A_197, %swap3A_198], %swap3A_201 {strides = array<i32>} : memref<2x77x768xf32, #tpu.memory_space<vmem>>, vector<1x1x16xf32>,
      %get3A_202 = arith.constant 224 : index
      %get3A_203 = tpu.vector_load %arg7[%get3A_202] {strides = array<i32>} : memref<3072xf32, #tpu.memory_space<vmem>>, vector<16xf32>,
      %get3A_204 = vector.shape_cast %get3A_203 : vector<16xf32> to vector<16xf32>
      %swap3A_205 = arith.constant 1 : i32
      %swap3A_206 = arith.index_cast %rem3A_26 : i32 to index
      %swap3A_207 = arith.index_cast %swap3A_205 : i32 to index
      %swap3A_208 = arith.constant 224 : index
      %swap3A_209 = tpu.vector_load %arg8[%swap3A_206, %swap3A_207, %swap3A_208] {strides = array<i32>} : memref<2x77x768xf32, #tpu.memory_space<vmem>>, vector<1x1x16xf32>,
      %swap3A_210 = vector.shape_cast %swap3A_209 : vector<1x1x16xf32> to vector<16xf32>
      %swap3A_211 = vector.shape_cast %get3A_204 : vector<16xf32> to vector<1x1x16xf32>
      tpu.vector_store %arg8[%swap3A_206, %swap3A_207, %swap3A_208], %swap3A_211 {strides = array<i32>} : memref<2x77x768xf32, #tpu.memory_space<vmem>>, vector<1x1x16xf32>,
      %get3A_212 = arith.constant 240 : index
      %get3A_213 = tpu.vector_load %arg7[%get3A_212] {strides = array<i32>} : memref<3072xf32, #tpu.memory_space<vmem>>, vector<16xf32>,
      %get3A_214 = vector.shape_cast %get3A_213 : vector<16xf32> to vector<16xf32>
      %swap3A_215 = arith.constant 1 : i32
      %swap3A_216 = arith.index_cast %rem3A_26 : i32 to index
      %swap3A_217 = arith.index_cast %swap3A_215 : i32 to index
      %swap3A_218 = arith.constant 240 : index
      %swap3A_219 = tpu.vector_load %arg8[%swap3A_216, %swap3A_217, %swap3A_218] {strides = array<i32>} : memref<2x77x768xf32, #tpu.memory_space<vmem>>, vector<1x1x16xf32>,
      %swap3A_220 = vector.shape_cast %swap3A_219 : vector<1x1x16xf32> to vector<16xf32>
      %swap3A_221 = vector.shape_cast %get3A_214 : vector<16xf32> to vector<1x1x16xf32>
      tpu.vector_store %arg8[%swap3A_216, %swap3A_217, %swap3A_218], %swap3A_221 {strides = array<i32>} : memref<2x77x768xf32, #tpu.memory_space<vmem>>, vector<1x1x16xf32>,
      %get3A_222 = arith.constant 256 : index
      %get3A_223 = tpu.vector_load %arg7[%get3A_222] {strides = array<i32>} : memref<3072xf32, #tpu.memory_space<vmem>>, vector<16xf32>,
      %get3A_224 = vector.shape_cast %get3A_223 : vector<16xf32> to vector<16xf32>
      %swap3A_225 = arith.constant 1 : i32
      %swap3A_226 = arith.index_cast %rem3A_26 : i32 to index
      %swap3A_227 = arith.index_cast %swap3A_225 : i32 to index
      %swap3A_228 = arith.constant 256 : index
      %swap3A_229 = tpu.vector_load %arg8[%swap3A_226, %swap3A_227, %swap3A_228] {strides = array<i32>} : memref<2x77x768xf32, #tpu.memory_space<vmem>>, vector<1x1x16xf32>,
      %swap3A_230 = vector.shape_cast %swap3A_229 : vector<1x1x16xf32> to vector<16xf32>
      %swap3A_231 = vector.shape_cast %get3A_224 : vector<16xf32> to vector<1x1x16xf32>
      tpu.vector_store %arg8[%swap3A_226, %swap3A_227, %swap3A_228], %swap3A_231 {strides = array<i32>} : memref<2x77x768xf32, #tpu.memory_space<vmem>>, vector<1x1x16xf32>,
      %get3A_232 = arith.constant 272 : index
      %get3A_233 = tpu.vector_load %arg7[%get3A_232] {strides = array<i32>} : memref<3072xf32, #tpu.memory_space<vmem>>, vector<16xf32>,
      %get3A_234 = vector.shape_cast %get3A_233 : vector<16xf32> to vector<16xf32>
      %swap3A_235 = arith.constant 1 : i32
      %swap3A_236 = arith.index_cast %rem3A_26 : i32 to index
      %swap3A_237 = arith.index_cast %swap3A_235 : i32 to index
      %swap3A_238 = arith.constant 272 : index
      %swap3A_239 = tpu.vector_load %arg8[%swap3A_236, %swap3A_237, %swap3A_238] {strides = array<i32>} : memref<2x77x768xf32, #tpu.memory_space<vmem>>, vector<1x1x16xf32>,
      %swap3A_240 = vector.shape_cast %swap3A_239 : vector<1x1x16xf32> to vector<16xf32>
      %swap3A_241 = vector.shape_cast %get3A_234 : vector<16xf32> to vector<1x1x16xf32>
      tpu.vector_store %arg8[%swap3A_236, %swap3A_237, %swap3A_238], %swap3A_241 {strides = array<i32>} : memref<2x77x768xf32, #tpu.memory_space<vmem>>, vector<1x1x16xf32>,
      %get3A_242 = arith.constant 288 : index
      %get3A_243 = tpu.vector_load %arg7[%get3A_242] {strides = array<i32>} : memref<3072xf32, #tpu.memory_space<vmem>>, vector<16xf32>,
      %get3A_244 = vector.shape_cast %get3A_243 : vector<16xf32> to vector<16xf32>
      %swap3A_245 = arith.constant 1 : i32
      %swap3A_246 = arith.index_cast %rem3A_26 : i32 to index
      %swap3A_247 = arith.index_cast %swap3A_245 : i32 to index
      %swap3A_248 = arith.constant 288 : index
      %swap3A_249 = tpu.vector_load %arg8[%swap3A_246, %swap3A_247, %swap3A_248] {strides = array<i32>} : memref<2x77x768xf32, #tpu.memory_space<vmem>>, vector<1x1x16xf32>,
      %swap3A_250 = vector.shape_cast %swap3A_249 : vector<1x1x16xf32> to vector<16xf32>
      %swap3A_251 = vector.shape_cast %get3A_244 : vector<16xf32> to vector<1x1x16xf32>
      tpu.vector_store %arg8[%swap3A_246, %swap3A_247, %swap3A_248], %swap3A_251 {strides = array<i32>} : memref<2x77x768xf32, #tpu.memory_space<vmem>>, vector<1x1x16xf32>,
      %get3A_252 = arith.constant 304 : index
      %get3A_253 = tpu.vector_load %arg7[%get3A_252] {strides = array<i32>} : memref<3072xf32, #tpu.memory_space<vmem>>, vector<16xf32>,
      %get3A_254 = vector.shape_cast %get3A_253 : vector<16xf32> to vector<16xf32>
      %swap3A_255 = arith.constant 1 : i32
      %swap3A_256 = arith.index_cast %rem3A_26 : i32 to index
      %swap3A_257 = arith.index_cast %swap3A_255 : i32 to index
      %swap3A_258 = arith.constant 304 : index
      %swap3A_259 = tpu.vector_load %arg8[%swap3A_256, %swap3A_257, %swap3A_258] {strides = array<i32>} : memref<2x77x768xf32, #tpu.memory_space<vmem>>, vector<1x1x16xf32>,
      %swap3A_260 = vector.shape_cast %swap3A_259 : vector<1x1x16xf32> to vector<16xf32>
      %swap3A_261 = vector.shape_cast %get3A_254 : vector<16xf32> to vector<1x1x16xf32>
      tpu.vector_store %arg8[%swap3A_256, %swap3A_257, %swap3A_258], %swap3A_261 {strides = array<i32>} : memref<2x77x768xf32, #tpu.memory_space<vmem>>, vector<1x1x16xf32>,
      %get3A_262 = arith.constant 320 : index
      %get3A_263 = tpu.vector_load %arg7[%get3A_262] {strides = array<i32>} : memref<3072xf32, #tpu.memory_space<vmem>>, vector<16xf32>,
      %get3A_264 = vector.shape_cast %get3A_263 : vector<16xf32> to vector<16xf32>
      %swap3A_265 = arith.constant 1 : i32
      %swap3A_266 = arith.index_cast %rem3A_26 : i32 to index
      %swap3A_267 = arith.index_cast %swap3A_265 : i32 to index
      %swap3A_268 = arith.constant 320 : index
      %swap3A_269 = tpu.vector_load %arg8[%swap3A_266, %swap3A_267, %swap3A_268] {strides = array<i32>} : memref<2x77x768xf32, #tpu.memory_space<vmem>>, vector<1x1x16xf32>,
      %swap3A_270 = vector.shape_cast %swap3A_269 : vector<1x1x16xf32> to vector<16xf32>
      %swap3A_271 = vector.shape_cast %get3A_264 : vector<16xf32> to vector<1x1x16xf32>
      tpu.vector_store %arg8[%swap3A_266, %swap3A_267, %swap3A_268], %swap3A_271 {strides = array<i32>} : memref<2x77x768xf32, #tpu.memory_space<vmem>>, vector<1x1x16xf32>,
      %get3A_272 = arith.constant 336 : index
      %get3A_273 = tpu.vector_load %arg7[%get3A_272] {strides = array<i32>} : memref<3072xf32, #tpu.memory_space<vmem>>, vector<16xf32>,
      %get3A_274 = vector.shape_cast %get3A_273 : vector<16xf32> to vector<16xf32>
      %swap3A_275 = arith.constant 1 : i32
      %swap3A_276 = arith.index_cast %rem3A_26 : i32 to index
      %swap3A_277 = arith.index_cast %swap3A_275 : i32 to index
      %swap3A_278 = arith.constant 336 : index
      %swap3A_279 = tpu.vector_load %arg8[%swap3A_276, %swap3A_277, %swap3A_278] {strides = array<i32>} : memref<2x77x768xf32, #tpu.memory_space<vmem>>, vector<1x1x16xf32>,
      %swap3A_280 = vector.shape_cast %swap3A_279 : vector<1x1x16xf32> to vector<16xf32>
      %swap3A_281 = vector.shape_cast %get3A_274 : vector<16xf32> to vector<1x1x16xf32>
      tpu.vector_store %arg8[%swap3A_276, %swap3A_277, %swap3A_278], %swap3A_281 {strides = array<i32>} : memref<2x77x768xf32, #tpu.memory_space<vmem>>, vector<1x1x16xf32>,
      %get3A_282 = arith.constant 352 : index
      %get3A_283 = tpu.vector_load %arg7[%get3A_282] {strides = array<i32>} : memref<3072xf32, #tpu.memory_space<vmem>>, vector<16xf32>,
      %get3A_284 = vector.shape_cast %get3A_283 : vector<16xf32> to vector<16xf32>
      %swap3A_285 = arith.constant 1 : i32
      %swap3A_286 = arith.index_cast %rem3A_26 : i32 to index
      %swap3A_287 = arith.index_cast %swap3A_285 : i32 to index
      %swap3A_288 = arith.constant 352 : index
      %swap3A_289 = tpu.vector_load %arg8[%swap3A_286, %swap3A_287, %swap3A_288] {strides = array<i32>} : memref<2x77x768xf32, #tpu.memory_space<vmem>>, vector<1x1x16xf32>,
      %swap3A_290 = vector.shape_cast %swap3A_289 : vector<1x1x16xf32> to vector<16xf32>
      %swap3A_291 = vector.shape_cast %get3A_284 : vector<16xf32> to vector<1x1x16xf32>
      tpu.vector_store %arg8[%swap3A_286, %swap3A_287, %swap3A_288], %swap3A_291 {strides = array<i32>} : memref<2x77x768xf32, #tpu.memory_space<vmem>>, vector<1x1x16xf32>,
      %get3A_292 = arith.constant 368 : index
      %get3A_293 = tpu.vector_load %arg7[%get3A_292] {strides = array<i32>} : memref<3072xf32, #tpu.memory_space<vmem>>, vector<16xf32>,
      %get3A_294 = vector.shape_cast %get3A_293 : vector<16xf32> to vector<16xf32>
      %swap3A_295 = arith.constant 1 : i32
      %swap3A_296 = arith.index_cast %rem3A_26 : i32 to index
      %swap3A_297 = arith.index_cast %swap3A_295 : i32 to index
      %swap3A_298 = arith.constant 368 : index
      %swap3A_299 = tpu.vector_load %arg8[%swap3A_296, %swap3A_297, %swap3A_298] {strides = array<i32>} : memref<2x77x768xf32, #tpu.memory_space<vmem>>, vector<1x1x16xf32>,
      %swap3A_300 = vector.shape_cast %swap3A_299 : vector<1x1x16xf32> to vector<16xf32>
      %swap3A_301 = vector.shape_cast %get3A_294 : vector<16xf32> to vector<1x1x16xf32>
      tpu.vector_store %arg8[%swap3A_296, %swap3A_297, %swap3A_298], %swap3A_301 {strides = array<i32>} : memref<2x77x768xf32, #tpu.memory_space<vmem>>, vector<1x1x16xf32>,
      %get3A_302 = arith.constant 384 : index
      %get3A_303 = tpu.vector_load %arg7[%get3A_302] {strides = array<i32>} : memref<3072xf32, #tpu.memory_space<vmem>>, vector<16xf32>,
      %get3A_304 = vector.shape_cast %get3A_303 : vector<16xf32> to vector<16xf32>
      %swap3A_305 = arith.constant 1 : i32
      %swap3A_306 = arith.index_cast %rem3A_26 : i32 to index
      %swap3A_307 = arith.index_cast %swap3A_305 : i32 to index
      %swap3A_308 = arith.constant 384 : index
      %swap3A_309 = tpu.vector_load %arg8[%swap3A_306, %swap3A_307, %swap3A_308] {strides = array<i32>} : memref<2x77x768xf32, #tpu.memory_space<vmem>>, vector<1x1x16xf32>,
      %swap3A_310 = vector.shape_cast %swap3A_309 : vector<1x1x16xf32> to vector<16xf32>
      %swap3A_311 = vector.shape_cast %get3A_304 : vector<16xf32> to vector<1x1x16xf32>
      tpu.vector_store %arg8[%swap3A_306, %swap3A_307, %swap3A_308], %swap3A_311 {strides = array<i32>} : memref<2x77x768xf32, #tpu.memory_space<vmem>>, vector<1x1x16xf32>,
      %get3A_312 = arith.constant 400 : index
      %get3A_313 = tpu.vector_load %arg7[%get3A_312] {strides = array<i32>} : memref<3072xf32, #tpu.memory_space<vmem>>, vector<16xf32>,
      %get3A_314 = vector.shape_cast %get3A_313 : vector<16xf32> to vector<16xf32>
      %swap3A_315 = arith.constant 1 : i32
      %swap3A_316 = arith.index_cast %rem3A_26 : i32 to index
      %swap3A_317 = arith.index_cast %swap3A_315 : i32 to index
      %swap3A_318 = arith.constant 400 : index
      %swap3A_319 = tpu.vector_load %arg8[%swap3A_316, %swap3A_317, %swap3A_318] {strides = array<i32>} : memref<2x77x768xf32, #tpu.memory_space<vmem>>, vector<1x1x16xf32>,
      %swap3A_320 = vector.shape_cast %swap3A_319 : vector<1x1x16xf32> to vector<16xf32>
      %swap3A_321 = vector.shape_cast %get3A_314 : vector<16xf32> to vector<1x1x16xf32>
      tpu.vector_store %arg8[%swap3A_316, %swap3A_317, %swap3A_318], %swap3A_321 {strides = array<i32>} : memref<2x77x768xf32, #tpu.memory_space<vmem>>, vector<1x1x16xf32>,
      %get3A_322 = arith.constant 416 : index
      %get3A_323 = tpu.vector_load %arg7[%get3A_322] {strides = array<i32>} : memref<3072xf32, #tpu.memory_space<vmem>>, vector<16xf32>,
      %get3A_324 = vector.shape_cast %get3A_323 : vector<16xf32> to vector<16xf32>
      %swap3A_325 = arith.constant 1 : i32
      %swap3A_326 = arith.index_cast %rem3A_26 : i32 to index
      %swap3A_327 = arith.index_cast %swap3A_325 : i32 to index
      %swap3A_328 = arith.constant 416 : index
      %swap3A_329 = tpu.vector_load %arg8[%swap3A_326, %swap3A_327, %swap3A_328] {strides = array<i32>} : memref<2x77x768xf32, #tpu.memory_space<vmem>>, vector<1x1x16xf32>,
      %swap3A_330 = vector.shape_cast %swap3A_329 : vector<1x1x16xf32> to vector<16xf32>
      %swap3A_331 = vector.shape_cast %get3A_324 : vector<16xf32> to vector<1x1x16xf32>
      tpu.vector_store %arg8[%swap3A_326, %swap3A_327, %swap3A_328], %swap3A_331 {strides = array<i32>} : memref<2x77x768xf32, #tpu.memory_space<vmem>>, vector<1x1x16xf32>,
      %get3A_332 = arith.constant 432 : index
      %get3A_333 = tpu.vector_load %arg7[%get3A_332] {strides = array<i32>} : memref<3072xf32, #tpu.memory_space<vmem>>, vector<16xf32>,
      %get3A_334 = vector.shape_cast %get3A_333 : vector<16xf32> to vector<16xf32>
      %swap3A_335 = arith.constant 1 : i32
      %swap3A_336 = arith.index_cast %rem3A_26 : i32 to index
      %swap3A_337 = arith.index_cast %swap3A_335 : i32 to index
      %swap3A_338 = arith.constant 432 : index
      %swap3A_339 = tpu.vector_load %arg8[%swap3A_336, %swap3A_337, %swap3A_338] {strides = array<i32>} : memref<2x77x768xf32, #tpu.memory_space<vmem>>, vector<1x1x16xf32>,
      %swap3A_340 = vector.shape_cast %swap3A_339 : vector<1x1x16xf32> to vector<16xf32>
      %swap3A_341 = vector.shape_cast %get3A_334 : vector<16xf32> to vector<1x1x16xf32>
      tpu.vector_store %arg8[%swap3A_336, %swap3A_337, %swap3A_338], %swap3A_341 {strides = array<i32>} : memref<2x77x768xf32, #tpu.memory_space<vmem>>, vector<1x1x16xf32>,
      %get3A_342 = arith.constant 448 : index
      %get3A_343 = tpu.vector_load %arg7[%get3A_342] {strides = array<i32>} : memref<3072xf32, #tpu.memory_space<vmem>>, vector<16xf32>,
      %get3A_344 = vector.shape_cast %get3A_343 : vector<16xf32> to vector<16xf32>
      %swap3A_345 = arith.constant 1 : i32
      %swap3A_346 = arith.index_cast %rem3A_26 : i32 to index
      %swap3A_347 = arith.index_cast %swap3A_345 : i32 to index
      %swap3A_348 = arith.constant 448 : index
      %swap3A_349 = tpu.vector_load %arg8[%swap3A_346, %swap3A_347, %swap3A_348] {strides = array<i32>} : memref<2x77x768xf32, #tpu.memory_space<vmem>>, vector<1x1x16xf32>,
      %swap3A_350 = vector.shape_cast %swap3A_349 : vector<1x1x16xf32> to vector<16xf32>
      %swap3A_351 = vector.shape_cast %get3A_344 : vector<16xf32> to vector<1x1x16xf32>
      tpu.vector_store %arg8[%swap3A_346, %swap3A_347, %swap3A_348], %swap3A_351 {strides = array<i32>} : memref<2x77x768xf32, #tpu.memory_space<vmem>>, vector<1x1x16xf32>,
      %get3A_352 = arith.constant 464 : index
      %get3A_353 = tpu.vector_load %arg7[%get3A_352] {strides = array<i32>} : memref<3072xf32, #tpu.memory_space<vmem>>, vector<16xf32>,
      %get3A_354 = vector.shape_cast %get3A_353 : vector<16xf32> to vector<16xf32>
      %swap3A_355 = arith.constant 1 : i32
      %swap3A_356 = arith.index_cast %rem3A_26 : i32 to index
      %swap3A_357 = arith.index_cast %swap3A_355 : i32 to index
      %swap3A_358 = arith.constant 464 : index
      %swap3A_359 = tpu.vector_load %arg8[%swap3A_356, %swap3A_357, %swap3A_358] {strides = array<i32>} : memref<2x77x768xf32, #tpu.memory_space<vmem>>, vector<1x1x16xf32>,
      %swap3A_360 = vector.shape_cast %swap3A_359 : vector<1x1x16xf32> to vector<16xf32>
      %swap3A_361 = vector.shape_cast %get3A_354 : vector<16xf32> to vector<1x1x16xf32>
      tpu.vector_store %arg8[%swap3A_356, %swap3A_357, %swap3A_358], %swap3A_361 {strides = array<i32>} : memref<2x77x768xf32, #tpu.memory_space<vmem>>, vector<1x1x16xf32>,
      %get3A_362 = arith.constant 480 : index
      %get3A_363 = tpu.vector_load %arg7[%get3A_362] {strides = array<i32>} : memref<3072xf32, #tpu.memory_space<vmem>>, vector<16xf32>,
      %get3A_364 = vector.shape_cast %get3A_363 : vector<16xf32> to vector<16xf32>
      %swap3A_365 = arith.constant 1 : i32
      %swap3A_366 = arith.index_cast %rem3A_26 : i32 to index
      %swap3A_367 = arith.index_cast %swap3A_365 : i32 to index
      %swap3A_368 = arith.constant 480 : index
      %swap3A_369 = tpu.vector_load %arg8[%swap3A_366, %swap3A_367, %swap3A_368] {strides = array<i32>} : memref<2x77x768xf32, #tpu.memory_space<vmem>>, vector<1x1x16xf32>,
      %swap3A_370 = vector.shape_cast %swap3A_369 : vector<1x1x16xf32> to vector<16xf32>
      %swap3A_371 = vector.shape_cast %get3A_364 : vector<16xf32> to vector<1x1x16xf32>
      tpu.vector_store %arg8[%swap3A_366, %swap3A_367, %swap3A_368], %swap3A_371 {strides = array<i32>} : memref<2x77x768xf32, #tpu.memory_space<vmem>>, vector<1x1x16xf32>,
      %get3A_372 = arith.constant 496 : index
      %get3A_373 = tpu.vector_load %arg7[%get3A_372] {strides = array<i32>} : memref<3072xf32, #tpu.memory_space<vmem>>, vector<16xf32>,
      %get3A_374 = vector.shape_cast %get3A_373 : vector<16xf32> to vector<16xf32>
      %swap3A_375 = arith.constant 1 : i32
      %swap3A_376 = arith.index_cast %rem3A_26 : i32 to index
      %swap3A_377 = arith.index_cast %swap3A_375 : i32 to index
      %swap3A_378 = arith.constant 496 : index
      %swap3A_379 = tpu.vector_load %arg8[%swap3A_376, %swap3A_377, %swap3A_378] {strides = array<i32>} : memref<2x77x768xf32, #tpu.memory_space<vmem>>, vector<1x1x16xf32>,
      %swap3A_380 = vector.shape_cast %swap3A_379 : vector<1x1x16xf32> to vector<16xf32>
      %swap3A_381 = vector.shape_cast %get3A_374 : vector<16xf32> to vector<1x1x16xf32>
      tpu.vector_store %arg8[%swap3A_376, %swap3A_377, %swap3A_378], %swap3A_381 {strides = array<i32>} : memref<2x77x768xf32, #tpu.memory_space<vmem>>, vector<1x1x16xf32>,
      %get3A_382 = arith.constant 512 : index
      %get3A_383 = tpu.vector_load %arg7[%get3A_382] {strides = array<i32>} : memref<3072xf32, #tpu.memory_space<vmem>>, vector<16xf32>,
      %get3A_384 = vector.shape_cast %get3A_383 : vector<16xf32> to vector<16xf32>
      %swap3A_385 = arith.constant 1 : i32
      %swap3A_386 = arith.index_cast %rem3A_26 : i32 to index
      %swap3A_387 = arith.index_cast %swap3A_385 : i32 to index
      %swap3A_388 = arith.constant 512 : index
      %swap3A_389 = tpu.vector_load %arg8[%swap3A_386, %swap3A_387, %swap3A_388] {strides = array<i32>} : memref<2x77x768xf32, #tpu.memory_space<vmem>>, vector<1x1x16xf32>,
      %swap3A_390 = vector.shape_cast %swap3A_389 : vector<1x1x16xf32> to vector<16xf32>
      %swap3A_391 = vector.shape_cast %get3A_384 : vector<16xf32> to vector<1x1x16xf32>
      tpu.vector_store %arg8[%swap3A_386, %swap3A_387, %swap3A_388], %swap3A_391 {strides = array<i32>} : memref<2x77x768xf32, #tpu.memory_space<vmem>>, vector<1x1x16xf32>,
      %get3A_392 = arith.constant 528 : index
      %get3A_393 = tpu.vector_load %arg7[%get3A_392] {strides = array<i32>} : memref<3072xf32, #tpu.memory_space<vmem>>, vector<16xf32>,
      %get3A_394 = vector.shape_cast %get3A_393 : vector<16xf32> to vector<16xf32>
      %swap3A_395 = arith.constant 1 : i32
      %swap3A_396 = arith.index_cast %rem3A_26 : i32 to index
      %swap3A_397 = arith.index_cast %swap3A_395 : i32 to index
      %swap3A_398 = arith.constant 528 : index
      %swap3A_399 = tpu.vector_load %arg8[%swap3A_396, %swap3A_397, %swap3A_398] {strides = array<i32>} : memref<2x77x768xf32, #tpu.memory_space<vmem>>, vector<1x1x16xf32>,
      %swap3A_400 = vector.shape_cast %swap3A_399 : vector<1x1x16xf32> to vector<16xf32>
      %swap3A_401 = vector.shape_cast %get3A_394 : vector<16xf32> to vector<1x1x16xf32>
      tpu.vector_store %arg8[%swap3A_396, %swap3A_397, %swap3A_398], %swap3A_401 {strides = array<i32>} : memref<2x77x768xf32, #tpu.memory_space<vmem>>, vector<1x1x16xf32>,
      %get3A_402 = arith.constant 544 : index
      %get3A_403 = tpu.vector_load %arg7[%get3A_402] {strides = array<i32>} : memref<3072xf32, #tpu.memory_space<vmem>>, vector<16xf32>,
      %get3A_404 = vector.shape_cast %get3A_403 : vector<16xf32> to vector<16xf32>
      %swap3A_405 = arith.constant 1 : i32
      %swap3A_406 = arith.index_cast %rem3A_26 : i32 to index
      %swap3A_407 = arith.index_cast %swap3A_405 : i32 to index
      %swap3A_408 = arith.constant 544 : index
      %swap3A_409 = tpu.vector_load %arg8[%swap3A_406, %swap3A_407, %swap3A_408] {strides = array<i32>} : memref<2x77x768xf32, #tpu.memory_space<vmem>>, vector<1x1x16xf32>,
      %swap3A_410 = vector.shape_cast %swap3A_409 : vector<1x1x16xf32> to vector<16xf32>
      %swap3A_411 = vector.shape_cast %get3A_404 : vector<16xf32> to vector<1x1x16xf32>
      tpu.vector_store %arg8[%swap3A_406, %swap3A_407, %swap3A_408], %swap3A_411 {strides = array<i32>} : memref<2x77x768xf32, #tpu.memory_space<vmem>>, vector<1x1x16xf32>,
      %get3A_412 = arith.constant 560 : index
      %get3A_413 = tpu.vector_load %arg7[%get3A_412] {strides = array<i32>} : memref<3072xf32, #tpu.memory_space<vmem>>, vector<16xf32>,
      %get3A_414 = vector.shape_cast %get3A_413 : vector<16xf32> to vector<16xf32>
      %swap3A_415 = arith.constant 1 : i32
      %swap3A_416 = arith.index_cast %rem3A_26 : i32 to index
      %swap3A_417 = arith.index_cast %swap3A_415 : i32 to index
      %swap3A_418 = arith.constant 560 : index
      %swap3A_419 = tpu.vector_load %arg8[%swap3A_416, %swap3A_417, %swap3A_418] {strides = array<i32>} : memref<2x77x768xf32, #tpu.memory_space<vmem>>, vector<1x1x16xf32>,
      %swap3A_420 = vector.shape_cast %swap3A_419 : vector<1x1x16xf32> to vector<16xf32>
      %swap3A_421 = vector.shape_cast %get3A_414 : vector<16xf32> to vector<1x1x16xf32>
      tpu.vector_store %arg8[%swap3A_416, %swap3A_417, %swap3A_418], %swap3A_421 {strides = array<i32>} : memref<2x77x768xf32, #tpu.memory_space<vmem>>, vector<1x1x16xf32>,
      %get3A_422 = arith.constant 576 : index
      %get3A_423 = tpu.vector_load %arg7[%get3A_422] {strides = array<i32>} : memref<3072xf32, #tpu.memory_space<vmem>>, vector<16xf32>,
      %get3A_424 = vector.shape_cast %get3A_423 : vector<16xf32> to vector<16xf32>
      %swap3A_425 = arith.constant 1 : i32
      %swap3A_426 = arith.index_cast %rem3A_26 : i32 to index
      %swap3A_427 = arith.index_cast %swap3A_425 : i32 to index
      %swap3A_428 = arith.constant 576 : index
      %swap3A_429 = tpu.vector_load %arg8[%swap3A_426, %swap3A_427, %swap3A_428] {strides = array<i32>} : memref<2x77x768xf32, #tpu.memory_space<vmem>>, vector<1x1x16xf32>,
      %swap3A_430 = vector.shape_cast %swap3A_429 : vector<1x1x16xf32> to vector<16xf32>
      %swap3A_431 = vector.shape_cast %get3A_424 : vector<16xf32> to vector<1x1x16xf32>
      tpu.vector_store %arg8[%swap3A_426, %swap3A_427, %swap3A_428], %swap3A_431 {strides = array<i32>} : memref<2x77x768xf32, #tpu.memory_space<vmem>>, vector<1x1x16xf32>,
      %get3A_432 = arith.constant 592 : index
      %get3A_433 = tpu.vector_load %arg7[%get3A_432] {strides = array<i32>} : memref<3072xf32, #tpu.memory_space<vmem>>, vector<16xf32>,
      %get3A_434 = vector.shape_cast %get3A_433 : vector<16xf32> to vector<16xf32>
      %swap3A_435 = arith.constant 1 : i32
      %swap3A_436 = arith.index_cast %rem3A_26 : i32 to index
      %swap3A_437 = arith.index_cast %swap3A_435 : i32 to index
      %swap3A_438 = arith.constant 592 : index
      %swap3A_439 = tpu.vector_load %arg8[%swap3A_436, %swap3A_437, %swap3A_438] {strides = array<i32>} : memref<2x77x768xf32, #tpu.memory_space<vmem>>, vector<1x1x16xf32>,
      %swap3A_440 = vector.shape_cast %swap3A_439 : vector<1x1x16xf32> to vector<16xf32>
      %swap3A_441 = vector.shape_cast %get3A_434 : vector<16xf32> to vector<1x1x16xf32>
      tpu.vector_store %arg8[%swap3A_436, %swap3A_437, %swap3A_438], %swap3A_441 {strides = array<i32>} : memref<2x77x768xf32, #tpu.memory_space<vmem>>, vector<1x1x16xf32>,
      %get3A_442 = arith.constant 608 : index
      %get3A_443 = tpu.vector_load %arg7[%get3A_442] {strides = array<i32>} : memref<3072xf32, #tpu.memory_space<vmem>>, vector<16xf32>,
      %get3A_444 = vector.shape_cast %get3A_443 : vector<16xf32> to vector<16xf32>
      %swap3A_445 = arith.constant 1 : i32
      %swap3A_446 = arith.index_cast %rem3A_26 : i32 to index
      %swap3A_447 = arith.index_cast %swap3A_445 : i32 to index
      %swap3A_448 = arith.constant 608 : index
      %swap3A_449 = tpu.vector_load %arg8[%swap3A_446, %swap3A_447, %swap3A_448] {strides = array<i32>} : memref<2x77x768xf32, #tpu.memory_space<vmem>>, vector<1x1x16xf32>,
      %swap3A_450 = vector.shape_cast %swap3A_449 : vector<1x1x16xf32> to vector<16xf32>
      %swap3A_451 = vector.shape_cast %get3A_444 : vector<16xf32> to vector<1x1x16xf32>
      tpu.vector_store %arg8[%swap3A_446, %swap3A_447, %swap3A_448], %swap3A_451 {strides = array<i32>} : memref<2x77x768xf32, #tpu.memory_space<vmem>>, vector<1x1x16xf32>,
      %get3A_452 = arith.constant 624 : index
      %get3A_453 = tpu.vector_load %arg7[%get3A_452] {strides = array<i32>} : memref<3072xf32, #tpu.memory_space<vmem>>, vector<16xf32>,
      %get3A_454 = vector.shape_cast %get3A_453 : vector<16xf32> to vector<16xf32>
      %swap3A_455 = arith.constant 1 : i32
      %swap3A_456 = arith.index_cast %rem3A_26 : i32 to index
      %swap3A_457 = arith.index_cast %swap3A_455 : i32 to index
      %swap3A_458 = arith.constant 624 : index
      %swap3A_459 = tpu.vector_load %arg8[%swap3A_456, %swap3A_457, %swap3A_458] {strides = array<i32>} : memref<2x77x768xf32, #tpu.memory_space<vmem>>, vector<1x1x16xf32>,
      %swap3A_460 = vector.shape_cast %swap3A_459 : vector<1x1x16xf32> to vector<16xf32>
      %swap3A_461 = vector.shape_cast %get3A_454 : vector<16xf32> to vector<1x1x16xf32>
      tpu.vector_store %arg8[%swap3A_456, %swap3A_457, %swap3A_458], %swap3A_461 {strides = array<i32>} : memref<2x77x768xf32, #tpu.memory_space<vmem>>, vector<1x1x16xf32>,
      %get3A_462 = arith.constant 640 : index
      %get3A_463 = tpu.vector_load %arg7[%get3A_462] {strides = array<i32>} : memref<3072xf32, #tpu.memory_space<vmem>>, vector<16xf32>,
      %get3A_464 = vector.shape_cast %get3A_463 : vector<16xf32> to vector<16xf32>
      %swap3A_465 = arith.constant 1 : i32
      %swap3A_466 = arith.index_cast %rem3A_26 : i32 to index
      %swap3A_467 = arith.index_cast %swap3A_465 : i32 to index
      %swap3A_468 = arith.constant 640 : index
      %swap3A_469 = tpu.vector_load %arg8[%swap3A_466, %swap3A_467, %swap3A_468] {strides = array<i32>} : memref<2x77x768xf32, #tpu.memory_space<vmem>>, vector<1x1x16xf32>,
      %swap3A_470 = vector.shape_cast %swap3A_469 : vector<1x1x16xf32> to vector<16xf32>
      %swap3A_471 = vector.shape_cast %get3A_464 : vector<16xf32> to vector<1x1x16xf32>
      tpu.vector_store %arg8[%swap3A_466, %swap3A_467, %swap3A_468], %swap3A_471 {strides = array<i32>} : memref<2x77x768xf32, #tpu.memory_space<vmem>>, vector<1x1x16xf32>,
      %get3A_472 = arith.constant 656 : index
      %get3A_473 = tpu.vector_load %arg7[%get3A_472] {strides = array<i32>} : memref<3072xf32, #tpu.memory_space<vmem>>, vector<16xf32>,
      %get3A_474 = vector.shape_cast %get3A_473 : vector<16xf32> to vector<16xf32>
      %swap3A_475 = arith.constant 1 : i32
      %swap3A_476 = arith.index_cast %rem3A_26 : i32 to index
      %swap3A_477 = arith.index_cast %swap3A_475 : i32 to index
      %swap3A_478 = arith.constant 656 : index
      %swap3A_479 = tpu.vector_load %arg8[%swap3A_476, %swap3A_477, %swap3A_478] {strides = array<i32>} : memref<2x77x768xf32, #tpu.memory_space<vmem>>, vector<1x1x16xf32>,
      %swap3A_480 = vector.shape_cast %swap3A_479 : vector<1x1x16xf32> to vector<16xf32>
      %swap3A_481 = vector.shape_cast %get3A_474 : vector<16xf32> to vector<1x1x16xf32>
      tpu.vector_store %arg8[%swap3A_476, %swap3A_477, %swap3A_478], %swap3A_481 {strides = array<i32>} : memref<2x77x768xf32, #tpu.memory_space<vmem>>, vector<1x1x16xf32>,
      %get3A_482 = arith.constant 672 : index
      %get3A_483 = tpu.vector_load %arg7[%get3A_482] {strides = array<i32>} : memref<3072xf32, #tpu.memory_space<vmem>>, vector<16xf32>,
      %get3A_484 = vector.shape_cast %get3A_483 : vector<16xf32> to vector<16xf32>
      %swap3A_485 = arith.constant 1 : i32
      %swap3A_486 = arith.index_cast %rem3A_26 : i32 to index
      %swap3A_487 = arith.index_cast %swap3A_485 : i32 to index
      %swap3A_488 = arith.constant 672 : index
      %swap3A_489 = tpu.vector_load %arg8[%swap3A_486, %swap3A_487, %swap3A_488] {strides = array<i32>} : memref<2x77x768xf32, #tpu.memory_space<vmem>>, vector<1x1x16xf32>,
      %swap3A_490 = vector.shape_cast %swap3A_489 : vector<1x1x16xf32> to vector<16xf32>
      %swap3A_491 = vector.shape_cast %get3A_484 : vector<16xf32> to vector<1x1x16xf32>
      tpu.vector_store %arg8[%swap3A_486, %swap3A_487, %swap3A_488], %swap3A_491 {strides = array<i32>} : memref<2x77x768xf32, #tpu.memory_space<vmem>>, vector<1x1x16xf32>,
      %get3A_492 = arith.constant 688 : index
      %get3A_493 = tpu.vector_load %arg7[%get3A_492] {strides = array<i32>} : memref<3072xf32, #tpu.memory_space<vmem>>, vector<16xf32>,
      %get3A_494 = vector.shape_cast %get3A_493 : vector<16xf32> to vector<16xf32>
      %swap3A_495 = arith.constant 1 : i32
      %swap3A_496 = arith.index_cast %rem3A_26 : i32 to index
      %swap3A_497 = arith.index_cast %swap3A_495 : i32 to index
      %swap3A_498 = arith.constant 688 : index
      %swap3A_499 = tpu.vector_load %arg8[%swap3A_496, %swap3A_497, %swap3A_498] {strides = array<i32>} : memref<2x77x768xf32, #tpu.memory_space<vmem>>, vector<1x1x16xf32>,
      %swap3A_500 = vector.shape_cast %swap3A_499 : vector<1x1x16xf32> to vector<16xf32>
      %swap3A_501 = vector.shape_cast %get3A_494 : vector<16xf32> to vector<1x1x16xf32>
      tpu.vector_store %arg8[%swap3A_496, %swap3A_497, %swap3A_498], %swap3A_501 {strides = array<i32>} : memref<2x77x768xf32, #tpu.memory_space<vmem>>, vector<1x1x16xf32>,
      %get3A_502 = arith.constant 704 : index
      %get3A_503 = tpu.vector_load %arg7[%get3A_502] {strides = array<i32>} : memref<3072xf32, #tpu.memory_space<vmem>>, vector<16xf32>,
      %get3A_504 = vector.shape_cast %get3A_503 : vector<16xf32> to vector<16xf32>
      %swap3A_505 = arith.constant 1 : i32
      %swap3A_506 = arith.index_cast %rem3A_26 : i32 to index
      %swap3A_507 = arith.index_cast %swap3A_505 : i32 to index
      %swap3A_508 = arith.constant 704 : index
      %swap3A_509 = tpu.vector_load %arg8[%swap3A_506, %swap3A_507, %swap3A_508] {strides = array<i32>} : memref<2x77x768xf32, #tpu.memory_space<vmem>>, vector<1x1x16xf32>,
      %swap3A_510 = vector.shape_cast %swap3A_509 : vector<1x1x16xf32> to vector<16xf32>
      %swap3A_511 = vector.shape_cast %get3A_504 : vector<16xf32> to vector<1x1x16xf32>
      tpu.vector_store %arg8[%swap3A_506, %swap3A_507, %swap3A_508], %swap3A_511 {strides = array<i32>} : memref<2x77x768xf32, #tpu.memory_space<vmem>>, vector<1x1x16xf32>,
      %get3A_512 = arith.constant 720 : index
      %get3A_513 = tpu.vector_load %arg7[%get3A_512] {strides = array<i32>} : memref<3072xf32, #tpu.memory_space<vmem>>, vector<16xf32>,
      %get3A_514 = vector.shape_cast %get3A_513 : vector<16xf32> to vector<16xf32>
      %swap3A_515 = arith.constant 1 : i32
      %swap3A_516 = arith.index_cast %rem3A_26 : i32 to index
      %swap3A_517 = arith.index_cast %swap3A_515 : i32 to index
      %swap3A_518 = arith.constant 720 : index
      %swap3A_519 = tpu.vector_load %arg8[%swap3A_516, %swap3A_517, %swap3A_518] {strides = array<i32>} : memref<2x77x768xf32, #tpu.memory_space<vmem>>, vector<1x1x16xf32>,
      %swap3A_520 = vector.shape_cast %swap3A_519 : vector<1x1x16xf32> to vector<16xf32>
      %swap3A_521 = vector.shape_cast %get3A_514 : vector<16xf32> to vector<1x1x16xf32>
      tpu.vector_store %arg8[%swap3A_516, %swap3A_517, %swap3A_518], %swap3A_521 {strides = array<i32>} : memref<2x77x768xf32, #tpu.memory_space<vmem>>, vector<1x1x16xf32>,
      %get3A_522 = arith.constant 736 : index
      %get3A_523 = tpu.vector_load %arg7[%get3A_522] {strides = array<i32>} : memref<3072xf32, #tpu.memory_space<vmem>>, vector<16xf32>,
      %get3A_524 = vector.shape_cast %get3A_523 : vector<16xf32> to vector<16xf32>
      %swap3A_525 = arith.constant 1 : i32
      %swap3A_526 = arith.index_cast %rem3A_26 : i32 to index
      %swap3A_527 = arith.index_cast %swap3A_525 : i32 to index
      %swap3A_528 = arith.constant 736 : index
      %swap3A_529 = tpu.vector_load %arg8[%swap3A_526, %swap3A_527, %swap3A_528] {strides = array<i32>} : memref<2x77x768xf32, #tpu.memory_space<vmem>>, vector<1x1x16xf32>,
      %swap3A_530 = vector.shape_cast %swap3A_529 : vector<1x1x16xf32> to vector<16xf32>
      %swap3A_531 = vector.shape_cast %get3A_524 : vector<16xf32> to vector<1x1x16xf32>
      tpu.vector_store %arg8[%swap3A_526, %swap3A_527, %swap3A_528], %swap3A_531 {strides = array<i32>} : memref<2x77x768xf32, #tpu.memory_space<vmem>>, vector<1x1x16xf32>,
      %get3A_532 = arith.constant 752 : index
      %get3A_533 = tpu.vector_load %arg7[%get3A_532] {strides = array<i32>} : memref<3072xf32, #tpu.memory_space<vmem>>, vector<16xf32>,
      %get3A_534 = vector.shape_cast %get3A_533 : vector<16xf32> to vector<16xf32>
      %swap3A_535 = arith.constant 1 : i32
      %swap3A_536 = arith.index_cast %rem3A_26 : i32 to index
      %swap3A_537 = arith.index_cast %swap3A_535 : i32 to index
      %swap3A_538 = arith.constant 752 : index
      %swap3A_539 = tpu.vector_load %arg8[%swap3A_536, %swap3A_537, %swap3A_538] {strides = array<i32>} : memref<2x77x768xf32, #tpu.memory_space<vmem>>, vector<1x1x16xf32>,
      %swap3A_540 = vector.shape_cast %swap3A_539 : vector<1x1x16xf32> to vector<16xf32>
      %swap3A_541 = vector.shape_cast %get3A_534 : vector<16xf32> to vector<1x1x16xf32>
      tpu.vector_store %arg8[%swap3A_536, %swap3A_537, %swap3A_538], %swap3A_541 {strides = array<i32>} : memref<2x77x768xf32, #tpu.memory_space<vmem>>, vector<1x1x16xf32>,
      %get3A_542 = arith.constant 768 : index
      %get3A_543 = tpu.vector_load %arg7[%get3A_542] {strides = array<i32>} : memref<3072xf32, #tpu.memory_space<vmem>>, vector<16xf32>,
      %get3A_544 = vector.shape_cast %get3A_543 : vector<16xf32> to vector<16xf32>
      %swap3A_545 = arith.constant 2 : i32
      %swap3A_546 = arith.index_cast %rem3A_26 : i32 to index
      %swap3A_547 = arith.index_cast %swap3A_545 : i32 to index
      %swap3A_548 = arith.constant 0 : index
      %swap3A_549 = tpu.vector_load %arg8[%swap3A_546, %swap3A_547, %swap3A_548] {strides = array<i32>} : memref<2x77x768xf32, #tpu.memory_space<vmem>>, vector<1x1x16xf32>,
      %swap3A_550 = vector.shape_cast %swap3A_549 : vector<1x1x16xf32> to vector<16xf32>
      %swap3A_551 = vector.shape_cast %get3A_544 : vector<16xf32> to vector<1x1x16xf32>
      tpu.vector_store %arg8[%swap3A_546, %swap3A_547, %swap3A_548], %swap3A_551 {strides = array<i32>} : memref<2x77x768xf32, #tpu.memory_space<vmem>>, vector<1x1x16xf32>,
      %get3A_552 = arith.constant 784 : index
      %get3A_553 = tpu.vector_load %arg7[%get3A_552] {strides = array<i32>} : memref<3072xf32, #tpu.memory_space<vmem>>, vector<16xf32>,
      %get3A_554 = vector.shape_cast %get3A_553 : vector<16xf32> to vector<16xf32>
      %swap3A_555 = arith.constant 2 : i32
      %swap3A_556 = arith.index_cast %rem3A_26 : i32 to index
      %swap3A_557 = arith.index_cast %swap3A_555 : i32 to index
      %swap3A_558 = arith.constant 16 : index
      %swap3A_559 = tpu.vector_load %arg8[%swap3A_556, %swap3A_557, %swap3A_558] {strides = array<i32>} : memref<2x77x768xf32, #tpu.memory_space<vmem>>, vector<1x1x16xf32>,
      %swap3A_560 = vector.shape_cast %swap3A_559 : vector<1x1x16xf32> to vector<16xf32>
      %swap3A_561 = vector.shape_cast %get3A_554 : vector<16xf32> to vector<1x1x16xf32>
      tpu.vector_store %arg8[%swap3A_556, %swap3A_557, %swap3A_558], %swap3A_561 {strides = array<i32>} : memref<2x77x768xf32, #tpu.memory_space<vmem>>, vector<1x1x16xf32>,
      %get3A_562 = arith.constant 800 : index
      %get3A_563 = tpu.vector_load %arg7[%get3A_562] {strides = array<i32>} : memref<3072xf32, #tpu.memory_space<vmem>>, vector<16xf32>,
      %get3A_564 = vector.shape_cast %get3A_563 : vector<16xf32> to vector<16xf32>
      %swap3A_565 = arith.constant 2 : i32
      %swap3A_566 = arith.index_cast %rem3A_26 : i32 to index
      %swap3A_567 = arith.index_cast %swap3A_565 : i32 to index
      %swap3A_568 = arith.constant 32 : index
      %swap3A_569 = tpu.vector_load %arg8[%swap3A_566, %swap3A_567, %swap3A_568] {strides = array<i32>} : memref<2x77x768xf32, #tpu.memory_space<vmem>>, vector<1x1x16xf32>,
      %swap3A_570 = vector.shape_cast %swap3A_569 : vector<1x1x16xf32> to vector<16xf32>
      %swap3A_571 = vector.shape_cast %get3A_564 : vector<16xf32> to vector<1x1x16xf32>
      tpu.vector_store %arg8[%swap3A_566, %swap3A_567, %swap3A_568], %swap3A_571 {strides = array<i32>} : memref<2x77x768xf32, #tpu.memory_space<vmem>>, vector<1x1x16xf32>,
      %get3A_572 = arith.constant 816 : index
      %get3A_573 = tpu.vector_load %arg7[%get3A_572] {strides = array<i32>} : memref<3072xf32, #tpu.memory_space<vmem>>, vector<16xf32>,
      %get3A_574 = vector.shape_cast %get3A_573 : vector<16xf32> to vector<16xf32>
      %swap3A_575 = arith.constant 2 : i32
      %swap3A_576 = arith.index_cast %rem3A_26 : i32 to index
      %swap3A_577 = arith.index_cast %swap3A_575 : i32 to index
      %swap3A_578 = arith.constant 48 : index
      %swap3A_579 = tpu.vector_load %arg8[%swap3A_576, %swap3A_577, %swap3A_578] {strides = array<i32>} : memref<2x77x768xf32, #tpu.memory_space<vmem>>, vector<1x1x16xf32>,
      %swap3A_580 = vector.shape_cast %swap3A_579 : vector<1x1x16xf32> to vector<16xf32>
      %swap3A_581 = vector.shape_cast %get3A_574 : vector<16xf32> to vector<1x1x16xf32>
      tpu.vector_store %arg8[%swap3A_576, %swap3A_577, %swap3A_578], %swap3A_581 {strides = array<i32>} : memref<2x77x768xf32, #tpu.memory_space<vmem>>, vector<1x1x16xf32>,
      %get3A_582 = arith.constant 832 : index
      %get3A_583 = tpu.vector_load %arg7[%get3A_582] {strides = array<i32>} : memref<3072xf32, #tpu.memory_space<vmem>>, vector<16xf32>,
      %get3A_584 = vector.shape_cast %get3A_583 : vector<16xf32> to vector<16xf32>
      %swap3A_585 = arith.constant 2 : i32
      %swap3A_586 = arith.index_cast %rem3A_26 : i32 to index
      %swap3A_587 = arith.index_cast %swap3A_585 : i32 to index
      %swap3A_588 = arith.constant 64 : index
      %swap3A_589 = tpu.vector_load %arg8[%swap3A_586, %swap3A_587, %swap3A_588] {strides = array<i32>} : memref<2x77x768xf32, #tpu.memory_space<vmem>>, vector<1x1x16xf32>,
      %swap3A_590 = vector.shape_cast %swap3A_589 : vector<1x1x16xf32> to vector<16xf32>
      %swap3A_591 = vector.shape_cast %get3A_584 : vector<16xf32> to vector<1x1x16xf32>
      tpu.vector_store %arg8[%swap3A_586, %swap3A_587, %swap3A_588], %swap3A_591 {strides = array<i32>} : memref<2x77x768xf32, #tpu.memory_space<vmem>>, vector<1x1x16xf32>,
      %get3A_592 = arith.constant 848 : index
      %get3A_593 = tpu.vector_load %arg7[%get3A_592] {strides = array<i32>} : memref<3072xf32, #tpu.memory_space<vmem>>, vector<16xf32>,
      %get3A_594 = vector.shape_cast %get3A_593 : vector<16xf32> to vector<16xf32>
      %swap3A_595 = arith.constant 2 : i32
      %swap3A_596 = arith.index_cast %rem3A_26 : i32 to index
      %swap3A_597 = arith.index_cast %swap3A_595 : i32 to index
      %swap3A_598 = arith.constant 80 : index
      %swap3A_599 = tpu.vector_load %arg8[%swap3A_596, %swap3A_597, %swap3A_598] {strides = array<i32>} : memref<2x77x768xf32, #tpu.memory_space<vmem>>, vector<1x1x16xf32>,
      %swap3A_600 = vector.shape_cast %swap3A_599 : vector<1x1x16xf32> to vector<16xf32>
      %swap3A_601 = vector.shape_cast %get3A_594 : vector<16xf32> to vector<1x1x16xf32>
      tpu.vector_store %arg8[%swap3A_596, %swap3A_597, %swap3A_598], %swap3A_601 {strides = array<i32>} : memref<2x77x768xf32, #tpu.memory_space<vmem>>, vector<1x1x16xf32>,
      %get3A_602 = arith.constant 864 : index
      %get3A_603 = tpu.vector_load %arg7[%get3A_602] {strides = array<i32>} : memref<3072xf32, #tpu.memory_space<vmem>>, vector<16xf32>,
      %get3A_604 = vector.shape_cast %get3A_603 : vector<16xf32> to vector<16xf32>
      %swap3A_605 = arith.constant 2 : i32
      %swap3A_606 = arith.index_cast %rem3A_26 : i32 to index
      %swap3A_607 = arith.index_cast %swap3A_605 : i32 to index
      %swap3A_608 = arith.constant 96 : index
      %swap3A_609 = tpu.vector_load %arg8[%swap3A_606, %swap3A_607, %swap3A_608] {strides = array<i32>} : memref<2x77x768xf32, #tpu.memory_space<vmem>>, vector<1x1x16xf32>,
      %swap3A_610 = vector.shape_cast %swap3A_609 : vector<1x1x16xf32> to vector<16xf32>
      %swap3A_611 = vector.shape_cast %get3A_604 : vector<16xf32> to vector<1x1x16xf32>
      tpu.vector_store %arg8[%swap3A_606, %swap3A_607, %swap3A_608], %swap3A_611 {strides = array<i32>} : memref<2x77x768xf32, #tpu.memory_space<vmem>>, vector<1x1x16xf32>,
      %get3A_612 = arith.constant 880 : index
      %get3A_613 = tpu.vector_load %arg7[%get3A_612] {strides = array<i32>} : memref<3072xf32, #tpu.memory_space<vmem>>, vector<16xf32>,
      %get3A_614 = vector.shape_cast %get3A_613 : vector<16xf32> to vector<16xf32>
      %swap3A_615 = arith.constant 2 : i32
      %swap3A_616 = arith.index_cast %rem3A_26 : i32 to index
      %swap3A_617 = arith.index_cast %swap3A_615 : i32 to index
      %swap3A_618 = arith.constant 112 : index
      %swap3A_619 = tpu.vector_load %arg8[%swap3A_616, %swap3A_617, %swap3A_618] {strides = array<i32>} : memref<2x77x768xf32, #tpu.memory_space<vmem>>, vector<1x1x16xf32>,
      %swap3A_620 = vector.shape_cast %swap3A_619 : vector<1x1x16xf32> to vector<16xf32>
      %swap3A_621 = vector.shape_cast %get3A_614 : vector<16xf32> to vector<1x1x16xf32>
      tpu.vector_store %arg8[%swap3A_616, %swap3A_617, %swap3A_618], %swap3A_621 {strides = array<i32>} : memref<2x77x768xf32, #tpu.memory_space<vmem>>, vector<1x1x16xf32>,
      %get3A_622 = arith.constant 896 : index
      %get3A_623 = tpu.vector_load %arg7[%get3A_622] {strides = array<i32>} : memref<3072xf32, #tpu.memory_space<vmem>>, vector<16xf32>,
      %get3A_624 = vector.shape_cast %get3A_623 : vector<16xf32> to vector<16xf32>
      %swap3A_625 = arith.constant 2 : i32
      %swap3A_626 = arith.index_cast %rem3A_26 : i32 to index
      %swap3A_627 = arith.index_cast %swap3A_625 : i32 to index
      %swap3A_628 = arith.constant 128 : index
      %swap3A_629 = tpu.vector_load %arg8[%swap3A_626, %swap3A_627, %swap3A_628] {strides = array<i32>} : memref<2x77x768xf32, #tpu.memory_space<vmem>>, vector<1x1x16xf32>,
      %swap3A_630 = vector.shape_cast %swap3A_629 : vector<1x1x16xf32> to vector<16xf32>
      %swap3A_631 = vector.shape_cast %get3A_624 : vector<16xf32> to vector<1x1x16xf32>
      tpu.vector_store %arg8[%swap3A_626, %swap3A_627, %swap3A_628], %swap3A_631 {strides = array<i32>} : memref<2x77x768xf32, #tpu.memory_space<vmem>>, vector<1x1x16xf32>,
      %get3A_632 = arith.constant 912 : index
      %get3A_633 = tpu.vector_load %arg7[%get3A_632] {strides = array<i32>} : memref<3072xf32, #tpu.memory_space<vmem>>, vector<16xf32>,
      %get3A_634 = vector.shape_cast %get3A_633 : vector<16xf32> to vector<16xf32>
      %swap3A_635 = arith.constant 2 : i32
      %swap3A_636 = arith.index_cast %rem3A_26 : i32 to index
      %swap3A_637 = arith.index_cast %swap3A_635 : i32 to index
      %swap3A_638 = arith.constant 144 : index
      %swap3A_639 = tpu.vector_load %arg8[%swap3A_636, %swap3A_637, %swap3A_638] {strides = array<i32>} : memref<2x77x768xf32, #tpu.memory_space<vmem>>, vector<1x1x16xf32>,
      %swap3A_640 = vector.shape_cast %swap3A_639 : vector<1x1x16xf32> to vector<16xf32>
      %swap3A_641 = vector.shape_cast %get3A_634 : vector<16xf32> to vector<1x1x16xf32>
      tpu.vector_store %arg8[%swap3A_636, %swap3A_637, %swap3A_638], %swap3A_641 {strides = array<i32>} : memref<2x77x768xf32, #tpu.memory_space<vmem>>, vector<1x1x16xf32>,
      %get3A_642 = arith.constant 928 : index
      %get3A_643 = tpu.vector_load %arg7[%get3A_642] {strides = array<i32>} : memref<3072xf32, #tpu.memory_space<vmem>>, vector<16xf32>,
      %get3A_644 = vector.shape_cast %get3A_643 : vector<16xf32> to vector<16xf32>
      %swap3A_645 = arith.constant 2 : i32
      %swap3A_646 = arith.index_cast %rem3A_26 : i32 to index
      %swap3A_647 = arith.index_cast %swap3A_645 : i32 to index
      %swap3A_648 = arith.constant 160 : index
      %swap3A_649 = tpu.vector_load %arg8[%swap3A_646, %swap3A_647, %swap3A_648] {strides = array<i32>} : memref<2x77x768xf32, #tpu.memory_space<vmem>>, vector<1x1x16xf32>,
      %swap3A_650 = vector.shape_cast %swap3A_649 : vector<1x1x16xf32> to vector<16xf32>
      %swap3A_651 = vector.shape_cast %get3A_644 : vector<16xf32> to vector<1x1x16xf32>
      tpu.vector_store %arg8[%swap3A_646, %swap3A_647, %swap3A_648], %swap3A_651 {strides = array<i32>} : memref<2x77x768xf32, #tpu.memory_space<vmem>>, vector<1x1x16xf32>,
      %get3A_652 = arith.constant 944 : index
      %get3A_653 = tpu.vector_load %arg7[%get3A_652] {strides = array<i32>} : memref<3072xf32, #tpu.memory_space<vmem>>, vector<16xf32>,
      %get3A_654 = vector.shape_cast %get3A_653 : vector<16xf32> to vector<16xf32>
      %swap3A_655 = arith.constant 2 : i32
      %swap3A_656 = arith.index_cast %rem3A_26 : i32 to index
      %swap3A_657 = arith.index_cast %swap3A_655 : i32 to index
      %swap3A_658 = arith.constant 176 : index
      %swap3A_659 = tpu.vector_load %arg8[%swap3A_656, %swap3A_657, %swap3A_658] {strides = array<i32>} : memref<2x77x768xf32, #tpu.memory_space<vmem>>, vector<1x1x16xf32>,
      %swap3A_660 = vector.shape_cast %swap3A_659 : vector<1x1x16xf32> to vector<16xf32>
      %swap3A_661 = vector.shape_cast %get3A_654 : vector<16xf32> to vector<1x1x16xf32>
      tpu.vector_store %arg8[%swap3A_656, %swap3A_657, %swap3A_658], %swap3A_661 {strides = array<i32>} : memref<2x77x768xf32, #tpu.memory_space<vmem>>, vector<1x1x16xf32>,
      %get3A_662 = arith.constant 960 : index
      %get3A_663 = tpu.vector_load %arg7[%get3A_662] {strides = array<i32>} : memref<3072xf32, #tpu.memory_space<vmem>>, vector<16xf32>,
      %get3A_664 = vector.shape_cast %get3A_663 : vector<16xf32> to vector<16xf32>
      %swap3A_665 = arith.constant 2 : i32
      %swap3A_666 = arith.index_cast %rem3A_26 : i32 to index
      %swap3A_667 = arith.index_cast %swap3A_665 : i32 to index
      %swap3A_668 = arith.constant 192 : index
      %swap3A_669 = tpu.vector_load %arg8[%swap3A_666, %swap3A_667, %swap3A_668] {strides = array<i32>} : memref<2x77x768xf32, #tpu.memory_space<vmem>>, vector<1x1x16xf32>,
      %swap3A_670 = vector.shape_cast %swap3A_669 : vector<1x1x16xf32> to vector<16xf32>
      %swap3A_671 = vector.shape_cast %get3A_664 : vector<16xf32> to vector<1x1x16xf32>
      tpu.vector_store %arg8[%swap3A_666, %swap3A_667, %swap3A_668], %swap3A_671 {strides = array<i32>} : memref<2x77x768xf32, #tpu.memory_space<vmem>>, vector<1x1x16xf32>,
      %get3A_672 = arith.constant 976 : index
      %get3A_673 = tpu.vector_load %arg7[%get3A_672] {strides = array<i32>} : memref<3072xf32, #tpu.memory_space<vmem>>, vector<16xf32>,
      %get3A_674 = vector.shape_cast %get3A_673 : vector<16xf32> to vector<16xf32>
      %swap3A_675 = arith.constant 2 : i32
      %swap3A_676 = arith.index_cast %rem3A_26 : i32 to index
      %swap3A_677 = arith.index_cast %swap3A_675 : i32 to index
      %swap3A_678 = arith.constant 208 : index
      %swap3A_679 = tpu.vector_load %arg8[%swap3A_676, %swap3A_677, %swap3A_678] {strides = array<i32>} : memref<2x77x768xf32, #tpu.memory_space<vmem>>, vector<1x1x16xf32>,
      %swap3A_680 = vector.shape_cast %swap3A_679 : vector<1x1x16xf32> to vector<16xf32>
      %swap3A_681 = vector.shape_cast %get3A_674 : vector<16xf32> to vector<1x1x16xf32>
      tpu.vector_store %arg8[%swap3A_676, %swap3A_677, %swap3A_678], %swap3A_681 {strides = array<i32>} : memref<2x77x768xf32, #tpu.memory_space<vmem>>, vector<1x1x16xf32>,
      %get3A_682 = arith.constant 992 : index
      %get3A_683 = tpu.vector_load %arg7[%get3A_682] {strides = array<i32>} : memref<3072xf32, #tpu.memory_space<vmem>>, vector<16xf32>,
      %get3A_684 = vector.shape_cast %get3A_683 : vector<16xf32> to vector<16xf32>
      %swap3A_685 = arith.constant 2 : i32
      %swap3A_686 = arith.index_cast %rem3A_26 : i32 to index
      %swap3A_687 = arith.index_cast %swap3A_685 : i32 to index
      %swap3A_688 = arith.constant 224 : index
      %swap3A_689 = tpu.vector_load %arg8[%swap3A_686, %swap3A_687, %swap3A_688] {strides = array<i32>} : memref<2x77x768xf32, #tpu.memory_space<vmem>>, vector<1x1x16xf32>,
      %swap3A_690 = vector.shape_cast %swap3A_689 : vector<1x1x16xf32> to vector<16xf32>
      %swap3A_691 = vector.shape_cast %get3A_684 : vector<16xf32> to vector<1x1x16xf32>
      tpu.vector_store %arg8[%swap3A_686, %swap3A_687, %swap3A_688], %swap3A_691 {strides = array<i32>} : memref<2x77x768xf32, #tpu.memory_space<vmem>>, vector<1x1x16xf32>,
      %get3A_692 = arith.constant 1008 : index
      %get3A_693 = tpu.vector_load %arg7[%get3A_692] {strides = array<i32>} : memref<3072xf32, #tpu.memory_space<vmem>>, vector<16xf32>,
      %get3A_694 = vector.shape_cast %get3A_693 : vector<16xf32> to vector<16xf32>
      %swap3A_695 = arith.constant 2 : i32
      %swap3A_696 = arith.index_cast %rem3A_26 : i32 to index
      %swap3A_697 = arith.index_cast %swap3A_695 : i32 to index
      %swap3A_698 = arith.constant 240 : index
      %swap3A_699 = tpu.vector_load %arg8[%swap3A_696, %swap3A_697, %swap3A_698] {strides = array<i32>} : memref<2x77x768xf32, #tpu.memory_space<vmem>>, vector<1x1x16xf32>,
      %swap3A_700 = vector.shape_cast %swap3A_699 : vector<1x1x16xf32> to vector<16xf32>
      %swap3A_701 = vector.shape_cast %get3A_694 : vector<16xf32> to vector<1x1x16xf32>
      tpu.vector_store %arg8[%swap3A_696, %swap3A_697, %swap3A_698], %swap3A_701 {strides = array<i32>} : memref<2x77x768xf32, #tpu.memory_space<vmem>>, vector<1x1x16xf32>,
      %get3A_702 = arith.constant 1024 : index
      %get3A_703 = tpu.vector_load %arg7[%get3A_702] {strides = array<i32>} : memref<3072xf32, #tpu.memory_space<vmem>>, vector<16xf32>,
      %get3A_704 = vector.shape_cast %get3A_703 : vector<16xf32> to vector<16xf32>
      %swap3A_705 = arith.constant 2 : i32
      %swap3A_706 = arith.index_cast %rem3A_26 : i32 to index
      %swap3A_707 = arith.index_cast %swap3A_705 : i32 to index
      %swap3A_708 = arith.constant 256 : index
      %swap3A_709 = tpu.vector_load %arg8[%swap3A_706, %swap3A_707, %swap3A_708] {strides = array<i32>} : memref<2x77x768xf32, #tpu.memory_space<vmem>>, vector<1x1x16xf32>,
      %swap3A_710 = vector.shape_cast %swap3A_709 : vector<1x1x16xf32> to vector<16xf32>
      %swap3A_711 = vector.shape_cast %get3A_704 : vector<16xf32> to vector<1x1x16xf32>
      tpu.vector_store %arg8[%swap3A_706, %swap3A_707, %swap3A_708], %swap3A_711 {strides = array<i32>} : memref<2x77x768xf32, #tpu.memory_space<vmem>>, vector<1x1x16xf32>,
      %get3A_712 = arith.constant 1040 : index
      %get3A_713 = tpu.vector_load %arg7[%get3A_712] {strides = array<i32>} : memref<3072xf32, #tpu.memory_space<vmem>>, vector<16xf32>,
      %get3A_714 = vector.shape_cast %get3A_713 : vector<16xf32> to vector<16xf32>
      %swap3A_715 = arith.constant 2 : i32
      %swap3A_716 = arith.index_cast %rem3A_26 : i32 to index
      %swap3A_717 = arith.index_cast %swap3A_715 : i32 to index
      %swap3A_718 = arith.constant 272 : index
      %swap3A_719 = tpu.vector_load %arg8[%swap3A_716, %swap3A_717, %swap3A_718] {strides = array<i32>} : memref<2x77x768xf32, #tpu.memory_space<vmem>>, vector<1x1x16xf32>,
      %swap3A_720 = vector.shape_cast %swap3A_719 : vector<1x1x16xf32> to vector<16xf32>
      %swap3A_721 = vector.shape_cast %get3A_714 : vector<16xf32> to vector<1x1x16xf32>
      tpu.vector_store %arg8[%swap3A_716, %swap3A_717, %swap3A_718], %swap3A_721 {strides = array<i32>} : memref<2x77x768xf32, #tpu.memory_space<vmem>>, vector<1x1x16xf32>,
      %get3A_722 = arith.constant 1056 : index
      %get3A_723 = tpu.vector_load %arg7[%get3A_722] {strides = array<i32>} : memref<3072xf32, #tpu.memory_space<vmem>>, vector<16xf32>,
      %get3A_724 = vector.shape_cast %get3A_723 : vector<16xf32> to vector<16xf32>
      %swap3A_725 = arith.constant 2 : i32
      %swap3A_726 = arith.index_cast %rem3A_26 : i32 to index
      %swap3A_727 = arith.index_cast %swap3A_725 : i32 to index
      %swap3A_728 = arith.constant 288 : index
      %swap3A_729 = tpu.vector_load %arg8[%swap3A_726, %swap3A_727, %swap3A_728] {strides = array<i32>} : memref<2x77x768xf32, #tpu.memory_space<vmem>>, vector<1x1x16xf32>,
      %swap3A_730 = vector.shape_cast %swap3A_729 : vector<1x1x16xf32> to vector<16xf32>
      %swap3A_731 = vector.shape_cast %get3A_724 : vector<16xf32> to vector<1x1x16xf32>
      tpu.vector_store %arg8[%swap3A_726, %swap3A_727, %swap3A_728], %swap3A_731 {strides = array<i32>} : memref<2x77x768xf32, #tpu.memory_space<vmem>>, vector<1x1x16xf32>,
      %get3A_732 = arith.constant 1072 : index
      %get3A_733 = tpu.vector_load %arg7[%get3A_732] {strides = array<i32>} : memref<3072xf32, #tpu.memory_space<vmem>>, vector<16xf32>,
      %get3A_734 = vector.shape_cast %get3A_733 : vector<16xf32> to vector<16xf32>
      %swap3A_735 = arith.constant 2 : i32
      %swap3A_736 = arith.index_cast %rem3A_26 : i32 to index
      %swap3A_737 = arith.index_cast %swap3A_735 : i32 to index
      %swap3A_738 = arith.constant 304 : index
      %swap3A_739 = tpu.vector_load %arg8[%swap3A_736, %swap3A_737, %swap3A_738] {strides = array<i32>} : memref<2x77x768xf32, #tpu.memory_space<vmem>>, vector<1x1x16xf32>,
      %swap3A_740 = vector.shape_cast %swap3A_739 : vector<1x1x16xf32> to vector<16xf32>
      %swap3A_741 = vector.shape_cast %get3A_734 : vector<16xf32> to vector<1x1x16xf32>
      tpu.vector_store %arg8[%swap3A_736, %swap3A_737, %swap3A_738], %swap3A_741 {strides = array<i32>} : memref<2x77x768xf32, #tpu.memory_space<vmem>>, vector<1x1x16xf32>,
      %get3A_742 = arith.constant 1088 : index
      %get3A_743 = tpu.vector_load %arg7[%get3A_742] {strides = array<i32>} : memref<3072xf32, #tpu.memory_space<vmem>>, vector<16xf32>,
      %get3A_744 = vector.shape_cast %get3A_743 : vector<16xf32> to vector<16xf32>
      %swap3A_745 = arith.constant 2 : i32
      %swap3A_746 = arith.index_cast %rem3A_26 : i32 to index
      %swap3A_747 = arith.index_cast %swap3A_745 : i32 to index
      %swap3A_748 = arith.constant 320 : index
      %swap3A_749 = tpu.vector_load %arg8[%swap3A_746, %swap3A_747, %swap3A_748] {strides = array<i32>} : memref<2x77x768xf32, #tpu.memory_space<vmem>>, vector<1x1x16xf32>,
      %swap3A_750 = vector.shape_cast %swap3A_749 : vector<1x1x16xf32> to vector<16xf32>
      %swap3A_751 = vector.shape_cast %get3A_744 : vector<16xf32> to vector<1x1x16xf32>
      tpu.vector_store %arg8[%swap3A_746, %swap3A_747, %swap3A_748], %swap3A_751 {strides = array<i32>} : memref<2x77x768xf32, #tpu.memory_space<vmem>>, vector<1x1x16xf32>,
      %get3A_752 = arith.constant 1104 : index
      %get3A_753 = tpu.vector_load %arg7[%get3A_752] {strides = array<i32>} : memref<3072xf32, #tpu.memory_space<vmem>>, vector<16xf32>,
      %get3A_754 = vector.shape_cast %get3A_753 : vector<16xf32> to vector<16xf32>
      %swap3A_755 = arith.constant 2 : i32
      %swap3A_756 = arith.index_cast %rem3A_26 : i32 to index
      %swap3A_757 = arith.index_cast %swap3A_755 : i32 to index
      %swap3A_758 = arith.constant 336 : index
      %swap3A_759 = tpu.vector_load %arg8[%swap3A_756, %swap3A_757, %swap3A_758] {strides = array<i32>} : memref<2x77x768xf32, #tpu.memory_space<vmem>>, vector<1x1x16xf32>,
      %swap3A_760 = vector.shape_cast %swap3A_759 : vector<1x1x16xf32> to vector<16xf32>
      %swap3A_761 = vector.shape_cast %get3A_754 : vector<16xf32> to vector<1x1x16xf32>
      tpu.vector_store %arg8[%swap3A_756, %swap3A_757, %swap3A_758], %swap3A_761 {strides = array<i32>} : memref<2x77x768xf32, #tpu.memory_space<vmem>>, vector<1x1x16xf32>,
      %get3A_762 = arith.constant 1120 : index
      %get3A_763 = tpu.vector_load %arg7[%get3A_762] {strides = array<i32>} : memref<3072xf32, #tpu.memory_space<vmem>>, vector<16xf32>,
      %get3A_764 = vector.shape_cast %get3A_763 : vector<16xf32> to vector<16xf32>
      %swap3A_765 = arith.constant 2 : i32
      %swap3A_766 = arith.index_cast %rem3A_26 : i32 to index
      %swap3A_767 = arith.index_cast %swap3A_765 : i32 to index
      %swap3A_768 = arith.constant 352 : index
      %swap3A_769 = tpu.vector_load %arg8[%swap3A_766, %swap3A_767, %swap3A_768] {strides = array<i32>} : memref<2x77x768xf32, #tpu.memory_space<vmem>>, vector<1x1x16xf32>,
      %swap3A_770 = vector.shape_cast %swap3A_769 : vector<1x1x16xf32> to vector<16xf32>
      %swap3A_771 = vector.shape_cast %get3A_764 : vector<16xf32> to vector<1x1x16xf32>
      tpu.vector_store %arg8[%swap3A_766, %swap3A_767, %swap3A_768], %swap3A_771 {strides = array<i32>} : memref<2x77x768xf32, #tpu.memory_space<vmem>>, vector<1x1x16xf32>,
      %get3A_772 = arith.constant 1136 : index
      %get3A_773 = tpu.vector_load %arg7[%get3A_772] {strides = array<i32>} : memref<3072xf32, #tpu.memory_space<vmem>>, vector<16xf32>,
      %get3A_774 = vector.shape_cast %get3A_773 : vector<16xf32> to vector<16xf32>
      %swap3A_775 = arith.constant 2 : i32
      %swap3A_776 = arith.index_cast %rem3A_26 : i32 to index
      %swap3A_777 = arith.index_cast %swap3A_775 : i32 to index
      %swap3A_778 = arith.constant 368 : index
      %swap3A_779 = tpu.vector_load %arg8[%swap3A_776, %swap3A_777, %swap3A_778] {strides = array<i32>} : memref<2x77x768xf32, #tpu.memory_space<vmem>>, vector<1x1x16xf32>,
      %swap3A_780 = vector.shape_cast %swap3A_779 : vector<1x1x16xf32> to vector<16xf32>
      %swap3A_781 = vector.shape_cast %get3A_774 : vector<16xf32> to vector<1x1x16xf32>
      tpu.vector_store %arg8[%swap3A_776, %swap3A_777, %swap3A_778], %swap3A_781 {strides = array<i32>} : memref<2x77x768xf32, #tpu.memory_space<vmem>>, vector<1x1x16xf32>,
      %get3A_782 = arith.constant 1152 : index
      %get3A_783 = tpu.vector_load %arg7[%get3A_782] {strides = array<i32>} : memref<3072xf32, #tpu.memory_space<vmem>>, vector<16xf32>,
      %get3A_784 = vector.shape_cast %get3A_783 : vector<16xf32> to vector<16xf32>
      %swap3A_785 = arith.constant 2 : i32
      %swap3A_786 = arith.index_cast %rem3A_26 : i32 to index
      %swap3A_787 = arith.index_cast %swap3A_785 : i32 to index
      %swap3A_788 = arith.constant 384 : index
      %swap3A_789 = tpu.vector_load %arg8[%swap3A_786, %swap3A_787, %swap3A_788] {strides = array<i32>} : memref<2x77x768xf32, #tpu.memory_space<vmem>>, vector<1x1x16xf32>,
      %swap3A_790 = vector.shape_cast %swap3A_789 : vector<1x1x16xf32> to vector<16xf32>
      %swap3A_791 = vector.shape_cast %get3A_784 : vector<16xf32> to vector<1x1x16xf32>
      tpu.vector_store %arg8[%swap3A_786, %swap3A_787, %swap3A_788], %swap3A_791 {strides = array<i32>} : memref<2x77x768xf32, #tpu.memory_space<vmem>>, vector<1x1x16xf32>,
      %get3A_792 = arith.constant 1168 : index
      %get3A_793 = tpu.vector_load %arg7[%get3A_792] {strides = array<i32>} : memref<3072xf32, #tpu.memory_space<vmem>>, vector<16xf32>,
      %get3A_794 = vector.shape_cast %get3A_793 : vector<16xf32> to vector<16xf32>
      %swap3A_795 = arith.constant 2 : i32
      %swap3A_796 = arith.index_cast %rem3A_26 : i32 to index
      %swap3A_797 = arith.index_cast %swap3A_795 : i32 to index
      %swap3A_798 = arith.constant 400 : index
      %swap3A_799 = tpu.vector_load %arg8[%swap3A_796, %swap3A_797, %swap3A_798] {strides = array<i32>} : memref<2x77x768xf32, #tpu.memory_space<vmem>>, vector<1x1x16xf32>,
      %swap3A_800 = vector.shape_cast %swap3A_799 : vector<1x1x16xf32> to vector<16xf32>
      %swap3A_801 = vector.shape_cast %get3A_794 : vector<16xf32> to vector<1x1x16xf32>
      tpu.vector_store %arg8[%swap3A_796, %swap3A_797, %swap3A_798], %swap3A_801 {strides = array<i32>} : memref<2x77x768xf32, #tpu.memory_space<vmem>>, vector<1x1x16xf32>,
      %get3A_802 = arith.constant 1184 : index
      %get3A_803 = tpu.vector_load %arg7[%get3A_802] {strides = array<i32>} : memref<3072xf32, #tpu.memory_space<vmem>>, vector<16xf32>,
      %get3A_804 = vector.shape_cast %get3A_803 : vector<16xf32> to vector<16xf32>
      %swap3A_805 = arith.constant 2 : i32
      %swap3A_806 = arith.index_cast %rem3A_26 : i32 to index
      %swap3A_807 = arith.index_cast %swap3A_805 : i32 to index
      %swap3A_808 = arith.constant 416 : index
      %swap3A_809 = tpu.vector_load %arg8[%swap3A_806, %swap3A_807, %swap3A_808] {strides = array<i32>} : memref<2x77x768xf32, #tpu.memory_space<vmem>>, vector<1x1x16xf32>,
      %swap3A_810 = vector.shape_cast %swap3A_809 : vector<1x1x16xf32> to vector<16xf32>
      %swap3A_811 = vector.shape_cast %get3A_804 : vector<16xf32> to vector<1x1x16xf32>
      tpu.vector_store %arg8[%swap3A_806, %swap3A_807, %swap3A_808], %swap3A_811 {strides = array<i32>} : memref<2x77x768xf32, #tpu.memory_space<vmem>>, vector<1x1x16xf32>,
      %get3A_812 = arith.constant 1200 : index
      %get3A_813 = tpu.vector_load %arg7[%get3A_812] {strides = array<i32>} : memref<3072xf32, #tpu.memory_space<vmem>>, vector<16xf32>,
      %get3A_814 = vector.shape_cast %get3A_813 : vector<16xf32> to vector<16xf32>
      %swap3A_815 = arith.constant 2 : i32
      %swap3A_816 = arith.index_cast %rem3A_26 : i32 to index
      %swap3A_817 = arith.index_cast %swap3A_815 : i32 to index
      %swap3A_818 = arith.constant 432 : index
      %swap3A_819 = tpu.vector_load %arg8[%swap3A_816, %swap3A_817, %swap3A_818] {strides = array<i32>} : memref<2x77x768xf32, #tpu.memory_space<vmem>>, vector<1x1x16xf32>,
      %swap3A_820 = vector.shape_cast %swap3A_819 : vector<1x1x16xf32> to vector<16xf32>
      %swap3A_821 = vector.shape_cast %get3A_814 : vector<16xf32> to vector<1x1x16xf32>
      tpu.vector_store %arg8[%swap3A_816, %swap3A_817, %swap3A_818], %swap3A_821 {strides = array<i32>} : memref<2x77x768xf32, #tpu.memory_space<vmem>>, vector<1x1x16xf32>,
      %get3A_822 = arith.constant 1216 : index
      %get3A_823 = tpu.vector_load %arg7[%get3A_822] {strides = array<i32>} : memref<3072xf32, #tpu.memory_space<vmem>>, vector<16xf32>,
      %get3A_824 = vector.shape_cast %get3A_823 : vector<16xf32> to vector<16xf32>
      %swap3A_825 = arith.constant 2 : i32
      %swap3A_826 = arith.index_cast %rem3A_26 : i32 to index
      %swap3A_827 = arith.index_cast %swap3A_825 : i32 to index
      %swap3A_828 = arith.constant 448 : index
      %swap3A_829 = tpu.vector_load %arg8[%swap3A_826, %swap3A_827, %swap3A_828] {strides = array<i32>} : memref<2x77x768xf32, #tpu.memory_space<vmem>>, vector<1x1x16xf32>,
      %swap3A_830 = vector.shape_cast %swap3A_829 : vector<1x1x16xf32> to vector<16xf32>
      %swap3A_831 = vector.shape_cast %get3A_824 : vector<16xf32> to vector<1x1x16xf32>
      tpu.vector_store %arg8[%swap3A_826, %swap3A_827, %swap3A_828], %swap3A_831 {strides = array<i32>} : memref<2x77x768xf32, #tpu.memory_space<vmem>>, vector<1x1x16xf32>,
      %get3A_832 = arith.constant 1232 : index
      %get3A_833 = tpu.vector_load %arg7[%get3A_832] {strides = array<i32>} : memref<3072xf32, #tpu.memory_space<vmem>>, vector<16xf32>,
      %get3A_834 = vector.shape_cast %get3A_833 : vector<16xf32> to vector<16xf32>
      %swap3A_835 = arith.constant 2 : i32
      %swap3A_836 = arith.index_cast %rem3A_26 : i32 to index
      %swap3A_837 = arith.index_cast %swap3A_835 : i32 to index
      %swap3A_838 = arith.constant 464 : index
      %swap3A_839 = tpu.vector_load %arg8[%swap3A_836, %swap3A_837, %swap3A_838] {strides = array<i32>} : memref<2x77x768xf32, #tpu.memory_space<vmem>>, vector<1x1x16xf32>,
      %swap3A_840 = vector.shape_cast %swap3A_839 : vector<1x1x16xf32> to vector<16xf32>
      %swap3A_841 = vector.shape_cast %get3A_834 : vector<16xf32> to vector<1x1x16xf32>
      tpu.vector_store %arg8[%swap3A_836, %swap3A_837, %swap3A_838], %swap3A_841 {strides = array<i32>} : memref<2x77x768xf32, #tpu.memory_space<vmem>>, vector<1x1x16xf32>,
      %get3A_842 = arith.constant 1248 : index
      %get3A_843 = tpu.vector_load %arg7[%get3A_842] {strides = array<i32>} : memref<3072xf32, #tpu.memory_space<vmem>>, vector<16xf32>,
      %get3A_844 = vector.shape_cast %get3A_843 : vector<16xf32> to vector<16xf32>
      %swap3A_845 = arith.constant 2 : i32
      %swap3A_846 = arith.index_cast %rem3A_26 : i32 to index
      %swap3A_847 = arith.index_cast %swap3A_845 : i32 to index
      %swap3A_848 = arith.constant 480 : index
      %swap3A_849 = tpu.vector_load %arg8[%swap3A_846, %swap3A_847, %swap3A_848] {strides = array<i32>} : memref<2x77x768xf32, #tpu.memory_space<vmem>>, vector<1x1x16xf32>,
      %swap3A_850 = vector.shape_cast %swap3A_849 : vector<1x1x16xf32> to vector<16xf32>
      %swap3A_851 = vector.shape_cast %get3A_844 : vector<16xf32> to vector<1x1x16xf32>
      tpu.vector_store %arg8[%swap3A_846, %swap3A_847, %swap3A_848], %swap3A_851 {strides = array<i32>} : memref<2x77x768xf32, #tpu.memory_space<vmem>>, vector<1x1x16xf32>,
      %get3A_852 = arith.constant 1264 : index
      %get3A_853 = tpu.vector_load %arg7[%get3A_852] {strides = array<i32>} : memref<3072xf32, #tpu.memory_space<vmem>>, vector<16xf32>,
      %get3A_854 = vector.shape_cast %get3A_853 : vector<16xf32> to vector<16xf32>
      %swap3A_855 = arith.constant 2 : i32
      %swap3A_856 = arith.index_cast %rem3A_26 : i32 to index
      %swap3A_857 = arith.index_cast %swap3A_855 : i32 to index
      %swap3A_858 = arith.constant 496 : index
      %swap3A_859 = tpu.vector_load %arg8[%swap3A_856, %swap3A_857, %swap3A_858] {strides = array<i32>} : memref<2x77x768xf32, #tpu.memory_space<vmem>>, vector<1x1x16xf32>,
      %swap3A_860 = vector.shape_cast %swap3A_859 : vector<1x1x16xf32> to vector<16xf32>
      %swap3A_861 = vector.shape_cast %get3A_854 : vector<16xf32> to vector<1x1x16xf32>
      tpu.vector_store %arg8[%swap3A_856, %swap3A_857, %swap3A_858], %swap3A_861 {strides = array<i32>} : memref<2x77x768xf32, #tpu.memory_space<vmem>>, vector<1x1x16xf32>,
      %get3A_862 = arith.constant 1280 : index
      %get3A_863 = tpu.vector_load %arg7[%get3A_862] {strides = array<i32>} : memref<3072xf32, #tpu.memory_space<vmem>>, vector<16xf32>,
      %get3A_864 = vector.shape_cast %get3A_863 : vector<16xf32> to vector<16xf32>
      %swap3A_865 = arith.constant 2 : i32
      %swap3A_866 = arith.index_cast %rem3A_26 : i32 to index
      %swap3A_867 = arith.index_cast %swap3A_865 : i32 to index
      %swap3A_868 = arith.constant 512 : index
      %swap3A_869 = tpu.vector_load %arg8[%swap3A_866, %swap3A_867, %swap3A_868] {strides = array<i32>} : memref<2x77x768xf32, #tpu.memory_space<vmem>>, vector<1x1x16xf32>,
      %swap3A_870 = vector.shape_cast %swap3A_869 : vector<1x1x16xf32> to vector<16xf32>
      %swap3A_871 = vector.shape_cast %get3A_864 : vector<16xf32> to vector<1x1x16xf32>
      tpu.vector_store %arg8[%swap3A_866, %swap3A_867, %swap3A_868], %swap3A_871 {strides = array<i32>} : memref<2x77x768xf32, #tpu.memory_space<vmem>>, vector<1x1x16xf32>,
      %get3A_872 = arith.constant 1296 : index
      %get3A_873 = tpu.vector_load %arg7[%get3A_872] {strides = array<i32>} : memref<3072xf32, #tpu.memory_space<vmem>>, vector<16xf32>,
      %get3A_874 = vector.shape_cast %get3A_873 : vector<16xf32> to vector<16xf32>
      %swap3A_875 = arith.constant 2 : i32
      %swap3A_876 = arith.index_cast %rem3A_26 : i32 to index
      %swap3A_877 = arith.index_cast %swap3A_875 : i32 to index
      %swap3A_878 = arith.constant 528 : index
      %swap3A_879 = tpu.vector_load %arg8[%swap3A_876, %swap3A_877, %swap3A_878] {strides = array<i32>} : memref<2x77x768xf32, #tpu.memory_space<vmem>>, vector<1x1x16xf32>,
      %swap3A_880 = vector.shape_cast %swap3A_879 : vector<1x1x16xf32> to vector<16xf32>
      %swap3A_881 = vector.shape_cast %get3A_874 : vector<16xf32> to vector<1x1x16xf32>
      tpu.vector_store %arg8[%swap3A_876, %swap3A_877, %swap3A_878], %swap3A_881 {strides = array<i32>} : memref<2x77x768xf32, #tpu.memory_space<vmem>>, vector<1x1x16xf32>,
      %get3A_882 = arith.constant 1312 : index
      %get3A_883 = tpu.vector_load %arg7[%get3A_882] {strides = array<i32>} : memref<3072xf32, #tpu.memory_space<vmem>>, vector<16xf32>,
      %get3A_884 = vector.shape_cast %get3A_883 : vector<16xf32> to vector<16xf32>
      %swap3A_885 = arith.constant 2 : i32
      %swap3A_886 = arith.index_cast %rem3A_26 : i32 to index
      %swap3A_887 = arith.index_cast %swap3A_885 : i32 to index
      %swap3A_888 = arith.constant 544 : index
      %swap3A_889 = tpu.vector_load %arg8[%swap3A_886, %swap3A_887, %swap3A_888] {strides = array<i32>} : memref<2x77x768xf32, #tpu.memory_space<vmem>>, vector<1x1x16xf32>,
      %swap3A_890 = vector.shape_cast %swap3A_889 : vector<1x1x16xf32> to vector<16xf32>
      %swap3A_891 = vector.shape_cast %get3A_884 : vector<16xf32> to vector<1x1x16xf32>
      tpu.vector_store %arg8[%swap3A_886, %swap3A_887, %swap3A_888], %swap3A_891 {strides = array<i32>} : memref<2x77x768xf32, #tpu.memory_space<vmem>>, vector<1x1x16xf32>,
      %get3A_892 = arith.constant 1328 : index
      %get3A_893 = tpu.vector_load %arg7[%get3A_892] {strides = array<i32>} : memref<3072xf32, #tpu.memory_space<vmem>>, vector<16xf32>,
      %get3A_894 = vector.shape_cast %get3A_893 : vector<16xf32> to vector<16xf32>
      %swap3A_895 = arith.constant 2 : i32
      %swap3A_896 = arith.index_cast %rem3A_26 : i32 to index
      %swap3A_897 = arith.index_cast %swap3A_895 : i32 to index
      %swap3A_898 = arith.constant 560 : index
      %swap3A_899 = tpu.vector_load %arg8[%swap3A_896, %swap3A_897, %swap3A_898] {strides = array<i32>} : memref<2x77x768xf32, #tpu.memory_space<vmem>>, vector<1x1x16xf32>,
      %swap3A_900 = vector.shape_cast %swap3A_899 : vector<1x1x16xf32> to vector<16xf32>
      %swap3A_901 = vector.shape_cast %get3A_894 : vector<16xf32> to vector<1x1x16xf32>
      tpu.vector_store %arg8[%swap3A_896, %swap3A_897, %swap3A_898], %swap3A_901 {strides = array<i32>} : memref<2x77x768xf32, #tpu.memory_space<vmem>>, vector<1x1x16xf32>,
      %get3A_902 = arith.constant 1344 : index
      %get3A_903 = tpu.vector_load %arg7[%get3A_902] {strides = array<i32>} : memref<3072xf32, #tpu.memory_space<vmem>>, vector<16xf32>,
      %get3A_904 = vector.shape_cast %get3A_903 : vector<16xf32> to vector<16xf32>
      %swap3A_905 = arith.constant 2 : i32
      %swap3A_906 = arith.index_cast %rem3A_26 : i32 to index
      %swap3A_907 = arith.index_cast %swap3A_905 : i32 to index
      %swap3A_908 = arith.constant 576 : index
      %swap3A_909 = tpu.vector_load %arg8[%swap3A_906, %swap3A_907, %swap3A_908] {strides = array<i32>} : memref<2x77x768xf32, #tpu.memory_space<vmem>>, vector<1x1x16xf32>,
      %swap3A_910 = vector.shape_cast %swap3A_909 : vector<1x1x16xf32> to vector<16xf32>
      %swap3A_911 = vector.shape_cast %get3A_904 : vector<16xf32> to vector<1x1x16xf32>
      tpu.vector_store %arg8[%swap3A_906, %swap3A_907, %swap3A_908], %swap3A_911 {strides = array<i32>} : memref<2x77x768xf32, #tpu.memory_space<vmem>>, vector<1x1x16xf32>,
      %get3A_912 = arith.constant 1360 : index
      %get3A_913 = tpu.vector_load %arg7[%get3A_912] {strides = array<i32>} : memref<3072xf32, #tpu.memory_space<vmem>>, vector<16xf32>,
      %get3A_914 = vector.shape_cast %get3A_913 : vector<16xf32> to vector<16xf32>
      %swap3A_915 = arith.constant 2 : i32
      %swap3A_916 = arith.index_cast %rem3A_26 : i32 to index
      %swap3A_917 = arith.index_cast %swap3A_915 : i32 to index
      %swap3A_918 = arith.constant 592 : index
      %swap3A_919 = tpu.vector_load %arg8[%swap3A_916, %swap3A_917, %swap3A_918] {strides = array<i32>} : memref<2x77x768xf32, #tpu.memory_space<vmem>>, vector<1x1x16xf32>,
      %swap3A_920 = vector.shape_cast %swap3A_919 : vector<1x1x16xf32> to vector<16xf32>
      %swap3A_921 = vector.shape_cast %get3A_914 : vector<16xf32> to vector<1x1x16xf32>
      tpu.vector_store %arg8[%swap3A_916, %swap3A_917, %swap3A_918], %swap3A_921 {strides = array<i32>} : memref<2x77x768xf32, #tpu.memory_space<vmem>>, vector<1x1x16xf32>,
      %get3A_922 = arith.constant 1376 : index
      %get3A_923 = tpu.vector_load %arg7[%get3A_922] {strides = array<i32>} : memref<3072xf32, #tpu.memory_space<vmem>>, vector<16xf32>,
      %get3A_924 = vector.shape_cast %get3A_923 : vector<16xf32> to vector<16xf32>
      %swap3A_925 = arith.constant 2 : i32
      %swap3A_926 = arith.index_cast %rem3A_26 : i32 to index
      %swap3A_927 = arith.index_cast %swap3A_925 : i32 to index
      %swap3A_928 = arith.constant 608 : index
      %swap3A_929 = tpu.vector_load %arg8[%swap3A_926, %swap3A_927, %swap3A_928] {strides = array<i32>} : memref<2x77x768xf32, #tpu.memory_space<vmem>>, vector<1x1x16xf32>,
      %swap3A_930 = vector.shape_cast %swap3A_929 : vector<1x1x16xf32> to vector<16xf32>
      %swap3A_931 = vector.shape_cast %get3A_924 : vector<16xf32> to vector<1x1x16xf32>
      tpu.vector_store %arg8[%swap3A_926, %swap3A_927, %swap3A_928], %swap3A_931 {strides = array<i32>} : memref<2x77x768xf32, #tpu.memory_space<vmem>>, vector<1x1x16xf32>,
      %get3A_932 = arith.constant 1392 : index
      %get3A_933 = tpu.vector_load %arg7[%get3A_932] {strides = array<i32>} : memref<3072xf32, #tpu.memory_space<vmem>>, vector<16xf32>,
      %get3A_934 = vector.shape_cast %get3A_933 : vector<16xf32> to vector<16xf32>
      %swap3A_935 = arith.constant 2 : i32
      %swap3A_936 = arith.index_cast %rem3A_26 : i32 to index
      %swap3A_937 = arith.index_cast %swap3A_935 : i32 to index
      %swap3A_938 = arith.constant 624 : index
      %swap3A_939 = tpu.vector_load %arg8[%swap3A_936, %swap3A_937, %swap3A_938] {strides = array<i32>} : memref<2x77x768xf32, #tpu.memory_space<vmem>>, vector<1x1x16xf32>,
      %swap3A_940 = vector.shape_cast %swap3A_939 : vector<1x1x16xf32> to vector<16xf32>
      %swap3A_941 = vector.shape_cast %get3A_934 : vector<16xf32> to vector<1x1x16xf32>
      tpu.vector_store %arg8[%swap3A_936, %swap3A_937, %swap3A_938], %swap3A_941 {strides = array<i32>} : memref<2x77x768xf32, #tpu.memory_space<vmem>>, vector<1x1x16xf32>,
      %get3A_942 = arith.constant 1408 : index
      %get3A_943 = tpu.vector_load %arg7[%get3A_942] {strides = array<i32>} : memref<3072xf32, #tpu.memory_space<vmem>>, vector<16xf32>,
      %get3A_944 = vector.shape_cast %get3A_943 : vector<16xf32> to vector<16xf32>
      %swap3A_945 = arith.constant 2 : i32
      %swap3A_946 = arith.index_cast %rem3A_26 : i32 to index
      %swap3A_947 = arith.index_cast %swap3A_945 : i32 to index
      %swap3A_948 = arith.constant 640 : index
      %swap3A_949 = tpu.vector_load %arg8[%swap3A_946, %swap3A_947, %swap3A_948] {strides = array<i32>} : memref<2x77x768xf32, #tpu.memory_space<vmem>>, vector<1x1x16xf32>,
      %swap3A_950 = vector.shape_cast %swap3A_949 : vector<1x1x16xf32> to vector<16xf32>
      %swap3A_951 = vector.shape_cast %get3A_944 : vector<16xf32> to vector<1x1x16xf32>
      tpu.vector_store %arg8[%swap3A_946, %swap3A_947, %swap3A_948], %swap3A_951 {strides = array<i32>} : memref<2x77x768xf32, #tpu.memory_space<vmem>>, vector<1x1x16xf32>,
      %get3A_952 = arith.constant 1424 : index
      %get3A_953 = tpu.vector_load %arg7[%get3A_952] {strides = array<i32>} : memref<3072xf32, #tpu.memory_space<vmem>>, vector<16xf32>,
      %get3A_954 = vector.shape_cast %get3A_953 : vector<16xf32> to vector<16xf32>
      %swap3A_955 = arith.constant 2 : i32
      %swap3A_956 = arith.index_cast %rem3A_26 : i32 to index
      %swap3A_957 = arith.index_cast %swap3A_955 : i32 to index
      %swap3A_958 = arith.constant 656 : index
      %swap3A_959 = tpu.vector_load %arg8[%swap3A_956, %swap3A_957, %swap3A_958] {strides = array<i32>} : memref<2x77x768xf32, #tpu.memory_space<vmem>>, vector<1x1x16xf32>,
      %swap3A_960 = vector.shape_cast %swap3A_959 : vector<1x1x16xf32> to vector<16xf32>
      %swap3A_961 = vector.shape_cast %get3A_954 : vector<16xf32> to vector<1x1x16xf32>
      tpu.vector_store %arg8[%swap3A_956, %swap3A_957, %swap3A_958], %swap3A_961 {strides = array<i32>} : memref<2x77x768xf32, #tpu.memory_space<vmem>>, vector<1x1x16xf32>,
      %get3A_962 = arith.constant 1440 : index
      %get3A_963 = tpu.vector_load %arg7[%get3A_962] {strides = array<i32>} : memref<3072xf32, #tpu.memory_space<vmem>>, vector<16xf32>,
      %get3A_964 = vector.shape_cast %get3A_963 : vector<16xf32> to vector<16xf32>
      %swap3A_965 = arith.constant 2 : i32
      %swap3A_966 = arith.index_cast %rem3A_26 : i32 to index
      %swap3A_967 = arith.index_cast %swap3A_965 : i32 to index
      %swap3A_968 = arith.constant 672 : index
      %swap3A_969 = tpu.vector_load %arg8[%swap3A_966, %swap3A_967, %swap3A_968] {strides = array<i32>} : memref<2x77x768xf32, #tpu.memory_space<vmem>>, vector<1x1x16xf32>,
      %swap3A_970 = vector.shape_cast %swap3A_969 : vector<1x1x16xf32> to vector<16xf32>
      %swap3A_971 = vector.shape_cast %get3A_964 : vector<16xf32> to vector<1x1x16xf32>
      tpu.vector_store %arg8[%swap3A_966, %swap3A_967, %swap3A_968], %swap3A_971 {strides = array<i32>} : memref<2x77x768xf32, #tpu.memory_space<vmem>>, vector<1x1x16xf32>,
      %get3A_972 = arith.constant 1456 : index
      %get3A_973 = tpu.vector_load %arg7[%get3A_972] {strides = array<i32>} : memref<3072xf32, #tpu.memory_space<vmem>>, vector<16xf32>,
      %get3A_974 = vector.shape_cast %get3A_973 : vector<16xf32> to vector<16xf32>
      %swap3A_975 = arith.constant 2 : i32
      %swap3A_976 = arith.index_cast %rem3A_26 : i32 to index
      %swap3A_977 = arith.index_cast %swap3A_975 : i32 to index
      %swap3A_978 = arith.constant 688 : index
      %swap3A_979 = tpu.vector_load %arg8[%swap3A_976, %swap3A_977, %swap3A_978] {strides = array<i32>} : memref<2x77x768xf32, #tpu.memory_space<vmem>>, vector<1x1x16xf32>,
      %swap3A_980 = vector.shape_cast %swap3A_979 : vector<1x1x16xf32> to vector<16xf32>
      %swap3A_981 = vector.shape_cast %get3A_974 : vector<16xf32> to vector<1x1x16xf32>
      tpu.vector_store %arg8[%swap3A_976, %swap3A_977, %swap3A_978], %swap3A_981 {strides = array<i32>} : memref<2x77x768xf32, #tpu.memory_space<vmem>>, vector<1x1x16xf32>,
      %get3A_982 = arith.constant 1472 : index
      %get3A_983 = tpu.vector_load %arg7[%get3A_982] {strides = array<i32>} : memref<3072xf32, #tpu.memory_space<vmem>>, vector<16xf32>,
      %get3A_984 = vector.shape_cast %get3A_983 : vector<16xf32> to vector<16xf32>
      %swap3A_985 = arith.constant 2 : i32
      %swap3A_986 = arith.index_cast %rem3A_26 : i32 to index
      %swap3A_987 = arith.index_cast %swap3A_985 : i32 to index
      %swap3A_988 = arith.constant 704 : index
      %swap3A_989 = tpu.vector_load %arg8[%swap3A_986, %swap3A_987, %swap3A_988] {strides = array<i32>} : memref<2x77x768xf32, #tpu.memory_space<vmem>>, vector<1x1x16xf32>,
      %swap3A_990 = vector.shape_cast %swap3A_989 : vector<1x1x16xf32> to vector<16xf32>
      %swap3A_991 = vector.shape_cast %get3A_984 : vector<16xf32> to vector<1x1x16xf32>
      tpu.vector_store %arg8[%swap3A_986, %swap3A_987, %swap3A_988], %swap3A_991 {strides = array<i32>} : memref<2x77x768xf32, #tpu.memory_space<vmem>>, vector<1x1x16xf32>,
      %get3A_992 = arith.constant 1488 : index
      %get3A_993 = tpu.vector_load %arg7[%get3A_992] {strides = array<i32>} : memref<3072xf32, #tpu.memory_space<vmem>>, vector<16xf32>,
      %get3A_994 = vector.shape_cast %get3A_993 : vector<16xf32> to vector<16xf32>
      %swap3A_995 = arith.constant 2 : i32
      %swap3A_996 = arith.index_cast %rem3A_26 : i32 to index
      %swap3A_997 = arith.index_cast %swap3A_995 : i32 to index
      %swap3A_998 = arith.constant 720 : index
      %swap3A_999 = tpu.vector_load %arg8[%swap3A_996, %swap3A_997, %swap3A_998] {strides = array<i32>} : memref<2x77x768xf32, #tpu.memory_space<vmem>>, vector<1x1x16xf32>,
      %swap3A_1000 = vector.shape_cast %swap3A_999 : vector<1x1x16xf32> to vector<16xf32>
      %swap3A_1001 = vector.shape_cast %get3A_994 : vector<16xf32> to vector<1x1x16xf32>
      tpu.vector_store %arg8[%swap3A_996, %swap3A_997, %swap3A_998], %swap3A_1001 {strides = array<i32>} : memref<2x77x768xf32, #tpu.memory_space<vmem>>, vector<1x1x16xf32>,
      %get3A_1002 = arith.constant 1504 : index
      %get3A_1003 = tpu.vector_load %arg7[%get3A_1002] {strides = array<i32>} : memref<3072xf32, #tpu.memory_space<vmem>>, vector<16xf32>,
      %get3A_1004 = vector.shape_cast %get3A_1003 : vector<16xf32> to vector<16xf32>
      %swap3A_1005 = arith.constant 2 : i32
      %swap3A_1006 = arith.index_cast %rem3A_26 : i32 to index
      %swap3A_1007 = arith.index_cast %swap3A_1005 : i32 to index
      %swap3A_1008 = arith.constant 736 : index
      %swap3A_1009 = tpu.vector_load %arg8[%swap3A_1006, %swap3A_1007, %swap3A_1008] {strides = array<i32>} : memref<2x77x768xf32, #tpu.memory_space<vmem>>, vector<1x1x16xf32>,
      %swap3A_1010 = vector.shape_cast %swap3A_1009 : vector<1x1x16xf32> to vector<16xf32>
      %swap3A_1011 = vector.shape_cast %get3A_1004 : vector<16xf32> to vector<1x1x16xf32>
      tpu.vector_store %arg8[%swap3A_1006, %swap3A_1007, %swap3A_1008], %swap3A_1011 {strides = array<i32>} : memref<2x77x768xf32, #tpu.memory_space<vmem>>, vector<1x1x16xf32>,
      %get3A_1012 = arith.constant 1520 : index
      %get3A_1013 = tpu.vector_load %arg7[%get3A_1012] {strides = array<i32>} : memref<3072xf32, #tpu.memory_space<vmem>>, vector<16xf32>,
      %get3A_1014 = vector.shape_cast %get3A_1013 : vector<16xf32> to vector<16xf32>
      %swap3A_1015 = arith.constant 2 : i32
      %swap3A_1016 = arith.index_cast %rem3A_26 : i32 to index
      %swap3A_1017 = arith.index_cast %swap3A_1015 : i32 to index
      %swap3A_1018 = arith.constant 752 : index
      %swap3A_1019 = tpu.vector_load %arg8[%swap3A_1016, %swap3A_1017, %swap3A_1018] {strides = array<i32>} : memref<2x77x768xf32, #tpu.memory_space<vmem>>, vector<1x1x16xf32>,
      %swap3A_1020 = vector.shape_cast %swap3A_1019 : vector<1x1x16xf32> to vector<16xf32>
      %swap3A_1021 = vector.shape_cast %get3A_1014 : vector<16xf32> to vector<1x1x16xf32>
      tpu.vector_store %arg8[%swap3A_1016, %swap3A_1017, %swap3A_1018], %swap3A_1021 {strides = array<i32>} : memref<2x77x768xf32, #tpu.memory_space<vmem>>, vector<1x1x16xf32>,
      %get3A_1022 = arith.constant 1536 : index
      %get3A_1023 = tpu.vector_load %arg7[%get3A_1022] {strides = array<i32>} : memref<3072xf32, #tpu.memory_space<vmem>>, vector<16xf32>,
      %get3A_1024 = vector.shape_cast %get3A_1023 : vector<16xf32> to vector<16xf32>
      %swap3A_1025 = arith.constant 3 : i32
      %swap3A_1026 = arith.index_cast %rem3A_26 : i32 to index
      %swap3A_1027 = arith.index_cast %swap3A_1025 : i32 to index
      %swap3A_1028 = arith.constant 0 : index
      %swap3A_1029 = tpu.vector_load %arg8[%swap3A_1026, %swap3A_1027, %swap3A_1028] {strides = array<i32>} : memref<2x77x768xf32, #tpu.memory_space<vmem>>, vector<1x1x16xf32>,
      %swap3A_1030 = vector.shape_cast %swap3A_1029 : vector<1x1x16xf32> to vector<16xf32>
      %swap3A_1031 = vector.shape_cast %get3A_1024 : vector<16xf32> to vector<1x1x16xf32>
      tpu.vector_store %arg8[%swap3A_1026, %swap3A_1027, %swap3A_1028], %swap3A_1031 {strides = array<i32>} : memref<2x77x768xf32, #tpu.memory_space<vmem>>, vector<1x1x16xf32>,
      %get3A_1032 = arith.constant 1552 : index
      %get3A_1033 = tpu.vector_load %arg7[%get3A_1032] {strides = array<i32>} : memref<3072xf32, #tpu.memory_space<vmem>>, vector<16xf32>,
      %get3A_1034 = vector.shape_cast %get3A_1033 : vector<16xf32> to vector<16xf32>
      %swap3A_1035 = arith.constant 3 : i32
      %swap3A_1036 = arith.index_cast %rem3A_26 : i32 to index
      %swap3A_1037 = arith.index_cast %swap3A_1035 : i32 to index
      %swap3A_1038 = arith.constant 16 : index
      %swap3A_1039 = tpu.vector_load %arg8[%swap3A_1036, %swap3A_1037, %swap3A_1038] {strides = array<i32>} : memref<2x77x768xf32, #tpu.memory_space<vmem>>, vector<1x1x16xf32>,
      %swap3A_1040 = vector.shape_cast %swap3A_1039 : vector<1x1x16xf32> to vector<16xf32>
      %swap3A_1041 = vector.shape_cast %get3A_1034 : vector<16xf32> to vector<1x1x16xf32>
      tpu.vector_store %arg8[%swap3A_1036, %swap3A_1037, %swap3A_1038], %swap3A_1041 {strides = array<i32>} : memref<2x77x768xf32, #tpu.memory_space<vmem>>, vector<1x1x16xf32>,
      %get3A_1042 = arith.constant 1568 : index
      %get3A_1043 = tpu.vector_load %arg7[%get3A_1042] {strides = array<i32>} : memref<3072xf32, #tpu.memory_space<vmem>>, vector<16xf32>,
      %get3A_1044 = vector.shape_cast %get3A_1043 : vector<16xf32> to vector<16xf32>
      %swap3A_1045 = arith.constant 3 : i32
      %swap3A_1046 = arith.index_cast %rem3A_26 : i32 to index
      %swap3A_1047 = arith.index_cast %swap3A_1045 : i32 to index
      %swap3A_1048 = arith.constant 32 : index
      %swap3A_1049 = tpu.vector_load %arg8[%swap3A_1046, %swap3A_1047, %swap3A_1048] {strides = array<i32>} : memref<2x77x768xf32, #tpu.memory_space<vmem>>, vector<1x1x16xf32>,
      %swap3A_1050 = vector.shape_cast %swap3A_1049 : vector<1x1x16xf32> to vector<16xf32>
      %swap3A_1051 = vector.shape_cast %get3A_1044 : vector<16xf32> to vector<1x1x16xf32>
      tpu.vector_store %arg8[%swap3A_1046, %swap3A_1047, %swap3A_1048], %swap3A_1051 {strides = array<i32>} : memref<2x77x768xf32, #tpu.memory_space<vmem>>, vector<1x1x16xf32>,
      %get3A_1052 = arith.constant 1584 : index
      %get3A_1053 = tpu.vector_load %arg7[%get3A_1052] {strides = array<i32>} : memref<3072xf32, #tpu.memory_space<vmem>>, vector<16xf32>,
      %get3A_1054 = vector.shape_cast %get3A_1053 : vector<16xf32> to vector<16xf32>
      %swap3A_1055 = arith.constant 3 : i32
      %swap3A_1056 = arith.index_cast %rem3A_26 : i32 to index
      %swap3A_1057 = arith.index_cast %swap3A_1055 : i32 to index
      %swap3A_1058 = arith.constant 48 : index
      %swap3A_1059 = tpu.vector_load %arg8[%swap3A_1056, %swap3A_1057, %swap3A_1058] {strides = array<i32>} : memref<2x77x768xf32, #tpu.memory_space<vmem>>, vector<1x1x16xf32>,
      %swap3A_1060 = vector.shape_cast %swap3A_1059 : vector<1x1x16xf32> to vector<16xf32>
      %swap3A_1061 = vector.shape_cast %get3A_1054 : vector<16xf32> to vector<1x1x16xf32>
      tpu.vector_store %arg8[%swap3A_1056, %swap3A_1057, %swap3A_1058], %swap3A_1061 {strides = array<i32>} : memref<2x77x768xf32, #tpu.memory_space<vmem>>, vector<1x1x16xf32>,
      %get3A_1062 = arith.constant 1600 : index
      %get3A_1063 = tpu.vector_load %arg7[%get3A_1062] {strides = array<i32>} : memref<3072xf32, #tpu.memory_space<vmem>>, vector<16xf32>,
      %get3A_1064 = vector.shape_cast %get3A_1063 : vector<16xf32> to vector<16xf32>
      %swap3A_1065 = arith.constant 3 : i32
      %swap3A_1066 = arith.index_cast %rem3A_26 : i32 to index
      %swap3A_1067 = arith.index_cast %swap3A_1065 : i32 to index
      %swap3A_1068 = arith.constant 64 : index
      %swap3A_1069 = tpu.vector_load %arg8[%swap3A_1066, %swap3A_1067, %swap3A_1068] {strides = array<i32>} : memref<2x77x768xf32, #tpu.memory_space<vmem>>, vector<1x1x16xf32>,
      %swap3A_1070 = vector.shape_cast %swap3A_1069 : vector<1x1x16xf32> to vector<16xf32>
      %swap3A_1071 = vector.shape_cast %get3A_1064 : vector<16xf32> to vector<1x1x16xf32>
      tpu.vector_store %arg8[%swap3A_1066, %swap3A_1067, %swap3A_1068], %swap3A_1071 {strides = array<i32>} : memref<2x77x768xf32, #tpu.memory_space<vmem>>, vector<1x1x16xf32>,
      %get3A_1072 = arith.constant 1616 : index
      %get3A_1073 = tpu.vector_load %arg7[%get3A_1072] {strides = array<i32>} : memref<3072xf32, #tpu.memory_space<vmem>>, vector<16xf32>,
      %get3A_1074 = vector.shape_cast %get3A_1073 : vector<16xf32> to vector<16xf32>
      %swap3A_1075 = arith.constant 3 : i32
      %swap3A_1076 = arith.index_cast %rem3A_26 : i32 to index
      %swap3A_1077 = arith.index_cast %swap3A_1075 : i32 to index
      %swap3A_1078 = arith.constant 80 : index
      %swap3A_1079 = tpu.vector_load %arg8[%swap3A_1076, %swap3A_1077, %swap3A_1078] {strides = array<i32>} : memref<2x77x768xf32, #tpu.memory_space<vmem>>, vector<1x1x16xf32>,
      %swap3A_1080 = vector.shape_cast %swap3A_1079 : vector<1x1x16xf32> to vector<16xf32>
      %swap3A_1081 = vector.shape_cast %get3A_1074 : vector<16xf32> to vector<1x1x16xf32>
      tpu.vector_store %arg8[%swap3A_1076, %swap3A_1077, %swap3A_1078], %swap3A_1081 {strides = array<i32>} : memref<2x77x768xf32, #tpu.memory_space<vmem>>, vector<1x1x16xf32>,
      %get3A_1082 = arith.constant 1632 : index
      %get3A_1083 = tpu.vector_load %arg7[%get3A_1082] {strides = array<i32>} : memref<3072xf32, #tpu.memory_space<vmem>>, vector<16xf32>,
      %get3A_1084 = vector.shape_cast %get3A_1083 : vector<16xf32> to vector<16xf32>
      %swap3A_1085 = arith.constant 3 : i32
      %swap3A_1086 = arith.index_cast %rem3A_26 : i32 to index
      %swap3A_1087 = arith.index_cast %swap3A_1085 : i32 to index
      %swap3A_1088 = arith.constant 96 : index
      %swap3A_1089 = tpu.vector_load %arg8[%swap3A_1086, %swap3A_1087, %swap3A_1088] {strides = array<i32>} : memref<2x77x768xf32, #tpu.memory_space<vmem>>, vector<1x1x16xf32>,
      %swap3A_1090 = vector.shape_cast %swap3A_1089 : vector<1x1x16xf32> to vector<16xf32>
      %swap3A_1091 = vector.shape_cast %get3A_1084 : vector<16xf32> to vector<1x1x16xf32>
      tpu.vector_store %arg8[%swap3A_1086, %swap3A_1087, %swap3A_1088], %swap3A_1091 {strides = array<i32>} : memref<2x77x768xf32, #tpu.memory_space<vmem>>, vector<1x1x16xf32>,
      %get3A_1092 = arith.constant 1648 : index
      %get3A_1093 = tpu.vector_load %arg7[%get3A_1092] {strides = array<i32>} : memref<3072xf32, #tpu.memory_space<vmem>>, vector<16xf32>,
      %get3A_1094 = vector.shape_cast %get3A_1093 : vector<16xf32> to vector<16xf32>
      %swap3A_1095 = arith.constant 3 : i32
      %swap3A_1096 = arith.index_cast %rem3A_26 : i32 to index
      %swap3A_1097 = arith.index_cast %swap3A_1095 : i32 to index
      %swap3A_1098 = arith.constant 112 : index
      %swap3A_1099 = tpu.vector_load %arg8[%swap3A_1096, %swap3A_1097, %swap3A_1098] {strides = array<i32>} : memref<2x77x768xf32, #tpu.memory_space<vmem>>, vector<1x1x16xf32>,
      %swap3A_1100 = vector.shape_cast %swap3A_1099 : vector<1x1x16xf32> to vector<16xf32>
      %swap3A_1101 = vector.shape_cast %get3A_1094 : vector<16xf32> to vector<1x1x16xf32>
      tpu.vector_store %arg8[%swap3A_1096, %swap3A_1097, %swap3A_1098], %swap3A_1101 {strides = array<i32>} : memref<2x77x768xf32, #tpu.memory_space<vmem>>, vector<1x1x16xf32>,
      %get3A_1102 = arith.constant 1664 : index
      %get3A_1103 = tpu.vector_load %arg7[%get3A_1102] {strides = array<i32>} : memref<3072xf32, #tpu.memory_space<vmem>>, vector<16xf32>,
      %get3A_1104 = vector.shape_cast %get3A_1103 : vector<16xf32> to vector<16xf32>
      %swap3A_1105 = arith.constant 3 : i32
      %swap3A_1106 = arith.index_cast %rem3A_26 : i32 to index
      %swap3A_1107 = arith.index_cast %swap3A_1105 : i32 to index
      %swap3A_1108 = arith.constant 128 : index
      %swap3A_1109 = tpu.vector_load %arg8[%swap3A_1106, %swap3A_1107, %swap3A_1108] {strides = array<i32>} : memref<2x77x768xf32, #tpu.memory_space<vmem>>, vector<1x1x16xf32>,
      %swap3A_1110 = vector.shape_cast %swap3A_1109 : vector<1x1x16xf32> to vector<16xf32>
      %swap3A_1111 = vector.shape_cast %get3A_1104 : vector<16xf32> to vector<1x1x16xf32>
      tpu.vector_store %arg8[%swap3A_1106, %swap3A_1107, %swap3A_1108], %swap3A_1111 {strides = array<i32>} : memref<2x77x768xf32, #tpu.memory_space<vmem>>, vector<1x1x16xf32>,
      %get3A_1112 = arith.constant 1680 : index
      %get3A_1113 = tpu.vector_load %arg7[%get3A_1112] {strides = array<i32>} : memref<3072xf32, #tpu.memory_space<vmem>>, vector<16xf32>,
      %get3A_1114 = vector.shape_cast %get3A_1113 : vector<16xf32> to vector<16xf32>
      %swap3A_1115 = arith.constant 3 : i32
      %swap3A_1116 = arith.index_cast %rem3A_26 : i32 to index
      %swap3A_1117 = arith.index_cast %swap3A_1115 : i32 to index
      %swap3A_1118 = arith.constant 144 : index
      %swap3A_1119 = tpu.vector_load %arg8[%swap3A_1116, %swap3A_1117, %swap3A_1118] {strides = array<i32>} : memref<2x77x768xf32, #tpu.memory_space<vmem>>, vector<1x1x16xf32>,
      %swap3A_1120 = vector.shape_cast %swap3A_1119 : vector<1x1x16xf32> to vector<16xf32>
      %swap3A_1121 = vector.shape_cast %get3A_1114 : vector<16xf32> to vector<1x1x16xf32>
      tpu.vector_store %arg8[%swap3A_1116, %swap3A_1117, %swap3A_1118], %swap3A_1121 {strides = array<i32>} : memref<2x77x768xf32, #tpu.memory_space<vmem>>, vector<1x1x16xf32>,
      %get3A_1122 = arith.constant 1696 : index
      %get3A_1123 = tpu.vector_load %arg7[%get3A_1122] {strides = array<i32>} : memref<3072xf32, #tpu.memory_space<vmem>>, vector<16xf32>,
      %get3A_1124 = vector.shape_cast %get3A_1123 : vector<16xf32> to vector<16xf32>
      %swap3A_1125 = arith.constant 3 : i32
      %swap3A_1126 = arith.index_cast %rem3A_26 : i32 to index
      %swap3A_1127 = arith.index_cast %swap3A_1125 : i32 to index
      %swap3A_1128 = arith.constant 160 : index
      %swap3A_1129 = tpu.vector_load %arg8[%swap3A_1126, %swap3A_1127, %swap3A_1128] {strides = array<i32>} : memref<2x77x768xf32, #tpu.memory_space<vmem>>, vector<1x1x16xf32>,
      %swap3A_1130 = vector.shape_cast %swap3A_1129 : vector<1x1x16xf32> to vector<16xf32>
      %swap3A_1131 = vector.shape_cast %get3A_1124 : vector<16xf32> to vector<1x1x16xf32>
      tpu.vector_store %arg8[%swap3A_1126, %swap3A_1127, %swap3A_1128], %swap3A_1131 {strides = array<i32>} : memref<2x77x768xf32, #tpu.memory_space<vmem>>, vector<1x1x16xf32>,
      %get3A_1132 = arith.constant 1712 : index
      %get3A_1133 = tpu.vector_load %arg7[%get3A_1132] {strides = array<i32>} : memref<3072xf32, #tpu.memory_space<vmem>>, vector<16xf32>,
      %get3A_1134 = vector.shape_cast %get3A_1133 : vector<16xf32> to vector<16xf32>
      %swap3A_1135 = arith.constant 3 : i32
      %swap3A_1136 = arith.index_cast %rem3A_26 : i32 to index
      %swap3A_1137 = arith.index_cast %swap3A_1135 : i32 to index
      %swap3A_1138 = arith.constant 176 : index
      %swap3A_1139 = tpu.vector_load %arg8[%swap3A_1136, %swap3A_1137, %swap3A_1138] {strides = array<i32>} : memref<2x77x768xf32, #tpu.memory_space<vmem>>, vector<1x1x16xf32>,
      %swap3A_1140 = vector.shape_cast %swap3A_1139 : vector<1x1x16xf32> to vector<16xf32>
      %swap3A_1141 = vector.shape_cast %get3A_1134 : vector<16xf32> to vector<1x1x16xf32>
      tpu.vector_store %arg8[%swap3A_1136, %swap3A_1137, %swap3A_1138], %swap3A_1141 {strides = array<i32>} : memref<2x77x768xf32, #tpu.memory_space<vmem>>, vector<1x1x16xf32>,
      %get3A_1142 = arith.constant 1728 : index
      %get3A_1143 = tpu.vector_load %arg7[%get3A_1142] {strides = array<i32>} : memref<3072xf32, #tpu.memory_space<vmem>>, vector<16xf32>,
      %get3A_1144 = vector.shape_cast %get3A_1143 : vector<16xf32> to vector<16xf32>
      %swap3A_1145 = arith.constant 3 : i32
      %swap3A_1146 = arith.index_cast %rem3A_26 : i32 to index
      %swap3A_1147 = arith.index_cast %swap3A_1145 : i32 to index
      %swap3A_1148 = arith.constant 192 : index
      %swap3A_1149 = tpu.vector_load %arg8[%swap3A_1146, %swap3A_1147, %swap3A_1148] {strides = array<i32>} : memref<2x77x768xf32, #tpu.memory_space<vmem>>, vector<1x1x16xf32>,
      %swap3A_1150 = vector.shape_cast %swap3A_1149 : vector<1x1x16xf32> to vector<16xf32>
      %swap3A_1151 = vector.shape_cast %get3A_1144 : vector<16xf32> to vector<1x1x16xf32>
      tpu.vector_store %arg8[%swap3A_1146, %swap3A_1147, %swap3A_1148], %swap3A_1151 {strides = array<i32>} : memref<2x77x768xf32, #tpu.memory_space<vmem>>, vector<1x1x16xf32>,
      %get3A_1152 = arith.constant 1744 : index
      %get3A_1153 = tpu.vector_load %arg7[%get3A_1152] {strides = array<i32>} : memref<3072xf32, #tpu.memory_space<vmem>>, vector<16xf32>,
      %get3A_1154 = vector.shape_cast %get3A_1153 : vector<16xf32> to vector<16xf32>
      %swap3A_1155 = arith.constant 3 : i32
      %swap3A_1156 = arith.index_cast %rem3A_26 : i32 to index
      %swap3A_1157 = arith.index_cast %swap3A_1155 : i32 to index
      %swap3A_1158 = arith.constant 208 : index
      %swap3A_1159 = tpu.vector_load %arg8[%swap3A_1156, %swap3A_1157, %swap3A_1158] {strides = array<i32>} : memref<2x77x768xf32, #tpu.memory_space<vmem>>, vector<1x1x16xf32>,
      %swap3A_1160 = vector.shape_cast %swap3A_1159 : vector<1x1x16xf32> to vector<16xf32>
      %swap3A_1161 = vector.shape_cast %get3A_1154 : vector<16xf32> to vector<1x1x16xf32>
      tpu.vector_store %arg8[%swap3A_1156, %swap3A_1157, %swap3A_1158], %swap3A_1161 {strides = array<i32>} : memref<2x77x768xf32, #tpu.memory_space<vmem>>, vector<1x1x16xf32>,
      %get3A_1162 = arith.constant 1760 : index
      %get3A_1163 = tpu.vector_load %arg7[%get3A_1162] {strides = array<i32>} : memref<3072xf32, #tpu.memory_space<vmem>>, vector<16xf32>,
      %get3A_1164 = vector.shape_cast %get3A_1163 : vector<16xf32> to vector<16xf32>
      %swap3A_1165 = arith.constant 3 : i32
      %swap3A_1166 = arith.index_cast %rem3A_26 : i32 to index
      %swap3A_1167 = arith.index_cast %swap3A_1165 : i32 to index
      %swap3A_1168 = arith.constant 224 : index
      %swap3A_1169 = tpu.vector_load %arg8[%swap3A_1166, %swap3A_1167, %swap3A_1168] {strides = array<i32>} : memref<2x77x768xf32, #tpu.memory_space<vmem>>, vector<1x1x16xf32>,
      %swap3A_1170 = vector.shape_cast %swap3A_1169 : vector<1x1x16xf32> to vector<16xf32>
      %swap3A_1171 = vector.shape_cast %get3A_1164 : vector<16xf32> to vector<1x1x16xf32>
      tpu.vector_store %arg8[%swap3A_1166, %swap3A_1167, %swap3A_1168], %swap3A_1171 {strides = array<i32>} : memref<2x77x768xf32, #tpu.memory_space<vmem>>, vector<1x1x16xf32>,
      %get3A_1172 = arith.constant 1776 : index
      %get3A_1173 = tpu.vector_load %arg7[%get3A_1172] {strides = array<i32>} : memref<3072xf32, #tpu.memory_space<vmem>>, vector<16xf32>,
      %get3A_1174 = vector.shape_cast %get3A_1173 : vector<16xf32> to vector<16xf32>
      %swap3A_1175 = arith.constant 3 : i32
      %swap3A_1176 = arith.index_cast %rem3A_26 : i32 to index
      %swap3A_1177 = arith.index_cast %swap3A_1175 : i32 to index
      %swap3A_1178 = arith.constant 240 : index
      %swap3A_1179 = tpu.vector_load %arg8[%swap3A_1176, %swap3A_1177, %swap3A_1178] {strides = array<i32>} : memref<2x77x768xf32, #tpu.memory_space<vmem>>, vector<1x1x16xf32>,
      %swap3A_1180 = vector.shape_cast %swap3A_1179 : vector<1x1x16xf32> to vector<16xf32>
      %swap3A_1181 = vector.shape_cast %get3A_1174 : vector<16xf32> to vector<1x1x16xf32>
      tpu.vector_store %arg8[%swap3A_1176, %swap3A_1177, %swap3A_1178], %swap3A_1181 {strides = array<i32>} : memref<2x77x768xf32, #tpu.memory_space<vmem>>, vector<1x1x16xf32>,
      %get3A_1182 = arith.constant 1792 : index
      %get3A_1183 = tpu.vector_load %arg7[%get3A_1182] {strides = array<i32>} : memref<3072xf32, #tpu.memory_space<vmem>>, vector<16xf32>,
      %get3A_1184 = vector.shape_cast %get3A_1183 : vector<16xf32> to vector<16xf32>
      %swap3A_1185 = arith.constant 3 : i32
      %swap3A_1186 = arith.index_cast %rem3A_26 : i32 to index
      %swap3A_1187 = arith.index_cast %swap3A_1185 : i32 to index
      %swap3A_1188 = arith.constant 256 : index
      %swap3A_1189 = tpu.vector_load %arg8[%swap3A_1186, %swap3A_1187, %swap3A_1188] {strides = array<i32>} : memref<2x77x768xf32, #tpu.memory_space<vmem>>, vector<1x1x16xf32>,
      %swap3A_1190 = vector.shape_cast %swap3A_1189 : vector<1x1x16xf32> to vector<16xf32>
      %swap3A_1191 = vector.shape_cast %get3A_1184 : vector<16xf32> to vector<1x1x16xf32>
      tpu.vector_store %arg8[%swap3A_1186, %swap3A_1187, %swap3A_1188], %swap3A_1191 {strides = array<i32>} : memref<2x77x768xf32, #tpu.memory_space<vmem>>, vector<1x1x16xf32>,
      %get3A_1192 = arith.constant 1808 : index
      %get3A_1193 = tpu.vector_load %arg7[%get3A_1192] {strides = array<i32>} : memref<3072xf32, #tpu.memory_space<vmem>>, vector<16xf32>,
      %get3A_1194 = vector.shape_cast %get3A_1193 : vector<16xf32> to vector<16xf32>
      %swap3A_1195 = arith.constant 3 : i32
      %swap3A_1196 = arith.index_cast %rem3A_26 : i32 to index
      %swap3A_1197 = arith.index_cast %swap3A_1195 : i32 to index
      %swap3A_1198 = arith.constant 272 : index
      %swap3A_1199 = tpu.vector_load %arg8[%swap3A_1196, %swap3A_1197, %swap3A_1198] {strides = array<i32>} : memref<2x77x768xf32, #tpu.memory_space<vmem>>, vector<1x1x16xf32>,
      %swap3A_1200 = vector.shape_cast %swap3A_1199 : vector<1x1x16xf32> to vector<16xf32>
      %swap3A_1201 = vector.shape_cast %get3A_1194 : vector<16xf32> to vector<1x1x16xf32>
      tpu.vector_store %arg8[%swap3A_1196, %swap3A_1197, %swap3A_1198], %swap3A_1201 {strides = array<i32>} : memref<2x77x768xf32, #tpu.memory_space<vmem>>, vector<1x1x16xf32>,
      %get3A_1202 = arith.constant 1824 : index
      %get3A_1203 = tpu.vector_load %arg7[%get3A_1202] {strides = array<i32>} : memref<3072xf32, #tpu.memory_space<vmem>>, vector<16xf32>,
      %get3A_1204 = vector.shape_cast %get3A_1203 : vector<16xf32> to vector<16xf32>
      %swap3A_1205 = arith.constant 3 : i32
      %swap3A_1206 = arith.index_cast %rem3A_26 : i32 to index
      %swap3A_1207 = arith.index_cast %swap3A_1205 : i32 to index
      %swap3A_1208 = arith.constant 288 : index
      %swap3A_1209 = tpu.vector_load %arg8[%swap3A_1206, %swap3A_1207, %swap3A_1208] {strides = array<i32>} : memref<2x77x768xf32, #tpu.memory_space<vmem>>, vector<1x1x16xf32>,
      %swap3A_1210 = vector.shape_cast %swap3A_1209 : vector<1x1x16xf32> to vector<16xf32>
      %swap3A_1211 = vector.shape_cast %get3A_1204 : vector<16xf32> to vector<1x1x16xf32>
      tpu.vector_store %arg8[%swap3A_1206, %swap3A_1207, %swap3A_1208], %swap3A_1211 {strides = array<i32>} : memref<2x77x768xf32, #tpu.memory_space<vmem>>, vector<1x1x16xf32>,
      %get3A_1212 = arith.constant 1840 : index
      %get3A_1213 = tpu.vector_load %arg7[%get3A_1212] {strides = array<i32>} : memref<3072xf32, #tpu.memory_space<vmem>>, vector<16xf32>,
      %get3A_1214 = vector.shape_cast %get3A_1213 : vector<16xf32> to vector<16xf32>
      %swap3A_1215 = arith.constant 3 : i32
      %swap3A_1216 = arith.index_cast %rem3A_26 : i32 to index
      %swap3A_1217 = arith.index_cast %swap3A_1215 : i32 to index
      %swap3A_1218 = arith.constant 304 : index
      %swap3A_1219 = tpu.vector_load %arg8[%swap3A_1216, %swap3A_1217, %swap3A_1218] {strides = array<i32>} : memref<2x77x768xf32, #tpu.memory_space<vmem>>, vector<1x1x16xf32>,
      %swap3A_1220 = vector.shape_cast %swap3A_1219 : vector<1x1x16xf32> to vector<16xf32>
      %swap3A_1221 = vector.shape_cast %get3A_1214 : vector<16xf32> to vector<1x1x16xf32>
      tpu.vector_store %arg8[%swap3A_1216, %swap3A_1217, %swap3A_1218], %swap3A_1221 {strides = array<i32>} : memref<2x77x768xf32, #tpu.memory_space<vmem>>, vector<1x1x16xf32>,
      %get3A_1222 = arith.constant 1856 : index
      %get3A_1223 = tpu.vector_load %arg7[%get3A_1222] {strides = array<i32>} : memref<3072xf32, #tpu.memory_space<vmem>>, vector<16xf32>,
      %get3A_1224 = vector.shape_cast %get3A_1223 : vector<16xf32> to vector<16xf32>
      %swap3A_1225 = arith.constant 3 : i32
      %swap3A_1226 = arith.index_cast %rem3A_26 : i32 to index
      %swap3A_1227 = arith.index_cast %swap3A_1225 : i32 to index
      %swap3A_1228 = arith.constant 320 : index
      %swap3A_1229 = tpu.vector_load %arg8[%swap3A_1226, %swap3A_1227, %swap3A_1228] {strides = array<i32>} : memref<2x77x768xf32, #tpu.memory_space<vmem>>, vector<1x1x16xf32>,
      %swap3A_1230 = vector.shape_cast %swap3A_1229 : vector<1x1x16xf32> to vector<16xf32>
      %swap3A_1231 = vector.shape_cast %get3A_1224 : vector<16xf32> to vector<1x1x16xf32>
      tpu.vector_store %arg8[%swap3A_1226, %swap3A_1227, %swap3A_1228], %swap3A_1231 {strides = array<i32>} : memref<2x77x768xf32, #tpu.memory_space<vmem>>, vector<1x1x16xf32>,
      %get3A_1232 = arith.constant 1872 : index
      %get3A_1233 = tpu.vector_load %arg7[%get3A_1232] {strides = array<i32>} : memref<3072xf32, #tpu.memory_space<vmem>>, vector<16xf32>,
      %get3A_1234 = vector.shape_cast %get3A_1233 : vector<16xf32> to vector<16xf32>
      %swap3A_1235 = arith.constant 3 : i32
      %swap3A_1236 = arith.index_cast %rem3A_26 : i32 to index
      %swap3A_1237 = arith.index_cast %swap3A_1235 : i32 to index
      %swap3A_1238 = arith.constant 336 : index
      %swap3A_1239 = tpu.vector_load %arg8[%swap3A_1236, %swap3A_1237, %swap3A_1238] {strides = array<i32>} : memref<2x77x768xf32, #tpu.memory_space<vmem>>, vector<1x1x16xf32>,
      %swap3A_1240 = vector.shape_cast %swap3A_1239 : vector<1x1x16xf32> to vector<16xf32>
      %swap3A_1241 = vector.shape_cast %get3A_1234 : vector<16xf32> to vector<1x1x16xf32>
      tpu.vector_store %arg8[%swap3A_1236, %swap3A_1237, %swap3A_1238], %swap3A_1241 {strides = array<i32>} : memref<2x77x768xf32, #tpu.memory_space<vmem>>, vector<1x1x16xf32>,
      %get3A_1242 = arith.constant 1888 : index
      %get3A_1243 = tpu.vector_load %arg7[%get3A_1242] {strides = array<i32>} : memref<3072xf32, #tpu.memory_space<vmem>>, vector<16xf32>,
      %get3A_1244 = vector.shape_cast %get3A_1243 : vector<16xf32> to vector<16xf32>
      %swap3A_1245 = arith.constant 3 : i32
      %swap3A_1246 = arith.index_cast %rem3A_26 : i32 to index
      %swap3A_1247 = arith.index_cast %swap3A_1245 : i32 to index
      %swap3A_1248 = arith.constant 352 : index
      %swap3A_1249 = tpu.vector_load %arg8[%swap3A_1246, %swap3A_1247, %swap3A_1248] {strides = array<i32>} : memref<2x77x768xf32, #tpu.memory_space<vmem>>, vector<1x1x16xf32>,
      %swap3A_1250 = vector.shape_cast %swap3A_1249 : vector<1x1x16xf32> to vector<16xf32>
      %swap3A_1251 = vector.shape_cast %get3A_1244 : vector<16xf32> to vector<1x1x16xf32>
      tpu.vector_store %arg8[%swap3A_1246, %swap3A_1247, %swap3A_1248], %swap3A_1251 {strides = array<i32>} : memref<2x77x768xf32, #tpu.memory_space<vmem>>, vector<1x1x16xf32>,
      %get3A_1252 = arith.constant 1904 : index
      %get3A_1253 = tpu.vector_load %arg7[%get3A_1252] {strides = array<i32>} : memref<3072xf32, #tpu.memory_space<vmem>>, vector<16xf32>,
      %get3A_1254 = vector.shape_cast %get3A_1253 : vector<16xf32> to vector<16xf32>
      %swap3A_1255 = arith.constant 3 : i32
      %swap3A_1256 = arith.index_cast %rem3A_26 : i32 to index
      %swap3A_1257 = arith.index_cast %swap3A_1255 : i32 to index
      %swap3A_1258 = arith.constant 368 : index
      %swap3A_1259 = tpu.vector_load %arg8[%swap3A_1256, %swap3A_1257, %swap3A_1258] {strides = array<i32>} : memref<2x77x768xf32, #tpu.memory_space<vmem>>, vector<1x1x16xf32>,
      %swap3A_1260 = vector.shape_cast %swap3A_1259 : vector<1x1x16xf32> to vector<16xf32>
      %swap3A_1261 = vector.shape_cast %get3A_1254 : vector<16xf32> to vector<1x1x16xf32>
      tpu.vector_store %arg8[%swap3A_1256, %swap3A_1257, %swap3A_1258], %swap3A_1261 {strides = array<i32>} : memref<2x77x768xf32, #tpu.memory_space<vmem>>, vector<1x1x16xf32>,
      %get3A_1262 = arith.constant 1920 : index
      %get3A_1263 = tpu.vector_load %arg7[%get3A_1262] {strides = array<i32>} : memref<3072xf32, #tpu.memory_space<vmem>>, vector<16xf32>,
      %get3A_1264 = vector.shape_cast %get3A_1263 : vector<16xf32> to vector<16xf32>
      %swap3A_1265 = arith.constant 3 : i32
      %swap3A_1266 = arith.index_cast %rem3A_26 : i32 to index
      %swap3A_1267 = arith.index_cast %swap3A_1265 : i32 to index
      %swap3A_1268 = arith.constant 384 : index
      %swap3A_1269 = tpu.vector_load %arg8[%swap3A_1266, %swap3A_1267, %swap3A_1268] {strides = array<i32>} : memref<2x77x768xf32, #tpu.memory_space<vmem>>, vector<1x1x16xf32>,
      %swap3A_1270 = vector.shape_cast %swap3A_1269 : vector<1x1x16xf32> to vector<16xf32>
      %swap3A_1271 = vector.shape_cast %get3A_1264 : vector<16xf32> to vector<1x1x16xf32>
      tpu.vector_store %arg8[%swap3A_1266, %swap3A_1267, %swap3A_1268], %swap3A_1271 {strides = array<i32>} : memref<2x77x768xf32, #tpu.memory_space<vmem>>, vector<1x1x16xf32>,
      %get3A_1272 = arith.constant 1936 : index
      %get3A_1273 = tpu.vector_load %arg7[%get3A_1272] {strides = array<i32>} : memref<3072xf32, #tpu.memory_space<vmem>>, vector<16xf32>,
      %get3A_1274 = vector.shape_cast %get3A_1273 : vector<16xf32> to vector<16xf32>
      %swap3A_1275 = arith.constant 3 : i32
      %swap3A_1276 = arith.index_cast %rem3A_26 : i32 to index
      %swap3A_1277 = arith.index_cast %swap3A_1275 : i32 to index
      %swap3A_1278 = arith.constant 400 : index
      %swap3A_1279 = tpu.vector_load %arg8[%swap3A_1276, %swap3A_1277, %swap3A_1278] {strides = array<i32>} : memref<2x77x768xf32, #tpu.memory_space<vmem>>, vector<1x1x16xf32>,
      %swap3A_1280 = vector.shape_cast %swap3A_1279 : vector<1x1x16xf32> to vector<16xf32>
      %swap3A_1281 = vector.shape_cast %get3A_1274 : vector<16xf32> to vector<1x1x16xf32>
      tpu.vector_store %arg8[%swap3A_1276, %swap3A_1277, %swap3A_1278], %swap3A_1281 {strides = array<i32>} : memref<2x77x768xf32, #tpu.memory_space<vmem>>, vector<1x1x16xf32>,
      %get3A_1282 = arith.constant 1952 : index
      %get3A_1283 = tpu.vector_load %arg7[%get3A_1282] {strides = array<i32>} : memref<3072xf32, #tpu.memory_space<vmem>>, vector<16xf32>,
      %get3A_1284 = vector.shape_cast %get3A_1283 : vector<16xf32> to vector<16xf32>
      %swap3A_1285 = arith.constant 3 : i32
      %swap3A_1286 = arith.index_cast %rem3A_26 : i32 to index
      %swap3A_1287 = arith.index_cast %swap3A_1285 : i32 to index
      %swap3A_1288 = arith.constant 416 : index
      %swap3A_1289 = tpu.vector_load %arg8[%swap3A_1286, %swap3A_1287, %swap3A_1288] {strides = array<i32>} : memref<2x77x768xf32, #tpu.memory_space<vmem>>, vector<1x1x16xf32>,
      %swap3A_1290 = vector.shape_cast %swap3A_1289 : vector<1x1x16xf32> to vector<16xf32>
      %swap3A_1291 = vector.shape_cast %get3A_1284 : vector<16xf32> to vector<1x1x16xf32>
      tpu.vector_store %arg8[%swap3A_1286, %swap3A_1287, %swap3A_1288], %swap3A_1291 {strides = array<i32>} : memref<2x77x768xf32, #tpu.memory_space<vmem>>, vector<1x1x16xf32>,
      %get3A_1292 = arith.constant 1968 : index
      %get3A_1293 = tpu.vector_load %arg7[%get3A_1292] {strides = array<i32>} : memref<3072xf32, #tpu.memory_space<vmem>>, vector<16xf32>,
      %get3A_1294 = vector.shape_cast %get3A_1293 : vector<16xf32> to vector<16xf32>
      %swap3A_1295 = arith.constant 3 : i32
      %swap3A_1296 = arith.index_cast %rem3A_26 : i32 to index
      %swap3A_1297 = arith.index_cast %swap3A_1295 : i32 to index
      %swap3A_1298 = arith.constant 432 : index
      %swap3A_1299 = tpu.vector_load %arg8[%swap3A_1296, %swap3A_1297, %swap3A_1298] {strides = array<i32>} : memref<2x77x768xf32, #tpu.memory_space<vmem>>, vector<1x1x16xf32>,
      %swap3A_1300 = vector.shape_cast %swap3A_1299 : vector<1x1x16xf32> to vector<16xf32>
      %swap3A_1301 = vector.shape_cast %get3A_1294 : vector<16xf32> to vector<1x1x16xf32>
      tpu.vector_store %arg8[%swap3A_1296, %swap3A_1297, %swap3A_1298], %swap3A_1301 {strides = array<i32>} : memref<2x77x768xf32, #tpu.memory_space<vmem>>, vector<1x1x16xf32>,
      %get3A_1302 = arith.constant 1984 : index
      %get3A_1303 = tpu.vector_load %arg7[%get3A_1302] {strides = array<i32>} : memref<3072xf32, #tpu.memory_space<vmem>>, vector<16xf32>,
      %get3A_1304 = vector.shape_cast %get3A_1303 : vector<16xf32> to vector<16xf32>
      %swap3A_1305 = arith.constant 3 : i32
      %swap3A_1306 = arith.index_cast %rem3A_26 : i32 to index
      %swap3A_1307 = arith.index_cast %swap3A_1305 : i32 to index
      %swap3A_1308 = arith.constant 448 : index
      %swap3A_1309 = tpu.vector_load %arg8[%swap3A_1306, %swap3A_1307, %swap3A_1308] {strides = array<i32>} : memref<2x77x768xf32, #tpu.memory_space<vmem>>, vector<1x1x16xf32>,
      %swap3A_1310 = vector.shape_cast %swap3A_1309 : vector<1x1x16xf32> to vector<16xf32>
      %swap3A_1311 = vector.shape_cast %get3A_1304 : vector<16xf32> to vector<1x1x16xf32>
      tpu.vector_store %arg8[%swap3A_1306, %swap3A_1307, %swap3A_1308], %swap3A_1311 {strides = array<i32>} : memref<2x77x768xf32, #tpu.memory_space<vmem>>, vector<1x1x16xf32>,
      %get3A_1312 = arith.constant 2000 : index
      %get3A_1313 = tpu.vector_load %arg7[%get3A_1312] {strides = array<i32>} : memref<3072xf32, #tpu.memory_space<vmem>>, vector<16xf32>,
      %get3A_1314 = vector.shape_cast %get3A_1313 : vector<16xf32> to vector<16xf32>
      %swap3A_1315 = arith.constant 3 : i32
      %swap3A_1316 = arith.index_cast %rem3A_26 : i32 to index
      %swap3A_1317 = arith.index_cast %swap3A_1315 : i32 to index
      %swap3A_1318 = arith.constant 464 : index
      %swap3A_1319 = tpu.vector_load %arg8[%swap3A_1316, %swap3A_1317, %swap3A_1318] {strides = array<i32>} : memref<2x77x768xf32, #tpu.memory_space<vmem>>, vector<1x1x16xf32>,
      %swap3A_1320 = vector.shape_cast %swap3A_1319 : vector<1x1x16xf32> to vector<16xf32>
      %swap3A_1321 = vector.shape_cast %get3A_1314 : vector<16xf32> to vector<1x1x16xf32>
      tpu.vector_store %arg8[%swap3A_1316, %swap3A_1317, %swap3A_1318], %swap3A_1321 {strides = array<i32>} : memref<2x77x768xf32, #tpu.memory_space<vmem>>, vector<1x1x16xf32>,
      %get3A_1322 = arith.constant 2016 : index
      %get3A_1323 = tpu.vector_load %arg7[%get3A_1322] {strides = array<i32>} : memref<3072xf32, #tpu.memory_space<vmem>>, vector<16xf32>,
      %get3A_1324 = vector.shape_cast %get3A_1323 : vector<16xf32> to vector<16xf32>
      %swap3A_1325 = arith.constant 3 : i32
      %swap3A_1326 = arith.index_cast %rem3A_26 : i32 to index
      %swap3A_1327 = arith.index_cast %swap3A_1325 : i32 to index
      %swap3A_1328 = arith.constant 480 : index
      %swap3A_1329 = tpu.vector_load %arg8[%swap3A_1326, %swap3A_1327, %swap3A_1328] {strides = array<i32>} : memref<2x77x768xf32, #tpu.memory_space<vmem>>, vector<1x1x16xf32>,
      %swap3A_1330 = vector.shape_cast %swap3A_1329 : vector<1x1x16xf32> to vector<16xf32>
      %swap3A_1331 = vector.shape_cast %get3A_1324 : vector<16xf32> to vector<1x1x16xf32>
      tpu.vector_store %arg8[%swap3A_1326, %swap3A_1327, %swap3A_1328], %swap3A_1331 {strides = array<i32>} : memref<2x77x768xf32, #tpu.memory_space<vmem>>, vector<1x1x16xf32>,
      %get3A_1332 = arith.constant 2032 : index
      %get3A_1333 = tpu.vector_load %arg7[%get3A_1332] {strides = array<i32>} : memref<3072xf32, #tpu.memory_space<vmem>>, vector<16xf32>,
      %get3A_1334 = vector.shape_cast %get3A_1333 : vector<16xf32> to vector<16xf32>
      %swap3A_1335 = arith.constant 3 : i32
      %swap3A_1336 = arith.index_cast %rem3A_26 : i32 to index
      %swap3A_1337 = arith.index_cast %swap3A_1335 : i32 to index
      %swap3A_1338 = arith.constant 496 : index
      %swap3A_1339 = tpu.vector_load %arg8[%swap3A_1336, %swap3A_1337, %swap3A_1338] {strides = array<i32>} : memref<2x77x768xf32, #tpu.memory_space<vmem>>, vector<1x1x16xf32>,
      %swap3A_1340 = vector.shape_cast %swap3A_1339 : vector<1x1x16xf32> to vector<16xf32>
      %swap3A_1341 = vector.shape_cast %get3A_1334 : vector<16xf32> to vector<1x1x16xf32>
      tpu.vector_store %arg8[%swap3A_1336, %swap3A_1337, %swap3A_1338], %swap3A_1341 {strides = array<i32>} : memref<2x77x768xf32, #tpu.memory_space<vmem>>, vector<1x1x16xf32>,
      %get3A_1342 = arith.constant 2048 : index
      %get3A_1343 = tpu.vector_load %arg7[%get3A_1342] {strides = array<i32>} : memref<3072xf32, #tpu.memory_space<vmem>>, vector<16xf32>,
      %get3A_1344 = vector.shape_cast %get3A_1343 : vector<16xf32> to vector<16xf32>
      %swap3A_1345 = arith.constant 3 : i32
      %swap3A_1346 = arith.index_cast %rem3A_26 : i32 to index
      %swap3A_1347 = arith.index_cast %swap3A_1345 : i32 to index
      %swap3A_1348 = arith.constant 512 : index
      %swap3A_1349 = tpu.vector_load %arg8[%swap3A_1346, %swap3A_1347, %swap3A_1348] {strides = array<i32>} : memref<2x77x768xf32, #tpu.memory_space<vmem>>, vector<1x1x16xf32>,
      %swap3A_1350 = vector.shape_cast %swap3A_1349 : vector<1x1x16xf32> to vector<16xf32>
      %swap3A_1351 = vector.shape_cast %get3A_1344 : vector<16xf32> to vector<1x1x16xf32>
      tpu.vector_store %arg8[%swap3A_1346, %swap3A_1347, %swap3A_1348], %swap3A_1351 {strides = array<i32>} : memref<2x77x768xf32, #tpu.memory_space<vmem>>, vector<1x1x16xf32>,
      %get3A_1352 = arith.constant 2064 : index
      %get3A_1353 = tpu.vector_load %arg7[%get3A_1352] {strides = array<i32>} : memref<3072xf32, #tpu.memory_space<vmem>>, vector<16xf32>,
      %get3A_1354 = vector.shape_cast %get3A_1353 : vector<16xf32> to vector<16xf32>
      %swap3A_1355 = arith.constant 3 : i32
      %swap3A_1356 = arith.index_cast %rem3A_26 : i32 to index
      %swap3A_1357 = arith.index_cast %swap3A_1355 : i32 to index
      %swap3A_1358 = arith.constant 528 : index
      %swap3A_1359 = tpu.vector_load %arg8[%swap3A_1356, %swap3A_1357, %swap3A_1358] {strides = array<i32>} : memref<2x77x768xf32, #tpu.memory_space<vmem>>, vector<1x1x16xf32>,
      %swap3A_1360 = vector.shape_cast %swap3A_1359 : vector<1x1x16xf32> to vector<16xf32>
      %swap3A_1361 = vector.shape_cast %get3A_1354 : vector<16xf32> to vector<1x1x16xf32>
      tpu.vector_store %arg8[%swap3A_1356, %swap3A_1357, %swap3A_1358], %swap3A_1361 {strides = array<i32>} : memref<2x77x768xf32, #tpu.memory_space<vmem>>, vector<1x1x16xf32>,
      %get3A_1362 = arith.constant 2080 : index
      %get3A_1363 = tpu.vector_load %arg7[%get3A_1362] {strides = array<i32>} : memref<3072xf32, #tpu.memory_space<vmem>>, vector<16xf32>,
      %get3A_1364 = vector.shape_cast %get3A_1363 : vector<16xf32> to vector<16xf32>
      %swap3A_1365 = arith.constant 3 : i32
      %swap3A_1366 = arith.index_cast %rem3A_26 : i32 to index
      %swap3A_1367 = arith.index_cast %swap3A_1365 : i32 to index
      %swap3A_1368 = arith.constant 544 : index
      %swap3A_1369 = tpu.vector_load %arg8[%swap3A_1366, %swap3A_1367, %swap3A_1368] {strides = array<i32>} : memref<2x77x768xf32, #tpu.memory_space<vmem>>, vector<1x1x16xf32>,
      %swap3A_1370 = vector.shape_cast %swap3A_1369 : vector<1x1x16xf32> to vector<16xf32>
      %swap3A_1371 = vector.shape_cast %get3A_1364 : vector<16xf32> to vector<1x1x16xf32>
      tpu.vector_store %arg8[%swap3A_1366, %swap3A_1367, %swap3A_1368], %swap3A_1371 {strides = array<i32>} : memref<2x77x768xf32, #tpu.memory_space<vmem>>, vector<1x1x16xf32>,
      %get3A_1372 = arith.constant 2096 : index
      %get3A_1373 = tpu.vector_load %arg7[%get3A_1372] {strides = array<i32>} : memref<3072xf32, #tpu.memory_space<vmem>>, vector<16xf32>,
      %get3A_1374 = vector.shape_cast %get3A_1373 : vector<16xf32> to vector<16xf32>
      %swap3A_1375 = arith.constant 3 : i32
      %swap3A_1376 = arith.index_cast %rem3A_26 : i32 to index
      %swap3A_1377 = arith.index_cast %swap3A_1375 : i32 to index
      %swap3A_1378 = arith.constant 560 : index
      %swap3A_1379 = tpu.vector_load %arg8[%swap3A_1376, %swap3A_1377, %swap3A_1378] {strides = array<i32>} : memref<2x77x768xf32, #tpu.memory_space<vmem>>, vector<1x1x16xf32>,
      %swap3A_1380 = vector.shape_cast %swap3A_1379 : vector<1x1x16xf32> to vector<16xf32>
      %swap3A_1381 = vector.shape_cast %get3A_1374 : vector<16xf32> to vector<1x1x16xf32>
      tpu.vector_store %arg8[%swap3A_1376, %swap3A_1377, %swap3A_1378], %swap3A_1381 {strides = array<i32>} : memref<2x77x768xf32, #tpu.memory_space<vmem>>, vector<1x1x16xf32>,
      %get3A_1382 = arith.constant 2112 : index
      %get3A_1383 = tpu.vector_load %arg7[%get3A_1382] {strides = array<i32>} : memref<3072xf32, #tpu.memory_space<vmem>>, vector<16xf32>,
      %get3A_1384 = vector.shape_cast %get3A_1383 : vector<16xf32> to vector<16xf32>
      %swap3A_1385 = arith.constant 3 : i32
      %swap3A_1386 = arith.index_cast %rem3A_26 : i32 to index
      %swap3A_1387 = arith.index_cast %swap3A_1385 : i32 to index
      %swap3A_1388 = arith.constant 576 : index
      %swap3A_1389 = tpu.vector_load %arg8[%swap3A_1386, %swap3A_1387, %swap3A_1388] {strides = array<i32>} : memref<2x77x768xf32, #tpu.memory_space<vmem>>, vector<1x1x16xf32>,
      %swap3A_1390 = vector.shape_cast %swap3A_1389 : vector<1x1x16xf32> to vector<16xf32>
      %swap3A_1391 = vector.shape_cast %get3A_1384 : vector<16xf32> to vector<1x1x16xf32>
      tpu.vector_store %arg8[%swap3A_1386, %swap3A_1387, %swap3A_1388], %swap3A_1391 {strides = array<i32>} : memref<2x77x768xf32, #tpu.memory_space<vmem>>, vector<1x1x16xf32>,
      %get3A_1392 = arith.constant 2128 : index
      %get3A_1393 = tpu.vector_load %arg7[%get3A_1392] {strides = array<i32>} : memref<3072xf32, #tpu.memory_space<vmem>>, vector<16xf32>,
      %get3A_1394 = vector.shape_cast %get3A_1393 : vector<16xf32> to vector<16xf32>
      %swap3A_1395 = arith.constant 3 : i32
      %swap3A_1396 = arith.index_cast %rem3A_26 : i32 to index
      %swap3A_1397 = arith.index_cast %swap3A_1395 : i32 to index
      %swap3A_1398 = arith.constant 592 : index
      %swap3A_1399 = tpu.vector_load %arg8[%swap3A_1396, %swap3A_1397, %swap3A_1398] {strides = array<i32>} : memref<2x77x768xf32, #tpu.memory_space<vmem>>, vector<1x1x16xf32>,
      %swap3A_1400 = vector.shape_cast %swap3A_1399 : vector<1x1x16xf32> to vector<16xf32>
      %swap3A_1401 = vector.shape_cast %get3A_1394 : vector<16xf32> to vector<1x1x16xf32>
      tpu.vector_store %arg8[%swap3A_1396, %swap3A_1397, %swap3A_1398], %swap3A_1401 {strides = array<i32>} : memref<2x77x768xf32, #tpu.memory_space<vmem>>, vector<1x1x16xf32>,
      %get3A_1402 = arith.constant 2144 : index
      %get3A_1403 = tpu.vector_load %arg7[%get3A_1402] {strides = array<i32>} : memref<3072xf32, #tpu.memory_space<vmem>>, vector<16xf32>,
      %get3A_1404 = vector.shape_cast %get3A_1403 : vector<16xf32> to vector<16xf32>
      %swap3A_1405 = arith.constant 3 : i32
      %swap3A_1406 = arith.index_cast %rem3A_26 : i32 to index
      %swap3A_1407 = arith.index_cast %swap3A_1405 : i32 to index
      %swap3A_1408 = arith.constant 608 : index
      %swap3A_1409 = tpu.vector_load %arg8[%swap3A_1406, %swap3A_1407, %swap3A_1408] {strides = array<i32>} : memref<2x77x768xf32, #tpu.memory_space<vmem>>, vector<1x1x16xf32>,
      %swap3A_1410 = vector.shape_cast %swap3A_1409 : vector<1x1x16xf32> to vector<16xf32>
      %swap3A_1411 = vector.shape_cast %get3A_1404 : vector<16xf32> to vector<1x1x16xf32>
      tpu.vector_store %arg8[%swap3A_1406, %swap3A_1407, %swap3A_1408], %swap3A_1411 {strides = array<i32>} : memref<2x77x768xf32, #tpu.memory_space<vmem>>, vector<1x1x16xf32>,
      %get3A_1412 = arith.constant 2160 : index
      %get3A_1413 = tpu.vector_load %arg7[%get3A_1412] {strides = array<i32>} : memref<3072xf32, #tpu.memory_space<vmem>>, vector<16xf32>,
      %get3A_1414 = vector.shape_cast %get3A_1413 : vector<16xf32> to vector<16xf32>
      %swap3A_1415 = arith.constant 3 : i32
      %swap3A_1416 = arith.index_cast %rem3A_26 : i32 to index
      %swap3A_1417 = arith.index_cast %swap3A_1415 : i32 to index
      %swap3A_1418 = arith.constant 624 : index
      %swap3A_1419 = tpu.vector_load %arg8[%swap3A_1416, %swap3A_1417, %swap3A_1418] {strides = array<i32>} : memref<2x77x768xf32, #tpu.memory_space<vmem>>, vector<1x1x16xf32>,
      %swap3A_1420 = vector.shape_cast %swap3A_1419 : vector<1x1x16xf32> to vector<16xf32>
      %swap3A_1421 = vector.shape_cast %get3A_1414 : vector<16xf32> to vector<1x1x16xf32>
      tpu.vector_store %arg8[%swap3A_1416, %swap3A_1417, %swap3A_1418], %swap3A_1421 {strides = array<i32>} : memref<2x77x768xf32, #tpu.memory_space<vmem>>, vector<1x1x16xf32>,
      %get3A_1422 = arith.constant 2176 : index
      %get3A_1423 = tpu.vector_load %arg7[%get3A_1422] {strides = array<i32>} : memref<3072xf32, #tpu.memory_space<vmem>>, vector<16xf32>,
      %get3A_1424 = vector.shape_cast %get3A_1423 : vector<16xf32> to vector<16xf32>
      %swap3A_1425 = arith.constant 3 : i32
      %swap3A_1426 = arith.index_cast %rem3A_26 : i32 to index
      %swap3A_1427 = arith.index_cast %swap3A_1425 : i32 to index
      %swap3A_1428 = arith.constant 640 : index
      %swap3A_1429 = tpu.vector_load %arg8[%swap3A_1426, %swap3A_1427, %swap3A_1428] {strides = array<i32>} : memref<2x77x768xf32, #tpu.memory_space<vmem>>, vector<1x1x16xf32>,
      %swap3A_1430 = vector.shape_cast %swap3A_1429 : vector<1x1x16xf32> to vector<16xf32>
      %swap3A_1431 = vector.shape_cast %get3A_1424 : vector<16xf32> to vector<1x1x16xf32>
      tpu.vector_store %arg8[%swap3A_1426, %swap3A_1427, %swap3A_1428], %swap3A_1431 {strides = array<i32>} : memref<2x77x768xf32, #tpu.memory_space<vmem>>, vector<1x1x16xf32>,
      %get3A_1432 = arith.constant 2192 : index
      %get3A_1433 = tpu.vector_load %arg7[%get3A_1432] {strides = array<i32>} : memref<3072xf32, #tpu.memory_space<vmem>>, vector<16xf32>,
      %get3A_1434 = vector.shape_cast %get3A_1433 : vector<16xf32> to vector<16xf32>
      %swap3A_1435 = arith.constant 3 : i32
      %swap3A_1436 = arith.index_cast %rem3A_26 : i32 to index
      %swap3A_1437 = arith.index_cast %swap3A_1435 : i32 to index
      %swap3A_1438 = arith.constant 656 : index
      %swap3A_1439 = tpu.vector_load %arg8[%swap3A_1436, %swap3A_1437, %swap3A_1438] {strides = array<i32>} : memref<2x77x768xf32, #tpu.memory_space<vmem>>, vector<1x1x16xf32>,
      %swap3A_1440 = vector.shape_cast %swap3A_1439 : vector<1x1x16xf32> to vector<16xf32>
      %swap3A_1441 = vector.shape_cast %get3A_1434 : vector<16xf32> to vector<1x1x16xf32>
      tpu.vector_store %arg8[%swap3A_1436, %swap3A_1437, %swap3A_1438], %swap3A_1441 {strides = array<i32>} : memref<2x77x768xf32, #tpu.memory_space<vmem>>, vector<1x1x16xf32>,
      %get3A_1442 = arith.constant 2208 : index
      %get3A_1443 = tpu.vector_load %arg7[%get3A_1442] {strides = array<i32>} : memref<3072xf32, #tpu.memory_space<vmem>>, vector<16xf32>,
      %get3A_1444 = vector.shape_cast %get3A_1443 : vector<16xf32> to vector<16xf32>
      %swap3A_1445 = arith.constant 3 : i32
      %swap3A_1446 = arith.index_cast %rem3A_26 : i32 to index
      %swap3A_1447 = arith.index_cast %swap3A_1445 : i32 to index
      %swap3A_1448 = arith.constant 672 : index
      %swap3A_1449 = tpu.vector_load %arg8[%swap3A_1446, %swap3A_1447, %swap3A_1448] {strides = array<i32>} : memref<2x77x768xf32, #tpu.memory_space<vmem>>, vector<1x1x16xf32>,
      %swap3A_1450 = vector.shape_cast %swap3A_1449 : vector<1x1x16xf32> to vector<16xf32>
      %swap3A_1451 = vector.shape_cast %get3A_1444 : vector<16xf32> to vector<1x1x16xf32>
      tpu.vector_store %arg8[%swap3A_1446, %swap3A_1447, %swap3A_1448], %swap3A_1451 {strides = array<i32>} : memref<2x77x768xf32, #tpu.memory_space<vmem>>, vector<1x1x16xf32>,
      %get3A_1452 = arith.constant 2224 : index
      %get3A_1453 = tpu.vector_load %arg7[%get3A_1452] {strides = array<i32>} : memref<3072xf32, #tpu.memory_space<vmem>>, vector<16xf32>,
      %get3A_1454 = vector.shape_cast %get3A_1453 : vector<16xf32> to vector<16xf32>
      %swap3A_1455 = arith.constant 3 : i32
      %swap3A_1456 = arith.index_cast %rem3A_26 : i32 to index
      %swap3A_1457 = arith.index_cast %swap3A_1455 : i32 to index
      %swap3A_1458 = arith.constant 688 : index
      %swap3A_1459 = tpu.vector_load %arg8[%swap3A_1456, %swap3A_1457, %swap3A_1458] {strides = array<i32>} : memref<2x77x768xf32, #tpu.memory_space<vmem>>, vector<1x1x16xf32>,
      %swap3A_1460 = vector.shape_cast %swap3A_1459 : vector<1x1x16xf32> to vector<16xf32>
      %swap3A_1461 = vector.shape_cast %get3A_1454 : vector<16xf32> to vector<1x1x16xf32>
      tpu.vector_store %arg8[%swap3A_1456, %swap3A_1457, %swap3A_1458], %swap3A_1461 {strides = array<i32>} : memref<2x77x768xf32, #tpu.memory_space<vmem>>, vector<1x1x16xf32>,
      %get3A_1462 = arith.constant 2240 : index
      %get3A_1463 = tpu.vector_load %arg7[%get3A_1462] {strides = array<i32>} : memref<3072xf32, #tpu.memory_space<vmem>>, vector<16xf32>,
      %get3A_1464 = vector.shape_cast %get3A_1463 : vector<16xf32> to vector<16xf32>
      %swap3A_1465 = arith.constant 3 : i32
      %swap3A_1466 = arith.index_cast %rem3A_26 : i32 to index
      %swap3A_1467 = arith.index_cast %swap3A_1465 : i32 to index
      %swap3A_1468 = arith.constant 704 : index
      %swap3A_1469 = tpu.vector_load %arg8[%swap3A_1466, %swap3A_1467, %swap3A_1468] {strides = array<i32>} : memref<2x77x768xf32, #tpu.memory_space<vmem>>, vector<1x1x16xf32>,
      %swap3A_1470 = vector.shape_cast %swap3A_1469 : vector<1x1x16xf32> to vector<16xf32>
      %swap3A_1471 = vector.shape_cast %get3A_1464 : vector<16xf32> to vector<1x1x16xf32>
      tpu.vector_store %arg8[%swap3A_1466, %swap3A_1467, %swap3A_1468], %swap3A_1471 {strides = array<i32>} : memref<2x77x768xf32, #tpu.memory_space<vmem>>, vector<1x1x16xf32>,
      %get3A_1472 = arith.constant 2256 : index
      %get3A_1473 = tpu.vector_load %arg7[%get3A_1472] {strides = array<i32>} : memref<3072xf32, #tpu.memory_space<vmem>>, vector<16xf32>,
      %get3A_1474 = vector.shape_cast %get3A_1473 : vector<16xf32> to vector<16xf32>
      %swap3A_1475 = arith.constant 3 : i32
      %swap3A_1476 = arith.index_cast %rem3A_26 : i32 to index
      %swap3A_1477 = arith.index_cast %swap3A_1475 : i32 to index
      %swap3A_1478 = arith.constant 720 : index
      %swap3A_1479 = tpu.vector_load %arg8[%swap3A_1476, %swap3A_1477, %swap3A_1478] {strides = array<i32>} : memref<2x77x768xf32, #tpu.memory_space<vmem>>, vector<1x1x16xf32>,
      %swap3A_1480 = vector.shape_cast %swap3A_1479 : vector<1x1x16xf32> to vector<16xf32>
      %swap3A_1481 = vector.shape_cast %get3A_1474 : vector<16xf32> to vector<1x1x16xf32>
      tpu.vector_store %arg8[%swap3A_1476, %swap3A_1477, %swap3A_1478], %swap3A_1481 {strides = array<i32>} : memref<2x77x768xf32, #tpu.memory_space<vmem>>, vector<1x1x16xf32>,
      %get3A_1482 = arith.constant 2272 : index
      %get3A_1483 = tpu.vector_load %arg7[%get3A_1482] {strides = array<i32>} : memref<3072xf32, #tpu.memory_space<vmem>>, vector<16xf32>,
      %get3A_1484 = vector.shape_cast %get3A_1483 : vector<16xf32> to vector<16xf32>
      %swap3A_1485 = arith.constant 3 : i32
      %swap3A_1486 = arith.index_cast %rem3A_26 : i32 to index
      %swap3A_1487 = arith.index_cast %swap3A_1485 : i32 to index
      %swap3A_1488 = arith.constant 736 : index
      %swap3A_1489 = tpu.vector_load %arg8[%swap3A_1486, %swap3A_1487, %swap3A_1488] {strides = array<i32>} : memref<2x77x768xf32, #tpu.memory_space<vmem>>, vector<1x1x16xf32>,
      %swap3A_1490 = vector.shape_cast %swap3A_1489 : vector<1x1x16xf32> to vector<16xf32>
      %swap3A_1491 = vector.shape_cast %get3A_1484 : vector<16xf32> to vector<1x1x16xf32>
      tpu.vector_store %arg8[%swap3A_1486, %swap3A_1487, %swap3A_1488], %swap3A_1491 {strides = array<i32>} : memref<2x77x768xf32, #tpu.memory_space<vmem>>, vector<1x1x16xf32>,
      %get3A_1492 = arith.constant 2288 : index
      %get3A_1493 = tpu.vector_load %arg7[%get3A_1492] {strides = array<i32>} : memref<3072xf32, #tpu.memory_space<vmem>>, vector<16xf32>,
      %get3A_1494 = vector.shape_cast %get3A_1493 : vector<16xf32> to vector<16xf32>
      %swap3A_1495 = arith.constant 3 : i32
      %swap3A_1496 = arith.index_cast %rem3A_26 : i32 to index
      %swap3A_1497 = arith.index_cast %swap3A_1495 : i32 to index
      %swap3A_1498 = arith.constant 752 : index
      %swap3A_1499 = tpu.vector_load %arg8[%swap3A_1496, %swap3A_1497, %swap3A_1498] {strides = array<i32>} : memref<2x77x768xf32, #tpu.memory_space<vmem>>, vector<1x1x16xf32>,
      %swap3A_1500 = vector.shape_cast %swap3A_1499 : vector<1x1x16xf32> to vector<16xf32>
      %swap3A_1501 = vector.shape_cast %get3A_1494 : vector<16xf32> to vector<1x1x16xf32>
      tpu.vector_store %arg8[%swap3A_1496, %swap3A_1497, %swap3A_1498], %swap3A_1501 {strides = array<i32>} : memref<2x77x768xf32, #tpu.memory_space<vmem>>, vector<1x1x16xf32>,
      %get3A_1502 = arith.constant 2304 : index
      %get3A_1503 = tpu.vector_load %arg7[%get3A_1502] {strides = array<i32>} : memref<3072xf32, #tpu.memory_space<vmem>>, vector<16xf32>,
      %get3A_1504 = vector.shape_cast %get3A_1503 : vector<16xf32> to vector<16xf32>
      %swap3A_1505 = arith.constant 4 : i32
      %swap3A_1506 = arith.index_cast %rem3A_26 : i32 to index
      %swap3A_1507 = arith.index_cast %swap3A_1505 : i32 to index
      %swap3A_1508 = arith.constant 0 : index
      %swap3A_1509 = tpu.vector_load %arg8[%swap3A_1506, %swap3A_1507, %swap3A_1508] {strides = array<i32>} : memref<2x77x768xf32, #tpu.memory_space<vmem>>, vector<1x1x16xf32>,
      %swap3A_1510 = vector.shape_cast %swap3A_1509 : vector<1x1x16xf32> to vector<16xf32>
      %swap3A_1511 = vector.shape_cast %get3A_1504 : vector<16xf32> to vector<1x1x16xf32>
      tpu.vector_store %arg8[%swap3A_1506, %swap3A_1507, %swap3A_1508], %swap3A_1511 {strides = array<i32>} : memref<2x77x768xf32, #tpu.memory_space<vmem>>, vector<1x1x16xf32>,
      %get3A_1512 = arith.constant 2320 : index
      %get3A_1513 = tpu.vector_load %arg7[%get3A_1512] {strides = array<i32>} : memref<3072xf32, #tpu.memory_space<vmem>>, vector<16xf32>,
      %get3A_1514 = vector.shape_cast %get3A_1513 : vector<16xf32> to vector<16xf32>
      %swap3A_1515 = arith.constant 4 : i32
      %swap3A_1516 = arith.index_cast %rem3A_26 : i32 to index
      %swap3A_1517 = arith.index_cast %swap3A_1515 : i32 to index
      %swap3A_1518 = arith.constant 16 : index
      %swap3A_1519 = tpu.vector_load %arg8[%swap3A_1516, %swap3A_1517, %swap3A_1518] {strides = array<i32>} : memref<2x77x768xf32, #tpu.memory_space<vmem>>, vector<1x1x16xf32>,
      %swap3A_1520 = vector.shape_cast %swap3A_1519 : vector<1x1x16xf32> to vector<16xf32>
      %swap3A_1521 = vector.shape_cast %get3A_1514 : vector<16xf32> to vector<1x1x16xf32>
      tpu.vector_store %arg8[%swap3A_1516, %swap3A_1517, %swap3A_1518], %swap3A_1521 {strides = array<i32>} : memref<2x77x768xf32, #tpu.memory_space<vmem>>, vector<1x1x16xf32>,
      %get3A_1522 = arith.constant 2336 : index
      %get3A_1523 = tpu.vector_load %arg7[%get3A_1522] {strides = array<i32>} : memref<3072xf32, #tpu.memory_space<vmem>>, vector<16xf32>,
      %get3A_1524 = vector.shape_cast %get3A_1523 : vector<16xf32> to vector<16xf32>
      %swap3A_1525 = arith.constant 4 : i32
      %swap3A_1526 = arith.index_cast %rem3A_26 : i32 to index
      %swap3A_1527 = arith.index_cast %swap3A_1525 : i32 to index
      %swap3A_1528 = arith.constant 32 : index
      %swap3A_1529 = tpu.vector_load %arg8[%swap3A_1526, %swap3A_1527, %swap3A_1528] {strides = array<i32>} : memref<2x77x768xf32, #tpu.memory_space<vmem>>, vector<1x1x16xf32>,
      %swap3A_1530 = vector.shape_cast %swap3A_1529 : vector<1x1x16xf32> to vector<16xf32>
      %swap3A_1531 = vector.shape_cast %get3A_1524 : vector<16xf32> to vector<1x1x16xf32>
      tpu.vector_store %arg8[%swap3A_1526, %swap3A_1527, %swap3A_1528], %swap3A_1531 {strides = array<i32>} : memref<2x77x768xf32, #tpu.memory_space<vmem>>, vector<1x1x16xf32>,
      %get3A_1532 = arith.constant 2352 : index
      %get3A_1533 = tpu.vector_load %arg7[%get3A_1532] {strides = array<i32>} : memref<3072xf32, #tpu.memory_space<vmem>>, vector<16xf32>,
      %get3A_1534 = vector.shape_cast %get3A_1533 : vector<16xf32> to vector<16xf32>
      %swap3A_1535 = arith.constant 4 : i32
      %swap3A_1536 = arith.index_cast %rem3A_26 : i32 to index
      %swap3A_1537 = arith.index_cast %swap3A_1535 : i32 to index
      %swap3A_1538 = arith.constant 48 : index
      %swap3A_1539 = tpu.vector_load %arg8[%swap3A_1536, %swap3A_1537, %swap3A_1538] {strides = array<i32>} : memref<2x77x768xf32, #tpu.memory_space<vmem>>, vector<1x1x16xf32>,
      %swap3A_1540 = vector.shape_cast %swap3A_1539 : vector<1x1x16xf32> to vector<16xf32>
      %swap3A_1541 = vector.shape_cast %get3A_1534 : vector<16xf32> to vector<1x1x16xf32>
      tpu.vector_store %arg8[%swap3A_1536, %swap3A_1537, %swap3A_1538], %swap3A_1541 {strides = array<i32>} : memref<2x77x768xf32, #tpu.memory_space<vmem>>, vector<1x1x16xf32>,
      %get3A_1542 = arith.constant 2368 : index
      %get3A_1543 = tpu.vector_load %arg7[%get3A_1542] {strides = array<i32>} : memref<3072xf32, #tpu.memory_space<vmem>>, vector<16xf32>,
      %get3A_1544 = vector.shape_cast %get3A_1543 : vector<16xf32> to vector<16xf32>
      %swap3A_1545 = arith.constant 4 : i32
      %swap3A_1546 = arith.index_cast %rem3A_26 : i32 to index
      %swap3A_1547 = arith.index_cast %swap3A_1545 : i32 to index
      %swap3A_1548 = arith.constant 64 : index
      %swap3A_1549 = tpu.vector_load %arg8[%swap3A_1546, %swap3A_1547, %swap3A_1548] {strides = array<i32>} : memref<2x77x768xf32, #tpu.memory_space<vmem>>, vector<1x1x16xf32>,
      %swap3A_1550 = vector.shape_cast %swap3A_1549 : vector<1x1x16xf32> to vector<16xf32>
      %swap3A_1551 = vector.shape_cast %get3A_1544 : vector<16xf32> to vector<1x1x16xf32>
      tpu.vector_store %arg8[%swap3A_1546, %swap3A_1547, %swap3A_1548], %swap3A_1551 {strides = array<i32>} : memref<2x77x768xf32, #tpu.memory_space<vmem>>, vector<1x1x16xf32>,
      %get3A_1552 = arith.constant 2384 : index
      %get3A_1553 = tpu.vector_load %arg7[%get3A_1552] {strides = array<i32>} : memref<3072xf32, #tpu.memory_space<vmem>>, vector<16xf32>,
      %get3A_1554 = vector.shape_cast %get3A_1553 : vector<16xf32> to vector<16xf32>
      %swap3A_1555 = arith.constant 4 : i32
      %swap3A_1556 = arith.index_cast %rem3A_26 : i32 to index
      %swap3A_1557 = arith.index_cast %swap3A_1555 : i32 to index
      %swap3A_1558 = arith.constant 80 : index
      %swap3A_1559 = tpu.vector_load %arg8[%swap3A_1556, %swap3A_1557, %swap3A_1558] {strides = array<i32>} : memref<2x77x768xf32, #tpu.memory_space<vmem>>, vector<1x1x16xf32>,
      %swap3A_1560 = vector.shape_cast %swap3A_1559 : vector<1x1x16xf32> to vector<16xf32>
      %swap3A_1561 = vector.shape_cast %get3A_1554 : vector<16xf32> to vector<1x1x16xf32>
      tpu.vector_store %arg8[%swap3A_1556, %swap3A_1557, %swap3A_1558], %swap3A_1561 {strides = array<i32>} : memref<2x77x768xf32, #tpu.memory_space<vmem>>, vector<1x1x16xf32>,
      %get3A_1562 = arith.constant 2400 : index
      %get3A_1563 = tpu.vector_load %arg7[%get3A_1562] {strides = array<i32>} : memref<3072xf32, #tpu.memory_space<vmem>>, vector<16xf32>,
      %get3A_1564 = vector.shape_cast %get3A_1563 : vector<16xf32> to vector<16xf32>
      %swap3A_1565 = arith.constant 4 : i32
      %swap3A_1566 = arith.index_cast %rem3A_26 : i32 to index
      %swap3A_1567 = arith.index_cast %swap3A_1565 : i32 to index
      %swap3A_1568 = arith.constant 96 : index
      %swap3A_1569 = tpu.vector_load %arg8[%swap3A_1566, %swap3A_1567, %swap3A_1568] {strides = array<i32>} : memref<2x77x768xf32, #tpu.memory_space<vmem>>, vector<1x1x16xf32>,
      %swap3A_1570 = vector.shape_cast %swap3A_1569 : vector<1x1x16xf32> to vector<16xf32>
      %swap3A_1571 = vector.shape_cast %get3A_1564 : vector<16xf32> to vector<1x1x16xf32>
      tpu.vector_store %arg8[%swap3A_1566, %swap3A_1567, %swap3A_1568], %swap3A_1571 {strides = array<i32>} : memref<2x77x768xf32, #tpu.memory_space<vmem>>, vector<1x1x16xf32>,
      %get3A_1572 = arith.constant 2416 : index
      %get3A_1573 = tpu.vector_load %arg7[%get3A_1572] {strides = array<i32>} : memref<3072xf32, #tpu.memory_space<vmem>>, vector<16xf32>,
      %get3A_1574 = vector.shape_cast %get3A_1573 : vector<16xf32> to vector<16xf32>
      %swap3A_1575 = arith.constant 4 : i32
      %swap3A_1576 = arith.index_cast %rem3A_26 : i32 to index
      %swap3A_1577 = arith.index_cast %swap3A_1575 : i32 to index
      %swap3A_1578 = arith.constant 112 : index
      %swap3A_1579 = tpu.vector_load %arg8[%swap3A_1576, %swap3A_1577, %swap3A_1578] {strides = array<i32>} : memref<2x77x768xf32, #tpu.memory_space<vmem>>, vector<1x1x16xf32>,
      %swap3A_1580 = vector.shape_cast %swap3A_1579 : vector<1x1x16xf32> to vector<16xf32>
      %swap3A_1581 = vector.shape_cast %get3A_1574 : vector<16xf32> to vector<1x1x16xf32>
      tpu.vector_store %arg8[%swap3A_1576, %swap3A_1577, %swap3A_1578], %swap3A_1581 {strides = array<i32>} : memref<2x77x768xf32, #tpu.memory_space<vmem>>, vector<1x1x16xf32>,
      %get3A_1582 = arith.constant 2432 : index
      %get3A_1583 = tpu.vector_load %arg7[%get3A_1582] {strides = array<i32>} : memref<3072xf32, #tpu.memory_space<vmem>>, vector<16xf32>,
      %get3A_1584 = vector.shape_cast %get3A_1583 : vector<16xf32> to vector<16xf32>
      %swap3A_1585 = arith.constant 4 : i32
      %swap3A_1586 = arith.index_cast %rem3A_26 : i32 to index
      %swap3A_1587 = arith.index_cast %swap3A_1585 : i32 to index
      %swap3A_1588 = arith.constant 128 : index
      %swap3A_1589 = tpu.vector_load %arg8[%swap3A_1586, %swap3A_1587, %swap3A_1588] {strides = array<i32>} : memref<2x77x768xf32, #tpu.memory_space<vmem>>, vector<1x1x16xf32>,
      %swap3A_1590 = vector.shape_cast %swap3A_1589 : vector<1x1x16xf32> to vector<16xf32>
      %swap3A_1591 = vector.shape_cast %get3A_1584 : vector<16xf32> to vector<1x1x16xf32>
      tpu.vector_store %arg8[%swap3A_1586, %swap3A_1587, %swap3A_1588], %swap3A_1591 {strides = array<i32>} : memref<2x77x768xf32, #tpu.memory_space<vmem>>, vector<1x1x16xf32>,
      %get3A_1592 = arith.constant 2448 : index
      %get3A_1593 = tpu.vector_load %arg7[%get3A_1592] {strides = array<i32>} : memref<3072xf32, #tpu.memory_space<vmem>>, vector<16xf32>,
      %get3A_1594 = vector.shape_cast %get3A_1593 : vector<16xf32> to vector<16xf32>
      %swap3A_1595 = arith.constant 4 : i32
      %swap3A_1596 = arith.index_cast %rem3A_26 : i32 to index
      %swap3A_1597 = arith.index_cast %swap3A_1595 : i32 to index
      %swap3A_1598 = arith.constant 144 : index
      %swap3A_1599 = tpu.vector_load %arg8[%swap3A_1596, %swap3A_1597, %swap3A_1598] {strides = array<i32>} : memref<2x77x768xf32, #tpu.memory_space<vmem>>, vector<1x1x16xf32>,
      %swap3A_1600 = vector.shape_cast %swap3A_1599 : vector<1x1x16xf32> to vector<16xf32>
      %swap3A_1601 = vector.shape_cast %get3A_1594 : vector<16xf32> to vector<1x1x16xf32>
      tpu.vector_store %arg8[%swap3A_1596, %swap3A_1597, %swap3A_1598], %swap3A_1601 {strides = array<i32>} : memref<2x77x768xf32, #tpu.memory_space<vmem>>, vector<1x1x16xf32>,
      %get3A_1602 = arith.constant 2464 : index
      %get3A_1603 = tpu.vector_load %arg7[%get3A_1602] {strides = array<i32>} : memref<3072xf32, #tpu.memory_space<vmem>>, vector<16xf32>,
      %get3A_1604 = vector.shape_cast %get3A_1603 : vector<16xf32> to vector<16xf32>
      %swap3A_1605 = arith.constant 4 : i32
      %swap3A_1606 = arith.index_cast %rem3A_26 : i32 to index
      %swap3A_1607 = arith.index_cast %swap3A_1605 : i32 to index
      %swap3A_1608 = arith.constant 160 : index
      %swap3A_1609 = tpu.vector_load %arg8[%swap3A_1606, %swap3A_1607, %swap3A_1608] {strides = array<i32>} : memref<2x77x768xf32, #tpu.memory_space<vmem>>, vector<1x1x16xf32>,
      %swap3A_1610 = vector.shape_cast %swap3A_1609 : vector<1x1x16xf32> to vector<16xf32>
      %swap3A_1611 = vector.shape_cast %get3A_1604 : vector<16xf32> to vector<1x1x16xf32>
      tpu.vector_store %arg8[%swap3A_1606, %swap3A_1607, %swap3A_1608], %swap3A_1611 {strides = array<i32>} : memref<2x77x768xf32, #tpu.memory_space<vmem>>, vector<1x1x16xf32>,
      %get3A_1612 = arith.constant 2480 : index
      %get3A_1613 = tpu.vector_load %arg7[%get3A_1612] {strides = array<i32>} : memref<3072xf32, #tpu.memory_space<vmem>>, vector<16xf32>,
      %get3A_1614 = vector.shape_cast %get3A_1613 : vector<16xf32> to vector<16xf32>
      %swap3A_1615 = arith.constant 4 : i32
      %swap3A_1616 = arith.index_cast %rem3A_26 : i32 to index
      %swap3A_1617 = arith.index_cast %swap3A_1615 : i32 to index
      %swap3A_1618 = arith.constant 176 : index
      %swap3A_1619 = tpu.vector_load %arg8[%swap3A_1616, %swap3A_1617, %swap3A_1618] {strides = array<i32>} : memref<2x77x768xf32, #tpu.memory_space<vmem>>, vector<1x1x16xf32>,
      %swap3A_1620 = vector.shape_cast %swap3A_1619 : vector<1x1x16xf32> to vector<16xf32>
      %swap3A_1621 = vector.shape_cast %get3A_1614 : vector<16xf32> to vector<1x1x16xf32>
      tpu.vector_store %arg8[%swap3A_1616, %swap3A_1617, %swap3A_1618], %swap3A_1621 {strides = array<i32>} : memref<2x77x768xf32, #tpu.memory_space<vmem>>, vector<1x1x16xf32>,
      %get3A_1622 = arith.constant 2496 : index
      %get3A_1623 = tpu.vector_load %arg7[%get3A_1622] {strides = array<i32>} : memref<3072xf32, #tpu.memory_space<vmem>>, vector<16xf32>,
      %get3A_1624 = vector.shape_cast %get3A_1623 : vector<16xf32> to vector<16xf32>
      %swap3A_1625 = arith.constant 4 : i32
      %swap3A_1626 = arith.index_cast %rem3A_26 : i32 to index
      %swap3A_1627 = arith.index_cast %swap3A_1625 : i32 to index
      %swap3A_1628 = arith.constant 192 : index
      %swap3A_1629 = tpu.vector_load %arg8[%swap3A_1626, %swap3A_1627, %swap3A_1628] {strides = array<i32>} : memref<2x77x768xf32, #tpu.memory_space<vmem>>, vector<1x1x16xf32>,
      %swap3A_1630 = vector.shape_cast %swap3A_1629 : vector<1x1x16xf32> to vector<16xf32>
      %swap3A_1631 = vector.shape_cast %get3A_1624 : vector<16xf32> to vector<1x1x16xf32>
      tpu.vector_store %arg8[%swap3A_1626, %swap3A_1627, %swap3A_1628], %swap3A_1631 {strides = array<i32>} : memref<2x77x768xf32, #tpu.memory_space<vmem>>, vector<1x1x16xf32>,
      %get3A_1632 = arith.constant 2512 : index
      %get3A_1633 = tpu.vector_load %arg7[%get3A_1632] {strides = array<i32>} : memref<3072xf32, #tpu.memory_space<vmem>>, vector<16xf32>,
      %get3A_1634 = vector.shape_cast %get3A_1633 : vector<16xf32> to vector<16xf32>
      %swap3A_1635 = arith.constant 4 : i32
      %swap3A_1636 = arith.index_cast %rem3A_26 : i32 to index
      %swap3A_1637 = arith.index_cast %swap3A_1635 : i32 to index
      %swap3A_1638 = arith.constant 208 : index
      %swap3A_1639 = tpu.vector_load %arg8[%swap3A_1636, %swap3A_1637, %swap3A_1638] {strides = array<i32>} : memref<2x77x768xf32, #tpu.memory_space<vmem>>, vector<1x1x16xf32>,
      %swap3A_1640 = vector.shape_cast %swap3A_1639 : vector<1x1x16xf32> to vector<16xf32>
      %swap3A_1641 = vector.shape_cast %get3A_1634 : vector<16xf32> to vector<1x1x16xf32>
      tpu.vector_store %arg8[%swap3A_1636, %swap3A_1637, %swap3A_1638], %swap3A_1641 {strides = array<i32>} : memref<2x77x768xf32, #tpu.memory_space<vmem>>, vector<1x1x16xf32>,
      %get3A_1642 = arith.constant 2528 : index
      %get3A_1643 = tpu.vector_load %arg7[%get3A_1642] {strides = array<i32>} : memref<3072xf32, #tpu.memory_space<vmem>>, vector<16xf32>,
      %get3A_1644 = vector.shape_cast %get3A_1643 : vector<16xf32> to vector<16xf32>
      %swap3A_1645 = arith.constant 4 : i32
      %swap3A_1646 = arith.index_cast %rem3A_26 : i32 to index
      %swap3A_1647 = arith.index_cast %swap3A_1645 : i32 to index
      %swap3A_1648 = arith.constant 224 : index
      %swap3A_1649 = tpu.vector_load %arg8[%swap3A_1646, %swap3A_1647, %swap3A_1648] {strides = array<i32>} : memref<2x77x768xf32, #tpu.memory_space<vmem>>, vector<1x1x16xf32>,
      %swap3A_1650 = vector.shape_cast %swap3A_1649 : vector<1x1x16xf32> to vector<16xf32>
      %swap3A_1651 = vector.shape_cast %get3A_1644 : vector<16xf32> to vector<1x1x16xf32>
      tpu.vector_store %arg8[%swap3A_1646, %swap3A_1647, %swap3A_1648], %swap3A_1651 {strides = array<i32>} : memref<2x77x768xf32, #tpu.memory_space<vmem>>, vector<1x1x16xf32>,
      %get3A_1652 = arith.constant 2544 : index
      %get3A_1653 = tpu.vector_load %arg7[%get3A_1652] {strides = array<i32>} : memref<3072xf32, #tpu.memory_space<vmem>>, vector<16xf32>,
      %get3A_1654 = vector.shape_cast %get3A_1653 : vector<16xf32> to vector<16xf32>
      %swap3A_1655 = arith.constant 4 : i32
      %swap3A_1656 = arith.index_cast %rem3A_26 : i32 to index
      %swap3A_1657 = arith.index_cast %swap3A_1655 : i32 to index
      %swap3A_1658 = arith.constant 240 : index
      %swap3A_1659 = tpu.vector_load %arg8[%swap3A_1656, %swap3A_1657, %swap3A_1658] {strides = array<i32>} : memref<2x77x768xf32, #tpu.memory_space<vmem>>, vector<1x1x16xf32>,
      %swap3A_1660 = vector.shape_cast %swap3A_1659 : vector<1x1x16xf32> to vector<16xf32>
      %swap3A_1661 = vector.shape_cast %get3A_1654 : vector<16xf32> to vector<1x1x16xf32>
      tpu.vector_store %arg8[%swap3A_1656, %swap3A_1657, %swap3A_1658], %swap3A_1661 {strides = array<i32>} : memref<2x77x768xf32, #tpu.memory_space<vmem>>, vector<1x1x16xf32>,
      %get3A_1662 = arith.constant 2560 : index
      %get3A_1663 = tpu.vector_load %arg7[%get3A_1662] {strides = array<i32>} : memref<3072xf32, #tpu.memory_space<vmem>>, vector<16xf32>,
      %get3A_1664 = vector.shape_cast %get3A_1663 : vector<16xf32> to vector<16xf32>
      %swap3A_1665 = arith.constant 4 : i32
      %swap3A_1666 = arith.index_cast %rem3A_26 : i32 to index
      %swap3A_1667 = arith.index_cast %swap3A_1665 : i32 to index
      %swap3A_1668 = arith.constant 256 : index
      %swap3A_1669 = tpu.vector_load %arg8[%swap3A_1666, %swap3A_1667, %swap3A_1668] {strides = array<i32>} : memref<2x77x768xf32, #tpu.memory_space<vmem>>, vector<1x1x16xf32>,
      %swap3A_1670 = vector.shape_cast %swap3A_1669 : vector<1x1x16xf32> to vector<16xf32>
      %swap3A_1671 = vector.shape_cast %get3A_1664 : vector<16xf32> to vector<1x1x16xf32>
      tpu.vector_store %arg8[%swap3A_1666, %swap3A_1667, %swap3A_1668], %swap3A_1671 {strides = array<i32>} : memref<2x77x768xf32, #tpu.memory_space<vmem>>, vector<1x1x16xf32>,
      %get3A_1672 = arith.constant 2576 : index
      %get3A_1673 = tpu.vector_load %arg7[%get3A_1672] {strides = array<i32>} : memref<3072xf32, #tpu.memory_space<vmem>>, vector<16xf32>,
      %get3A_1674 = vector.shape_cast %get3A_1673 : vector<16xf32> to vector<16xf32>
      %swap3A_1675 = arith.constant 4 : i32
      %swap3A_1676 = arith.index_cast %rem3A_26 : i32 to index
      %swap3A_1677 = arith.index_cast %swap3A_1675 : i32 to index
      %swap3A_1678 = arith.constant 272 : index
      %swap3A_1679 = tpu.vector_load %arg8[%swap3A_1676, %swap3A_1677, %swap3A_1678] {strides = array<i32>} : memref<2x77x768xf32, #tpu.memory_space<vmem>>, vector<1x1x16xf32>,
      %swap3A_1680 = vector.shape_cast %swap3A_1679 : vector<1x1x16xf32> to vector<16xf32>
      %swap3A_1681 = vector.shape_cast %get3A_1674 : vector<16xf32> to vector<1x1x16xf32>
      tpu.vector_store %arg8[%swap3A_1676, %swap3A_1677, %swap3A_1678], %swap3A_1681 {strides = array<i32>} : memref<2x77x768xf32, #tpu.memory_space<vmem>>, vector<1x1x16xf32>,
      %get3A_1682 = arith.constant 2592 : index
      %get3A_1683 = tpu.vector_load %arg7[%get3A_1682] {strides = array<i32>} : memref<3072xf32, #tpu.memory_space<vmem>>, vector<16xf32>,
      %get3A_1684 = vector.shape_cast %get3A_1683 : vector<16xf32> to vector<16xf32>
      %swap3A_1685 = arith.constant 4 : i32
      %swap3A_1686 = arith.index_cast %rem3A_26 : i32 to index
      %swap3A_1687 = arith.index_cast %swap3A_1685 : i32 to index
      %swap3A_1688 = arith.constant 288 : index
      %swap3A_1689 = tpu.vector_load %arg8[%swap3A_1686, %swap3A_1687, %swap3A_1688] {strides = array<i32>} : memref<2x77x768xf32, #tpu.memory_space<vmem>>, vector<1x1x16xf32>,
      %swap3A_1690 = vector.shape_cast %swap3A_1689 : vector<1x1x16xf32> to vector<16xf32>
      %swap3A_1691 = vector.shape_cast %get3A_1684 : vector<16xf32> to vector<1x1x16xf32>
      tpu.vector_store %arg8[%swap3A_1686, %swap3A_1687, %swap3A_1688], %swap3A_1691 {strides = array<i32>} : memref<2x77x768xf32, #tpu.memory_space<vmem>>, vector<1x1x16xf32>,
      %get3A_1692 = arith.constant 2608 : index
      %get3A_1693 = tpu.vector_load %arg7[%get3A_1692] {strides = array<i32>} : memref<3072xf32, #tpu.memory_space<vmem>>, vector<16xf32>,
      %get3A_1694 = vector.shape_cast %get3A_1693 : vector<16xf32> to vector<16xf32>
      %swap3A_1695 = arith.constant 4 : i32
      %swap3A_1696 = arith.index_cast %rem3A_26 : i32 to index
      %swap3A_1697 = arith.index_cast %swap3A_1695 : i32 to index
      %swap3A_1698 = arith.constant 304 : index
      %swap3A_1699 = tpu.vector_load %arg8[%swap3A_1696, %swap3A_1697, %swap3A_1698] {strides = array<i32>} : memref<2x77x768xf32, #tpu.memory_space<vmem>>, vector<1x1x16xf32>,
      %swap3A_1700 = vector.shape_cast %swap3A_1699 : vector<1x1x16xf32> to vector<16xf32>
      %swap3A_1701 = vector.shape_cast %get3A_1694 : vector<16xf32> to vector<1x1x16xf32>
      tpu.vector_store %arg8[%swap3A_1696, %swap3A_1697, %swap3A_1698], %swap3A_1701 {strides = array<i32>} : memref<2x77x768xf32, #tpu.memory_space<vmem>>, vector<1x1x16xf32>,
      %get3A_1702 = arith.constant 2624 : index
      %get3A_1703 = tpu.vector_load %arg7[%get3A_1702] {strides = array<i32>} : memref<3072xf32, #tpu.memory_space<vmem>>, vector<16xf32>,
      %get3A_1704 = vector.shape_cast %get3A_1703 : vector<16xf32> to vector<16xf32>
      %swap3A_1705 = arith.constant 4 : i32
      %swap3A_1706 = arith.index_cast %rem3A_26 : i32 to index
      %swap3A_1707 = arith.index_cast %swap3A_1705 : i32 to index
      %swap3A_1708 = arith.constant 320 : index
      %swap3A_1709 = tpu.vector_load %arg8[%swap3A_1706, %swap3A_1707, %swap3A_1708] {strides = array<i32>} : memref<2x77x768xf32, #tpu.memory_space<vmem>>, vector<1x1x16xf32>,
      %swap3A_1710 = vector.shape_cast %swap3A_1709 : vector<1x1x16xf32> to vector<16xf32>
      %swap3A_1711 = vector.shape_cast %get3A_1704 : vector<16xf32> to vector<1x1x16xf32>
      tpu.vector_store %arg8[%swap3A_1706, %swap3A_1707, %swap3A_1708], %swap3A_1711 {strides = array<i32>} : memref<2x77x768xf32, #tpu.memory_space<vmem>>, vector<1x1x16xf32>,
      %get3A_1712 = arith.constant 2640 : index
      %get3A_1713 = tpu.vector_load %arg7[%get3A_1712] {strides = array<i32>} : memref<3072xf32, #tpu.memory_space<vmem>>, vector<16xf32>,
      %get3A_1714 = vector.shape_cast %get3A_1713 : vector<16xf32> to vector<16xf32>
      %swap3A_1715 = arith.constant 4 : i32
      %swap3A_1716 = arith.index_cast %rem3A_26 : i32 to index
      %swap3A_1717 = arith.index_cast %swap3A_1715 : i32 to index
      %swap3A_1718 = arith.constant 336 : index
      %swap3A_1719 = tpu.vector_load %arg8[%swap3A_1716, %swap3A_1717, %swap3A_1718] {strides = array<i32>} : memref<2x77x768xf32, #tpu.memory_space<vmem>>, vector<1x1x16xf32>,
      %swap3A_1720 = vector.shape_cast %swap3A_1719 : vector<1x1x16xf32> to vector<16xf32>
      %swap3A_1721 = vector.shape_cast %get3A_1714 : vector<16xf32> to vector<1x1x16xf32>
      tpu.vector_store %arg8[%swap3A_1716, %swap3A_1717, %swap3A_1718], %swap3A_1721 {strides = array<i32>} : memref<2x77x768xf32, #tpu.memory_space<vmem>>, vector<1x1x16xf32>,
      %get3A_1722 = arith.constant 2656 : index
      %get3A_1723 = tpu.vector_load %arg7[%get3A_1722] {strides = array<i32>} : memref<3072xf32, #tpu.memory_space<vmem>>, vector<16xf32>,
      %get3A_1724 = vector.shape_cast %get3A_1723 : vector<16xf32> to vector<16xf32>
      %swap3A_1725 = arith.constant 4 : i32
      %swap3A_1726 = arith.index_cast %rem3A_26 : i32 to index
      %swap3A_1727 = arith.index_cast %swap3A_1725 : i32 to index
      %swap3A_1728 = arith.constant 352 : index
      %swap3A_1729 = tpu.vector_load %arg8[%swap3A_1726, %swap3A_1727, %swap3A_1728] {strides = array<i32>} : memref<2x77x768xf32, #tpu.memory_space<vmem>>, vector<1x1x16xf32>,
      %swap3A_1730 = vector.shape_cast %swap3A_1729 : vector<1x1x16xf32> to vector<16xf32>
      %swap3A_1731 = vector.shape_cast %get3A_1724 : vector<16xf32> to vector<1x1x16xf32>
      tpu.vector_store %arg8[%swap3A_1726, %swap3A_1727, %swap3A_1728], %swap3A_1731 {strides = array<i32>} : memref<2x77x768xf32, #tpu.memory_space<vmem>>, vector<1x1x16xf32>,
      %get3A_1732 = arith.constant 2672 : index
      %get3A_1733 = tpu.vector_load %arg7[%get3A_1732] {strides = array<i32>} : memref<3072xf32, #tpu.memory_space<vmem>>, vector<16xf32>,
      %get3A_1734 = vector.shape_cast %get3A_1733 : vector<16xf32> to vector<16xf32>
      %swap3A_1735 = arith.constant 4 : i32
      %swap3A_1736 = arith.index_cast %rem3A_26 : i32 to index
      %swap3A_1737 = arith.index_cast %swap3A_1735 : i32 to index
      %swap3A_1738 = arith.constant 368 : index
      %swap3A_1739 = tpu.vector_load %arg8[%swap3A_1736, %swap3A_1737, %swap3A_1738] {strides = array<i32>} : memref<2x77x768xf32, #tpu.memory_space<vmem>>, vector<1x1x16xf32>,
      %swap3A_1740 = vector.shape_cast %swap3A_1739 : vector<1x1x16xf32> to vector<16xf32>
      %swap3A_1741 = vector.shape_cast %get3A_1734 : vector<16xf32> to vector<1x1x16xf32>
      tpu.vector_store %arg8[%swap3A_1736, %swap3A_1737, %swap3A_1738], %swap3A_1741 {strides = array<i32>} : memref<2x77x768xf32, #tpu.memory_space<vmem>>, vector<1x1x16xf32>,
      %get3A_1742 = arith.constant 2688 : index
      %get3A_1743 = tpu.vector_load %arg7[%get3A_1742] {strides = array<i32>} : memref<3072xf32, #tpu.memory_space<vmem>>, vector<16xf32>,
      %get3A_1744 = vector.shape_cast %get3A_1743 : vector<16xf32> to vector<16xf32>
      %swap3A_1745 = arith.constant 4 : i32
      %swap3A_1746 = arith.index_cast %rem3A_26 : i32 to index
      %swap3A_1747 = arith.index_cast %swap3A_1745 : i32 to index
      %swap3A_1748 = arith.constant 384 : index
      %swap3A_1749 = tpu.vector_load %arg8[%swap3A_1746, %swap3A_1747, %swap3A_1748] {strides = array<i32>} : memref<2x77x768xf32, #tpu.memory_space<vmem>>, vector<1x1x16xf32>,
      %swap3A_1750 = vector.shape_cast %swap3A_1749 : vector<1x1x16xf32> to vector<16xf32>
      %swap3A_1751 = vector.shape_cast %get3A_1744 : vector<16xf32> to vector<1x1x16xf32>
      tpu.vector_store %arg8[%swap3A_1746, %swap3A_1747, %swap3A_1748], %swap3A_1751 {strides = array<i32>} : memref<2x77x768xf32, #tpu.memory_space<vmem>>, vector<1x1x16xf32>,
      %get3A_1752 = arith.constant 2704 : index
      %get3A_1753 = tpu.vector_load %arg7[%get3A_1752] {strides = array<i32>} : memref<3072xf32, #tpu.memory_space<vmem>>, vector<16xf32>,
      %get3A_1754 = vector.shape_cast %get3A_1753 : vector<16xf32> to vector<16xf32>
      %swap3A_1755 = arith.constant 4 : i32
      %swap3A_1756 = arith.index_cast %rem3A_26 : i32 to index
      %swap3A_1757 = arith.index_cast %swap3A_1755 : i32 to index
      %swap3A_1758 = arith.constant 400 : index
      %swap3A_1759 = tpu.vector_load %arg8[%swap3A_1756, %swap3A_1757, %swap3A_1758] {strides = array<i32>} : memref<2x77x768xf32, #tpu.memory_space<vmem>>, vector<1x1x16xf32>,
      %swap3A_1760 = vector.shape_cast %swap3A_1759 : vector<1x1x16xf32> to vector<16xf32>
      %swap3A_1761 = vector.shape_cast %get3A_1754 : vector<16xf32> to vector<1x1x16xf32>
      tpu.vector_store %arg8[%swap3A_1756, %swap3A_1757, %swap3A_1758], %swap3A_1761 {strides = array<i32>} : memref<2x77x768xf32, #tpu.memory_space<vmem>>, vector<1x1x16xf32>,
      %get3A_1762 = arith.constant 2720 : index
      %get3A_1763 = tpu.vector_load %arg7[%get3A_1762] {strides = array<i32>} : memref<3072xf32, #tpu.memory_space<vmem>>, vector<16xf32>,
      %get3A_1764 = vector.shape_cast %get3A_1763 : vector<16xf32> to vector<16xf32>
      %swap3A_1765 = arith.constant 4 : i32
      %swap3A_1766 = arith.index_cast %rem3A_26 : i32 to index
      %swap3A_1767 = arith.index_cast %swap3A_1765 : i32 to index
      %swap3A_1768 = arith.constant 416 : index
      %swap3A_1769 = tpu.vector_load %arg8[%swap3A_1766, %swap3A_1767, %swap3A_1768] {strides = array<i32>} : memref<2x77x768xf32, #tpu.memory_space<vmem>>, vector<1x1x16xf32>,
      %swap3A_1770 = vector.shape_cast %swap3A_1769 : vector<1x1x16xf32> to vector<16xf32>
      %swap3A_1771 = vector.shape_cast %get3A_1764 : vector<16xf32> to vector<1x1x16xf32>
      tpu.vector_store %arg8[%swap3A_1766, %swap3A_1767, %swap3A_1768], %swap3A_1771 {strides = array<i32>} : memref<2x77x768xf32, #tpu.memory_space<vmem>>, vector<1x1x16xf32>,
      %get3A_1772 = arith.constant 2736 : index
      %get3A_1773 = tpu.vector_load %arg7[%get3A_1772] {strides = array<i32>} : memref<3072xf32, #tpu.memory_space<vmem>>, vector<16xf32>,
      %get3A_1774 = vector.shape_cast %get3A_1773 : vector<16xf32> to vector<16xf32>
      %swap3A_1775 = arith.constant 4 : i32
      %swap3A_1776 = arith.index_cast %rem3A_26 : i32 to index
      %swap3A_1777 = arith.index_cast %swap3A_1775 : i32 to index
      %swap3A_1778 = arith.constant 432 : index
      %swap3A_1779 = tpu.vector_load %arg8[%swap3A_1776, %swap3A_1777, %swap3A_1778] {strides = array<i32>} : memref<2x77x768xf32, #tpu.memory_space<vmem>>, vector<1x1x16xf32>,
      %swap3A_1780 = vector.shape_cast %swap3A_1779 : vector<1x1x16xf32> to vector<16xf32>
      %swap3A_1781 = vector.shape_cast %get3A_1774 : vector<16xf32> to vector<1x1x16xf32>
      tpu.vector_store %arg8[%swap3A_1776, %swap3A_1777, %swap3A_1778], %swap3A_1781 {strides = array<i32>} : memref<2x77x768xf32, #tpu.memory_space<vmem>>, vector<1x1x16xf32>,
      %get3A_1782 = arith.constant 2752 : index
      %get3A_1783 = tpu.vector_load %arg7[%get3A_1782] {strides = array<i32>} : memref<3072xf32, #tpu.memory_space<vmem>>, vector<16xf32>,
      %get3A_1784 = vector.shape_cast %get3A_1783 : vector<16xf32> to vector<16xf32>
      %swap3A_1785 = arith.constant 4 : i32
      %swap3A_1786 = arith.index_cast %rem3A_26 : i32 to index
      %swap3A_1787 = arith.index_cast %swap3A_1785 : i32 to index
      %swap3A_1788 = arith.constant 448 : index
      %swap3A_1789 = tpu.vector_load %arg8[%swap3A_1786, %swap3A_1787, %swap3A_1788] {strides = array<i32>} : memref<2x77x768xf32, #tpu.memory_space<vmem>>, vector<1x1x16xf32>,
      %swap3A_1790 = vector.shape_cast %swap3A_1789 : vector<1x1x16xf32> to vector<16xf32>
      %swap3A_1791 = vector.shape_cast %get3A_1784 : vector<16xf32> to vector<1x1x16xf32>
      tpu.vector_store %arg8[%swap3A_1786, %swap3A_1787, %swap3A_1788], %swap3A_1791 {strides = array<i32>} : memref<2x77x768xf32, #tpu.memory_space<vmem>>, vector<1x1x16xf32>,
      %get3A_1792 = arith.constant 2768 : index
      %get3A_1793 = tpu.vector_load %arg7[%get3A_1792] {strides = array<i32>} : memref<3072xf32, #tpu.memory_space<vmem>>, vector<16xf32>,
      %get3A_1794 = vector.shape_cast %get3A_1793 : vector<16xf32> to vector<16xf32>
      %swap3A_1795 = arith.constant 4 : i32
      %swap3A_1796 = arith.index_cast %rem3A_26 : i32 to index
      %swap3A_1797 = arith.index_cast %swap3A_1795 : i32 to index
      %swap3A_1798 = arith.constant 464 : index
      %swap3A_1799 = tpu.vector_load %arg8[%swap3A_1796, %swap3A_1797, %swap3A_1798] {strides = array<i32>} : memref<2x77x768xf32, #tpu.memory_space<vmem>>, vector<1x1x16xf32>,
      %swap3A_1800 = vector.shape_cast %swap3A_1799 : vector<1x1x16xf32> to vector<16xf32>
      %swap3A_1801 = vector.shape_cast %get3A_1794 : vector<16xf32> to vector<1x1x16xf32>
      tpu.vector_store %arg8[%swap3A_1796, %swap3A_1797, %swap3A_1798], %swap3A_1801 {strides = array<i32>} : memref<2x77x768xf32, #tpu.memory_space<vmem>>, vector<1x1x16xf32>,
      %get3A_1802 = arith.constant 2784 : index
      %get3A_1803 = tpu.vector_load %arg7[%get3A_1802] {strides = array<i32>} : memref<3072xf32, #tpu.memory_space<vmem>>, vector<16xf32>,
      %get3A_1804 = vector.shape_cast %get3A_1803 : vector<16xf32> to vector<16xf32>
      %swap3A_1805 = arith.constant 4 : i32
      %swap3A_1806 = arith.index_cast %rem3A_26 : i32 to index
      %swap3A_1807 = arith.index_cast %swap3A_1805 : i32 to index
      %swap3A_1808 = arith.constant 480 : index
      %swap3A_1809 = tpu.vector_load %arg8[%swap3A_1806, %swap3A_1807, %swap3A_1808] {strides = array<i32>} : memref<2x77x768xf32, #tpu.memory_space<vmem>>, vector<1x1x16xf32>,
      %swap3A_1810 = vector.shape_cast %swap3A_1809 : vector<1x1x16xf32> to vector<16xf32>
      %swap3A_1811 = vector.shape_cast %get3A_1804 : vector<16xf32> to vector<1x1x16xf32>
      tpu.vector_store %arg8[%swap3A_1806, %swap3A_1807, %swap3A_1808], %swap3A_1811 {strides = array<i32>} : memref<2x77x768xf32, #tpu.memory_space<vmem>>, vector<1x1x16xf32>,
      %get3A_1812 = arith.constant 2800 : index
      %get3A_1813 = tpu.vector_load %arg7[%get3A_1812] {strides = array<i32>} : memref<3072xf32, #tpu.memory_space<vmem>>, vector<16xf32>,
      %get3A_1814 = vector.shape_cast %get3A_1813 : vector<16xf32> to vector<16xf32>
      %swap3A_1815 = arith.constant 4 : i32
      %swap3A_1816 = arith.index_cast %rem3A_26 : i32 to index
      %swap3A_1817 = arith.index_cast %swap3A_1815 : i32 to index
      %swap3A_1818 = arith.constant 496 : index
      %swap3A_1819 = tpu.vector_load %arg8[%swap3A_1816, %swap3A_1817, %swap3A_1818] {strides = array<i32>} : memref<2x77x768xf32, #tpu.memory_space<vmem>>, vector<1x1x16xf32>,
      %swap3A_1820 = vector.shape_cast %swap3A_1819 : vector<1x1x16xf32> to vector<16xf32>
      %swap3A_1821 = vector.shape_cast %get3A_1814 : vector<16xf32> to vector<1x1x16xf32>
      tpu.vector_store %arg8[%swap3A_1816, %swap3A_1817, %swap3A_1818], %swap3A_1821 {strides = array<i32>} : memref<2x77x768xf32, #tpu.memory_space<vmem>>, vector<1x1x16xf32>,
      %get3A_1822 = arith.constant 2816 : index
      %get3A_1823 = tpu.vector_load %arg7[%get3A_1822] {strides = array<i32>} : memref<3072xf32, #tpu.memory_space<vmem>>, vector<16xf32>,
      %get3A_1824 = vector.shape_cast %get3A_1823 : vector<16xf32> to vector<16xf32>
      %swap3A_1825 = arith.constant 4 : i32
      %swap3A_1826 = arith.index_cast %rem3A_26 : i32 to index
      %swap3A_1827 = arith.index_cast %swap3A_1825 : i32 to index
      %swap3A_1828 = arith.constant 512 : index
      %swap3A_1829 = tpu.vector_load %arg8[%swap3A_1826, %swap3A_1827, %swap3A_1828] {strides = array<i32>} : memref<2x77x768xf32, #tpu.memory_space<vmem>>, vector<1x1x16xf32>,
      %swap3A_1830 = vector.shape_cast %swap3A_1829 : vector<1x1x16xf32> to vector<16xf32>
      %swap3A_1831 = vector.shape_cast %get3A_1824 : vector<16xf32> to vector<1x1x16xf32>
      tpu.vector_store %arg8[%swap3A_1826, %swap3A_1827, %swap3A_1828], %swap3A_1831 {strides = array<i32>} : memref<2x77x768xf32, #tpu.memory_space<vmem>>, vector<1x1x16xf32>,
      %get3A_1832 = arith.constant 2832 : index
      %get3A_1833 = tpu.vector_load %arg7[%get3A_1832] {strides = array<i32>} : memref<3072xf32, #tpu.memory_space<vmem>>, vector<16xf32>,
      %get3A_1834 = vector.shape_cast %get3A_1833 : vector<16xf32> to vector<16xf32>
      %swap3A_1835 = arith.constant 4 : i32
      %swap3A_1836 = arith.index_cast %rem3A_26 : i32 to index
      %swap3A_1837 = arith.index_cast %swap3A_1835 : i32 to index
      %swap3A_1838 = arith.constant 528 : index
      %swap3A_1839 = tpu.vector_load %arg8[%swap3A_1836, %swap3A_1837, %swap3A_1838] {strides = array<i32>} : memref<2x77x768xf32, #tpu.memory_space<vmem>>, vector<1x1x16xf32>,
      %swap3A_1840 = vector.shape_cast %swap3A_1839 : vector<1x1x16xf32> to vector<16xf32>
      %swap3A_1841 = vector.shape_cast %get3A_1834 : vector<16xf32> to vector<1x1x16xf32>
      tpu.vector_store %arg8[%swap3A_1836, %swap3A_1837, %swap3A_1838], %swap3A_1841 {strides = array<i32>} : memref<2x77x768xf32, #tpu.memory_space<vmem>>, vector<1x1x16xf32>,
      %get3A_1842 = arith.constant 2848 : index
      %get3A_1843 = tpu.vector_load %arg7[%get3A_1842] {strides = array<i32>} : memref<3072xf32, #tpu.memory_space<vmem>>, vector<16xf32>,
      %get3A_1844 = vector.shape_cast %get3A_1843 : vector<16xf32> to vector<16xf32>
      %swap3A_1845 = arith.constant 4 : i32
      %swap3A_1846 = arith.index_cast %rem3A_26 : i32 to index
      %swap3A_1847 = arith.index_cast %swap3A_1845 : i32 to index
      %swap3A_1848 = arith.constant 544 : index
      %swap3A_1849 = tpu.vector_load %arg8[%swap3A_1846, %swap3A_1847, %swap3A_1848] {strides = array<i32>} : memref<2x77x768xf32, #tpu.memory_space<vmem>>, vector<1x1x16xf32>,
      %swap3A_1850 = vector.shape_cast %swap3A_1849 : vector<1x1x16xf32> to vector<16xf32>
      %swap3A_1851 = vector.shape_cast %get3A_1844 : vector<16xf32> to vector<1x1x16xf32>
      tpu.vector_store %arg8[%swap3A_1846, %swap3A_1847, %swap3A_1848], %swap3A_1851 {strides = array<i32>} : memref<2x77x768xf32, #tpu.memory_space<vmem>>, vector<1x1x16xf32>,
      %get3A_1852 = arith.constant 2864 : index
      %get3A_1853 = tpu.vector_load %arg7[%get3A_1852] {strides = array<i32>} : memref<3072xf32, #tpu.memory_space<vmem>>, vector<16xf32>,
      %get3A_1854 = vector.shape_cast %get3A_1853 : vector<16xf32> to vector<16xf32>
      %swap3A_1855 = arith.constant 4 : i32
      %swap3A_1856 = arith.index_cast %rem3A_26 : i32 to index
      %swap3A_1857 = arith.index_cast %swap3A_1855 : i32 to index
      %swap3A_1858 = arith.constant 560 : index
      %swap3A_1859 = tpu.vector_load %arg8[%swap3A_1856, %swap3A_1857, %swap3A_1858] {strides = array<i32>} : memref<2x77x768xf32, #tpu.memory_space<vmem>>, vector<1x1x16xf32>,
      %swap3A_1860 = vector.shape_cast %swap3A_1859 : vector<1x1x16xf32> to vector<16xf32>
      %swap3A_1861 = vector.shape_cast %get3A_1854 : vector<16xf32> to vector<1x1x16xf32>
      tpu.vector_store %arg8[%swap3A_1856, %swap3A_1857, %swap3A_1858], %swap3A_1861 {strides = array<i32>} : memref<2x77x768xf32, #tpu.memory_space<vmem>>, vector<1x1x16xf32>,
      %get3A_1862 = arith.constant 2880 : index
      %get3A_1863 = tpu.vector_load %arg7[%get3A_1862] {strides = array<i32>} : memref<3072xf32, #tpu.memory_space<vmem>>, vector<16xf32>,
      %get3A_1864 = vector.shape_cast %get3A_1863 : vector<16xf32> to vector<16xf32>
      %swap3A_1865 = arith.constant 4 : i32
      %swap3A_1866 = arith.index_cast %rem3A_26 : i32 to index
      %swap3A_1867 = arith.index_cast %swap3A_1865 : i32 to index
      %swap3A_1868 = arith.constant 576 : index
      %swap3A_1869 = tpu.vector_load %arg8[%swap3A_1866, %swap3A_1867, %swap3A_1868] {strides = array<i32>} : memref<2x77x768xf32, #tpu.memory_space<vmem>>, vector<1x1x16xf32>,
      %swap3A_1870 = vector.shape_cast %swap3A_1869 : vector<1x1x16xf32> to vector<16xf32>
      %swap3A_1871 = vector.shape_cast %get3A_1864 : vector<16xf32> to vector<1x1x16xf32>
      tpu.vector_store %arg8[%swap3A_1866, %swap3A_1867, %swap3A_1868], %swap3A_1871 {strides = array<i32>} : memref<2x77x768xf32, #tpu.memory_space<vmem>>, vector<1x1x16xf32>,
      %get3A_1872 = arith.constant 2896 : index
      %get3A_1873 = tpu.vector_load %arg7[%get3A_1872] {strides = array<i32>} : memref<3072xf32, #tpu.memory_space<vmem>>, vector<16xf32>,
      %get3A_1874 = vector.shape_cast %get3A_1873 : vector<16xf32> to vector<16xf32>
      %swap3A_1875 = arith.constant 4 : i32
      %swap3A_1876 = arith.index_cast %rem3A_26 : i32 to index
      %swap3A_1877 = arith.index_cast %swap3A_1875 : i32 to index
      %swap3A_1878 = arith.constant 592 : index
      %swap3A_1879 = tpu.vector_load %arg8[%swap3A_1876, %swap3A_1877, %swap3A_1878] {strides = array<i32>} : memref<2x77x768xf32, #tpu.memory_space<vmem>>, vector<1x1x16xf32>,
      %swap3A_1880 = vector.shape_cast %swap3A_1879 : vector<1x1x16xf32> to vector<16xf32>
      %swap3A_1881 = vector.shape_cast %get3A_1874 : vector<16xf32> to vector<1x1x16xf32>
      tpu.vector_store %arg8[%swap3A_1876, %swap3A_1877, %swap3A_1878], %swap3A_1881 {strides = array<i32>} : memref<2x77x768xf32, #tpu.memory_space<vmem>>, vector<1x1x16xf32>,
      %get3A_1882 = arith.constant 2912 : index
      %get3A_1883 = tpu.vector_load %arg7[%get3A_1882] {strides = array<i32>} : memref<3072xf32, #tpu.memory_space<vmem>>, vector<16xf32>,
      %get3A_1884 = vector.shape_cast %get3A_1883 : vector<16xf32> to vector<16xf32>
      %swap3A_1885 = arith.constant 4 : i32
      %swap3A_1886 = arith.index_cast %rem3A_26 : i32 to index
      %swap3A_1887 = arith.index_cast %swap3A_1885 : i32 to index
      %swap3A_1888 = arith.constant 608 : index
      %swap3A_1889 = tpu.vector_load %arg8[%swap3A_1886, %swap3A_1887, %swap3A_1888] {strides = array<i32>} : memref<2x77x768xf32, #tpu.memory_space<vmem>>, vector<1x1x16xf32>,
      %swap3A_1890 = vector.shape_cast %swap3A_1889 : vector<1x1x16xf32> to vector<16xf32>
      %swap3A_1891 = vector.shape_cast %get3A_1884 : vector<16xf32> to vector<1x1x16xf32>
      tpu.vector_store %arg8[%swap3A_1886, %swap3A_1887, %swap3A_1888], %swap3A_1891 {strides = array<i32>} : memref<2x77x768xf32, #tpu.memory_space<vmem>>, vector<1x1x16xf32>,
      %get3A_1892 = arith.constant 2928 : index
      %get3A_1893 = tpu.vector_load %arg7[%get3A_1892] {strides = array<i32>} : memref<3072xf32, #tpu.memory_space<vmem>>, vector<16xf32>,
      %get3A_1894 = vector.shape_cast %get3A_1893 : vector<16xf32> to vector<16xf32>
      %swap3A_1895 = arith.constant 4 : i32
      %swap3A_1896 = arith.index_cast %rem3A_26 : i32 to index
      %swap3A_1897 = arith.index_cast %swap3A_1895 : i32 to index
      %swap3A_1898 = arith.constant 624 : index
      %swap3A_1899 = tpu.vector_load %arg8[%swap3A_1896, %swap3A_1897, %swap3A_1898] {strides = array<i32>} : memref<2x77x768xf32, #tpu.memory_space<vmem>>, vector<1x1x16xf32>,
      %swap3A_1900 = vector.shape_cast %swap3A_1899 : vector<1x1x16xf32> to vector<16xf32>
      %swap3A_1901 = vector.shape_cast %get3A_1894 : vector<16xf32> to vector<1x1x16xf32>
      tpu.vector_store %arg8[%swap3A_1896, %swap3A_1897, %swap3A_1898], %swap3A_1901 {strides = array<i32>} : memref<2x77x768xf32, #tpu.memory_space<vmem>>, vector<1x1x16xf32>,
      %get3A_1902 = arith.constant 2944 : index
      %get3A_1903 = tpu.vector_load %arg7[%get3A_1902] {strides = array<i32>} : memref<3072xf32, #tpu.memory_space<vmem>>, vector<16xf32>,
      %get3A_1904 = vector.shape_cast %get3A_1903 : vector<16xf32> to vector<16xf32>
      %swap3A_1905 = arith.constant 4 : i32
      %swap3A_1906 = arith.index_cast %rem3A_26 : i32 to index
      %swap3A_1907 = arith.index_cast %swap3A_1905 : i32 to index
      %swap3A_1908 = arith.constant 640 : index
      %swap3A_1909 = tpu.vector_load %arg8[%swap3A_1906, %swap3A_1907, %swap3A_1908] {strides = array<i32>} : memref<2x77x768xf32, #tpu.memory_space<vmem>>, vector<1x1x16xf32>,
      %swap3A_1910 = vector.shape_cast %swap3A_1909 : vector<1x1x16xf32> to vector<16xf32>
      %swap3A_1911 = vector.shape_cast %get3A_1904 : vector<16xf32> to vector<1x1x16xf32>
      tpu.vector_store %arg8[%swap3A_1906, %swap3A_1907, %swap3A_1908], %swap3A_1911 {strides = array<i32>} : memref<2x77x768xf32, #tpu.memory_space<vmem>>, vector<1x1x16xf32>,
      %get3A_1912 = arith.constant 2960 : index
      %get3A_1913 = tpu.vector_load %arg7[%get3A_1912] {strides = array<i32>} : memref<3072xf32, #tpu.memory_space<vmem>>, vector<16xf32>,
      %get3A_1914 = vector.shape_cast %get3A_1913 : vector<16xf32> to vector<16xf32>
      %swap3A_1915 = arith.constant 4 : i32
      %swap3A_1916 = arith.index_cast %rem3A_26 : i32 to index
      %swap3A_1917 = arith.index_cast %swap3A_1915 : i32 to index
      %swap3A_1918 = arith.constant 656 : index
      %swap3A_1919 = tpu.vector_load %arg8[%swap3A_1916, %swap3A_1917, %swap3A_1918] {strides = array<i32>} : memref<2x77x768xf32, #tpu.memory_space<vmem>>, vector<1x1x16xf32>,
      %swap3A_1920 = vector.shape_cast %swap3A_1919 : vector<1x1x16xf32> to vector<16xf32>
      %swap3A_1921 = vector.shape_cast %get3A_1914 : vector<16xf32> to vector<1x1x16xf32>
      tpu.vector_store %arg8[%swap3A_1916, %swap3A_1917, %swap3A_1918], %swap3A_1921 {strides = array<i32>} : memref<2x77x768xf32, #tpu.memory_space<vmem>>, vector<1x1x16xf32>,
      %get3A_1922 = arith.constant 2976 : index
      %get3A_1923 = tpu.vector_load %arg7[%get3A_1922] {strides = array<i32>} : memref<3072xf32, #tpu.memory_space<vmem>>, vector<16xf32>,
      %get3A_1924 = vector.shape_cast %get3A_1923 : vector<16xf32> to vector<16xf32>
      %swap3A_1925 = arith.constant 4 : i32
      %swap3A_1926 = arith.index_cast %rem3A_26 : i32 to index
      %swap3A_1927 = arith.index_cast %swap3A_1925 : i32 to index
      %swap3A_1928 = arith.constant 672 : index
      %swap3A_1929 = tpu.vector_load %arg8[%swap3A_1926, %swap3A_1927, %swap3A_1928] {strides = array<i32>} : memref<2x77x768xf32, #tpu.memory_space<vmem>>, vector<1x1x16xf32>,
      %swap3A_1930 = vector.shape_cast %swap3A_1929 : vector<1x1x16xf32> to vector<16xf32>
      %swap3A_1931 = vector.shape_cast %get3A_1924 : vector<16xf32> to vector<1x1x16xf32>
      tpu.vector_store %arg8[%swap3A_1926, %swap3A_1927, %swap3A_1928], %swap3A_1931 {strides = array<i32>} : memref<2x77x768xf32, #tpu.memory_space<vmem>>, vector<1x1x16xf32>,
      %get3A_1932 = arith.constant 2992 : index
      %get3A_1933 = tpu.vector_load %arg7[%get3A_1932] {strides = array<i32>} : memref<3072xf32, #tpu.memory_space<vmem>>, vector<16xf32>,
      %get3A_1934 = vector.shape_cast %get3A_1933 : vector<16xf32> to vector<16xf32>
      %swap3A_1935 = arith.constant 4 : i32
      %swap3A_1936 = arith.index_cast %rem3A_26 : i32 to index
      %swap3A_1937 = arith.index_cast %swap3A_1935 : i32 to index
      %swap3A_1938 = arith.constant 688 : index
      %swap3A_1939 = tpu.vector_load %arg8[%swap3A_1936, %swap3A_1937, %swap3A_1938] {strides = array<i32>} : memref<2x77x768xf32, #tpu.memory_space<vmem>>, vector<1x1x16xf32>,
      %swap3A_1940 = vector.shape_cast %swap3A_1939 : vector<1x1x16xf32> to vector<16xf32>
      %swap3A_1941 = vector.shape_cast %get3A_1934 : vector<16xf32> to vector<1x1x16xf32>
      tpu.vector_store %arg8[%swap3A_1936, %swap3A_1937, %swap3A_1938], %swap3A_1941 {strides = array<i32>} : memref<2x77x768xf32, #tpu.memory_space<vmem>>, vector<1x1x16xf32>,
      %get3A_1942 = arith.constant 3008 : index
      %get3A_1943 = tpu.vector_load %arg7[%get3A_1942] {strides = array<i32>} : memref<3072xf32, #tpu.memory_space<vmem>>, vector<16xf32>,
      %get3A_1944 = vector.shape_cast %get3A_1943 : vector<16xf32> to vector<16xf32>
      %swap3A_1945 = arith.constant 4 : i32
      %swap3A_1946 = arith.index_cast %rem3A_26 : i32 to index
      %swap3A_1947 = arith.index_cast %swap3A_1945 : i32 to index
      %swap3A_1948 = arith.constant 704 : index
      %swap3A_1949 = tpu.vector_load %arg8[%swap3A_1946, %swap3A_1947, %swap3A_1948] {strides = array<i32>} : memref<2x77x768xf32, #tpu.memory_space<vmem>>, vector<1x1x16xf32>,
      %swap3A_1950 = vector.shape_cast %swap3A_1949 : vector<1x1x16xf32> to vector<16xf32>
      %swap3A_1951 = vector.shape_cast %get3A_1944 : vector<16xf32> to vector<1x1x16xf32>
      tpu.vector_store %arg8[%swap3A_1946, %swap3A_1947, %swap3A_1948], %swap3A_1951 {strides = array<i32>} : memref<2x77x768xf32, #tpu.memory_space<vmem>>, vector<1x1x16xf32>,
      %get3A_1952 = arith.constant 3024 : index
      %get3A_1953 = tpu.vector_load %arg7[%get3A_1952] {strides = array<i32>} : memref<3072xf32, #tpu.memory_space<vmem>>, vector<16xf32>,
      %get3A_1954 = vector.shape_cast %get3A_1953 : vector<16xf32> to vector<16xf32>
      %swap3A_1955 = arith.constant 4 : i32
      %swap3A_1956 = arith.index_cast %rem3A_26 : i32 to index
      %swap3A_1957 = arith.index_cast %swap3A_1955 : i32 to index
      %swap3A_1958 = arith.constant 720 : index
      %swap3A_1959 = tpu.vector_load %arg8[%swap3A_1956, %swap3A_1957, %swap3A_1958] {strides = array<i32>} : memref<2x77x768xf32, #tpu.memory_space<vmem>>, vector<1x1x16xf32>,
      %swap3A_1960 = vector.shape_cast %swap3A_1959 : vector<1x1x16xf32> to vector<16xf32>
      %swap3A_1961 = vector.shape_cast %get3A_1954 : vector<16xf32> to vector<1x1x16xf32>
      tpu.vector_store %arg8[%swap3A_1956, %swap3A_1957, %swap3A_1958], %swap3A_1961 {strides = array<i32>} : memref<2x77x768xf32, #tpu.memory_space<vmem>>, vector<1x1x16xf32>,
      %get3A_1962 = arith.constant 3040 : index
      %get3A_1963 = tpu.vector_load %arg7[%get3A_1962] {strides = array<i32>} : memref<3072xf32, #tpu.memory_space<vmem>>, vector<16xf32>,
      %get3A_1964 = vector.shape_cast %get3A_1963 : vector<16xf32> to vector<16xf32>
      %swap3A_1965 = arith.constant 4 : i32
      %swap3A_1966 = arith.index_cast %rem3A_26 : i32 to index
      %swap3A_1967 = arith.index_cast %swap3A_1965 : i32 to index
      %swap3A_1968 = arith.constant 736 : index
      %swap3A_1969 = tpu.vector_load %arg8[%swap3A_1966, %swap3A_1967, %swap3A_1968] {strides = array<i32>} : memref<2x77x768xf32, #tpu.memory_space<vmem>>, vector<1x1x16xf32>,
      %swap3A_1970 = vector.shape_cast %swap3A_1969 : vector<1x1x16xf32> to vector<16xf32>
      %swap3A_1971 = vector.shape_cast %get3A_1964 : vector<16xf32> to vector<1x1x16xf32>
      tpu.vector_store %arg8[%swap3A_1966, %swap3A_1967, %swap3A_1968], %swap3A_1971 {strides = array<i32>} : memref<2x77x768xf32, #tpu.memory_space<vmem>>, vector<1x1x16xf32>,
      %get3A_1972 = arith.constant 3056 : index
      %get3A_1973 = tpu.vector_load %arg7[%get3A_1972] {strides = array<i32>} : memref<3072xf32, #tpu.memory_space<vmem>>, vector<16xf32>,
      %get3A_1974 = vector.shape_cast %get3A_1973 : vector<16xf32> to vector<16xf32>
      %swap3A_1975 = arith.constant 4 : i32
      %swap3A_1976 = arith.index_cast %rem3A_26 : i32 to index
      %swap3A_1977 = arith.index_cast %swap3A_1975 : i32 to index
      %swap3A_1978 = arith.constant 752 : index
      %swap3A_1979 = tpu.vector_load %arg8[%swap3A_1976, %swap3A_1977, %swap3A_1978] {strides = array<i32>} : memref<2x77x768xf32, #tpu.memory_space<vmem>>, vector<1x1x16xf32>,
      %swap3A_1980 = vector.shape_cast %swap3A_1979 : vector<1x1x16xf32> to vector<16xf32>
      %swap3A_1981 = vector.shape_cast %get3A_1974 : vector<16xf32> to vector<1x1x16xf32>
      tpu.vector_store %arg8[%swap3A_1976, %swap3A_1977, %swap3A_1978], %swap3A_1981 {strides = array<i32>} : memref<2x77x768xf32, #tpu.memory_space<vmem>>, vector<1x1x16xf32>,
      %dma_start3A_1982 = arith.constant 0 : i32
      %dma_start3A_1983 = arith.constant 0 : i32
      %dma_start3A_1984 = tpu.memref_slice %arg8[%rem3A_26, %dma_start3A_1982, %dma_start3A_1983] : memref<2x77x768xf32, #tpu.memory_space<vmem>> -> memref<1x77x768xf32, #tpu.memory_space<vmem>>
      %dma_start3A_1985 = tpu.memref_squeeze %dma_start3A_1984 : memref<1x77x768xf32, #tpu.memory_space<vmem>> -> memref<77x768xf32, #tpu.memory_space<vmem>>
      %dma_start3A_1986 = arith.constant 0 : i32
      %dma_start3A_1987 = arith.constant 0 : i32
      %dma_start3A_1988 = tpu.memref_slice %arg5[%add3A_27, %dma_start3A_1986, %dma_start3A_1987] : memref<1000x77x768xf32, #tpu.memory_space<hbm>> -> memref<1x77x768xf32, #tpu.memory_space<hbm>>
      %dma_start3A_1989 = tpu.memref_squeeze %dma_start3A_1988 : memref<1x77x768xf32, #tpu.memory_space<hbm>> -> memref<77x768xf32, #tpu.memory_space<hbm>>
      %dma_start3A_1990 = arith.constant 0 : i32
      %dma_start3A_1991 = arith.constant 0 : i32
      %dma_start3A_1992 = tpu.memref_slice %arg5[%add3A_27, %dma_start3A_1990, %dma_start3A_1991] : memref<1000x77x768xf32, #tpu.memory_space<hbm>> -> memref<1x77x768xf32, #tpu.memory_space<hbm>>
      %dma_start3A_1993 = tpu.memref_squeeze %dma_start3A_1992 : memref<1x77x768xf32, #tpu.memory_space<hbm>> -> memref<77x768xf32, #tpu.memory_space<hbm>>
      %dma_start3A_1994 = arith.constant 0 : i32
      %dma_start3A_1995 = arith.constant 0 : i32
      %dma_start3A_1996 = tpu.memref_slice %arg8[%rem3A_26, %dma_start3A_1994, %dma_start3A_1995] : memref<2x77x768xf32, #tpu.memory_space<vmem>> -> memref<1x77x768xf32, #tpu.memory_space<vmem>>
      %dma_start3A_1997 = tpu.memref_squeeze %dma_start3A_1996 : memref<1x77x768xf32, #tpu.memory_space<vmem>> -> memref<77x768xf32, #tpu.memory_space<vmem>>
      tpu.enqueue_dma source(%dma_start3A_1997 : memref<77x768xf32, #tpu.memory_space<vmem>>) target(%dma_start3A_1993 : memref<77x768xf32, #tpu.memory_space<hbm>>) target_semaphore(%arg11 : memref<!tpu.dma_semaphore, #tpu.memory_space<semaphore_mem>>)
    }
    %while3A_17 = arith.constant 1 : i32
    scf.for %while3A_25 = %while3A_15 to %while3A_11 step %while3A_17  : i32 {
      %rem3A = arith.constant 2 : i32
      %rem3A_26 = arith.remsi %while3A_25, %rem3A : i32
      %add3A_27 = arith.addi %add3A_4, %while3A_25 : i32
      %ge3A_28 = arith.constant 1 : i32
      %ge3A_29 = arith.cmpi sge, %while3A_25, %ge3A_28 : i32
      %convert_element_type3A_30 = arith.extui %ge3A_29 : i1 to i32
      %cond3A_31 = arith.constant 0 : i32
      %cond3A_32 = arith.cmpi ne, %convert_element_type3A_30, %cond3A_31 : i32
      scf.if %cond3A_32 {
        %dma_wait3A_1998 = arith.constant 0 : i32
        %dma_wait3A_1999 = arith.constant 0 : i32
        %dma_wait3A_2000 = tpu.memref_slice %arg6[%rem3A_26, %dma_wait3A_1998, %dma_wait3A_1999] : memref<2x1x77xi32, #tpu.memory_space<vmem>> -> memref<1x1x77xi32, #tpu.memory_space<vmem>>
        %dma_wait3A_2001 = tpu.memref_squeeze %dma_wait3A_2000 : memref<1x1x77xi32, #tpu.memory_space<vmem>> -> memref<1x77xi32, #tpu.memory_space<vmem>>
        %dma_wait3A_2002 = arith.constant 0 : i32
        %dma_wait3A_2003 = arith.constant 0 : i32
        %dma_wait3A_2004 = tpu.memref_slice %arg2[%add3A_27, %dma_wait3A_2002, %dma_wait3A_2003] : memref<1000x1x77xi32, #tpu.memory_space<hbm>> -> memref<1x1x77xi32, #tpu.memory_space<hbm>>
        %dma_wait3A_2005 = tpu.memref_squeeze %dma_wait3A_2004 : memref<1x1x77xi32, #tpu.memory_space<hbm>> -> memref<1x77xi32, #tpu.memory_space<hbm>>
        %dma_wait3A_2006 = arith.constant 0 : i32
        %dma_wait3A_2007 = arith.constant 0 : i32
        %dma_wait3A_2008 = tpu.memref_slice %arg6[%rem3A_26, %dma_wait3A_2006, %dma_wait3A_2007] : memref<2x1x77xi32, #tpu.memory_space<vmem>> -> memref<1x1x77xi32, #tpu.memory_space<vmem>>
        %dma_wait3A_2009 = tpu.memref_squeeze %dma_wait3A_2008 : memref<1x1x77xi32, #tpu.memory_space<vmem>> -> memref<1x77xi32, #tpu.memory_space<vmem>>
        %dma_wait3A_2010 = arith.constant 0 : i32
        %dma_wait3A_2011 = arith.constant 0 : i32
        %dma_wait3A_2012 = tpu.memref_slice %arg2[%add3A_27, %dma_wait3A_2010, %dma_wait3A_2011] : memref<1000x1x77xi32, #tpu.memory_space<hbm>> -> memref<1x1x77xi32, #tpu.memory_space<hbm>>
        %dma_wait3A_2013 = tpu.memref_squeeze %dma_wait3A_2012 : memref<1x1x77xi32, #tpu.memory_space<hbm>> -> memref<1x77xi32, #tpu.memory_space<hbm>>
        tpu.wait_dma2 semaphore(%arg9 : memref<!tpu.dma_semaphore, #tpu.memory_space<semaphore_mem>>) src(%dma_wait3A_2013 : memref<1x77xi32, #tpu.memory_space<hbm>>) dst(%dma_wait3A_2009 : memref<1x77xi32, #tpu.memory_space<vmem>>)
      } else {
      }
      %ge3A_33 = arith.constant 2 : i32
      %ge3A_34 = arith.cmpi sge, %while3A_25, %ge3A_33 : i32
      %convert_element_type3A_35 = arith.extui %ge3A_34 : i1 to i32
      %cond3A_36 = arith.constant 0 : i32
      %cond3A_37 = arith.cmpi ne, %convert_element_type3A_35, %cond3A_36 : i32
      scf.if %cond3A_37 {
        %dma_wait3A_1998 = arith.constant 0 : i32
        %dma_wait3A_1999 = arith.constant 0 : i32
        %dma_wait3A_2000 = tpu.memref_slice %arg8[%rem3A_26, %dma_wait3A_1998, %dma_wait3A_1999] : memref<2x77x768xf32, #tpu.memory_space<vmem>> -> memref<1x77x768xf32, #tpu.memory_space<vmem>>
        %dma_wait3A_2001 = tpu.memref_squeeze %dma_wait3A_2000 : memref<1x77x768xf32, #tpu.memory_space<vmem>> -> memref<77x768xf32, #tpu.memory_space<vmem>>
        %dma_wait3A_2002 = arith.constant 0 : i32
        %dma_wait3A_2003 = arith.constant 0 : i32
        %dma_wait3A_2004 = tpu.memref_slice %arg5[%add3A_27, %dma_wait3A_2002, %dma_wait3A_2003] : memref<1000x77x768xf32, #tpu.memory_space<hbm>> -> memref<1x77x768xf32, #tpu.memory_space<hbm>>
        %dma_wait3A_2005 = tpu.memref_squeeze %dma_wait3A_2004 : memref<1x77x768xf32, #tpu.memory_space<hbm>> -> memref<77x768xf32, #tpu.memory_space<hbm>>
        %dma_wait3A_2006 = arith.constant 0 : i32
        %dma_wait3A_2007 = arith.constant 0 : i32
        %dma_wait3A_2008 = tpu.memref_slice %arg5[%add3A_27, %dma_wait3A_2006, %dma_wait3A_2007] : memref<1000x77x768xf32, #tpu.memory_space<hbm>> -> memref<1x77x768xf32, #tpu.memory_space<hbm>>
        %dma_wait3A_2009 = tpu.memref_squeeze %dma_wait3A_2008 : memref<1x77x768xf32, #tpu.memory_space<hbm>> -> memref<77x768xf32, #tpu.memory_space<hbm>>
        %dma_wait3A_2010 = arith.constant 0 : i32
        %dma_wait3A_2011 = arith.constant 0 : i32
        %dma_wait3A_2012 = tpu.memref_slice %arg8[%rem3A_26, %dma_wait3A_2010, %dma_wait3A_2011] : memref<2x77x768xf32, #tpu.memory_space<vmem>> -> memref<1x77x768xf32, #tpu.memory_space<vmem>>
        %dma_wait3A_2013 = tpu.memref_squeeze %dma_wait3A_2012 : memref<1x77x768xf32, #tpu.memory_space<vmem>> -> memref<77x768xf32, #tpu.memory_space<vmem>>
        tpu.wait_dma2 semaphore(%arg11 : memref<!tpu.dma_semaphore, #tpu.memory_space<semaphore_mem>>) src(%dma_wait3A_2013 : memref<77x768xf32, #tpu.memory_space<vmem>>) dst(%dma_wait3A_2009 : memref<77x768xf32, #tpu.memory_space<hbm>>)
      } else {
      }
      %dma_start3A = arith.constant 0 : i32
      %dma_start3A_38 = arith.constant 0 : i32
      %dma_start3A_39 = arith.constant 0 : i32
      %dma_start3A_40 = tpu.memref_slice %arg8[%rem3A_26, %dma_start3A_38, %dma_start3A_39] : memref<2x77x768xf32, #tpu.memory_space<vmem>> -> memref<1x77x768xf32, #tpu.memory_space<vmem>>
      %dma_start3A_41 = tpu.memref_squeeze %dma_start3A_40 : memref<1x77x768xf32, #tpu.memory_space<vmem>> -> memref<77x768xf32, #tpu.memory_space<vmem>>
      %dma_start3A_42 = arith.constant 0 : i32
      %dma_start3A_43 = tpu.memref_slice %arg6[%rem3A_26, %dma_start3A, %dma_start3A_42] : memref<2x1x77xi32, #tpu.memory_space<vmem>> -> memref<1x1x77xi32, #tpu.memory_space<vmem>>
      %dma_start3A_44 = tpu.memref_squeeze %dma_start3A_43 : memref<1x1x77xi32, #tpu.memory_space<vmem>> -> memref<77xi32, #tpu.memory_space<vmem>>
      %dma_start3A_45 = arith.constant 0 : i32
      %dma_start3A_46 = arith.constant 0 : i32
      %dma_start3A_47 = tpu.memref_slice %arg3[%dma_start3A_45, %dma_start3A_46] : memref<49408x768xf32, #tpu.memory_space<hbm>> -> memref<49408x768xf32, #tpu.memory_space<hbm>>
      tpu.enqueue_indirect_dma source(%dma_start3A_47 : memref<49408x768xf32, #tpu.memory_space<hbm>>) target(%dma_start3A_41 : memref<77x768xf32, #tpu.memory_space<vmem>>) offsets(%dma_start3A_44 : memref<77xi32, #tpu.memory_space<vmem>>) semaphore(%arg10 : memref<!tpu.dma_semaphore, #tpu.memory_space<semaphore_mem>>)
      %add3A_48 = arith.constant 1 : i32
      %add3A_49 = arith.addi %while3A_25, %add3A_48 : i32
      %lt3A_50 = arith.cmpi slt, %add3A_49, %add3A_8 : i32
      %convert_element_type3A_51 = arith.extui %lt3A_50 : i1 to i32
      %cond3A_52 = arith.constant 0 : i32
      %cond3A_53 = arith.cmpi ne, %convert_element_type3A_51, %cond3A_52 : i32
      scf.if %cond3A_53 {
        %add3A_1998 = arith.constant 1 : i32
        %add3A_1999 = arith.addi %add3A_27, %add3A_1998 : i32
        %sub3A = arith.constant 1 : i32
        %sub3A_2000 = arith.subi %sub3A, %rem3A_26 : i32
        %dma_start3A_2001 = arith.constant 0 : i32
        %dma_start3A_2002 = arith.constant 0 : i32
        %dma_start3A_2003 = tpu.memref_slice %arg6[%sub3A_2000, %dma_start3A_2001, %dma_start3A_2002] : memref<2x1x77xi32, #tpu.memory_space<vmem>> -> memref<1x1x77xi32, #tpu.memory_space<vmem>>
        %dma_start3A_2004 = tpu.memref_squeeze %dma_start3A_2003 : memref<1x1x77xi32, #tpu.memory_space<vmem>> -> memref<1x77xi32, #tpu.memory_space<vmem>>
        %dma_start3A_2005 = arith.constant 0 : i32
        %dma_start3A_2006 = arith.constant 0 : i32
        %dma_start3A_2007 = tpu.memref_slice %arg2[%add3A_1999, %dma_start3A_2005, %dma_start3A_2006] : memref<1000x1x77xi32, #tpu.memory_space<hbm>> -> memref<1x1x77xi32, #tpu.memory_space<hbm>>
        %dma_start3A_2008 = tpu.memref_squeeze %dma_start3A_2007 : memref<1x1x77xi32, #tpu.memory_space<hbm>> -> memref<1x77xi32, #tpu.memory_space<hbm>>
        %dma_start3A_2009 = arith.constant 0 : i32
        %dma_start3A_2010 = arith.constant 0 : i32
        %dma_start3A_2011 = tpu.memref_slice %arg6[%sub3A_2000, %dma_start3A_2009, %dma_start3A_2010] : memref<2x1x77xi32, #tpu.memory_space<vmem>> -> memref<1x1x77xi32, #tpu.memory_space<vmem>>
        %dma_start3A_2012 = tpu.memref_squeeze %dma_start3A_2011 : memref<1x1x77xi32, #tpu.memory_space<vmem>> -> memref<1x77xi32, #tpu.memory_space<vmem>>
        %dma_start3A_2013 = arith.constant 0 : i32
        %dma_start3A_2014 = arith.constant 0 : i32
        %dma_start3A_2015 = tpu.memref_slice %arg2[%add3A_1999, %dma_start3A_2013, %dma_start3A_2014] : memref<1000x1x77xi32, #tpu.memory_space<hbm>> -> memref<1x1x77xi32, #tpu.memory_space<hbm>>
        %dma_start3A_2016 = tpu.memref_squeeze %dma_start3A_2015 : memref<1x1x77xi32, #tpu.memory_space<hbm>> -> memref<1x77xi32, #tpu.memory_space<hbm>>
        tpu.enqueue_dma source(%dma_start3A_2016 : memref<1x77xi32, #tpu.memory_space<hbm>>) target(%dma_start3A_2012 : memref<1x77xi32, #tpu.memory_space<vmem>>) target_semaphore(%arg9 : memref<!tpu.dma_semaphore, #tpu.memory_space<semaphore_mem>>)
      } else {
      }
      %dma_wait3A = arith.constant 0 : i32
      %dma_wait3A_54 = arith.constant 0 : i32
      %dma_wait3A_55 = arith.constant 0 : i32
      %dma_wait3A_56 = tpu.memref_slice %arg8[%rem3A_26, %dma_wait3A_54, %dma_wait3A_55] : memref<2x77x768xf32, #tpu.memory_space<vmem>> -> memref<1x77x768xf32, #tpu.memory_space<vmem>>
      %dma_wait3A_57 = tpu.memref_squeeze %dma_wait3A_56 : memref<1x77x768xf32, #tpu.memory_space<vmem>> -> memref<77x768xf32, #tpu.memory_space<vmem>>
      %dma_wait3A_58 = arith.constant 0 : i32
      %dma_wait3A_59 = tpu.memref_slice %arg6[%rem3A_26, %dma_wait3A, %dma_wait3A_58] : memref<2x1x77xi32, #tpu.memory_space<vmem>> -> memref<1x1x77xi32, #tpu.memory_space<vmem>>
      %dma_wait3A_60 = tpu.memref_squeeze %dma_wait3A_59 : memref<1x1x77xi32, #tpu.memory_space<vmem>> -> memref<77xi32, #tpu.memory_space<vmem>>
      %dma_wait3A_61 = arith.constant 0 : i32
      %dma_wait3A_62 = arith.constant 0 : i32
      %dma_wait3A_63 = tpu.memref_slice %arg3[%dma_wait3A_61, %dma_wait3A_62] : memref<49408x768xf32, #tpu.memory_space<hbm>> -> memref<49408x768xf32, #tpu.memory_space<hbm>>
      tpu.wait_indirect_dma semaphore(%arg10 : memref<!tpu.dma_semaphore, #tpu.memory_space<semaphore_mem>>) src(%dma_wait3A_63 : memref<49408x768xf32, #tpu.memory_space<hbm>>) dst(%dma_wait3A_57 : memref<77x768xf32, #tpu.memory_space<vmem>>)
      %get3A = arith.constant 0 : index
      %get3A_64 = tpu.vector_load %arg7[%get3A] {strides = array<i32>} : memref<3072xf32, #tpu.memory_space<vmem>>, vector<16xf32>,
      %get3A_65 = vector.shape_cast %get3A_64 : vector<16xf32> to vector<16xf32>
      %swap3A = arith.constant 1 : i32
      %swap3A_66 = arith.index_cast %rem3A_26 : i32 to index
      %swap3A_67 = arith.index_cast %swap3A : i32 to index
      %swap3A_68 = arith.constant 0 : index
      %swap3A_69 = tpu.vector_load %arg8[%swap3A_66, %swap3A_67, %swap3A_68] {strides = array<i32>} : memref<2x77x768xf32, #tpu.memory_space<vmem>>, vector<1x1x16xf32>,
      %swap3A_70 = vector.shape_cast %swap3A_69 : vector<1x1x16xf32> to vector<16xf32>
      %swap3A_71 = vector.shape_cast %get3A_65 : vector<16xf32> to vector<1x1x16xf32>
      tpu.vector_store %arg8[%swap3A_66, %swap3A_67, %swap3A_68], %swap3A_71 {strides = array<i32>} : memref<2x77x768xf32, #tpu.memory_space<vmem>>, vector<1x1x16xf32>,
      %get3A_72 = arith.constant 16 : index
      %get3A_73 = tpu.vector_load %arg7[%get3A_72] {strides = array<i32>} : memref<3072xf32, #tpu.memory_space<vmem>>, vector<16xf32>,
      %get3A_74 = vector.shape_cast %get3A_73 : vector<16xf32> to vector<16xf32>
      %swap3A_75 = arith.constant 1 : i32
      %swap3A_76 = arith.index_cast %rem3A_26 : i32 to index
      %swap3A_77 = arith.index_cast %swap3A_75 : i32 to index
      %swap3A_78 = arith.constant 16 : index
      %swap3A_79 = tpu.vector_load %arg8[%swap3A_76, %swap3A_77, %swap3A_78] {strides = array<i32>} : memref<2x77x768xf32, #tpu.memory_space<vmem>>, vector<1x1x16xf32>,
      %swap3A_80 = vector.shape_cast %swap3A_79 : vector<1x1x16xf32> to vector<16xf32>
      %swap3A_81 = vector.shape_cast %get3A_74 : vector<16xf32> to vector<1x1x16xf32>
      tpu.vector_store %arg8[%swap3A_76, %swap3A_77, %swap3A_78], %swap3A_81 {strides = array<i32>} : memref<2x77x768xf32, #tpu.memory_space<vmem>>, vector<1x1x16xf32>,
      %get3A_82 = arith.constant 32 : index
      %get3A_83 = tpu.vector_load %arg7[%get3A_82] {strides = array<i32>} : memref<3072xf32, #tpu.memory_space<vmem>>, vector<16xf32>,
      %get3A_84 = vector.shape_cast %get3A_83 : vector<16xf32> to vector<16xf32>
      %swap3A_85 = arith.constant 1 : i32
      %swap3A_86 = arith.index_cast %rem3A_26 : i32 to index
      %swap3A_87 = arith.index_cast %swap3A_85 : i32 to index
      %swap3A_88 = arith.constant 32 : index
      %swap3A_89 = tpu.vector_load %arg8[%swap3A_86, %swap3A_87, %swap3A_88] {strides = array<i32>} : memref<2x77x768xf32, #tpu.memory_space<vmem>>, vector<1x1x16xf32>,
      %swap3A_90 = vector.shape_cast %swap3A_89 : vector<1x1x16xf32> to vector<16xf32>
      %swap3A_91 = vector.shape_cast %get3A_84 : vector<16xf32> to vector<1x1x16xf32>
      tpu.vector_store %arg8[%swap3A_86, %swap3A_87, %swap3A_88], %swap3A_91 {strides = array<i32>} : memref<2x77x768xf32, #tpu.memory_space<vmem>>, vector<1x1x16xf32>,
      %get3A_92 = arith.constant 48 : index
      %get3A_93 = tpu.vector_load %arg7[%get3A_92] {strides = array<i32>} : memref<3072xf32, #tpu.memory_space<vmem>>, vector<16xf32>,
      %get3A_94 = vector.shape_cast %get3A_93 : vector<16xf32> to vector<16xf32>
      %swap3A_95 = arith.constant 1 : i32
      %swap3A_96 = arith.index_cast %rem3A_26 : i32 to index
      %swap3A_97 = arith.index_cast %swap3A_95 : i32 to index
      %swap3A_98 = arith.constant 48 : index
      %swap3A_99 = tpu.vector_load %arg8[%swap3A_96, %swap3A_97, %swap3A_98] {strides = array<i32>} : memref<2x77x768xf32, #tpu.memory_space<vmem>>, vector<1x1x16xf32>,
      %swap3A_100 = vector.shape_cast %swap3A_99 : vector<1x1x16xf32> to vector<16xf32>
      %swap3A_101 = vector.shape_cast %get3A_94 : vector<16xf32> to vector<1x1x16xf32>
      tpu.vector_store %arg8[%swap3A_96, %swap3A_97, %swap3A_98], %swap3A_101 {strides = array<i32>} : memref<2x77x768xf32, #tpu.memory_space<vmem>>, vector<1x1x16xf32>,
      %get3A_102 = arith.constant 64 : index
      %get3A_103 = tpu.vector_load %arg7[%get3A_102] {strides = array<i32>} : memref<3072xf32, #tpu.memory_space<vmem>>, vector<16xf32>,
      %get3A_104 = vector.shape_cast %get3A_103 : vector<16xf32> to vector<16xf32>
      %swap3A_105 = arith.constant 1 : i32
      %swap3A_106 = arith.index_cast %rem3A_26 : i32 to index
      %swap3A_107 = arith.index_cast %swap3A_105 : i32 to index
      %swap3A_108 = arith.constant 64 : index
      %swap3A_109 = tpu.vector_load %arg8[%swap3A_106, %swap3A_107, %swap3A_108] {strides = array<i32>} : memref<2x77x768xf32, #tpu.memory_space<vmem>>, vector<1x1x16xf32>,
      %swap3A_110 = vector.shape_cast %swap3A_109 : vector<1x1x16xf32> to vector<16xf32>
      %swap3A_111 = vector.shape_cast %get3A_104 : vector<16xf32> to vector<1x1x16xf32>
      tpu.vector_store %arg8[%swap3A_106, %swap3A_107, %swap3A_108], %swap3A_111 {strides = array<i32>} : memref<2x77x768xf32, #tpu.memory_space<vmem>>, vector<1x1x16xf32>,
      %get3A_112 = arith.constant 80 : index
      %get3A_113 = tpu.vector_load %arg7[%get3A_112] {strides = array<i32>} : memref<3072xf32, #tpu.memory_space<vmem>>, vector<16xf32>,
      %get3A_114 = vector.shape_cast %get3A_113 : vector<16xf32> to vector<16xf32>
      %swap3A_115 = arith.constant 1 : i32
      %swap3A_116 = arith.index_cast %rem3A_26 : i32 to index
      %swap3A_117 = arith.index_cast %swap3A_115 : i32 to index
      %swap3A_118 = arith.constant 80 : index
      %swap3A_119 = tpu.vector_load %arg8[%swap3A_116, %swap3A_117, %swap3A_118] {strides = array<i32>} : memref<2x77x768xf32, #tpu.memory_space<vmem>>, vector<1x1x16xf32>,
      %swap3A_120 = vector.shape_cast %swap3A_119 : vector<1x1x16xf32> to vector<16xf32>
      %swap3A_121 = vector.shape_cast %get3A_114 : vector<16xf32> to vector<1x1x16xf32>
      tpu.vector_store %arg8[%swap3A_116, %swap3A_117, %swap3A_118], %swap3A_121 {strides = array<i32>} : memref<2x77x768xf32, #tpu.memory_space<vmem>>, vector<1x1x16xf32>,
      %get3A_122 = arith.constant 96 : index
      %get3A_123 = tpu.vector_load %arg7[%get3A_122] {strides = array<i32>} : memref<3072xf32, #tpu.memory_space<vmem>>, vector<16xf32>,
      %get3A_124 = vector.shape_cast %get3A_123 : vector<16xf32> to vector<16xf32>
      %swap3A_125 = arith.constant 1 : i32
      %swap3A_126 = arith.index_cast %rem3A_26 : i32 to index
      %swap3A_127 = arith.index_cast %swap3A_125 : i32 to index
      %swap3A_128 = arith.constant 96 : index
      %swap3A_129 = tpu.vector_load %arg8[%swap3A_126, %swap3A_127, %swap3A_128] {strides = array<i32>} : memref<2x77x768xf32, #tpu.memory_space<vmem>>, vector<1x1x16xf32>,
      %swap3A_130 = vector.shape_cast %swap3A_129 : vector<1x1x16xf32> to vector<16xf32>
      %swap3A_131 = vector.shape_cast %get3A_124 : vector<16xf32> to vector<1x1x16xf32>
      tpu.vector_store %arg8[%swap3A_126, %swap3A_127, %swap3A_128], %swap3A_131 {strides = array<i32>} : memref<2x77x768xf32, #tpu.memory_space<vmem>>, vector<1x1x16xf32>,
      %get3A_132 = arith.constant 112 : index
      %get3A_133 = tpu.vector_load %arg7[%get3A_132] {strides = array<i32>} : memref<3072xf32, #tpu.memory_space<vmem>>, vector<16xf32>,
      %get3A_134 = vector.shape_cast %get3A_133 : vector<16xf32> to vector<16xf32>
      %swap3A_135 = arith.constant 1 : i32
      %swap3A_136 = arith.index_cast %rem3A_26 : i32 to index
      %swap3A_137 = arith.index_cast %swap3A_135 : i32 to index
      %swap3A_138 = arith.constant 112 : index
      %swap3A_139 = tpu.vector_load %arg8[%swap3A_136, %swap3A_137, %swap3A_138] {strides = array<i32>} : memref<2x77x768xf32, #tpu.memory_space<vmem>>, vector<1x1x16xf32>,
      %swap3A_140 = vector.shape_cast %swap3A_139 : vector<1x1x16xf32> to vector<16xf32>
      %swap3A_141 = vector.shape_cast %get3A_134 : vector<16xf32> to vector<1x1x16xf32>
      tpu.vector_store %arg8[%swap3A_136, %swap3A_137, %swap3A_138], %swap3A_141 {strides = array<i32>} : memref<2x77x768xf32, #tpu.memory_space<vmem>>, vector<1x1x16xf32>,
      %get3A_142 = arith.constant 128 : index
      %get3A_143 = tpu.vector_load %arg7[%get3A_142] {strides = array<i32>} : memref<3072xf32, #tpu.memory_space<vmem>>, vector<16xf32>,
      %get3A_144 = vector.shape_cast %get3A_143 : vector<16xf32> to vector<16xf32>
      %swap3A_145 = arith.constant 1 : i32
      %swap3A_146 = arith.index_cast %rem3A_26 : i32 to index
      %swap3A_147 = arith.index_cast %swap3A_145 : i32 to index
      %swap3A_148 = arith.constant 128 : index
      %swap3A_149 = tpu.vector_load %arg8[%swap3A_146, %swap3A_147, %swap3A_148] {strides = array<i32>} : memref<2x77x768xf32, #tpu.memory_space<vmem>>, vector<1x1x16xf32>,
      %swap3A_150 = vector.shape_cast %swap3A_149 : vector<1x1x16xf32> to vector<16xf32>
      %swap3A_151 = vector.shape_cast %get3A_144 : vector<16xf32> to vector<1x1x16xf32>
      tpu.vector_store %arg8[%swap3A_146, %swap3A_147, %swap3A_148], %swap3A_151 {strides = array<i32>} : memref<2x77x768xf32, #tpu.memory_space<vmem>>, vector<1x1x16xf32>,
      %get3A_152 = arith.constant 144 : index
      %get3A_153 = tpu.vector_load %arg7[%get3A_152] {strides = array<i32>} : memref<3072xf32, #tpu.memory_space<vmem>>, vector<16xf32>,
      %get3A_154 = vector.shape_cast %get3A_153 : vector<16xf32> to vector<16xf32>
      %swap3A_155 = arith.constant 1 : i32
      %swap3A_156 = arith.index_cast %rem3A_26 : i32 to index
      %swap3A_157 = arith.index_cast %swap3A_155 : i32 to index
      %swap3A_158 = arith.constant 144 : index
      %swap3A_159 = tpu.vector_load %arg8[%swap3A_156, %swap3A_157, %swap3A_158] {strides = array<i32>} : memref<2x77x768xf32, #tpu.memory_space<vmem>>, vector<1x1x16xf32>,
      %swap3A_160 = vector.shape_cast %swap3A_159 : vector<1x1x16xf32> to vector<16xf32>
      %swap3A_161 = vector.shape_cast %get3A_154 : vector<16xf32> to vector<1x1x16xf32>
      tpu.vector_store %arg8[%swap3A_156, %swap3A_157, %swap3A_158], %swap3A_161 {strides = array<i32>} : memref<2x77x768xf32, #tpu.memory_space<vmem>>, vector<1x1x16xf32>,
      %get3A_162 = arith.constant 160 : index
      %get3A_163 = tpu.vector_load %arg7[%get3A_162] {strides = array<i32>} : memref<3072xf32, #tpu.memory_space<vmem>>, vector<16xf32>,
      %get3A_164 = vector.shape_cast %get3A_163 : vector<16xf32> to vector<16xf32>
      %swap3A_165 = arith.constant 1 : i32
      %swap3A_166 = arith.index_cast %rem3A_26 : i32 to index
      %swap3A_167 = arith.index_cast %swap3A_165 : i32 to index
      %swap3A_168 = arith.constant 160 : index
      %swap3A_169 = tpu.vector_load %arg8[%swap3A_166, %swap3A_167, %swap3A_168] {strides = array<i32>} : memref<2x77x768xf32, #tpu.memory_space<vmem>>, vector<1x1x16xf32>,
      %swap3A_170 = vector.shape_cast %swap3A_169 : vector<1x1x16xf32> to vector<16xf32>
      %swap3A_171 = vector.shape_cast %get3A_164 : vector<16xf32> to vector<1x1x16xf32>
      tpu.vector_store %arg8[%swap3A_166, %swap3A_167, %swap3A_168], %swap3A_171 {strides = array<i32>} : memref<2x77x768xf32, #tpu.memory_space<vmem>>, vector<1x1x16xf32>,
      %get3A_172 = arith.constant 176 : index
      %get3A_173 = tpu.vector_load %arg7[%get3A_172] {strides = array<i32>} : memref<3072xf32, #tpu.memory_space<vmem>>, vector<16xf32>,
      %get3A_174 = vector.shape_cast %get3A_173 : vector<16xf32> to vector<16xf32>
      %swap3A_175 = arith.constant 1 : i32
      %swap3A_176 = arith.index_cast %rem3A_26 : i32 to index
      %swap3A_177 = arith.index_cast %swap3A_175 : i32 to index
      %swap3A_178 = arith.constant 176 : index
      %swap3A_179 = tpu.vector_load %arg8[%swap3A_176, %swap3A_177, %swap3A_178] {strides = array<i32>} : memref<2x77x768xf32, #tpu.memory_space<vmem>>, vector<1x1x16xf32>,
      %swap3A_180 = vector.shape_cast %swap3A_179 : vector<1x1x16xf32> to vector<16xf32>
      %swap3A_181 = vector.shape_cast %get3A_174 : vector<16xf32> to vector<1x1x16xf32>
      tpu.vector_store %arg8[%swap3A_176, %swap3A_177, %swap3A_178], %swap3A_181 {strides = array<i32>} : memref<2x77x768xf32, #tpu.memory_space<vmem>>, vector<1x1x16xf32>,
      %get3A_182 = arith.constant 192 : index
      %get3A_183 = tpu.vector_load %arg7[%get3A_182] {strides = array<i32>} : memref<3072xf32, #tpu.memory_space<vmem>>, vector<16xf32>,
      %get3A_184 = vector.shape_cast %get3A_183 : vector<16xf32> to vector<16xf32>
      %swap3A_185 = arith.constant 1 : i32
      %swap3A_186 = arith.index_cast %rem3A_26 : i32 to index
      %swap3A_187 = arith.index_cast %swap3A_185 : i32 to index
      %swap3A_188 = arith.constant 192 : index
      %swap3A_189 = tpu.vector_load %arg8[%swap3A_186, %swap3A_187, %swap3A_188] {strides = array<i32>} : memref<2x77x768xf32, #tpu.memory_space<vmem>>, vector<1x1x16xf32>,
      %swap3A_190 = vector.shape_cast %swap3A_189 : vector<1x1x16xf32> to vector<16xf32>
      %swap3A_191 = vector.shape_cast %get3A_184 : vector<16xf32> to vector<1x1x16xf32>
      tpu.vector_store %arg8[%swap3A_186, %swap3A_187, %swap3A_188], %swap3A_191 {strides = array<i32>} : memref<2x77x768xf32, #tpu.memory_space<vmem>>, vector<1x1x16xf32>,
      %get3A_192 = arith.constant 208 : index
      %get3A_193 = tpu.vector_load %arg7[%get3A_192] {strides = array<i32>} : memref<3072xf32, #tpu.memory_space<vmem>>, vector<16xf32>,
      %get3A_194 = vector.shape_cast %get3A_193 : vector<16xf32> to vector<16xf32>
      %swap3A_195 = arith.constant 1 : i32
      %swap3A_196 = arith.index_cast %rem3A_26 : i32 to index
      %swap3A_197 = arith.index_cast %swap3A_195 : i32 to index
      %swap3A_198 = arith.constant 208 : index
      %swap3A_199 = tpu.vector_load %arg8[%swap3A_196, %swap3A_197, %swap3A_198] {strides = array<i32>} : memref<2x77x768xf32, #tpu.memory_space<vmem>>, vector<1x1x16xf32>,
      %swap3A_200 = vector.shape_cast %swap3A_199 : vector<1x1x16xf32> to vector<16xf32>
      %swap3A_201 = vector.shape_cast %get3A_194 : vector<16xf32> to vector<1x1x16xf32>
      tpu.vector_store %arg8[%swap3A_196, %swap3A_197, %swap3A_198], %swap3A_201 {strides = array<i32>} : memref<2x77x768xf32, #tpu.memory_space<vmem>>, vector<1x1x16xf32>,
      %get3A_202 = arith.constant 224 : index
      %get3A_203 = tpu.vector_load %arg7[%get3A_202] {strides = array<i32>} : memref<3072xf32, #tpu.memory_space<vmem>>, vector<16xf32>,
      %get3A_204 = vector.shape_cast %get3A_203 : vector<16xf32> to vector<16xf32>
      %swap3A_205 = arith.constant 1 : i32
      %swap3A_206 = arith.index_cast %rem3A_26 : i32 to index
      %swap3A_207 = arith.index_cast %swap3A_205 : i32 to index
      %swap3A_208 = arith.constant 224 : index
      %swap3A_209 = tpu.vector_load %arg8[%swap3A_206, %swap3A_207, %swap3A_208] {strides = array<i32>} : memref<2x77x768xf32, #tpu.memory_space<vmem>>, vector<1x1x16xf32>,
      %swap3A_210 = vector.shape_cast %swap3A_209 : vector<1x1x16xf32> to vector<16xf32>
      %swap3A_211 = vector.shape_cast %get3A_204 : vector<16xf32> to vector<1x1x16xf32>
      tpu.vector_store %arg8[%swap3A_206, %swap3A_207, %swap3A_208], %swap3A_211 {strides = array<i32>} : memref<2x77x768xf32, #tpu.memory_space<vmem>>, vector<1x1x16xf32>,
      %get3A_212 = arith.constant 240 : index
      %get3A_213 = tpu.vector_load %arg7[%get3A_212] {strides = array<i32>} : memref<3072xf32, #tpu.memory_space<vmem>>, vector<16xf32>,
      %get3A_214 = vector.shape_cast %get3A_213 : vector<16xf32> to vector<16xf32>
      %swap3A_215 = arith.constant 1 : i32
      %swap3A_216 = arith.index_cast %rem3A_26 : i32 to index
      %swap3A_217 = arith.index_cast %swap3A_215 : i32 to index
      %swap3A_218 = arith.constant 240 : index
      %swap3A_219 = tpu.vector_load %arg8[%swap3A_216, %swap3A_217, %swap3A_218] {strides = array<i32>} : memref<2x77x768xf32, #tpu.memory_space<vmem>>, vector<1x1x16xf32>,
      %swap3A_220 = vector.shape_cast %swap3A_219 : vector<1x1x16xf32> to vector<16xf32>
      %swap3A_221 = vector.shape_cast %get3A_214 : vector<16xf32> to vector<1x1x16xf32>
      tpu.vector_store %arg8[%swap3A_216, %swap3A_217, %swap3A_218], %swap3A_221 {strides = array<i32>} : memref<2x77x768xf32, #tpu.memory_space<vmem>>, vector<1x1x16xf32>,
      %get3A_222 = arith.constant 256 : index
      %get3A_223 = tpu.vector_load %arg7[%get3A_222] {strides = array<i32>} : memref<3072xf32, #tpu.memory_space<vmem>>, vector<16xf32>,
      %get3A_224 = vector.shape_cast %get3A_223 : vector<16xf32> to vector<16xf32>
      %swap3A_225 = arith.constant 1 : i32
      %swap3A_226 = arith.index_cast %rem3A_26 : i32 to index
      %swap3A_227 = arith.index_cast %swap3A_225 : i32 to index
      %swap3A_228 = arith.constant 256 : index
      %swap3A_229 = tpu.vector_load %arg8[%swap3A_226, %swap3A_227, %swap3A_228] {strides = array<i32>} : memref<2x77x768xf32, #tpu.memory_space<vmem>>, vector<1x1x16xf32>,
      %swap3A_230 = vector.shape_cast %swap3A_229 : vector<1x1x16xf32> to vector<16xf32>
      %swap3A_231 = vector.shape_cast %get3A_224 : vector<16xf32> to vector<1x1x16xf32>
      tpu.vector_store %arg8[%swap3A_226, %swap3A_227, %swap3A_228], %swap3A_231 {strides = array<i32>} : memref<2x77x768xf32, #tpu.memory_space<vmem>>, vector<1x1x16xf32>,
      %get3A_232 = arith.constant 272 : index
      %get3A_233 = tpu.vector_load %arg7[%get3A_232] {strides = array<i32>} : memref<3072xf32, #tpu.memory_space<vmem>>, vector<16xf32>,
      %get3A_234 = vector.shape_cast %get3A_233 : vector<16xf32> to vector<16xf32>
      %swap3A_235 = arith.constant 1 : i32
      %swap3A_236 = arith.index_cast %rem3A_26 : i32 to index
      %swap3A_237 = arith.index_cast %swap3A_235 : i32 to index
      %swap3A_238 = arith.constant 272 : index
      %swap3A_239 = tpu.vector_load %arg8[%swap3A_236, %swap3A_237, %swap3A_238] {strides = array<i32>} : memref<2x77x768xf32, #tpu.memory_space<vmem>>, vector<1x1x16xf32>,
      %swap3A_240 = vector.shape_cast %swap3A_239 : vector<1x1x16xf32> to vector<16xf32>
      %swap3A_241 = vector.shape_cast %get3A_234 : vector<16xf32> to vector<1x1x16xf32>
      tpu.vector_store %arg8[%swap3A_236, %swap3A_237, %swap3A_238], %swap3A_241 {strides = array<i32>} : memref<2x77x768xf32, #tpu.memory_space<vmem>>, vector<1x1x16xf32>,
      %get3A_242 = arith.constant 288 : index
      %get3A_243 = tpu.vector_load %arg7[%get3A_242] {strides = array<i32>} : memref<3072xf32, #tpu.memory_space<vmem>>, vector<16xf32>,
      %get3A_244 = vector.shape_cast %get3A_243 : vector<16xf32> to vector<16xf32>
      %swap3A_245 = arith.constant 1 : i32
      %swap3A_246 = arith.index_cast %rem3A_26 : i32 to index
      %swap3A_247 = arith.index_cast %swap3A_245 : i32 to index
      %swap3A_248 = arith.constant 288 : index
      %swap3A_249 = tpu.vector_load %arg8[%swap3A_246, %swap3A_247, %swap3A_248] {strides = array<i32>} : memref<2x77x768xf32, #tpu.memory_space<vmem>>, vector<1x1x16xf32>,
      %swap3A_250 = vector.shape_cast %swap3A_249 : vector<1x1x16xf32> to vector<16xf32>
      %swap3A_251 = vector.shape_cast %get3A_244 : vector<16xf32> to vector<1x1x16xf32>
      tpu.vector_store %arg8[%swap3A_246, %swap3A_247, %swap3A_248], %swap3A_251 {strides = array<i32>} : memref<2x77x768xf32, #tpu.memory_space<vmem>>, vector<1x1x16xf32>,
      %get3A_252 = arith.constant 304 : index
      %get3A_253 = tpu.vector_load %arg7[%get3A_252] {strides = array<i32>} : memref<3072xf32, #tpu.memory_space<vmem>>, vector<16xf32>,
      %get3A_254 = vector.shape_cast %get3A_253 : vector<16xf32> to vector<16xf32>
      %swap3A_255 = arith.constant 1 : i32
      %swap3A_256 = arith.index_cast %rem3A_26 : i32 to index
      %swap3A_257 = arith.index_cast %swap3A_255 : i32 to index
      %swap3A_258 = arith.constant 304 : index
      %swap3A_259 = tpu.vector_load %arg8[%swap3A_256, %swap3A_257, %swap3A_258] {strides = array<i32>} : memref<2x77x768xf32, #tpu.memory_space<vmem>>, vector<1x1x16xf32>,
      %swap3A_260 = vector.shape_cast %swap3A_259 : vector<1x1x16xf32> to vector<16xf32>
      %swap3A_261 = vector.shape_cast %get3A_254 : vector<16xf32> to vector<1x1x16xf32>
      tpu.vector_store %arg8[%swap3A_256, %swap3A_257, %swap3A_258], %swap3A_261 {strides = array<i32>} : memref<2x77x768xf32, #tpu.memory_space<vmem>>, vector<1x1x16xf32>,
      %get3A_262 = arith.constant 320 : index
      %get3A_263 = tpu.vector_load %arg7[%get3A_262] {strides = array<i32>} : memref<3072xf32, #tpu.memory_space<vmem>>, vector<16xf32>,
      %get3A_264 = vector.shape_cast %get3A_263 : vector<16xf32> to vector<16xf32>
      %swap3A_265 = arith.constant 1 : i32
      %swap3A_266 = arith.index_cast %rem3A_26 : i32 to index
      %swap3A_267 = arith.index_cast %swap3A_265 : i32 to index
      %swap3A_268 = arith.constant 320 : index
      %swap3A_269 = tpu.vector_load %arg8[%swap3A_266, %swap3A_267, %swap3A_268] {strides = array<i32>} : memref<2x77x768xf32, #tpu.memory_space<vmem>>, vector<1x1x16xf32>,
      %swap3A_270 = vector.shape_cast %swap3A_269 : vector<1x1x16xf32> to vector<16xf32>
      %swap3A_271 = vector.shape_cast %get3A_264 : vector<16xf32> to vector<1x1x16xf32>
      tpu.vector_store %arg8[%swap3A_266, %swap3A_267, %swap3A_268], %swap3A_271 {strides = array<i32>} : memref<2x77x768xf32, #tpu.memory_space<vmem>>, vector<1x1x16xf32>,
      %get3A_272 = arith.constant 336 : index
      %get3A_273 = tpu.vector_load %arg7[%get3A_272] {strides = array<i32>} : memref<3072xf32, #tpu.memory_space<vmem>>, vector<16xf32>,
      %get3A_274 = vector.shape_cast %get3A_273 : vector<16xf32> to vector<16xf32>
      %swap3A_275 = arith.constant 1 : i32
      %swap3A_276 = arith.index_cast %rem3A_26 : i32 to index
      %swap3A_277 = arith.index_cast %swap3A_275 : i32 to index
      %swap3A_278 = arith.constant 336 : index
      %swap3A_279 = tpu.vector_load %arg8[%swap3A_276, %swap3A_277, %swap3A_278] {strides = array<i32>} : memref<2x77x768xf32, #tpu.memory_space<vmem>>, vector<1x1x16xf32>,
      %swap3A_280 = vector.shape_cast %swap3A_279 : vector<1x1x16xf32> to vector<16xf32>
      %swap3A_281 = vector.shape_cast %get3A_274 : vector<16xf32> to vector<1x1x16xf32>
      tpu.vector_store %arg8[%swap3A_276, %swap3A_277, %swap3A_278], %swap3A_281 {strides = array<i32>} : memref<2x77x768xf32, #tpu.memory_space<vmem>>, vector<1x1x16xf32>,
      %get3A_282 = arith.constant 352 : index
      %get3A_283 = tpu.vector_load %arg7[%get3A_282] {strides = array<i32>} : memref<3072xf32, #tpu.memory_space<vmem>>, vector<16xf32>,
      %get3A_284 = vector.shape_cast %get3A_283 : vector<16xf32> to vector<16xf32>
      %swap3A_285 = arith.constant 1 : i32
      %swap3A_286 = arith.index_cast %rem3A_26 : i32 to index
      %swap3A_287 = arith.index_cast %swap3A_285 : i32 to index
      %swap3A_288 = arith.constant 352 : index
      %swap3A_289 = tpu.vector_load %arg8[%swap3A_286, %swap3A_287, %swap3A_288] {strides = array<i32>} : memref<2x77x768xf32, #tpu.memory_space<vmem>>, vector<1x1x16xf32>,
      %swap3A_290 = vector.shape_cast %swap3A_289 : vector<1x1x16xf32> to vector<16xf32>
      %swap3A_291 = vector.shape_cast %get3A_284 : vector<16xf32> to vector<1x1x16xf32>
      tpu.vector_store %arg8[%swap3A_286, %swap3A_287, %swap3A_288], %swap3A_291 {strides = array<i32>} : memref<2x77x768xf32, #tpu.memory_space<vmem>>, vector<1x1x16xf32>,
      %get3A_292 = arith.constant 368 : index
      %get3A_293 = tpu.vector_load %arg7[%get3A_292] {strides = array<i32>} : memref<3072xf32, #tpu.memory_space<vmem>>, vector<16xf32>,
      %get3A_294 = vector.shape_cast %get3A_293 : vector<16xf32> to vector<16xf32>
      %swap3A_295 = arith.constant 1 : i32
      %swap3A_296 = arith.index_cast %rem3A_26 : i32 to index
      %swap3A_297 = arith.index_cast %swap3A_295 : i32 to index
      %swap3A_298 = arith.constant 368 : index
      %swap3A_299 = tpu.vector_load %arg8[%swap3A_296, %swap3A_297, %swap3A_298] {strides = array<i32>} : memref<2x77x768xf32, #tpu.memory_space<vmem>>, vector<1x1x16xf32>,
      %swap3A_300 = vector.shape_cast %swap3A_299 : vector<1x1x16xf32> to vector<16xf32>
      %swap3A_301 = vector.shape_cast %get3A_294 : vector<16xf32> to vector<1x1x16xf32>
      tpu.vector_store %arg8[%swap3A_296, %swap3A_297, %swap3A_298], %swap3A_301 {strides = array<i32>} : memref<2x77x768xf32, #tpu.memory_space<vmem>>, vector<1x1x16xf32>,
      %get3A_302 = arith.constant 384 : index
      %get3A_303 = tpu.vector_load %arg7[%get3A_302] {strides = array<i32>} : memref<3072xf32, #tpu.memory_space<vmem>>, vector<16xf32>,
      %get3A_304 = vector.shape_cast %get3A_303 : vector<16xf32> to vector<16xf32>
      %swap3A_305 = arith.constant 1 : i32
      %swap3A_306 = arith.index_cast %rem3A_26 : i32 to index
      %swap3A_307 = arith.index_cast %swap3A_305 : i32 to index
      %swap3A_308 = arith.constant 384 : index
      %swap3A_309 = tpu.vector_load %arg8[%swap3A_306, %swap3A_307, %swap3A_308] {strides = array<i32>} : memref<2x77x768xf32, #tpu.memory_space<vmem>>, vector<1x1x16xf32>,
      %swap3A_310 = vector.shape_cast %swap3A_309 : vector<1x1x16xf32> to vector<16xf32>
      %swap3A_311 = vector.shape_cast %get3A_304 : vector<16xf32> to vector<1x1x16xf32>
      tpu.vector_store %arg8[%swap3A_306, %swap3A_307, %swap3A_308], %swap3A_311 {strides = array<i32>} : memref<2x77x768xf32, #tpu.memory_space<vmem>>, vector<1x1x16xf32>,
      %get3A_312 = arith.constant 400 : index
      %get3A_313 = tpu.vector_load %arg7[%get3A_312] {strides = array<i32>} : memref<3072xf32, #tpu.memory_space<vmem>>, vector<16xf32>,
      %get3A_314 = vector.shape_cast %get3A_313 : vector<16xf32> to vector<16xf32>
      %swap3A_315 = arith.constant 1 : i32
      %swap3A_316 = arith.index_cast %rem3A_26 : i32 to index
      %swap3A_317 = arith.index_cast %swap3A_315 : i32 to index
      %swap3A_318 = arith.constant 400 : index
      %swap3A_319 = tpu.vector_load %arg8[%swap3A_316, %swap3A_317, %swap3A_318] {strides = array<i32>} : memref<2x77x768xf32, #tpu.memory_space<vmem>>, vector<1x1x16xf32>,
      %swap3A_320 = vector.shape_cast %swap3A_319 : vector<1x1x16xf32> to vector<16xf32>
      %swap3A_321 = vector.shape_cast %get3A_314 : vector<16xf32> to vector<1x1x16xf32>
      tpu.vector_store %arg8[%swap3A_316, %swap3A_317, %swap3A_318], %swap3A_321 {strides = array<i32>} : memref<2x77x768xf32, #tpu.memory_space<vmem>>, vector<1x1x16xf32>,
      %get3A_322 = arith.constant 416 : index
      %get3A_323 = tpu.vector_load %arg7[%get3A_322] {strides = array<i32>} : memref<3072xf32, #tpu.memory_space<vmem>>, vector<16xf32>,
      %get3A_324 = vector.shape_cast %get3A_323 : vector<16xf32> to vector<16xf32>
      %swap3A_325 = arith.constant 1 : i32
      %swap3A_326 = arith.index_cast %rem3A_26 : i32 to index
      %swap3A_327 = arith.index_cast %swap3A_325 : i32 to index
      %swap3A_328 = arith.constant 416 : index
      %swap3A_329 = tpu.vector_load %arg8[%swap3A_326, %swap3A_327, %swap3A_328] {strides = array<i32>} : memref<2x77x768xf32, #tpu.memory_space<vmem>>, vector<1x1x16xf32>,
      %swap3A_330 = vector.shape_cast %swap3A_329 : vector<1x1x16xf32> to vector<16xf32>
      %swap3A_331 = vector.shape_cast %get3A_324 : vector<16xf32> to vector<1x1x16xf32>
      tpu.vector_store %arg8[%swap3A_326, %swap3A_327, %swap3A_328], %swap3A_331 {strides = array<i32>} : memref<2x77x768xf32, #tpu.memory_space<vmem>>, vector<1x1x16xf32>,
      %get3A_332 = arith.constant 432 : index
      %get3A_333 = tpu.vector_load %arg7[%get3A_332] {strides = array<i32>} : memref<3072xf32, #tpu.memory_space<vmem>>, vector<16xf32>,
      %get3A_334 = vector.shape_cast %get3A_333 : vector<16xf32> to vector<16xf32>
      %swap3A_335 = arith.constant 1 : i32
      %swap3A_336 = arith.index_cast %rem3A_26 : i32 to index
      %swap3A_337 = arith.index_cast %swap3A_335 : i32 to index
      %swap3A_338 = arith.constant 432 : index
      %swap3A_339 = tpu.vector_load %arg8[%swap3A_336, %swap3A_337, %swap3A_338] {strides = array<i32>} : memref<2x77x768xf32, #tpu.memory_space<vmem>>, vector<1x1x16xf32>,
      %swap3A_340 = vector.shape_cast %swap3A_339 : vector<1x1x16xf32> to vector<16xf32>
      %swap3A_341 = vector.shape_cast %get3A_334 : vector<16xf32> to vector<1x1x16xf32>
      tpu.vector_store %arg8[%swap3A_336, %swap3A_337, %swap3A_338], %swap3A_341 {strides = array<i32>} : memref<2x77x768xf32, #tpu.memory_space<vmem>>, vector<1x1x16xf32>,
      %get3A_342 = arith.constant 448 : index
      %get3A_343 = tpu.vector_load %arg7[%get3A_342] {strides = array<i32>} : memref<3072xf32, #tpu.memory_space<vmem>>, vector<16xf32>,
      %get3A_344 = vector.shape_cast %get3A_343 : vector<16xf32> to vector<16xf32>
      %swap3A_345 = arith.constant 1 : i32
      %swap3A_346 = arith.index_cast %rem3A_26 : i32 to index
      %swap3A_347 = arith.index_cast %swap3A_345 : i32 to index
      %swap3A_348 = arith.constant 448 : index
      %swap3A_349 = tpu.vector_load %arg8[%swap3A_346, %swap3A_347, %swap3A_348] {strides = array<i32>} : memref<2x77x768xf32, #tpu.memory_space<vmem>>, vector<1x1x16xf32>,
      %swap3A_350 = vector.shape_cast %swap3A_349 : vector<1x1x16xf32> to vector<16xf32>
      %swap3A_351 = vector.shape_cast %get3A_344 : vector<16xf32> to vector<1x1x16xf32>
      tpu.vector_store %arg8[%swap3A_346, %swap3A_347, %swap3A_348], %swap3A_351 {strides = array<i32>} : memref<2x77x768xf32, #tpu.memory_space<vmem>>, vector<1x1x16xf32>,
      %get3A_352 = arith.constant 464 : index
      %get3A_353 = tpu.vector_load %arg7[%get3A_352] {strides = array<i32>} : memref<3072xf32, #tpu.memory_space<vmem>>, vector<16xf32>,
      %get3A_354 = vector.shape_cast %get3A_353 : vector<16xf32> to vector<16xf32>
      %swap3A_355 = arith.constant 1 : i32
      %swap3A_356 = arith.index_cast %rem3A_26 : i32 to index
      %swap3A_357 = arith.index_cast %swap3A_355 : i32 to index
      %swap3A_358 = arith.constant 464 : index
      %swap3A_359 = tpu.vector_load %arg8[%swap3A_356, %swap3A_357, %swap3A_358] {strides = array<i32>} : memref<2x77x768xf32, #tpu.memory_space<vmem>>, vector<1x1x16xf32>,
      %swap3A_360 = vector.shape_cast %swap3A_359 : vector<1x1x16xf32> to vector<16xf32>
      %swap3A_361 = vector.shape_cast %get3A_354 : vector<16xf32> to vector<1x1x16xf32>
      tpu.vector_store %arg8[%swap3A_356, %swap3A_357, %swap3A_358], %swap3A_361 {strides = array<i32>} : memref<2x77x768xf32, #tpu.memory_space<vmem>>, vector<1x1x16xf32>,
      %get3A_362 = arith.constant 480 : index
      %get3A_363 = tpu.vector_load %arg7[%get3A_362] {strides = array<i32>} : memref<3072xf32, #tpu.memory_space<vmem>>, vector<16xf32>,
      %get3A_364 = vector.shape_cast %get3A_363 : vector<16xf32> to vector<16xf32>
      %swap3A_365 = arith.constant 1 : i32
      %swap3A_366 = arith.index_cast %rem3A_26 : i32 to index
      %swap3A_367 = arith.index_cast %swap3A_365 : i32 to index
      %swap3A_368 = arith.constant 480 : index
      %swap3A_369 = tpu.vector_load %arg8[%swap3A_366, %swap3A_367, %swap3A_368] {strides = array<i32>} : memref<2x77x768xf32, #tpu.memory_space<vmem>>, vector<1x1x16xf32>,
      %swap3A_370 = vector.shape_cast %swap3A_369 : vector<1x1x16xf32> to vector<16xf32>
      %swap3A_371 = vector.shape_cast %get3A_364 : vector<16xf32> to vector<1x1x16xf32>
      tpu.vector_store %arg8[%swap3A_366, %swap3A_367, %swap3A_368], %swap3A_371 {strides = array<i32>} : memref<2x77x768xf32, #tpu.memory_space<vmem>>, vector<1x1x16xf32>,
      %get3A_372 = arith.constant 496 : index
      %get3A_373 = tpu.vector_load %arg7[%get3A_372] {strides = array<i32>} : memref<3072xf32, #tpu.memory_space<vmem>>, vector<16xf32>,
      %get3A_374 = vector.shape_cast %get3A_373 : vector<16xf32> to vector<16xf32>
      %swap3A_375 = arith.constant 1 : i32
      %swap3A_376 = arith.index_cast %rem3A_26 : i32 to index
      %swap3A_377 = arith.index_cast %swap3A_375 : i32 to index
      %swap3A_378 = arith.constant 496 : index
      %swap3A_379 = tpu.vector_load %arg8[%swap3A_376, %swap3A_377, %swap3A_378] {strides = array<i32>} : memref<2x77x768xf32, #tpu.memory_space<vmem>>, vector<1x1x16xf32>,
      %swap3A_380 = vector.shape_cast %swap3A_379 : vector<1x1x16xf32> to vector<16xf32>
      %swap3A_381 = vector.shape_cast %get3A_374 : vector<16xf32> to vector<1x1x16xf32>
      tpu.vector_store %arg8[%swap3A_376, %swap3A_377, %swap3A_378], %swap3A_381 {strides = array<i32>} : memref<2x77x768xf32, #tpu.memory_space<vmem>>, vector<1x1x16xf32>,
      %get3A_382 = arith.constant 512 : index
      %get3A_383 = tpu.vector_load %arg7[%get3A_382] {strides = array<i32>} : memref<3072xf32, #tpu.memory_space<vmem>>, vector<16xf32>,
      %get3A_384 = vector.shape_cast %get3A_383 : vector<16xf32> to vector<16xf32>
      %swap3A_385 = arith.constant 1 : i32
      %swap3A_386 = arith.index_cast %rem3A_26 : i32 to index
      %swap3A_387 = arith.index_cast %swap3A_385 : i32 to index
      %swap3A_388 = arith.constant 512 : index
      %swap3A_389 = tpu.vector_load %arg8[%swap3A_386, %swap3A_387, %swap3A_388] {strides = array<i32>} : memref<2x77x768xf32, #tpu.memory_space<vmem>>, vector<1x1x16xf32>,
      %swap3A_390 = vector.shape_cast %swap3A_389 : vector<1x1x16xf32> to vector<16xf32>
      %swap3A_391 = vector.shape_cast %get3A_384 : vector<16xf32> to vector<1x1x16xf32>
      tpu.vector_store %arg8[%swap3A_386, %swap3A_387, %swap3A_388], %swap3A_391 {strides = array<i32>} : memref<2x77x768xf32, #tpu.memory_space<vmem>>, vector<1x1x16xf32>,
      %get3A_392 = arith.constant 528 : index
      %get3A_393 = tpu.vector_load %arg7[%get3A_392] {strides = array<i32>} : memref<3072xf32, #tpu.memory_space<vmem>>, vector<16xf32>,
      %get3A_394 = vector.shape_cast %get3A_393 : vector<16xf32> to vector<16xf32>
      %swap3A_395 = arith.constant 1 : i32
      %swap3A_396 = arith.index_cast %rem3A_26 : i32 to index
      %swap3A_397 = arith.index_cast %swap3A_395 : i32 to index
      %swap3A_398 = arith.constant 528 : index
      %swap3A_399 = tpu.vector_load %arg8[%swap3A_396, %swap3A_397, %swap3A_398] {strides = array<i32>} : memref<2x77x768xf32, #tpu.memory_space<vmem>>, vector<1x1x16xf32>,
      %swap3A_400 = vector.shape_cast %swap3A_399 : vector<1x1x16xf32> to vector<16xf32>
      %swap3A_401 = vector.shape_cast %get3A_394 : vector<16xf32> to vector<1x1x16xf32>
      tpu.vector_store %arg8[%swap3A_396, %swap3A_397, %swap3A_398], %swap3A_401 {strides = array<i32>} : memref<2x77x768xf32, #tpu.memory_space<vmem>>, vector<1x1x16xf32>,
      %get3A_402 = arith.constant 544 : index
      %get3A_403 = tpu.vector_load %arg7[%get3A_402] {strides = array<i32>} : memref<3072xf32, #tpu.memory_space<vmem>>, vector<16xf32>,
      %get3A_404 = vector.shape_cast %get3A_403 : vector<16xf32> to vector<16xf32>
      %swap3A_405 = arith.constant 1 : i32
      %swap3A_406 = arith.index_cast %rem3A_26 : i32 to index
      %swap3A_407 = arith.index_cast %swap3A_405 : i32 to index
      %swap3A_408 = arith.constant 544 : index
      %swap3A_409 = tpu.vector_load %arg8[%swap3A_406, %swap3A_407, %swap3A_408] {strides = array<i32>} : memref<2x77x768xf32, #tpu.memory_space<vmem>>, vector<1x1x16xf32>,
      %swap3A_410 = vector.shape_cast %swap3A_409 : vector<1x1x16xf32> to vector<16xf32>
      %swap3A_411 = vector.shape_cast %get3A_404 : vector<16xf32> to vector<1x1x16xf32>
      tpu.vector_store %arg8[%swap3A_406, %swap3A_407, %swap3A_408], %swap3A_411 {strides = array<i32>} : memref<2x77x768xf32, #tpu.memory_space<vmem>>, vector<1x1x16xf32>,
      %get3A_412 = arith.constant 560 : index
      %get3A_413 = tpu.vector_load %arg7[%get3A_412] {strides = array<i32>} : memref<3072xf32, #tpu.memory_space<vmem>>, vector<16xf32>,
      %get3A_414 = vector.shape_cast %get3A_413 : vector<16xf32> to vector<16xf32>
      %swap3A_415 = arith.constant 1 : i32
      %swap3A_416 = arith.index_cast %rem3A_26 : i32 to index
      %swap3A_417 = arith.index_cast %swap3A_415 : i32 to index
      %swap3A_418 = arith.constant 560 : index
      %swap3A_419 = tpu.vector_load %arg8[%swap3A_416, %swap3A_417, %swap3A_418] {strides = array<i32>} : memref<2x77x768xf32, #tpu.memory_space<vmem>>, vector<1x1x16xf32>,
      %swap3A_420 = vector.shape_cast %swap3A_419 : vector<1x1x16xf32> to vector<16xf32>
      %swap3A_421 = vector.shape_cast %get3A_414 : vector<16xf32> to vector<1x1x16xf32>
      tpu.vector_store %arg8[%swap3A_416, %swap3A_417, %swap3A_418], %swap3A_421 {strides = array<i32>} : memref<2x77x768xf32, #tpu.memory_space<vmem>>, vector<1x1x16xf32>,
      %get3A_422 = arith.constant 576 : index
      %get3A_423 = tpu.vector_load %arg7[%get3A_422] {strides = array<i32>} : memref<3072xf32, #tpu.memory_space<vmem>>, vector<16xf32>,
      %get3A_424 = vector.shape_cast %get3A_423 : vector<16xf32> to vector<16xf32>
      %swap3A_425 = arith.constant 1 : i32
      %swap3A_426 = arith.index_cast %rem3A_26 : i32 to index
      %swap3A_427 = arith.index_cast %swap3A_425 : i32 to index
      %swap3A_428 = arith.constant 576 : index
      %swap3A_429 = tpu.vector_load %arg8[%swap3A_426, %swap3A_427, %swap3A_428] {strides = array<i32>} : memref<2x77x768xf32, #tpu.memory_space<vmem>>, vector<1x1x16xf32>,
      %swap3A_430 = vector.shape_cast %swap3A_429 : vector<1x1x16xf32> to vector<16xf32>
      %swap3A_431 = vector.shape_cast %get3A_424 : vector<16xf32> to vector<1x1x16xf32>
      tpu.vector_store %arg8[%swap3A_426, %swap3A_427, %swap3A_428], %swap3A_431 {strides = array<i32>} : memref<2x77x768xf32, #tpu.memory_space<vmem>>, vector<1x1x16xf32>,
      %get3A_432 = arith.constant 592 : index
      %get3A_433 = tpu.vector_load %arg7[%get3A_432] {strides = array<i32>} : memref<3072xf32, #tpu.memory_space<vmem>>, vector<16xf32>,
      %get3A_434 = vector.shape_cast %get3A_433 : vector<16xf32> to vector<16xf32>
      %swap3A_435 = arith.constant 1 : i32
      %swap3A_436 = arith.index_cast %rem3A_26 : i32 to index
      %swap3A_437 = arith.index_cast %swap3A_435 : i32 to index
      %swap3A_438 = arith.constant 592 : index
      %swap3A_439 = tpu.vector_load %arg8[%swap3A_436, %swap3A_437, %swap3A_438] {strides = array<i32>} : memref<2x77x768xf32, #tpu.memory_space<vmem>>, vector<1x1x16xf32>,
      %swap3A_440 = vector.shape_cast %swap3A_439 : vector<1x1x16xf32> to vector<16xf32>
      %swap3A_441 = vector.shape_cast %get3A_434 : vector<16xf32> to vector<1x1x16xf32>
      tpu.vector_store %arg8[%swap3A_436, %swap3A_437, %swap3A_438], %swap3A_441 {strides = array<i32>} : memref<2x77x768xf32, #tpu.memory_space<vmem>>, vector<1x1x16xf32>,
      %get3A_442 = arith.constant 608 : index
      %get3A_443 = tpu.vector_load %arg7[%get3A_442] {strides = array<i32>} : memref<3072xf32, #tpu.memory_space<vmem>>, vector<16xf32>,
      %get3A_444 = vector.shape_cast %get3A_443 : vector<16xf32> to vector<16xf32>
      %swap3A_445 = arith.constant 1 : i32
      %swap3A_446 = arith.index_cast %rem3A_26 : i32 to index
      %swap3A_447 = arith.index_cast %swap3A_445 : i32 to index
      %swap3A_448 = arith.constant 608 : index
      %swap3A_449 = tpu.vector_load %arg8[%swap3A_446, %swap3A_447, %swap3A_448] {strides = array<i32>} : memref<2x77x768xf32, #tpu.memory_space<vmem>>, vector<1x1x16xf32>,
      %swap3A_450 = vector.shape_cast %swap3A_449 : vector<1x1x16xf32> to vector<16xf32>
      %swap3A_451 = vector.shape_cast %get3A_444 : vector<16xf32> to vector<1x1x16xf32>
      tpu.vector_store %arg8[%swap3A_446, %swap3A_447, %swap3A_448], %swap3A_451 {strides = array<i32>} : memref<2x77x768xf32, #tpu.memory_space<vmem>>, vector<1x1x16xf32>,
      %get3A_452 = arith.constant 624 : index
      %get3A_453 = tpu.vector_load %arg7[%get3A_452] {strides = array<i32>} : memref<3072xf32, #tpu.memory_space<vmem>>, vector<16xf32>,
      %get3A_454 = vector.shape_cast %get3A_453 : vector<16xf32> to vector<16xf32>
      %swap3A_455 = arith.constant 1 : i32
      %swap3A_456 = arith.index_cast %rem3A_26 : i32 to index
      %swap3A_457 = arith.index_cast %swap3A_455 : i32 to index
      %swap3A_458 = arith.constant 624 : index
      %swap3A_459 = tpu.vector_load %arg8[%swap3A_456, %swap3A_457, %swap3A_458] {strides = array<i32>} : memref<2x77x768xf32, #tpu.memory_space<vmem>>, vector<1x1x16xf32>,
      %swap3A_460 = vector.shape_cast %swap3A_459 : vector<1x1x16xf32> to vector<16xf32>
      %swap3A_461 = vector.shape_cast %get3A_454 : vector<16xf32> to vector<1x1x16xf32>
      tpu.vector_store %arg8[%swap3A_456, %swap3A_457, %swap3A_458], %swap3A_461 {strides = array<i32>} : memref<2x77x768xf32, #tpu.memory_space<vmem>>, vector<1x1x16xf32>,
      %get3A_462 = arith.constant 640 : index
      %get3A_463 = tpu.vector_load %arg7[%get3A_462] {strides = array<i32>} : memref<3072xf32, #tpu.memory_space<vmem>>, vector<16xf32>,
      %get3A_464 = vector.shape_cast %get3A_463 : vector<16xf32> to vector<16xf32>
      %swap3A_465 = arith.constant 1 : i32
      %swap3A_466 = arith.index_cast %rem3A_26 : i32 to index
      %swap3A_467 = arith.index_cast %swap3A_465 : i32 to index
      %swap3A_468 = arith.constant 640 : index
      %swap3A_469 = tpu.vector_load %arg8[%swap3A_466, %swap3A_467, %swap3A_468] {strides = array<i32>} : memref<2x77x768xf32, #tpu.memory_space<vmem>>, vector<1x1x16xf32>,
      %swap3A_470 = vector.shape_cast %swap3A_469 : vector<1x1x16xf32> to vector<16xf32>
      %swap3A_471 = vector.shape_cast %get3A_464 : vector<16xf32> to vector<1x1x16xf32>
      tpu.vector_store %arg8[%swap3A_466, %swap3A_467, %swap3A_468], %swap3A_471 {strides = array<i32>} : memref<2x77x768xf32, #tpu.memory_space<vmem>>, vector<1x1x16xf32>,
      %get3A_472 = arith.constant 656 : index
      %get3A_473 = tpu.vector_load %arg7[%get3A_472] {strides = array<i32>} : memref<3072xf32, #tpu.memory_space<vmem>>, vector<16xf32>,
      %get3A_474 = vector.shape_cast %get3A_473 : vector<16xf32> to vector<16xf32>
      %swap3A_475 = arith.constant 1 : i32
      %swap3A_476 = arith.index_cast %rem3A_26 : i32 to index
      %swap3A_477 = arith.index_cast %swap3A_475 : i32 to index
      %swap3A_478 = arith.constant 656 : index
      %swap3A_479 = tpu.vector_load %arg8[%swap3A_476, %swap3A_477, %swap3A_478] {strides = array<i32>} : memref<2x77x768xf32, #tpu.memory_space<vmem>>, vector<1x1x16xf32>,
      %swap3A_480 = vector.shape_cast %swap3A_479 : vector<1x1x16xf32> to vector<16xf32>
      %swap3A_481 = vector.shape_cast %get3A_474 : vector<16xf32> to vector<1x1x16xf32>
      tpu.vector_store %arg8[%swap3A_476, %swap3A_477, %swap3A_478], %swap3A_481 {strides = array<i32>} : memref<2x77x768xf32, #tpu.memory_space<vmem>>, vector<1x1x16xf32>,
      %get3A_482 = arith.constant 672 : index
      %get3A_483 = tpu.vector_load %arg7[%get3A_482] {strides = array<i32>} : memref<3072xf32, #tpu.memory_space<vmem>>, vector<16xf32>,
      %get3A_484 = vector.shape_cast %get3A_483 : vector<16xf32> to vector<16xf32>
      %swap3A_485 = arith.constant 1 : i32
      %swap3A_486 = arith.index_cast %rem3A_26 : i32 to index
      %swap3A_487 = arith.index_cast %swap3A_485 : i32 to index
      %swap3A_488 = arith.constant 672 : index
      %swap3A_489 = tpu.vector_load %arg8[%swap3A_486, %swap3A_487, %swap3A_488] {strides = array<i32>} : memref<2x77x768xf32, #tpu.memory_space<vmem>>, vector<1x1x16xf32>,
      %swap3A_490 = vector.shape_cast %swap3A_489 : vector<1x1x16xf32> to vector<16xf32>
      %swap3A_491 = vector.shape_cast %get3A_484 : vector<16xf32> to vector<1x1x16xf32>
      tpu.vector_store %arg8[%swap3A_486, %swap3A_487, %swap3A_488], %swap3A_491 {strides = array<i32>} : memref<2x77x768xf32, #tpu.memory_space<vmem>>, vector<1x1x16xf32>,
      %get3A_492 = arith.constant 688 : index
      %get3A_493 = tpu.vector_load %arg7[%get3A_492] {strides = array<i32>} : memref<3072xf32, #tpu.memory_space<vmem>>, vector<16xf32>,
      %get3A_494 = vector.shape_cast %get3A_493 : vector<16xf32> to vector<16xf32>
      %swap3A_495 = arith.constant 1 : i32
      %swap3A_496 = arith.index_cast %rem3A_26 : i32 to index
      %swap3A_497 = arith.index_cast %swap3A_495 : i32 to index
      %swap3A_498 = arith.constant 688 : index
      %swap3A_499 = tpu.vector_load %arg8[%swap3A_496, %swap3A_497, %swap3A_498] {strides = array<i32>} : memref<2x77x768xf32, #tpu.memory_space<vmem>>, vector<1x1x16xf32>,
      %swap3A_500 = vector.shape_cast %swap3A_499 : vector<1x1x16xf32> to vector<16xf32>
      %swap3A_501 = vector.shape_cast %get3A_494 : vector<16xf32> to vector<1x1x16xf32>
      tpu.vector_store %arg8[%swap3A_496, %swap3A_497, %swap3A_498], %swap3A_501 {strides = array<i32>} : memref<2x77x768xf32, #tpu.memory_space<vmem>>, vector<1x1x16xf32>,
      %get3A_502 = arith.constant 704 : index
      %get3A_503 = tpu.vector_load %arg7[%get3A_502] {strides = array<i32>} : memref<3072xf32, #tpu.memory_space<vmem>>, vector<16xf32>,
      %get3A_504 = vector.shape_cast %get3A_503 : vector<16xf32> to vector<16xf32>
      %swap3A_505 = arith.constant 1 : i32
      %swap3A_506 = arith.index_cast %rem3A_26 : i32 to index
      %swap3A_507 = arith.index_cast %swap3A_505 : i32 to index
      %swap3A_508 = arith.constant 704 : index
      %swap3A_509 = tpu.vector_load %arg8[%swap3A_506, %swap3A_507, %swap3A_508] {strides = array<i32>} : memref<2x77x768xf32, #tpu.memory_space<vmem>>, vector<1x1x16xf32>,
      %swap3A_510 = vector.shape_cast %swap3A_509 : vector<1x1x16xf32> to vector<16xf32>
      %swap3A_511 = vector.shape_cast %get3A_504 : vector<16xf32> to vector<1x1x16xf32>
      tpu.vector_store %arg8[%swap3A_506, %swap3A_507, %swap3A_508], %swap3A_511 {strides = array<i32>} : memref<2x77x768xf32, #tpu.memory_space<vmem>>, vector<1x1x16xf32>,
      %get3A_512 = arith.constant 720 : index
      %get3A_513 = tpu.vector_load %arg7[%get3A_512] {strides = array<i32>} : memref<3072xf32, #tpu.memory_space<vmem>>, vector<16xf32>,
      %get3A_514 = vector.shape_cast %get3A_513 : vector<16xf32> to vector<16xf32>
      %swap3A_515 = arith.constant 1 : i32
      %swap3A_516 = arith.index_cast %rem3A_26 : i32 to index
      %swap3A_517 = arith.index_cast %swap3A_515 : i32 to index
      %swap3A_518 = arith.constant 720 : index
      %swap3A_519 = tpu.vector_load %arg8[%swap3A_516, %swap3A_517, %swap3A_518] {strides = array<i32>} : memref<2x77x768xf32, #tpu.memory_space<vmem>>, vector<1x1x16xf32>,
      %swap3A_520 = vector.shape_cast %swap3A_519 : vector<1x1x16xf32> to vector<16xf32>
      %swap3A_521 = vector.shape_cast %get3A_514 : vector<16xf32> to vector<1x1x16xf32>
      tpu.vector_store %arg8[%swap3A_516, %swap3A_517, %swap3A_518], %swap3A_521 {strides = array<i32>} : memref<2x77x768xf32, #tpu.memory_space<vmem>>, vector<1x1x16xf32>,
      %get3A_522 = arith.constant 736 : index
      %get3A_523 = tpu.vector_load %arg7[%get3A_522] {strides = array<i32>} : memref<3072xf32, #tpu.memory_space<vmem>>, vector<16xf32>,
      %get3A_524 = vector.shape_cast %get3A_523 : vector<16xf32> to vector<16xf32>
      %swap3A_525 = arith.constant 1 : i32
      %swap3A_526 = arith.index_cast %rem3A_26 : i32 to index
      %swap3A_527 = arith.index_cast %swap3A_525 : i32 to index
      %swap3A_528 = arith.constant 736 : index
      %swap3A_529 = tpu.vector_load %arg8[%swap3A_526, %swap3A_527, %swap3A_528] {strides = array<i32>} : memref<2x77x768xf32, #tpu.memory_space<vmem>>, vector<1x1x16xf32>,
      %swap3A_530 = vector.shape_cast %swap3A_529 : vector<1x1x16xf32> to vector<16xf32>
      %swap3A_531 = vector.shape_cast %get3A_524 : vector<16xf32> to vector<1x1x16xf32>
      tpu.vector_store %arg8[%swap3A_526, %swap3A_527, %swap3A_528], %swap3A_531 {strides = array<i32>} : memref<2x77x768xf32, #tpu.memory_space<vmem>>, vector<1x1x16xf32>,
      %get3A_532 = arith.constant 752 : index
      %get3A_533 = tpu.vector_load %arg7[%get3A_532] {strides = array<i32>} : memref<3072xf32, #tpu.memory_space<vmem>>, vector<16xf32>,
      %get3A_534 = vector.shape_cast %get3A_533 : vector<16xf32> to vector<16xf32>
      %swap3A_535 = arith.constant 1 : i32
      %swap3A_536 = arith.index_cast %rem3A_26 : i32 to index
      %swap3A_537 = arith.index_cast %swap3A_535 : i32 to index
      %swap3A_538 = arith.constant 752 : index
      %swap3A_539 = tpu.vector_load %arg8[%swap3A_536, %swap3A_537, %swap3A_538] {strides = array<i32>} : memref<2x77x768xf32, #tpu.memory_space<vmem>>, vector<1x1x16xf32>,
      %swap3A_540 = vector.shape_cast %swap3A_539 : vector<1x1x16xf32> to vector<16xf32>
      %swap3A_541 = vector.shape_cast %get3A_534 : vector<16xf32> to vector<1x1x16xf32>
      tpu.vector_store %arg8[%swap3A_536, %swap3A_537, %swap3A_538], %swap3A_541 {strides = array<i32>} : memref<2x77x768xf32, #tpu.memory_space<vmem>>, vector<1x1x16xf32>,
      %get3A_542 = arith.constant 768 : index
      %get3A_543 = tpu.vector_load %arg7[%get3A_542] {strides = array<i32>} : memref<3072xf32, #tpu.memory_space<vmem>>, vector<16xf32>,
      %get3A_544 = vector.shape_cast %get3A_543 : vector<16xf32> to vector<16xf32>
      %swap3A_545 = arith.constant 2 : i32
      %swap3A_546 = arith.index_cast %rem3A_26 : i32 to index
      %swap3A_547 = arith.index_cast %swap3A_545 : i32 to index
      %swap3A_548 = arith.constant 0 : index
      %swap3A_549 = tpu.vector_load %arg8[%swap3A_546, %swap3A_547, %swap3A_548] {strides = array<i32>} : memref<2x77x768xf32, #tpu.memory_space<vmem>>, vector<1x1x16xf32>,
      %swap3A_550 = vector.shape_cast %swap3A_549 : vector<1x1x16xf32> to vector<16xf32>
      %swap3A_551 = vector.shape_cast %get3A_544 : vector<16xf32> to vector<1x1x16xf32>
      tpu.vector_store %arg8[%swap3A_546, %swap3A_547, %swap3A_548], %swap3A_551 {strides = array<i32>} : memref<2x77x768xf32, #tpu.memory_space<vmem>>, vector<1x1x16xf32>,
      %get3A_552 = arith.constant 784 : index
      %get3A_553 = tpu.vector_load %arg7[%get3A_552] {strides = array<i32>} : memref<3072xf32, #tpu.memory_space<vmem>>, vector<16xf32>,
      %get3A_554 = vector.shape_cast %get3A_553 : vector<16xf32> to vector<16xf32>
      %swap3A_555 = arith.constant 2 : i32
      %swap3A_556 = arith.index_cast %rem3A_26 : i32 to index
      %swap3A_557 = arith.index_cast %swap3A_555 : i32 to index
      %swap3A_558 = arith.constant 16 : index
      %swap3A_559 = tpu.vector_load %arg8[%swap3A_556, %swap3A_557, %swap3A_558] {strides = array<i32>} : memref<2x77x768xf32, #tpu.memory_space<vmem>>, vector<1x1x16xf32>,
      %swap3A_560 = vector.shape_cast %swap3A_559 : vector<1x1x16xf32> to vector<16xf32>
      %swap3A_561 = vector.shape_cast %get3A_554 : vector<16xf32> to vector<1x1x16xf32>
      tpu.vector_store %arg8[%swap3A_556, %swap3A_557, %swap3A_558], %swap3A_561 {strides = array<i32>} : memref<2x77x768xf32, #tpu.memory_space<vmem>>, vector<1x1x16xf32>,
      %get3A_562 = arith.constant 800 : index
      %get3A_563 = tpu.vector_load %arg7[%get3A_562] {strides = array<i32>} : memref<3072xf32, #tpu.memory_space<vmem>>, vector<16xf32>,
      %get3A_564 = vector.shape_cast %get3A_563 : vector<16xf32> to vector<16xf32>
      %swap3A_565 = arith.constant 2 : i32
      %swap3A_566 = arith.index_cast %rem3A_26 : i32 to index
      %swap3A_567 = arith.index_cast %swap3A_565 : i32 to index
      %swap3A_568 = arith.constant 32 : index
      %swap3A_569 = tpu.vector_load %arg8[%swap3A_566, %swap3A_567, %swap3A_568] {strides = array<i32>} : memref<2x77x768xf32, #tpu.memory_space<vmem>>, vector<1x1x16xf32>,
      %swap3A_570 = vector.shape_cast %swap3A_569 : vector<1x1x16xf32> to vector<16xf32>
      %swap3A_571 = vector.shape_cast %get3A_564 : vector<16xf32> to vector<1x1x16xf32>
      tpu.vector_store %arg8[%swap3A_566, %swap3A_567, %swap3A_568], %swap3A_571 {strides = array<i32>} : memref<2x77x768xf32, #tpu.memory_space<vmem>>, vector<1x1x16xf32>,
      %get3A_572 = arith.constant 816 : index
      %get3A_573 = tpu.vector_load %arg7[%get3A_572] {strides = array<i32>} : memref<3072xf32, #tpu.memory_space<vmem>>, vector<16xf32>,
      %get3A_574 = vector.shape_cast %get3A_573 : vector<16xf32> to vector<16xf32>
      %swap3A_575 = arith.constant 2 : i32
      %swap3A_576 = arith.index_cast %rem3A_26 : i32 to index
      %swap3A_577 = arith.index_cast %swap3A_575 : i32 to index
      %swap3A_578 = arith.constant 48 : index
      %swap3A_579 = tpu.vector_load %arg8[%swap3A_576, %swap3A_577, %swap3A_578] {strides = array<i32>} : memref<2x77x768xf32, #tpu.memory_space<vmem>>, vector<1x1x16xf32>,
      %swap3A_580 = vector.shape_cast %swap3A_579 : vector<1x1x16xf32> to vector<16xf32>
      %swap3A_581 = vector.shape_cast %get3A_574 : vector<16xf32> to vector<1x1x16xf32>
      tpu.vector_store %arg8[%swap3A_576, %swap3A_577, %swap3A_578], %swap3A_581 {strides = array<i32>} : memref<2x77x768xf32, #tpu.memory_space<vmem>>, vector<1x1x16xf32>,
      %get3A_582 = arith.constant 832 : index
      %get3A_583 = tpu.vector_load %arg7[%get3A_582] {strides = array<i32>} : memref<3072xf32, #tpu.memory_space<vmem>>, vector<16xf32>,
      %get3A_584 = vector.shape_cast %get3A_583 : vector<16xf32> to vector<16xf32>
      %swap3A_585 = arith.constant 2 : i32
      %swap3A_586 = arith.index_cast %rem3A_26 : i32 to index
      %swap3A_587 = arith.index_cast %swap3A_585 : i32 to index
      %swap3A_588 = arith.constant 64 : index
      %swap3A_589 = tpu.vector_load %arg8[%swap3A_586, %swap3A_587, %swap3A_588] {strides = array<i32>} : memref<2x77x768xf32, #tpu.memory_space<vmem>>, vector<1x1x16xf32>,
      %swap3A_590 = vector.shape_cast %swap3A_589 : vector<1x1x16xf32> to vector<16xf32>
      %swap3A_591 = vector.shape_cast %get3A_584 : vector<16xf32> to vector<1x1x16xf32>
      tpu.vector_store %arg8[%swap3A_586, %swap3A_587, %swap3A_588], %swap3A_591 {strides = array<i32>} : memref<2x77x768xf32, #tpu.memory_space<vmem>>, vector<1x1x16xf32>,
      %get3A_592 = arith.constant 848 : index
      %get3A_593 = tpu.vector_load %arg7[%get3A_592] {strides = array<i32>} : memref<3072xf32, #tpu.memory_space<vmem>>, vector<16xf32>,
      %get3A_594 = vector.shape_cast %get3A_593 : vector<16xf32> to vector<16xf32>
      %swap3A_595 = arith.constant 2 : i32
      %swap3A_596 = arith.index_cast %rem3A_26 : i32 to index
      %swap3A_597 = arith.index_cast %swap3A_595 : i32 to index
      %swap3A_598 = arith.constant 80 : index
      %swap3A_599 = tpu.vector_load %arg8[%swap3A_596, %swap3A_597, %swap3A_598] {strides = array<i32>} : memref<2x77x768xf32, #tpu.memory_space<vmem>>, vector<1x1x16xf32>,
      %swap3A_600 = vector.shape_cast %swap3A_599 : vector<1x1x16xf32> to vector<16xf32>
      %swap3A_601 = vector.shape_cast %get3A_594 : vector<16xf32> to vector<1x1x16xf32>
      tpu.vector_store %arg8[%swap3A_596, %swap3A_597, %swap3A_598], %swap3A_601 {strides = array<i32>} : memref<2x77x768xf32, #tpu.memory_space<vmem>>, vector<1x1x16xf32>,
      %get3A_602 = arith.constant 864 : index
      %get3A_603 = tpu.vector_load %arg7[%get3A_602] {strides = array<i32>} : memref<3072xf32, #tpu.memory_space<vmem>>, vector<16xf32>,
      %get3A_604 = vector.shape_cast %get3A_603 : vector<16xf32> to vector<16xf32>
      %swap3A_605 = arith.constant 2 : i32
      %swap3A_606 = arith.index_cast %rem3A_26 : i32 to index
      %swap3A_607 = arith.index_cast %swap3A_605 : i32 to index
      %swap3A_608 = arith.constant 96 : index
      %swap3A_609 = tpu.vector_load %arg8[%swap3A_606, %swap3A_607, %swap3A_608] {strides = array<i32>} : memref<2x77x768xf32, #tpu.memory_space<vmem>>, vector<1x1x16xf32>,
      %swap3A_610 = vector.shape_cast %swap3A_609 : vector<1x1x16xf32> to vector<16xf32>
      %swap3A_611 = vector.shape_cast %get3A_604 : vector<16xf32> to vector<1x1x16xf32>
      tpu.vector_store %arg8[%swap3A_606, %swap3A_607, %swap3A_608], %swap3A_611 {strides = array<i32>} : memref<2x77x768xf32, #tpu.memory_space<vmem>>, vector<1x1x16xf32>,
      %get3A_612 = arith.constant 880 : index
      %get3A_613 = tpu.vector_load %arg7[%get3A_612] {strides = array<i32>} : memref<3072xf32, #tpu.memory_space<vmem>>, vector<16xf32>,
      %get3A_614 = vector.shape_cast %get3A_613 : vector<16xf32> to vector<16xf32>
      %swap3A_615 = arith.constant 2 : i32
      %swap3A_616 = arith.index_cast %rem3A_26 : i32 to index
      %swap3A_617 = arith.index_cast %swap3A_615 : i32 to index
      %swap3A_618 = arith.constant 112 : index
      %swap3A_619 = tpu.vector_load %arg8[%swap3A_616, %swap3A_617, %swap3A_618] {strides = array<i32>} : memref<2x77x768xf32, #tpu.memory_space<vmem>>, vector<1x1x16xf32>,
      %swap3A_620 = vector.shape_cast %swap3A_619 : vector<1x1x16xf32> to vector<16xf32>
      %swap3A_621 = vector.shape_cast %get3A_614 : vector<16xf32> to vector<1x1x16xf32>
      tpu.vector_store %arg8[%swap3A_616, %swap3A_617, %swap3A_618], %swap3A_621 {strides = array<i32>} : memref<2x77x768xf32, #tpu.memory_space<vmem>>, vector<1x1x16xf32>,
      %get3A_622 = arith.constant 896 : index
      %get3A_623 = tpu.vector_load %arg7[%get3A_622] {strides = array<i32>} : memref<3072xf32, #tpu.memory_space<vmem>>, vector<16xf32>,
      %get3A_624 = vector.shape_cast %get3A_623 : vector<16xf32> to vector<16xf32>
      %swap3A_625 = arith.constant 2 : i32
      %swap3A_626 = arith.index_cast %rem3A_26 : i32 to index
      %swap3A_627 = arith.index_cast %swap3A_625 : i32 to index
      %swap3A_628 = arith.constant 128 : index
      %swap3A_629 = tpu.vector_load %arg8[%swap3A_626, %swap3A_627, %swap3A_628] {strides = array<i32>} : memref<2x77x768xf32, #tpu.memory_space<vmem>>, vector<1x1x16xf32>,
      %swap3A_630 = vector.shape_cast %swap3A_629 : vector<1x1x16xf32> to vector<16xf32>
      %swap3A_631 = vector.shape_cast %get3A_624 : vector<16xf32> to vector<1x1x16xf32>
      tpu.vector_store %arg8[%swap3A_626, %swap3A_627, %swap3A_628], %swap3A_631 {strides = array<i32>} : memref<2x77x768xf32, #tpu.memory_space<vmem>>, vector<1x1x16xf32>,
      %get3A_632 = arith.constant 912 : index
      %get3A_633 = tpu.vector_load %arg7[%get3A_632] {strides = array<i32>} : memref<3072xf32, #tpu.memory_space<vmem>>, vector<16xf32>,
      %get3A_634 = vector.shape_cast %get3A_633 : vector<16xf32> to vector<16xf32>
      %swap3A_635 = arith.constant 2 : i32
      %swap3A_636 = arith.index_cast %rem3A_26 : i32 to index
      %swap3A_637 = arith.index_cast %swap3A_635 : i32 to index
      %swap3A_638 = arith.constant 144 : index
      %swap3A_639 = tpu.vector_load %arg8[%swap3A_636, %swap3A_637, %swap3A_638] {strides = array<i32>} : memref<2x77x768xf32, #tpu.memory_space<vmem>>, vector<1x1x16xf32>,
      %swap3A_640 = vector.shape_cast %swap3A_639 : vector<1x1x16xf32> to vector<16xf32>
      %swap3A_641 = vector.shape_cast %get3A_634 : vector<16xf32> to vector<1x1x16xf32>
      tpu.vector_store %arg8[%swap3A_636, %swap3A_637, %swap3A_638], %swap3A_641 {strides = array<i32>} : memref<2x77x768xf32, #tpu.memory_space<vmem>>, vector<1x1x16xf32>,
      %get3A_642 = arith.constant 928 : index
      %get3A_643 = tpu.vector_load %arg7[%get3A_642] {strides = array<i32>} : memref<3072xf32, #tpu.memory_space<vmem>>, vector<16xf32>,
      %get3A_644 = vector.shape_cast %get3A_643 : vector<16xf32> to vector<16xf32>
      %swap3A_645 = arith.constant 2 : i32
      %swap3A_646 = arith.index_cast %rem3A_26 : i32 to index
      %swap3A_647 = arith.index_cast %swap3A_645 : i32 to index
      %swap3A_648 = arith.constant 160 : index
      %swap3A_649 = tpu.vector_load %arg8[%swap3A_646, %swap3A_647, %swap3A_648] {strides = array<i32>} : memref<2x77x768xf32, #tpu.memory_space<vmem>>, vector<1x1x16xf32>,
      %swap3A_650 = vector.shape_cast %swap3A_649 : vector<1x1x16xf32> to vector<16xf32>
      %swap3A_651 = vector.shape_cast %get3A_644 : vector<16xf32> to vector<1x1x16xf32>
      tpu.vector_store %arg8[%swap3A_646, %swap3A_647, %swap3A_648], %swap3A_651 {strides = array<i32>} : memref<2x77x768xf32, #tpu.memory_space<vmem>>, vector<1x1x16xf32>,
      %get3A_652 = arith.constant 944 : index
      %get3A_653 = tpu.vector_load %arg7[%get3A_652] {strides = array<i32>} : memref<3072xf32, #tpu.memory_space<vmem>>, vector<16xf32>,
      %get3A_654 = vector.shape_cast %get3A_653 : vector<16xf32> to vector<16xf32>
      %swap3A_655 = arith.constant 2 : i32
      %swap3A_656 = arith.index_cast %rem3A_26 : i32 to index
      %swap3A_657 = arith.index_cast %swap3A_655 : i32 to index
      %swap3A_658 = arith.constant 176 : index
      %swap3A_659 = tpu.vector_load %arg8[%swap3A_656, %swap3A_657, %swap3A_658] {strides = array<i32>} : memref<2x77x768xf32, #tpu.memory_space<vmem>>, vector<1x1x16xf32>,
      %swap3A_660 = vector.shape_cast %swap3A_659 : vector<1x1x16xf32> to vector<16xf32>
      %swap3A_661 = vector.shape_cast %get3A_654 : vector<16xf32> to vector<1x1x16xf32>
      tpu.vector_store %arg8[%swap3A_656, %swap3A_657, %swap3A_658], %swap3A_661 {strides = array<i32>} : memref<2x77x768xf32, #tpu.memory_space<vmem>>, vector<1x1x16xf32>,
      %get3A_662 = arith.constant 960 : index
      %get3A_663 = tpu.vector_load %arg7[%get3A_662] {strides = array<i32>} : memref<3072xf32, #tpu.memory_space<vmem>>, vector<16xf32>,
      %get3A_664 = vector.shape_cast %get3A_663 : vector<16xf32> to vector<16xf32>
      %swap3A_665 = arith.constant 2 : i32
      %swap3A_666 = arith.index_cast %rem3A_26 : i32 to index
      %swap3A_667 = arith.index_cast %swap3A_665 : i32 to index
      %swap3A_668 = arith.constant 192 : index
      %swap3A_669 = tpu.vector_load %arg8[%swap3A_666, %swap3A_667, %swap3A_668] {strides = array<i32>} : memref<2x77x768xf32, #tpu.memory_space<vmem>>, vector<1x1x16xf32>,
      %swap3A_670 = vector.shape_cast %swap3A_669 : vector<1x1x16xf32> to vector<16xf32>
      %swap3A_671 = vector.shape_cast %get3A_664 : vector<16xf32> to vector<1x1x16xf32>
      tpu.vector_store %arg8[%swap3A_666, %swap3A_667, %swap3A_668], %swap3A_671 {strides = array<i32>} : memref<2x77x768xf32, #tpu.memory_space<vmem>>, vector<1x1x16xf32>,
      %get3A_672 = arith.constant 976 : index
      %get3A_673 = tpu.vector_load %arg7[%get3A_672] {strides = array<i32>} : memref<3072xf32, #tpu.memory_space<vmem>>, vector<16xf32>,
      %get3A_674 = vector.shape_cast %get3A_673 : vector<16xf32> to vector<16xf32>
      %swap3A_675 = arith.constant 2 : i32
      %swap3A_676 = arith.index_cast %rem3A_26 : i32 to index
      %swap3A_677 = arith.index_cast %swap3A_675 : i32 to index
      %swap3A_678 = arith.constant 208 : index
      %swap3A_679 = tpu.vector_load %arg8[%swap3A_676, %swap3A_677, %swap3A_678] {strides = array<i32>} : memref<2x77x768xf32, #tpu.memory_space<vmem>>, vector<1x1x16xf32>,
      %swap3A_680 = vector.shape_cast %swap3A_679 : vector<1x1x16xf32> to vector<16xf32>
      %swap3A_681 = vector.shape_cast %get3A_674 : vector<16xf32> to vector<1x1x16xf32>
      tpu.vector_store %arg8[%swap3A_676, %swap3A_677, %swap3A_678], %swap3A_681 {strides = array<i32>} : memref<2x77x768xf32, #tpu.memory_space<vmem>>, vector<1x1x16xf32>,
      %get3A_682 = arith.constant 992 : index
      %get3A_683 = tpu.vector_load %arg7[%get3A_682] {strides = array<i32>} : memref<3072xf32, #tpu.memory_space<vmem>>, vector<16xf32>,
      %get3A_684 = vector.shape_cast %get3A_683 : vector<16xf32> to vector<16xf32>
      %swap3A_685 = arith.constant 2 : i32
      %swap3A_686 = arith.index_cast %rem3A_26 : i32 to index
      %swap3A_687 = arith.index_cast %swap3A_685 : i32 to index
      %swap3A_688 = arith.constant 224 : index
      %swap3A_689 = tpu.vector_load %arg8[%swap3A_686, %swap3A_687, %swap3A_688] {strides = array<i32>} : memref<2x77x768xf32, #tpu.memory_space<vmem>>, vector<1x1x16xf32>,
      %swap3A_690 = vector.shape_cast %swap3A_689 : vector<1x1x16xf32> to vector<16xf32>
      %swap3A_691 = vector.shape_cast %get3A_684 : vector<16xf32> to vector<1x1x16xf32>
      tpu.vector_store %arg8[%swap3A_686, %swap3A_687, %swap3A_688], %swap3A_691 {strides = array<i32>} : memref<2x77x768xf32, #tpu.memory_space<vmem>>, vector<1x1x16xf32>,
      %get3A_692 = arith.constant 1008 : index
      %get3A_693 = tpu.vector_load %arg7[%get3A_692] {strides = array<i32>} : memref<3072xf32, #tpu.memory_space<vmem>>, vector<16xf32>,
      %get3A_694 = vector.shape_cast %get3A_693 : vector<16xf32> to vector<16xf32>
      %swap3A_695 = arith.constant 2 : i32
      %swap3A_696 = arith.index_cast %rem3A_26 : i32 to index
      %swap3A_697 = arith.index_cast %swap3A_695 : i32 to index
      %swap3A_698 = arith.constant 240 : index
      %swap3A_699 = tpu.vector_load %arg8[%swap3A_696, %swap3A_697, %swap3A_698] {strides = array<i32>} : memref<2x77x768xf32, #tpu.memory_space<vmem>>, vector<1x1x16xf32>,
      %swap3A_700 = vector.shape_cast %swap3A_699 : vector<1x1x16xf32> to vector<16xf32>
      %swap3A_701 = vector.shape_cast %get3A_694 : vector<16xf32> to vector<1x1x16xf32>
      tpu.vector_store %arg8[%swap3A_696, %swap3A_697, %swap3A_698], %swap3A_701 {strides = array<i32>} : memref<2x77x768xf32, #tpu.memory_space<vmem>>, vector<1x1x16xf32>,
      %get3A_702 = arith.constant 1024 : index
      %get3A_703 = tpu.vector_load %arg7[%get3A_702] {strides = array<i32>} : memref<3072xf32, #tpu.memory_space<vmem>>, vector<16xf32>,
      %get3A_704 = vector.shape_cast %get3A_703 : vector<16xf32> to vector<16xf32>
      %swap3A_705 = arith.constant 2 : i32
      %swap3A_706 = arith.index_cast %rem3A_26 : i32 to index
      %swap3A_707 = arith.index_cast %swap3A_705 : i32 to index
      %swap3A_708 = arith.constant 256 : index
      %swap3A_709 = tpu.vector_load %arg8[%swap3A_706, %swap3A_707, %swap3A_708] {strides = array<i32>} : memref<2x77x768xf32, #tpu.memory_space<vmem>>, vector<1x1x16xf32>,
      %swap3A_710 = vector.shape_cast %swap3A_709 : vector<1x1x16xf32> to vector<16xf32>
      %swap3A_711 = vector.shape_cast %get3A_704 : vector<16xf32> to vector<1x1x16xf32>
      tpu.vector_store %arg8[%swap3A_706, %swap3A_707, %swap3A_708], %swap3A_711 {strides = array<i32>} : memref<2x77x768xf32, #tpu.memory_space<vmem>>, vector<1x1x16xf32>,
      %get3A_712 = arith.constant 1040 : index
      %get3A_713 = tpu.vector_load %arg7[%get3A_712] {strides = array<i32>} : memref<3072xf32, #tpu.memory_space<vmem>>, vector<16xf32>,
      %get3A_714 = vector.shape_cast %get3A_713 : vector<16xf32> to vector<16xf32>
      %swap3A_715 = arith.constant 2 : i32
      %swap3A_716 = arith.index_cast %rem3A_26 : i32 to index
      %swap3A_717 = arith.index_cast %swap3A_715 : i32 to index
      %swap3A_718 = arith.constant 272 : index
      %swap3A_719 = tpu.vector_load %arg8[%swap3A_716, %swap3A_717, %swap3A_718] {strides = array<i32>} : memref<2x77x768xf32, #tpu.memory_space<vmem>>, vector<1x1x16xf32>,
      %swap3A_720 = vector.shape_cast %swap3A_719 : vector<1x1x16xf32> to vector<16xf32>
      %swap3A_721 = vector.shape_cast %get3A_714 : vector<16xf32> to vector<1x1x16xf32>
      tpu.vector_store %arg8[%swap3A_716, %swap3A_717, %swap3A_718], %swap3A_721 {strides = array<i32>} : memref<2x77x768xf32, #tpu.memory_space<vmem>>, vector<1x1x16xf32>,
      %get3A_722 = arith.constant 1056 : index
      %get3A_723 = tpu.vector_load %arg7[%get3A_722] {strides = array<i32>} : memref<3072xf32, #tpu.memory_space<vmem>>, vector<16xf32>,
      %get3A_724 = vector.shape_cast %get3A_723 : vector<16xf32> to vector<16xf32>
      %swap3A_725 = arith.constant 2 : i32
      %swap3A_726 = arith.index_cast %rem3A_26 : i32 to index
      %swap3A_727 = arith.index_cast %swap3A_725 : i32 to index
      %swap3A_728 = arith.constant 288 : index
      %swap3A_729 = tpu.vector_load %arg8[%swap3A_726, %swap3A_727, %swap3A_728] {strides = array<i32>} : memref<2x77x768xf32, #tpu.memory_space<vmem>>, vector<1x1x16xf32>,
      %swap3A_730 = vector.shape_cast %swap3A_729 : vector<1x1x16xf32> to vector<16xf32>
      %swap3A_731 = vector.shape_cast %get3A_724 : vector<16xf32> to vector<1x1x16xf32>
      tpu.vector_store %arg8[%swap3A_726, %swap3A_727, %swap3A_728], %swap3A_731 {strides = array<i32>} : memref<2x77x768xf32, #tpu.memory_space<vmem>>, vector<1x1x16xf32>,
      %get3A_732 = arith.constant 1072 : index
      %get3A_733 = tpu.vector_load %arg7[%get3A_732] {strides = array<i32>} : memref<3072xf32, #tpu.memory_space<vmem>>, vector<16xf32>,
      %get3A_734 = vector.shape_cast %get3A_733 : vector<16xf32> to vector<16xf32>
      %swap3A_735 = arith.constant 2 : i32
      %swap3A_736 = arith.index_cast %rem3A_26 : i32 to index
      %swap3A_737 = arith.index_cast %swap3A_735 : i32 to index
      %swap3A_738 = arith.constant 304 : index
      %swap3A_739 = tpu.vector_load %arg8[%swap3A_736, %swap3A_737, %swap3A_738] {strides = array<i32>} : memref<2x77x768xf32, #tpu.memory_space<vmem>>, vector<1x1x16xf32>,
      %swap3A_740 = vector.shape_cast %swap3A_739 : vector<1x1x16xf32> to vector<16xf32>
      %swap3A_741 = vector.shape_cast %get3A_734 : vector<16xf32> to vector<1x1x16xf32>
      tpu.vector_store %arg8[%swap3A_736, %swap3A_737, %swap3A_738], %swap3A_741 {strides = array<i32>} : memref<2x77x768xf32, #tpu.memory_space<vmem>>, vector<1x1x16xf32>,
      %get3A_742 = arith.constant 1088 : index
      %get3A_743 = tpu.vector_load %arg7[%get3A_742] {strides = array<i32>} : memref<3072xf32, #tpu.memory_space<vmem>>, vector<16xf32>,
      %get3A_744 = vector.shape_cast %get3A_743 : vector<16xf32> to vector<16xf32>
      %swap3A_745 = arith.constant 2 : i32
      %swap3A_746 = arith.index_cast %rem3A_26 : i32 to index
      %swap3A_747 = arith.index_cast %swap3A_745 : i32 to index
      %swap3A_748 = arith.constant 320 : index
      %swap3A_749 = tpu.vector_load %arg8[%swap3A_746, %swap3A_747, %swap3A_748] {strides = array<i32>} : memref<2x77x768xf32, #tpu.memory_space<vmem>>, vector<1x1x16xf32>,
      %swap3A_750 = vector.shape_cast %swap3A_749 : vector<1x1x16xf32> to vector<16xf32>
      %swap3A_751 = vector.shape_cast %get3A_744 : vector<16xf32> to vector<1x1x16xf32>
      tpu.vector_store %arg8[%swap3A_746, %swap3A_747, %swap3A_748], %swap3A_751 {strides = array<i32>} : memref<2x77x768xf32, #tpu.memory_space<vmem>>, vector<1x1x16xf32>,
      %get3A_752 = arith.constant 1104 : index
      %get3A_753 = tpu.vector_load %arg7[%get3A_752] {strides = array<i32>} : memref<3072xf32, #tpu.memory_space<vmem>>, vector<16xf32>,
      %get3A_754 = vector.shape_cast %get3A_753 : vector<16xf32> to vector<16xf32>
      %swap3A_755 = arith.constant 2 : i32
      %swap3A_756 = arith.index_cast %rem3A_26 : i32 to index
      %swap3A_757 = arith.index_cast %swap3A_755 : i32 to index
      %swap3A_758 = arith.constant 336 : index
      %swap3A_759 = tpu.vector_load %arg8[%swap3A_756, %swap3A_757, %swap3A_758] {strides = array<i32>} : memref<2x77x768xf32, #tpu.memory_space<vmem>>, vector<1x1x16xf32>,
      %swap3A_760 = vector.shape_cast %swap3A_759 : vector<1x1x16xf32> to vector<16xf32>
      %swap3A_761 = vector.shape_cast %get3A_754 : vector<16xf32> to vector<1x1x16xf32>
      tpu.vector_store %arg8[%swap3A_756, %swap3A_757, %swap3A_758], %swap3A_761 {strides = array<i32>} : memref<2x77x768xf32, #tpu.memory_space<vmem>>, vector<1x1x16xf32>,
      %get3A_762 = arith.constant 1120 : index
      %get3A_763 = tpu.vector_load %arg7[%get3A_762] {strides = array<i32>} : memref<3072xf32, #tpu.memory_space<vmem>>, vector<16xf32>,
      %get3A_764 = vector.shape_cast %get3A_763 : vector<16xf32> to vector<16xf32>
      %swap3A_765 = arith.constant 2 : i32
      %swap3A_766 = arith.index_cast %rem3A_26 : i32 to index
      %swap3A_767 = arith.index_cast %swap3A_765 : i32 to index
      %swap3A_768 = arith.constant 352 : index
      %swap3A_769 = tpu.vector_load %arg8[%swap3A_766, %swap3A_767, %swap3A_768] {strides = array<i32>} : memref<2x77x768xf32, #tpu.memory_space<vmem>>, vector<1x1x16xf32>,
      %swap3A_770 = vector.shape_cast %swap3A_769 : vector<1x1x16xf32> to vector<16xf32>
      %swap3A_771 = vector.shape_cast %get3A_764 : vector<16xf32> to vector<1x1x16xf32>
      tpu.vector_store %arg8[%swap3A_766, %swap3A_767, %swap3A_768], %swap3A_771 {strides = array<i32>} : memref<2x77x768xf32, #tpu.memory_space<vmem>>, vector<1x1x16xf32>,
      %get3A_772 = arith.constant 1136 : index
      %get3A_773 = tpu.vector_load %arg7[%get3A_772] {strides = array<i32>} : memref<3072xf32, #tpu.memory_space<vmem>>, vector<16xf32>,
      %get3A_774 = vector.shape_cast %get3A_773 : vector<16xf32> to vector<16xf32>
      %swap3A_775 = arith.constant 2 : i32
      %swap3A_776 = arith.index_cast %rem3A_26 : i32 to index
      %swap3A_777 = arith.index_cast %swap3A_775 : i32 to index
      %swap3A_778 = arith.constant 368 : index
      %swap3A_779 = tpu.vector_load %arg8[%swap3A_776, %swap3A_777, %swap3A_778] {strides = array<i32>} : memref<2x77x768xf32, #tpu.memory_space<vmem>>, vector<1x1x16xf32>,
      %swap3A_780 = vector.shape_cast %swap3A_779 : vector<1x1x16xf32> to vector<16xf32>
      %swap3A_781 = vector.shape_cast %get3A_774 : vector<16xf32> to vector<1x1x16xf32>
      tpu.vector_store %arg8[%swap3A_776, %swap3A_777, %swap3A_778], %swap3A_781 {strides = array<i32>} : memref<2x77x768xf32, #tpu.memory_space<vmem>>, vector<1x1x16xf32>,
      %get3A_782 = arith.constant 1152 : index
      %get3A_783 = tpu.vector_load %arg7[%get3A_782] {strides = array<i32>} : memref<3072xf32, #tpu.memory_space<vmem>>, vector<16xf32>,
      %get3A_784 = vector.shape_cast %get3A_783 : vector<16xf32> to vector<16xf32>
      %swap3A_785 = arith.constant 2 : i32
      %swap3A_786 = arith.index_cast %rem3A_26 : i32 to index
      %swap3A_787 = arith.index_cast %swap3A_785 : i32 to index
      %swap3A_788 = arith.constant 384 : index
      %swap3A_789 = tpu.vector_load %arg8[%swap3A_786, %swap3A_787, %swap3A_788] {strides = array<i32>} : memref<2x77x768xf32, #tpu.memory_space<vmem>>, vector<1x1x16xf32>,
      %swap3A_790 = vector.shape_cast %swap3A_789 : vector<1x1x16xf32> to vector<16xf32>
      %swap3A_791 = vector.shape_cast %get3A_784 : vector<16xf32> to vector<1x1x16xf32>
      tpu.vector_store %arg8[%swap3A_786, %swap3A_787, %swap3A_788], %swap3A_791 {strides = array<i32>} : memref<2x77x768xf32, #tpu.memory_space<vmem>>, vector<1x1x16xf32>,
      %get3A_792 = arith.constant 1168 : index
      %get3A_793 = tpu.vector_load %arg7[%get3A_792] {strides = array<i32>} : memref<3072xf32, #tpu.memory_space<vmem>>, vector<16xf32>,
      %get3A_794 = vector.shape_cast %get3A_793 : vector<16xf32> to vector<16xf32>
      %swap3A_795 = arith.constant 2 : i32
      %swap3A_796 = arith.index_cast %rem3A_26 : i32 to index
      %swap3A_797 = arith.index_cast %swap3A_795 : i32 to index
      %swap3A_798 = arith.constant 400 : index
      %swap3A_799 = tpu.vector_load %arg8[%swap3A_796, %swap3A_797, %swap3A_798] {strides = array<i32>} : memref<2x77x768xf32, #tpu.memory_space<vmem>>, vector<1x1x16xf32>,
      %swap3A_800 = vector.shape_cast %swap3A_799 : vector<1x1x16xf32> to vector<16xf32>
      %swap3A_801 = vector.shape_cast %get3A_794 : vector<16xf32> to vector<1x1x16xf32>
      tpu.vector_store %arg8[%swap3A_796, %swap3A_797, %swap3A_798], %swap3A_801 {strides = array<i32>} : memref<2x77x768xf32, #tpu.memory_space<vmem>>, vector<1x1x16xf32>,
      %get3A_802 = arith.constant 1184 : index
      %get3A_803 = tpu.vector_load %arg7[%get3A_802] {strides = array<i32>} : memref<3072xf32, #tpu.memory_space<vmem>>, vector<16xf32>,
      %get3A_804 = vector.shape_cast %get3A_803 : vector<16xf32> to vector<16xf32>
      %swap3A_805 = arith.constant 2 : i32
      %swap3A_806 = arith.index_cast %rem3A_26 : i32 to index
      %swap3A_807 = arith.index_cast %swap3A_805 : i32 to index
      %swap3A_808 = arith.constant 416 : index
      %swap3A_809 = tpu.vector_load %arg8[%swap3A_806, %swap3A_807, %swap3A_808] {strides = array<i32>} : memref<2x77x768xf32, #tpu.memory_space<vmem>>, vector<1x1x16xf32>,
      %swap3A_810 = vector.shape_cast %swap3A_809 : vector<1x1x16xf32> to vector<16xf32>
      %swap3A_811 = vector.shape_cast %get3A_804 : vector<16xf32> to vector<1x1x16xf32>
      tpu.vector_store %arg8[%swap3A_806, %swap3A_807, %swap3A_808], %swap3A_811 {strides = array<i32>} : memref<2x77x768xf32, #tpu.memory_space<vmem>>, vector<1x1x16xf32>,
      %get3A_812 = arith.constant 1200 : index
      %get3A_813 = tpu.vector_load %arg7[%get3A_812] {strides = array<i32>} : memref<3072xf32, #tpu.memory_space<vmem>>, vector<16xf32>,
      %get3A_814 = vector.shape_cast %get3A_813 : vector<16xf32> to vector<16xf32>
      %swap3A_815 = arith.constant 2 : i32
      %swap3A_816 = arith.index_cast %rem3A_26 : i32 to index
      %swap3A_817 = arith.index_cast %swap3A_815 : i32 to index
      %swap3A_818 = arith.constant 432 : index
      %swap3A_819 = tpu.vector_load %arg8[%swap3A_816, %swap3A_817, %swap3A_818] {strides = array<i32>} : memref<2x77x768xf32, #tpu.memory_space<vmem>>, vector<1x1x16xf32>,
      %swap3A_820 = vector.shape_cast %swap3A_819 : vector<1x1x16xf32> to vector<16xf32>
      %swap3A_821 = vector.shape_cast %get3A_814 : vector<16xf32> to vector<1x1x16xf32>
      tpu.vector_store %arg8[%swap3A_816, %swap3A_817, %swap3A_818], %swap3A_821 {strides = array<i32>} : memref<2x77x768xf32, #tpu.memory_space<vmem>>, vector<1x1x16xf32>,
      %get3A_822 = arith.constant 1216 : index
      %get3A_823 = tpu.vector_load %arg7[%get3A_822] {strides = array<i32>} : memref<3072xf32, #tpu.memory_space<vmem>>, vector<16xf32>,
      %get3A_824 = vector.shape_cast %get3A_823 : vector<16xf32> to vector<16xf32>
      %swap3A_825 = arith.constant 2 : i32
      %swap3A_826 = arith.index_cast %rem3A_26 : i32 to index
      %swap3A_827 = arith.index_cast %swap3A_825 : i32 to index
      %swap3A_828 = arith.constant 448 : index
      %swap3A_829 = tpu.vector_load %arg8[%swap3A_826, %swap3A_827, %swap3A_828] {strides = array<i32>} : memref<2x77x768xf32, #tpu.memory_space<vmem>>, vector<1x1x16xf32>,
      %swap3A_830 = vector.shape_cast %swap3A_829 : vector<1x1x16xf32> to vector<16xf32>
      %swap3A_831 = vector.shape_cast %get3A_824 : vector<16xf32> to vector<1x1x16xf32>
      tpu.vector_store %arg8[%swap3A_826, %swap3A_827, %swap3A_828], %swap3A_831 {strides = array<i32>} : memref<2x77x768xf32, #tpu.memory_space<vmem>>, vector<1x1x16xf32>,
      %get3A_832 = arith.constant 1232 : index
      %get3A_833 = tpu.vector_load %arg7[%get3A_832] {strides = array<i32>} : memref<3072xf32, #tpu.memory_space<vmem>>, vector<16xf32>,
      %get3A_834 = vector.shape_cast %get3A_833 : vector<16xf32> to vector<16xf32>
      %swap3A_835 = arith.constant 2 : i32
      %swap3A_836 = arith.index_cast %rem3A_26 : i32 to index
      %swap3A_837 = arith.index_cast %swap3A_835 : i32 to index
      %swap3A_838 = arith.constant 464 : index
      %swap3A_839 = tpu.vector_load %arg8[%swap3A_836, %swap3A_837, %swap3A_838] {strides = array<i32>} : memref<2x77x768xf32, #tpu.memory_space<vmem>>, vector<1x1x16xf32>,
      %swap3A_840 = vector.shape_cast %swap3A_839 : vector<1x1x16xf32> to vector<16xf32>
      %swap3A_841 = vector.shape_cast %get3A_834 : vector<16xf32> to vector<1x1x16xf32>
      tpu.vector_store %arg8[%swap3A_836, %swap3A_837, %swap3A_838], %swap3A_841 {strides = array<i32>} : memref<2x77x768xf32, #tpu.memory_space<vmem>>, vector<1x1x16xf32>,
      %get3A_842 = arith.constant 1248 : index
      %get3A_843 = tpu.vector_load %arg7[%get3A_842] {strides = array<i32>} : memref<3072xf32, #tpu.memory_space<vmem>>, vector<16xf32>,
      %get3A_844 = vector.shape_cast %get3A_843 : vector<16xf32> to vector<16xf32>
      %swap3A_845 = arith.constant 2 : i32
      %swap3A_846 = arith.index_cast %rem3A_26 : i32 to index
      %swap3A_847 = arith.index_cast %swap3A_845 : i32 to index
      %swap3A_848 = arith.constant 480 : index
      %swap3A_849 = tpu.vector_load %arg8[%swap3A_846, %swap3A_847, %swap3A_848] {strides = array<i32>} : memref<2x77x768xf32, #tpu.memory_space<vmem>>, vector<1x1x16xf32>,
      %swap3A_850 = vector.shape_cast %swap3A_849 : vector<1x1x16xf32> to vector<16xf32>
      %swap3A_851 = vector.shape_cast %get3A_844 : vector<16xf32> to vector<1x1x16xf32>
      tpu.vector_store %arg8[%swap3A_846, %swap3A_847, %swap3A_848], %swap3A_851 {strides = array<i32>} : memref<2x77x768xf32, #tpu.memory_space<vmem>>, vector<1x1x16xf32>,
      %get3A_852 = arith.constant 1264 : index
      %get3A_853 = tpu.vector_load %arg7[%get3A_852] {strides = array<i32>} : memref<3072xf32, #tpu.memory_space<vmem>>, vector<16xf32>,
      %get3A_854 = vector.shape_cast %get3A_853 : vector<16xf32> to vector<16xf32>
      %swap3A_855 = arith.constant 2 : i32
      %swap3A_856 = arith.index_cast %rem3A_26 : i32 to index
      %swap3A_857 = arith.index_cast %swap3A_855 : i32 to index
      %swap3A_858 = arith.constant 496 : index
      %swap3A_859 = tpu.vector_load %arg8[%swap3A_856, %swap3A_857, %swap3A_858] {strides = array<i32>} : memref<2x77x768xf32, #tpu.memory_space<vmem>>, vector<1x1x16xf32>,
      %swap3A_860 = vector.shape_cast %swap3A_859 : vector<1x1x16xf32> to vector<16xf32>
      %swap3A_861 = vector.shape_cast %get3A_854 : vector<16xf32> to vector<1x1x16xf32>
      tpu.vector_store %arg8[%swap3A_856, %swap3A_857, %swap3A_858], %swap3A_861 {strides = array<i32>} : memref<2x77x768xf32, #tpu.memory_space<vmem>>, vector<1x1x16xf32>,
      %get3A_862 = arith.constant 1280 : index
      %get3A_863 = tpu.vector_load %arg7[%get3A_862] {strides = array<i32>} : memref<3072xf32, #tpu.memory_space<vmem>>, vector<16xf32>,
      %get3A_864 = vector.shape_cast %get3A_863 : vector<16xf32> to vector<16xf32>
      %swap3A_865 = arith.constant 2 : i32
      %swap3A_866 = arith.index_cast %rem3A_26 : i32 to index
      %swap3A_867 = arith.index_cast %swap3A_865 : i32 to index
      %swap3A_868 = arith.constant 512 : index
      %swap3A_869 = tpu.vector_load %arg8[%swap3A_866, %swap3A_867, %swap3A_868] {strides = array<i32>} : memref<2x77x768xf32, #tpu.memory_space<vmem>>, vector<1x1x16xf32>,
      %swap3A_870 = vector.shape_cast %swap3A_869 : vector<1x1x16xf32> to vector<16xf32>
      %swap3A_871 = vector.shape_cast %get3A_864 : vector<16xf32> to vector<1x1x16xf32>
      tpu.vector_store %arg8[%swap3A_866, %swap3A_867, %swap3A_868], %swap3A_871 {strides = array<i32>} : memref<2x77x768xf32, #tpu.memory_space<vmem>>, vector<1x1x16xf32>,
      %get3A_872 = arith.constant 1296 : index
      %get3A_873 = tpu.vector_load %arg7[%get3A_872] {strides = array<i32>} : memref<3072xf32, #tpu.memory_space<vmem>>, vector<16xf32>,
      %get3A_874 = vector.shape_cast %get3A_873 : vector<16xf32> to vector<16xf32>
      %swap3A_875 = arith.constant 2 : i32
      %swap3A_876 = arith.index_cast %rem3A_26 : i32 to index
      %swap3A_877 = arith.index_cast %swap3A_875 : i32 to index
      %swap3A_878 = arith.constant 528 : index
      %swap3A_879 = tpu.vector_load %arg8[%swap3A_876, %swap3A_877, %swap3A_878] {strides = array<i32>} : memref<2x77x768xf32, #tpu.memory_space<vmem>>, vector<1x1x16xf32>,
      %swap3A_880 = vector.shape_cast %swap3A_879 : vector<1x1x16xf32> to vector<16xf32>
      %swap3A_881 = vector.shape_cast %get3A_874 : vector<16xf32> to vector<1x1x16xf32>
      tpu.vector_store %arg8[%swap3A_876, %swap3A_877, %swap3A_878], %swap3A_881 {strides = array<i32>} : memref<2x77x768xf32, #tpu.memory_space<vmem>>, vector<1x1x16xf32>,
      %get3A_882 = arith.constant 1312 : index
      %get3A_883 = tpu.vector_load %arg7[%get3A_882] {strides = array<i32>} : memref<3072xf32, #tpu.memory_space<vmem>>, vector<16xf32>,
      %get3A_884 = vector.shape_cast %get3A_883 : vector<16xf32> to vector<16xf32>
      %swap3A_885 = arith.constant 2 : i32
      %swap3A_886 = arith.index_cast %rem3A_26 : i32 to index
      %swap3A_887 = arith.index_cast %swap3A_885 : i32 to index
      %swap3A_888 = arith.constant 544 : index
      %swap3A_889 = tpu.vector_load %arg8[%swap3A_886, %swap3A_887, %swap3A_888] {strides = array<i32>} : memref<2x77x768xf32, #tpu.memory_space<vmem>>, vector<1x1x16xf32>,
      %swap3A_890 = vector.shape_cast %swap3A_889 : vector<1x1x16xf32> to vector<16xf32>
      %swap3A_891 = vector.shape_cast %get3A_884 : vector<16xf32> to vector<1x1x16xf32>
      tpu.vector_store %arg8[%swap3A_886, %swap3A_887, %swap3A_888], %swap3A_891 {strides = array<i32>} : memref<2x77x768xf32, #tpu.memory_space<vmem>>, vector<1x1x16xf32>,
      %get3A_892 = arith.constant 1328 : index
      %get3A_893 = tpu.vector_load %arg7[%get3A_892] {strides = array<i32>} : memref<3072xf32, #tpu.memory_space<vmem>>, vector<16xf32>,
      %get3A_894 = vector.shape_cast %get3A_893 : vector<16xf32> to vector<16xf32>
      %swap3A_895 = arith.constant 2 : i32
      %swap3A_896 = arith.index_cast %rem3A_26 : i32 to index
      %swap3A_897 = arith.index_cast %swap3A_895 : i32 to index
      %swap3A_898 = arith.constant 560 : index
      %swap3A_899 = tpu.vector_load %arg8[%swap3A_896, %swap3A_897, %swap3A_898] {strides = array<i32>} : memref<2x77x768xf32, #tpu.memory_space<vmem>>, vector<1x1x16xf32>,
      %swap3A_900 = vector.shape_cast %swap3A_899 : vector<1x1x16xf32> to vector<16xf32>
      %swap3A_901 = vector.shape_cast %get3A_894 : vector<16xf32> to vector<1x1x16xf32>
      tpu.vector_store %arg8[%swap3A_896, %swap3A_897, %swap3A_898], %swap3A_901 {strides = array<i32>} : memref<2x77x768xf32, #tpu.memory_space<vmem>>, vector<1x1x16xf32>,
      %get3A_902 = arith.constant 1344 : index
      %get3A_903 = tpu.vector_load %arg7[%get3A_902] {strides = array<i32>} : memref<3072xf32, #tpu.memory_space<vmem>>, vector<16xf32>,
      %get3A_904 = vector.shape_cast %get3A_903 : vector<16xf32> to vector<16xf32>
      %swap3A_905 = arith.constant 2 : i32
      %swap3A_906 = arith.index_cast %rem3A_26 : i32 to index
      %swap3A_907 = arith.index_cast %swap3A_905 : i32 to index
      %swap3A_908 = arith.constant 576 : index
      %swap3A_909 = tpu.vector_load %arg8[%swap3A_906, %swap3A_907, %swap3A_908] {strides = array<i32>} : memref<2x77x768xf32, #tpu.memory_space<vmem>>, vector<1x1x16xf32>,
      %swap3A_910 = vector.shape_cast %swap3A_909 : vector<1x1x16xf32> to vector<16xf32>
      %swap3A_911 = vector.shape_cast %get3A_904 : vector<16xf32> to vector<1x1x16xf32>
      tpu.vector_store %arg8[%swap3A_906, %swap3A_907, %swap3A_908], %swap3A_911 {strides = array<i32>} : memref<2x77x768xf32, #tpu.memory_space<vmem>>, vector<1x1x16xf32>,
      %get3A_912 = arith.constant 1360 : index
      %get3A_913 = tpu.vector_load %arg7[%get3A_912] {strides = array<i32>} : memref<3072xf32, #tpu.memory_space<vmem>>, vector<16xf32>,
      %get3A_914 = vector.shape_cast %get3A_913 : vector<16xf32> to vector<16xf32>
      %swap3A_915 = arith.constant 2 : i32
      %swap3A_916 = arith.index_cast %rem3A_26 : i32 to index
      %swap3A_917 = arith.index_cast %swap3A_915 : i32 to index
      %swap3A_918 = arith.constant 592 : index
      %swap3A_919 = tpu.vector_load %arg8[%swap3A_916, %swap3A_917, %swap3A_918] {strides = array<i32>} : memref<2x77x768xf32, #tpu.memory_space<vmem>>, vector<1x1x16xf32>,
      %swap3A_920 = vector.shape_cast %swap3A_919 : vector<1x1x16xf32> to vector<16xf32>
      %swap3A_921 = vector.shape_cast %get3A_914 : vector<16xf32> to vector<1x1x16xf32>
      tpu.vector_store %arg8[%swap3A_916, %swap3A_917, %swap3A_918], %swap3A_921 {strides = array<i32>} : memref<2x77x768xf32, #tpu.memory_space<vmem>>, vector<1x1x16xf32>,
      %get3A_922 = arith.constant 1376 : index
      %get3A_923 = tpu.vector_load %arg7[%get3A_922] {strides = array<i32>} : memref<3072xf32, #tpu.memory_space<vmem>>, vector<16xf32>,
      %get3A_924 = vector.shape_cast %get3A_923 : vector<16xf32> to vector<16xf32>
      %swap3A_925 = arith.constant 2 : i32
      %swap3A_926 = arith.index_cast %rem3A_26 : i32 to index
      %swap3A_927 = arith.index_cast %swap3A_925 : i32 to index
      %swap3A_928 = arith.constant 608 : index
      %swap3A_929 = tpu.vector_load %arg8[%swap3A_926, %swap3A_927, %swap3A_928] {strides = array<i32>} : memref<2x77x768xf32, #tpu.memory_space<vmem>>, vector<1x1x16xf32>,
      %swap3A_930 = vector.shape_cast %swap3A_929 : vector<1x1x16xf32> to vector<16xf32>
      %swap3A_931 = vector.shape_cast %get3A_924 : vector<16xf32> to vector<1x1x16xf32>
      tpu.vector_store %arg8[%swap3A_926, %swap3A_927, %swap3A_928], %swap3A_931 {strides = array<i32>} : memref<2x77x768xf32, #tpu.memory_space<vmem>>, vector<1x1x16xf32>,
      %get3A_932 = arith.constant 1392 : index
      %get3A_933 = tpu.vector_load %arg7[%get3A_932] {strides = array<i32>} : memref<3072xf32, #tpu.memory_space<vmem>>, vector<16xf32>,
      %get3A_934 = vector.shape_cast %get3A_933 : vector<16xf32> to vector<16xf32>
      %swap3A_935 = arith.constant 2 : i32
      %swap3A_936 = arith.index_cast %rem3A_26 : i32 to index
      %swap3A_937 = arith.index_cast %swap3A_935 : i32 to index
      %swap3A_938 = arith.constant 624 : index
      %swap3A_939 = tpu.vector_load %arg8[%swap3A_936, %swap3A_937, %swap3A_938] {strides = array<i32>} : memref<2x77x768xf32, #tpu.memory_space<vmem>>, vector<1x1x16xf32>,
      %swap3A_940 = vector.shape_cast %swap3A_939 : vector<1x1x16xf32> to vector<16xf32>
      %swap3A_941 = vector.shape_cast %get3A_934 : vector<16xf32> to vector<1x1x16xf32>
      tpu.vector_store %arg8[%swap3A_936, %swap3A_937, %swap3A_938], %swap3A_941 {strides = array<i32>} : memref<2x77x768xf32, #tpu.memory_space<vmem>>, vector<1x1x16xf32>,
      %get3A_942 = arith.constant 1408 : index
      %get3A_943 = tpu.vector_load %arg7[%get3A_942] {strides = array<i32>} : memref<3072xf32, #tpu.memory_space<vmem>>, vector<16xf32>,
      %get3A_944 = vector.shape_cast %get3A_943 : vector<16xf32> to vector<16xf32>
      %swap3A_945 = arith.constant 2 : i32
      %swap3A_946 = arith.index_cast %rem3A_26 : i32 to index
      %swap3A_947 = arith.index_cast %swap3A_945 : i32 to index
      %swap3A_948 = arith.constant 640 : index
      %swap3A_949 = tpu.vector_load %arg8[%swap3A_946, %swap3A_947, %swap3A_948] {strides = array<i32>} : memref<2x77x768xf32, #tpu.memory_space<vmem>>, vector<1x1x16xf32>,
      %swap3A_950 = vector.shape_cast %swap3A_949 : vector<1x1x16xf32> to vector<16xf32>
      %swap3A_951 = vector.shape_cast %get3A_944 : vector<16xf32> to vector<1x1x16xf32>
      tpu.vector_store %arg8[%swap3A_946, %swap3A_947, %swap3A_948], %swap3A_951 {strides = array<i32>} : memref<2x77x768xf32, #tpu.memory_space<vmem>>, vector<1x1x16xf32>,
      %get3A_952 = arith.constant 1424 : index
      %get3A_953 = tpu.vector_load %arg7[%get3A_952] {strides = array<i32>} : memref<3072xf32, #tpu.memory_space<vmem>>, vector<16xf32>,
      %get3A_954 = vector.shape_cast %get3A_953 : vector<16xf32> to vector<16xf32>
      %swap3A_955 = arith.constant 2 : i32
      %swap3A_956 = arith.index_cast %rem3A_26 : i32 to index
      %swap3A_957 = arith.index_cast %swap3A_955 : i32 to index
      %swap3A_958 = arith.constant 656 : index
      %swap3A_959 = tpu.vector_load %arg8[%swap3A_956, %swap3A_957, %swap3A_958] {strides = array<i32>} : memref<2x77x768xf32, #tpu.memory_space<vmem>>, vector<1x1x16xf32>,
      %swap3A_960 = vector.shape_cast %swap3A_959 : vector<1x1x16xf32> to vector<16xf32>
      %swap3A_961 = vector.shape_cast %get3A_954 : vector<16xf32> to vector<1x1x16xf32>
      tpu.vector_store %arg8[%swap3A_956, %swap3A_957, %swap3A_958], %swap3A_961 {strides = array<i32>} : memref<2x77x768xf32, #tpu.memory_space<vmem>>, vector<1x1x16xf32>,
      %get3A_962 = arith.constant 1440 : index
      %get3A_963 = tpu.vector_load %arg7[%get3A_962] {strides = array<i32>} : memref<3072xf32, #tpu.memory_space<vmem>>, vector<16xf32>,
      %get3A_964 = vector.shape_cast %get3A_963 : vector<16xf32> to vector<16xf32>
      %swap3A_965 = arith.constant 2 : i32
      %swap3A_966 = arith.index_cast %rem3A_26 : i32 to index
      %swap3A_967 = arith.index_cast %swap3A_965 : i32 to index
      %swap3A_968 = arith.constant 672 : index
      %swap3A_969 = tpu.vector_load %arg8[%swap3A_966, %swap3A_967, %swap3A_968] {strides = array<i32>} : memref<2x77x768xf32, #tpu.memory_space<vmem>>, vector<1x1x16xf32>,
      %swap3A_970 = vector.shape_cast %swap3A_969 : vector<1x1x16xf32> to vector<16xf32>
      %swap3A_971 = vector.shape_cast %get3A_964 : vector<16xf32> to vector<1x1x16xf32>
      tpu.vector_store %arg8[%swap3A_966, %swap3A_967, %swap3A_968], %swap3A_971 {strides = array<i32>} : memref<2x77x768xf32, #tpu.memory_space<vmem>>, vector<1x1x16xf32>,
      %get3A_972 = arith.constant 1456 : index
      %get3A_973 = tpu.vector_load %arg7[%get3A_972] {strides = array<i32>} : memref<3072xf32, #tpu.memory_space<vmem>>, vector<16xf32>,
      %get3A_974 = vector.shape_cast %get3A_973 : vector<16xf32> to vector<16xf32>
      %swap3A_975 = arith.constant 2 : i32
      %swap3A_976 = arith.index_cast %rem3A_26 : i32 to index
      %swap3A_977 = arith.index_cast %swap3A_975 : i32 to index
      %swap3A_978 = arith.constant 688 : index
      %swap3A_979 = tpu.vector_load %arg8[%swap3A_976, %swap3A_977, %swap3A_978] {strides = array<i32>} : memref<2x77x768xf32, #tpu.memory_space<vmem>>, vector<1x1x16xf32>,
      %swap3A_980 = vector.shape_cast %swap3A_979 : vector<1x1x16xf32> to vector<16xf32>
      %swap3A_981 = vector.shape_cast %get3A_974 : vector<16xf32> to vector<1x1x16xf32>
      tpu.vector_store %arg8[%swap3A_976, %swap3A_977, %swap3A_978], %swap3A_981 {strides = array<i32>} : memref<2x77x768xf32, #tpu.memory_space<vmem>>, vector<1x1x16xf32>,
      %get3A_982 = arith.constant 1472 : index
      %get3A_983 = tpu.vector_load %arg7[%get3A_982] {strides = array<i32>} : memref<3072xf32, #tpu.memory_space<vmem>>, vector<16xf32>,
      %get3A_984 = vector.shape_cast %get3A_983 : vector<16xf32> to vector<16xf32>
      %swap3A_985 = arith.constant 2 : i32
      %swap3A_986 = arith.index_cast %rem3A_26 : i32 to index
      %swap3A_987 = arith.index_cast %swap3A_985 : i32 to index
      %swap3A_988 = arith.constant 704 : index
      %swap3A_989 = tpu.vector_load %arg8[%swap3A_986, %swap3A_987, %swap3A_988] {strides = array<i32>} : memref<2x77x768xf32, #tpu.memory_space<vmem>>, vector<1x1x16xf32>,
      %swap3A_990 = vector.shape_cast %swap3A_989 : vector<1x1x16xf32> to vector<16xf32>
      %swap3A_991 = vector.shape_cast %get3A_984 : vector<16xf32> to vector<1x1x16xf32>
      tpu.vector_store %arg8[%swap3A_986, %swap3A_987, %swap3A_988], %swap3A_991 {strides = array<i32>} : memref<2x77x768xf32, #tpu.memory_space<vmem>>, vector<1x1x16xf32>,
      %get3A_992 = arith.constant 1488 : index
      %get3A_993 = tpu.vector_load %arg7[%get3A_992] {strides = array<i32>} : memref<3072xf32, #tpu.memory_space<vmem>>, vector<16xf32>,
      %get3A_994 = vector.shape_cast %get3A_993 : vector<16xf32> to vector<16xf32>
      %swap3A_995 = arith.constant 2 : i32
      %swap3A_996 = arith.index_cast %rem3A_26 : i32 to index
      %swap3A_997 = arith.index_cast %swap3A_995 : i32 to index
      %swap3A_998 = arith.constant 720 : index
      %swap3A_999 = tpu.vector_load %arg8[%swap3A_996, %swap3A_997, %swap3A_998] {strides = array<i32>} : memref<2x77x768xf32, #tpu.memory_space<vmem>>, vector<1x1x16xf32>,
      %swap3A_1000 = vector.shape_cast %swap3A_999 : vector<1x1x16xf32> to vector<16xf32>
      %swap3A_1001 = vector.shape_cast %get3A_994 : vector<16xf32> to vector<1x1x16xf32>
      tpu.vector_store %arg8[%swap3A_996, %swap3A_997, %swap3A_998], %swap3A_1001 {strides = array<i32>} : memref<2x77x768xf32, #tpu.memory_space<vmem>>, vector<1x1x16xf32>,
      %get3A_1002 = arith.constant 1504 : index
      %get3A_1003 = tpu.vector_load %arg7[%get3A_1002] {strides = array<i32>} : memref<3072xf32, #tpu.memory_space<vmem>>, vector<16xf32>,
      %get3A_1004 = vector.shape_cast %get3A_1003 : vector<16xf32> to vector<16xf32>
      %swap3A_1005 = arith.constant 2 : i32
      %swap3A_1006 = arith.index_cast %rem3A_26 : i32 to index
      %swap3A_1007 = arith.index_cast %swap3A_1005 : i32 to index
      %swap3A_1008 = arith.constant 736 : index
      %swap3A_1009 = tpu.vector_load %arg8[%swap3A_1006, %swap3A_1007, %swap3A_1008] {strides = array<i32>} : memref<2x77x768xf32, #tpu.memory_space<vmem>>, vector<1x1x16xf32>,
      %swap3A_1010 = vector.shape_cast %swap3A_1009 : vector<1x1x16xf32> to vector<16xf32>
      %swap3A_1011 = vector.shape_cast %get3A_1004 : vector<16xf32> to vector<1x1x16xf32>
      tpu.vector_store %arg8[%swap3A_1006, %swap3A_1007, %swap3A_1008], %swap3A_1011 {strides = array<i32>} : memref<2x77x768xf32, #tpu.memory_space<vmem>>, vector<1x1x16xf32>,
      %get3A_1012 = arith.constant 1520 : index
      %get3A_1013 = tpu.vector_load %arg7[%get3A_1012] {strides = array<i32>} : memref<3072xf32, #tpu.memory_space<vmem>>, vector<16xf32>,
      %get3A_1014 = vector.shape_cast %get3A_1013 : vector<16xf32> to vector<16xf32>
      %swap3A_1015 = arith.constant 2 : i32
      %swap3A_1016 = arith.index_cast %rem3A_26 : i32 to index
      %swap3A_1017 = arith.index_cast %swap3A_1015 : i32 to index
      %swap3A_1018 = arith.constant 752 : index
      %swap3A_1019 = tpu.vector_load %arg8[%swap3A_1016, %swap3A_1017, %swap3A_1018] {strides = array<i32>} : memref<2x77x768xf32, #tpu.memory_space<vmem>>, vector<1x1x16xf32>,
      %swap3A_1020 = vector.shape_cast %swap3A_1019 : vector<1x1x16xf32> to vector<16xf32>
      %swap3A_1021 = vector.shape_cast %get3A_1014 : vector<16xf32> to vector<1x1x16xf32>
      tpu.vector_store %arg8[%swap3A_1016, %swap3A_1017, %swap3A_1018], %swap3A_1021 {strides = array<i32>} : memref<2x77x768xf32, #tpu.memory_space<vmem>>, vector<1x1x16xf32>,
      %get3A_1022 = arith.constant 1536 : index
      %get3A_1023 = tpu.vector_load %arg7[%get3A_1022] {strides = array<i32>} : memref<3072xf32, #tpu.memory_space<vmem>>, vector<16xf32>,
      %get3A_1024 = vector.shape_cast %get3A_1023 : vector<16xf32> to vector<16xf32>
      %swap3A_1025 = arith.constant 3 : i32
      %swap3A_1026 = arith.index_cast %rem3A_26 : i32 to index
      %swap3A_1027 = arith.index_cast %swap3A_1025 : i32 to index
      %swap3A_1028 = arith.constant 0 : index
      %swap3A_1029 = tpu.vector_load %arg8[%swap3A_1026, %swap3A_1027, %swap3A_1028] {strides = array<i32>} : memref<2x77x768xf32, #tpu.memory_space<vmem>>, vector<1x1x16xf32>,
      %swap3A_1030 = vector.shape_cast %swap3A_1029 : vector<1x1x16xf32> to vector<16xf32>
      %swap3A_1031 = vector.shape_cast %get3A_1024 : vector<16xf32> to vector<1x1x16xf32>
      tpu.vector_store %arg8[%swap3A_1026, %swap3A_1027, %swap3A_1028], %swap3A_1031 {strides = array<i32>} : memref<2x77x768xf32, #tpu.memory_space<vmem>>, vector<1x1x16xf32>,
      %get3A_1032 = arith.constant 1552 : index
      %get3A_1033 = tpu.vector_load %arg7[%get3A_1032] {strides = array<i32>} : memref<3072xf32, #tpu.memory_space<vmem>>, vector<16xf32>,
      %get3A_1034 = vector.shape_cast %get3A_1033 : vector<16xf32> to vector<16xf32>
      %swap3A_1035 = arith.constant 3 : i32
      %swap3A_1036 = arith.index_cast %rem3A_26 : i32 to index
      %swap3A_1037 = arith.index_cast %swap3A_1035 : i32 to index
      %swap3A_1038 = arith.constant 16 : index
      %swap3A_1039 = tpu.vector_load %arg8[%swap3A_1036, %swap3A_1037, %swap3A_1038] {strides = array<i32>} : memref<2x77x768xf32, #tpu.memory_space<vmem>>, vector<1x1x16xf32>,
      %swap3A_1040 = vector.shape_cast %swap3A_1039 : vector<1x1x16xf32> to vector<16xf32>
      %swap3A_1041 = vector.shape_cast %get3A_1034 : vector<16xf32> to vector<1x1x16xf32>
      tpu.vector_store %arg8[%swap3A_1036, %swap3A_1037, %swap3A_1038], %swap3A_1041 {strides = array<i32>} : memref<2x77x768xf32, #tpu.memory_space<vmem>>, vector<1x1x16xf32>,
      %get3A_1042 = arith.constant 1568 : index
      %get3A_1043 = tpu.vector_load %arg7[%get3A_1042] {strides = array<i32>} : memref<3072xf32, #tpu.memory_space<vmem>>, vector<16xf32>,
      %get3A_1044 = vector.shape_cast %get3A_1043 : vector<16xf32> to vector<16xf32>
      %swap3A_1045 = arith.constant 3 : i32
      %swap3A_1046 = arith.index_cast %rem3A_26 : i32 to index
      %swap3A_1047 = arith.index_cast %swap3A_1045 : i32 to index
      %swap3A_1048 = arith.constant 32 : index
      %swap3A_1049 = tpu.vector_load %arg8[%swap3A_1046, %swap3A_1047, %swap3A_1048] {strides = array<i32>} : memref<2x77x768xf32, #tpu.memory_space<vmem>>, vector<1x1x16xf32>,
      %swap3A_1050 = vector.shape_cast %swap3A_1049 : vector<1x1x16xf32> to vector<16xf32>
      %swap3A_1051 = vector.shape_cast %get3A_1044 : vector<16xf32> to vector<1x1x16xf32>
      tpu.vector_store %arg8[%swap3A_1046, %swap3A_1047, %swap3A_1048], %swap3A_1051 {strides = array<i32>} : memref<2x77x768xf32, #tpu.memory_space<vmem>>, vector<1x1x16xf32>,
      %get3A_1052 = arith.constant 1584 : index
      %get3A_1053 = tpu.vector_load %arg7[%get3A_1052] {strides = array<i32>} : memref<3072xf32, #tpu.memory_space<vmem>>, vector<16xf32>,
      %get3A_1054 = vector.shape_cast %get3A_1053 : vector<16xf32> to vector<16xf32>
      %swap3A_1055 = arith.constant 3 : i32
      %swap3A_1056 = arith.index_cast %rem3A_26 : i32 to index
      %swap3A_1057 = arith.index_cast %swap3A_1055 : i32 to index
      %swap3A_1058 = arith.constant 48 : index
      %swap3A_1059 = tpu.vector_load %arg8[%swap3A_1056, %swap3A_1057, %swap3A_1058] {strides = array<i32>} : memref<2x77x768xf32, #tpu.memory_space<vmem>>, vector<1x1x16xf32>,
      %swap3A_1060 = vector.shape_cast %swap3A_1059 : vector<1x1x16xf32> to vector<16xf32>
      %swap3A_1061 = vector.shape_cast %get3A_1054 : vector<16xf32> to vector<1x1x16xf32>
      tpu.vector_store %arg8[%swap3A_1056, %swap3A_1057, %swap3A_1058], %swap3A_1061 {strides = array<i32>} : memref<2x77x768xf32, #tpu.memory_space<vmem>>, vector<1x1x16xf32>,
      %get3A_1062 = arith.constant 1600 : index
      %get3A_1063 = tpu.vector_load %arg7[%get3A_1062] {strides = array<i32>} : memref<3072xf32, #tpu.memory_space<vmem>>, vector<16xf32>,
      %get3A_1064 = vector.shape_cast %get3A_1063 : vector<16xf32> to vector<16xf32>
      %swap3A_1065 = arith.constant 3 : i32
      %swap3A_1066 = arith.index_cast %rem3A_26 : i32 to index
      %swap3A_1067 = arith.index_cast %swap3A_1065 : i32 to index
      %swap3A_1068 = arith.constant 64 : index
      %swap3A_1069 = tpu.vector_load %arg8[%swap3A_1066, %swap3A_1067, %swap3A_1068] {strides = array<i32>} : memref<2x77x768xf32, #tpu.memory_space<vmem>>, vector<1x1x16xf32>,
      %swap3A_1070 = vector.shape_cast %swap3A_1069 : vector<1x1x16xf32> to vector<16xf32>
      %swap3A_1071 = vector.shape_cast %get3A_1064 : vector<16xf32> to vector<1x1x16xf32>
      tpu.vector_store %arg8[%swap3A_1066, %swap3A_1067, %swap3A_1068], %swap3A_1071 {strides = array<i32>} : memref<2x77x768xf32, #tpu.memory_space<vmem>>, vector<1x1x16xf32>,
      %get3A_1072 = arith.constant 1616 : index
      %get3A_1073 = tpu.vector_load %arg7[%get3A_1072] {strides = array<i32>} : memref<3072xf32, #tpu.memory_space<vmem>>, vector<16xf32>,
      %get3A_1074 = vector.shape_cast %get3A_1073 : vector<16xf32> to vector<16xf32>
      %swap3A_1075 = arith.constant 3 : i32
      %swap3A_1076 = arith.index_cast %rem3A_26 : i32 to index
      %swap3A_1077 = arith.index_cast %swap3A_1075 : i32 to index
      %swap3A_1078 = arith.constant 80 : index
      %swap3A_1079 = tpu.vector_load %arg8[%swap3A_1076, %swap3A_1077, %swap3A_1078] {strides = array<i32>} : memref<2x77x768xf32, #tpu.memory_space<vmem>>, vector<1x1x16xf32>,
      %swap3A_1080 = vector.shape_cast %swap3A_1079 : vector<1x1x16xf32> to vector<16xf32>
      %swap3A_1081 = vector.shape_cast %get3A_1074 : vector<16xf32> to vector<1x1x16xf32>
      tpu.vector_store %arg8[%swap3A_1076, %swap3A_1077, %swap3A_1078], %swap3A_1081 {strides = array<i32>} : memref<2x77x768xf32, #tpu.memory_space<vmem>>, vector<1x1x16xf32>,
      %get3A_1082 = arith.constant 1632 : index
      %get3A_1083 = tpu.vector_load %arg7[%get3A_1082] {strides = array<i32>} : memref<3072xf32, #tpu.memory_space<vmem>>, vector<16xf32>,
      %get3A_1084 = vector.shape_cast %get3A_1083 : vector<16xf32> to vector<16xf32>
      %swap3A_1085 = arith.constant 3 : i32
      %swap3A_1086 = arith.index_cast %rem3A_26 : i32 to index
      %swap3A_1087 = arith.index_cast %swap3A_1085 : i32 to index
      %swap3A_1088 = arith.constant 96 : index
      %swap3A_1089 = tpu.vector_load %arg8[%swap3A_1086, %swap3A_1087, %swap3A_1088] {strides = array<i32>} : memref<2x77x768xf32, #tpu.memory_space<vmem>>, vector<1x1x16xf32>,
      %swap3A_1090 = vector.shape_cast %swap3A_1089 : vector<1x1x16xf32> to vector<16xf32>
      %swap3A_1091 = vector.shape_cast %get3A_1084 : vector<16xf32> to vector<1x1x16xf32>
      tpu.vector_store %arg8[%swap3A_1086, %swap3A_1087, %swap3A_1088], %swap3A_1091 {strides = array<i32>} : memref<2x77x768xf32, #tpu.memory_space<vmem>>, vector<1x1x16xf32>,
      %get3A_1092 = arith.constant 1648 : index
      %get3A_1093 = tpu.vector_load %arg7[%get3A_1092] {strides = array<i32>} : memref<3072xf32, #tpu.memory_space<vmem>>, vector<16xf32>,
      %get3A_1094 = vector.shape_cast %get3A_1093 : vector<16xf32> to vector<16xf32>
      %swap3A_1095 = arith.constant 3 : i32
      %swap3A_1096 = arith.index_cast %rem3A_26 : i32 to index
      %swap3A_1097 = arith.index_cast %swap3A_1095 : i32 to index
      %swap3A_1098 = arith.constant 112 : index
      %swap3A_1099 = tpu.vector_load %arg8[%swap3A_1096, %swap3A_1097, %swap3A_1098] {strides = array<i32>} : memref<2x77x768xf32, #tpu.memory_space<vmem>>, vector<1x1x16xf32>,
      %swap3A_1100 = vector.shape_cast %swap3A_1099 : vector<1x1x16xf32> to vector<16xf32>
      %swap3A_1101 = vector.shape_cast %get3A_1094 : vector<16xf32> to vector<1x1x16xf32>
      tpu.vector_store %arg8[%swap3A_1096, %swap3A_1097, %swap3A_1098], %swap3A_1101 {strides = array<i32>} : memref<2x77x768xf32, #tpu.memory_space<vmem>>, vector<1x1x16xf32>,
      %get3A_1102 = arith.constant 1664 : index
      %get3A_1103 = tpu.vector_load %arg7[%get3A_1102] {strides = array<i32>} : memref<3072xf32, #tpu.memory_space<vmem>>, vector<16xf32>,
      %get3A_1104 = vector.shape_cast %get3A_1103 : vector<16xf32> to vector<16xf32>
      %swap3A_1105 = arith.constant 3 : i32
      %swap3A_1106 = arith.index_cast %rem3A_26 : i32 to index
      %swap3A_1107 = arith.index_cast %swap3A_1105 : i32 to index
      %swap3A_1108 = arith.constant 128 : index
      %swap3A_1109 = tpu.vector_load %arg8[%swap3A_1106, %swap3A_1107, %swap3A_1108] {strides = array<i32>} : memref<2x77x768xf32, #tpu.memory_space<vmem>>, vector<1x1x16xf32>,
      %swap3A_1110 = vector.shape_cast %swap3A_1109 : vector<1x1x16xf32> to vector<16xf32>
      %swap3A_1111 = vector.shape_cast %get3A_1104 : vector<16xf32> to vector<1x1x16xf32>
      tpu.vector_store %arg8[%swap3A_1106, %swap3A_1107, %swap3A_1108], %swap3A_1111 {strides = array<i32>} : memref<2x77x768xf32, #tpu.memory_space<vmem>>, vector<1x1x16xf32>,
      %get3A_1112 = arith.constant 1680 : index
      %get3A_1113 = tpu.vector_load %arg7[%get3A_1112] {strides = array<i32>} : memref<3072xf32, #tpu.memory_space<vmem>>, vector<16xf32>,
      %get3A_1114 = vector.shape_cast %get3A_1113 : vector<16xf32> to vector<16xf32>
      %swap3A_1115 = arith.constant 3 : i32
      %swap3A_1116 = arith.index_cast %rem3A_26 : i32 to index
      %swap3A_1117 = arith.index_cast %swap3A_1115 : i32 to index
      %swap3A_1118 = arith.constant 144 : index
      %swap3A_1119 = tpu.vector_load %arg8[%swap3A_1116, %swap3A_1117, %swap3A_1118] {strides = array<i32>} : memref<2x77x768xf32, #tpu.memory_space<vmem>>, vector<1x1x16xf32>,
      %swap3A_1120 = vector.shape_cast %swap3A_1119 : vector<1x1x16xf32> to vector<16xf32>
      %swap3A_1121 = vector.shape_cast %get3A_1114 : vector<16xf32> to vector<1x1x16xf32>
      tpu.vector_store %arg8[%swap3A_1116, %swap3A_1117, %swap3A_1118], %swap3A_1121 {strides = array<i32>} : memref<2x77x768xf32, #tpu.memory_space<vmem>>, vector<1x1x16xf32>,
      %get3A_1122 = arith.constant 1696 : index
      %get3A_1123 = tpu.vector_load %arg7[%get3A_1122] {strides = array<i32>} : memref<3072xf32, #tpu.memory_space<vmem>>, vector<16xf32>,
      %get3A_1124 = vector.shape_cast %get3A_1123 : vector<16xf32> to vector<16xf32>
      %swap3A_1125 = arith.constant 3 : i32
      %swap3A_1126 = arith.index_cast %rem3A_26 : i32 to index
      %swap3A_1127 = arith.index_cast %swap3A_1125 : i32 to index
      %swap3A_1128 = arith.constant 160 : index
      %swap3A_1129 = tpu.vector_load %arg8[%swap3A_1126, %swap3A_1127, %swap3A_1128] {strides = array<i32>} : memref<2x77x768xf32, #tpu.memory_space<vmem>>, vector<1x1x16xf32>,
      %swap3A_1130 = vector.shape_cast %swap3A_1129 : vector<1x1x16xf32> to vector<16xf32>
      %swap3A_1131 = vector.shape_cast %get3A_1124 : vector<16xf32> to vector<1x1x16xf32>
      tpu.vector_store %arg8[%swap3A_1126, %swap3A_1127, %swap3A_1128], %swap3A_1131 {strides = array<i32>} : memref<2x77x768xf32, #tpu.memory_space<vmem>>, vector<1x1x16xf32>,
      %get3A_1132 = arith.constant 1712 : index
      %get3A_1133 = tpu.vector_load %arg7[%get3A_1132] {strides = array<i32>} : memref<3072xf32, #tpu.memory_space<vmem>>, vector<16xf32>,
      %get3A_1134 = vector.shape_cast %get3A_1133 : vector<16xf32> to vector<16xf32>
      %swap3A_1135 = arith.constant 3 : i32
      %swap3A_1136 = arith.index_cast %rem3A_26 : i32 to index
      %swap3A_1137 = arith.index_cast %swap3A_1135 : i32 to index
      %swap3A_1138 = arith.constant 176 : index
      %swap3A_1139 = tpu.vector_load %arg8[%swap3A_1136, %swap3A_1137, %swap3A_1138] {strides = array<i32>} : memref<2x77x768xf32, #tpu.memory_space<vmem>>, vector<1x1x16xf32>,
      %swap3A_1140 = vector.shape_cast %swap3A_1139 : vector<1x1x16xf32> to vector<16xf32>
      %swap3A_1141 = vector.shape_cast %get3A_1134 : vector<16xf32> to vector<1x1x16xf32>
      tpu.vector_store %arg8[%swap3A_1136, %swap3A_1137, %swap3A_1138], %swap3A_1141 {strides = array<i32>} : memref<2x77x768xf32, #tpu.memory_space<vmem>>, vector<1x1x16xf32>,
      %get3A_1142 = arith.constant 1728 : index
      %get3A_1143 = tpu.vector_load %arg7[%get3A_1142] {strides = array<i32>} : memref<3072xf32, #tpu.memory_space<vmem>>, vector<16xf32>,
      %get3A_1144 = vector.shape_cast %get3A_1143 : vector<16xf32> to vector<16xf32>
      %swap3A_1145 = arith.constant 3 : i32
      %swap3A_1146 = arith.index_cast %rem3A_26 : i32 to index
      %swap3A_1147 = arith.index_cast %swap3A_1145 : i32 to index
      %swap3A_1148 = arith.constant 192 : index
      %swap3A_1149 = tpu.vector_load %arg8[%swap3A_1146, %swap3A_1147, %swap3A_1148] {strides = array<i32>} : memref<2x77x768xf32, #tpu.memory_space<vmem>>, vector<1x1x16xf32>,
      %swap3A_1150 = vector.shape_cast %swap3A_1149 : vector<1x1x16xf32> to vector<16xf32>
      %swap3A_1151 = vector.shape_cast %get3A_1144 : vector<16xf32> to vector<1x1x16xf32>
      tpu.vector_store %arg8[%swap3A_1146, %swap3A_1147, %swap3A_1148], %swap3A_1151 {strides = array<i32>} : memref<2x77x768xf32, #tpu.memory_space<vmem>>, vector<1x1x16xf32>,
      %get3A_1152 = arith.constant 1744 : index
      %get3A_1153 = tpu.vector_load %arg7[%get3A_1152] {strides = array<i32>} : memref<3072xf32, #tpu.memory_space<vmem>>, vector<16xf32>,
      %get3A_1154 = vector.shape_cast %get3A_1153 : vector<16xf32> to vector<16xf32>
      %swap3A_1155 = arith.constant 3 : i32
      %swap3A_1156 = arith.index_cast %rem3A_26 : i32 to index
      %swap3A_1157 = arith.index_cast %swap3A_1155 : i32 to index
      %swap3A_1158 = arith.constant 208 : index
      %swap3A_1159 = tpu.vector_load %arg8[%swap3A_1156, %swap3A_1157, %swap3A_1158] {strides = array<i32>} : memref<2x77x768xf32, #tpu.memory_space<vmem>>, vector<1x1x16xf32>,
      %swap3A_1160 = vector.shape_cast %swap3A_1159 : vector<1x1x16xf32> to vector<16xf32>
      %swap3A_1161 = vector.shape_cast %get3A_1154 : vector<16xf32> to vector<1x1x16xf32>
      tpu.vector_store %arg8[%swap3A_1156, %swap3A_1157, %swap3A_1158], %swap3A_1161 {strides = array<i32>} : memref<2x77x768xf32, #tpu.memory_space<vmem>>, vector<1x1x16xf32>,
      %get3A_1162 = arith.constant 1760 : index
      %get3A_1163 = tpu.vector_load %arg7[%get3A_1162] {strides = array<i32>} : memref<3072xf32, #tpu.memory_space<vmem>>, vector<16xf32>,
      %get3A_1164 = vector.shape_cast %get3A_1163 : vector<16xf32> to vector<16xf32>
      %swap3A_1165 = arith.constant 3 : i32
      %swap3A_1166 = arith.index_cast %rem3A_26 : i32 to index
      %swap3A_1167 = arith.index_cast %swap3A_1165 : i32 to index
      %swap3A_1168 = arith.constant 224 : index
      %swap3A_1169 = tpu.vector_load %arg8[%swap3A_1166, %swap3A_1167, %swap3A_1168] {strides = array<i32>} : memref<2x77x768xf32, #tpu.memory_space<vmem>>, vector<1x1x16xf32>,
      %swap3A_1170 = vector.shape_cast %swap3A_1169 : vector<1x1x16xf32> to vector<16xf32>
      %swap3A_1171 = vector.shape_cast %get3A_1164 : vector<16xf32> to vector<1x1x16xf32>
      tpu.vector_store %arg8[%swap3A_1166, %swap3A_1167, %swap3A_1168], %swap3A_1171 {strides = array<i32>} : memref<2x77x768xf32, #tpu.memory_space<vmem>>, vector<1x1x16xf32>,
      %get3A_1172 = arith.constant 1776 : index
      %get3A_1173 = tpu.vector_load %arg7[%get3A_1172] {strides = array<i32>} : memref<3072xf32, #tpu.memory_space<vmem>>, vector<16xf32>,
      %get3A_1174 = vector.shape_cast %get3A_1173 : vector<16xf32> to vector<16xf32>
      %swap3A_1175 = arith.constant 3 : i32
      %swap3A_1176 = arith.index_cast %rem3A_26 : i32 to index
      %swap3A_1177 = arith.index_cast %swap3A_1175 : i32 to index
      %swap3A_1178 = arith.constant 240 : index
      %swap3A_1179 = tpu.vector_load %arg8[%swap3A_1176, %swap3A_1177, %swap3A_1178] {strides = array<i32>} : memref<2x77x768xf32, #tpu.memory_space<vmem>>, vector<1x1x16xf32>,
      %swap3A_1180 = vector.shape_cast %swap3A_1179 : vector<1x1x16xf32> to vector<16xf32>
      %swap3A_1181 = vector.shape_cast %get3A_1174 : vector<16xf32> to vector<1x1x16xf32>
      tpu.vector_store %arg8[%swap3A_1176, %swap3A_1177, %swap3A_1178], %swap3A_1181 {strides = array<i32>} : memref<2x77x768xf32, #tpu.memory_space<vmem>>, vector<1x1x16xf32>,
      %get3A_1182 = arith.constant 1792 : index
      %get3A_1183 = tpu.vector_load %arg7[%get3A_1182] {strides = array<i32>} : memref<3072xf32, #tpu.memory_space<vmem>>, vector<16xf32>,
      %get3A_1184 = vector.shape_cast %get3A_1183 : vector<16xf32> to vector<16xf32>
      %swap3A_1185 = arith.constant 3 : i32
      %swap3A_1186 = arith.index_cast %rem3A_26 : i32 to index
      %swap3A_1187 = arith.index_cast %swap3A_1185 : i32 to index
      %swap3A_1188 = arith.constant 256 : index
      %swap3A_1189 = tpu.vector_load %arg8[%swap3A_1186, %swap3A_1187, %swap3A_1188] {strides = array<i32>} : memref<2x77x768xf32, #tpu.memory_space<vmem>>, vector<1x1x16xf32>,
      %swap3A_1190 = vector.shape_cast %swap3A_1189 : vector<1x1x16xf32> to vector<16xf32>
      %swap3A_1191 = vector.shape_cast %get3A_1184 : vector<16xf32> to vector<1x1x16xf32>
      tpu.vector_store %arg8[%swap3A_1186, %swap3A_1187, %swap3A_1188], %swap3A_1191 {strides = array<i32>} : memref<2x77x768xf32, #tpu.memory_space<vmem>>, vector<1x1x16xf32>,
      %get3A_1192 = arith.constant 1808 : index
      %get3A_1193 = tpu.vector_load %arg7[%get3A_1192] {strides = array<i32>} : memref<3072xf32, #tpu.memory_space<vmem>>, vector<16xf32>,
      %get3A_1194 = vector.shape_cast %get3A_1193 : vector<16xf32> to vector<16xf32>
      %swap3A_1195 = arith.constant 3 : i32
      %swap3A_1196 = arith.index_cast %rem3A_26 : i32 to index
      %swap3A_1197 = arith.index_cast %swap3A_1195 : i32 to index
      %swap3A_1198 = arith.constant 272 : index
      %swap3A_1199 = tpu.vector_load %arg8[%swap3A_1196, %swap3A_1197, %swap3A_1198] {strides = array<i32>} : memref<2x77x768xf32, #tpu.memory_space<vmem>>, vector<1x1x16xf32>,
      %swap3A_1200 = vector.shape_cast %swap3A_1199 : vector<1x1x16xf32> to vector<16xf32>
      %swap3A_1201 = vector.shape_cast %get3A_1194 : vector<16xf32> to vector<1x1x16xf32>
      tpu.vector_store %arg8[%swap3A_1196, %swap3A_1197, %swap3A_1198], %swap3A_1201 {strides = array<i32>} : memref<2x77x768xf32, #tpu.memory_space<vmem>>, vector<1x1x16xf32>,
      %get3A_1202 = arith.constant 1824 : index
      %get3A_1203 = tpu.vector_load %arg7[%get3A_1202] {strides = array<i32>} : memref<3072xf32, #tpu.memory_space<vmem>>, vector<16xf32>,
      %get3A_1204 = vector.shape_cast %get3A_1203 : vector<16xf32> to vector<16xf32>
      %swap3A_1205 = arith.constant 3 : i32
      %swap3A_1206 = arith.index_cast %rem3A_26 : i32 to index
      %swap3A_1207 = arith.index_cast %swap3A_1205 : i32 to index
      %swap3A_1208 = arith.constant 288 : index
      %swap3A_1209 = tpu.vector_load %arg8[%swap3A_1206, %swap3A_1207, %swap3A_1208] {strides = array<i32>} : memref<2x77x768xf32, #tpu.memory_space<vmem>>, vector<1x1x16xf32>,
      %swap3A_1210 = vector.shape_cast %swap3A_1209 : vector<1x1x16xf32> to vector<16xf32>
      %swap3A_1211 = vector.shape_cast %get3A_1204 : vector<16xf32> to vector<1x1x16xf32>
      tpu.vector_store %arg8[%swap3A_1206, %swap3A_1207, %swap3A_1208], %swap3A_1211 {strides = array<i32>} : memref<2x77x768xf32, #tpu.memory_space<vmem>>, vector<1x1x16xf32>,
      %get3A_1212 = arith.constant 1840 : index
      %get3A_1213 = tpu.vector_load %arg7[%get3A_1212] {strides = array<i32>} : memref<3072xf32, #tpu.memory_space<vmem>>, vector<16xf32>,
      %get3A_1214 = vector.shape_cast %get3A_1213 : vector<16xf32> to vector<16xf32>
      %swap3A_1215 = arith.constant 3 : i32
      %swap3A_1216 = arith.index_cast %rem3A_26 : i32 to index
      %swap3A_1217 = arith.index_cast %swap3A_1215 : i32 to index
      %swap3A_1218 = arith.constant 304 : index
      %swap3A_1219 = tpu.vector_load %arg8[%swap3A_1216, %swap3A_1217, %swap3A_1218] {strides = array<i32>} : memref<2x77x768xf32, #tpu.memory_space<vmem>>, vector<1x1x16xf32>,
      %swap3A_1220 = vector.shape_cast %swap3A_1219 : vector<1x1x16xf32> to vector<16xf32>
      %swap3A_1221 = vector.shape_cast %get3A_1214 : vector<16xf32> to vector<1x1x16xf32>
      tpu.vector_store %arg8[%swap3A_1216, %swap3A_1217, %swap3A_1218], %swap3A_1221 {strides = array<i32>} : memref<2x77x768xf32, #tpu.memory_space<vmem>>, vector<1x1x16xf32>,
      %get3A_1222 = arith.constant 1856 : index
      %get3A_1223 = tpu.vector_load %arg7[%get3A_1222] {strides = array<i32>} : memref<3072xf32, #tpu.memory_space<vmem>>, vector<16xf32>,
      %get3A_1224 = vector.shape_cast %get3A_1223 : vector<16xf32> to vector<16xf32>
      %swap3A_1225 = arith.constant 3 : i32
      %swap3A_1226 = arith.index_cast %rem3A_26 : i32 to index
      %swap3A_1227 = arith.index_cast %swap3A_1225 : i32 to index
      %swap3A_1228 = arith.constant 320 : index
      %swap3A_1229 = tpu.vector_load %arg8[%swap3A_1226, %swap3A_1227, %swap3A_1228] {strides = array<i32>} : memref<2x77x768xf32, #tpu.memory_space<vmem>>, vector<1x1x16xf32>,
      %swap3A_1230 = vector.shape_cast %swap3A_1229 : vector<1x1x16xf32> to vector<16xf32>
      %swap3A_1231 = vector.shape_cast %get3A_1224 : vector<16xf32> to vector<1x1x16xf32>
      tpu.vector_store %arg8[%swap3A_1226, %swap3A_1227, %swap3A_1228], %swap3A_1231 {strides = array<i32>} : memref<2x77x768xf32, #tpu.memory_space<vmem>>, vector<1x1x16xf32>,
      %get3A_1232 = arith.constant 1872 : index
      %get3A_1233 = tpu.vector_load %arg7[%get3A_1232] {strides = array<i32>} : memref<3072xf32, #tpu.memory_space<vmem>>, vector<16xf32>,
      %get3A_1234 = vector.shape_cast %get3A_1233 : vector<16xf32> to vector<16xf32>
      %swap3A_1235 = arith.constant 3 : i32
      %swap3A_1236 = arith.index_cast %rem3A_26 : i32 to index
      %swap3A_1237 = arith.index_cast %swap3A_1235 : i32 to index
      %swap3A_1238 = arith.constant 336 : index
      %swap3A_1239 = tpu.vector_load %arg8[%swap3A_1236, %swap3A_1237, %swap3A_1238] {strides = array<i32>} : memref<2x77x768xf32, #tpu.memory_space<vmem>>, vector<1x1x16xf32>,
      %swap3A_1240 = vector.shape_cast %swap3A_1239 : vector<1x1x16xf32> to vector<16xf32>
      %swap3A_1241 = vector.shape_cast %get3A_1234 : vector<16xf32> to vector<1x1x16xf32>
      tpu.vector_store %arg8[%swap3A_1236, %swap3A_1237, %swap3A_1238], %swap3A_1241 {strides = array<i32>} : memref<2x77x768xf32, #tpu.memory_space<vmem>>, vector<1x1x16xf32>,
      %get3A_1242 = arith.constant 1888 : index
      %get3A_1243 = tpu.vector_load %arg7[%get3A_1242] {strides = array<i32>} : memref<3072xf32, #tpu.memory_space<vmem>>, vector<16xf32>,
      %get3A_1244 = vector.shape_cast %get3A_1243 : vector<16xf32> to vector<16xf32>
      %swap3A_1245 = arith.constant 3 : i32
      %swap3A_1246 = arith.index_cast %rem3A_26 : i32 to index
      %swap3A_1247 = arith.index_cast %swap3A_1245 : i32 to index
      %swap3A_1248 = arith.constant 352 : index
      %swap3A_1249 = tpu.vector_load %arg8[%swap3A_1246, %swap3A_1247, %swap3A_1248] {strides = array<i32>} : memref<2x77x768xf32, #tpu.memory_space<vmem>>, vector<1x1x16xf32>,
      %swap3A_1250 = vector.shape_cast %swap3A_1249 : vector<1x1x16xf32> to vector<16xf32>
      %swap3A_1251 = vector.shape_cast %get3A_1244 : vector<16xf32> to vector<1x1x16xf32>
      tpu.vector_store %arg8[%swap3A_1246, %swap3A_1247, %swap3A_1248], %swap3A_1251 {strides = array<i32>} : memref<2x77x768xf32, #tpu.memory_space<vmem>>, vector<1x1x16xf32>,
      %get3A_1252 = arith.constant 1904 : index
      %get3A_1253 = tpu.vector_load %arg7[%get3A_1252] {strides = array<i32>} : memref<3072xf32, #tpu.memory_space<vmem>>, vector<16xf32>,
      %get3A_1254 = vector.shape_cast %get3A_1253 : vector<16xf32> to vector<16xf32>
      %swap3A_1255 = arith.constant 3 : i32
      %swap3A_1256 = arith.index_cast %rem3A_26 : i32 to index
      %swap3A_1257 = arith.index_cast %swap3A_1255 : i32 to index
      %swap3A_1258 = arith.constant 368 : index
      %swap3A_1259 = tpu.vector_load %arg8[%swap3A_1256, %swap3A_1257, %swap3A_1258] {strides = array<i32>} : memref<2x77x768xf32, #tpu.memory_space<vmem>>, vector<1x1x16xf32>,
      %swap3A_1260 = vector.shape_cast %swap3A_1259 : vector<1x1x16xf32> to vector<16xf32>
      %swap3A_1261 = vector.shape_cast %get3A_1254 : vector<16xf32> to vector<1x1x16xf32>
      tpu.vector_store %arg8[%swap3A_1256, %swap3A_1257, %swap3A_1258], %swap3A_1261 {strides = array<i32>} : memref<2x77x768xf32, #tpu.memory_space<vmem>>, vector<1x1x16xf32>,
      %get3A_1262 = arith.constant 1920 : index
      %get3A_1263 = tpu.vector_load %arg7[%get3A_1262] {strides = array<i32>} : memref<3072xf32, #tpu.memory_space<vmem>>, vector<16xf32>,
      %get3A_1264 = vector.shape_cast %get3A_1263 : vector<16xf32> to vector<16xf32>
      %swap3A_1265 = arith.constant 3 : i32
      %swap3A_1266 = arith.index_cast %rem3A_26 : i32 to index
      %swap3A_1267 = arith.index_cast %swap3A_1265 : i32 to index
      %swap3A_1268 = arith.constant 384 : index
      %swap3A_1269 = tpu.vector_load %arg8[%swap3A_1266, %swap3A_1267, %swap3A_1268] {strides = array<i32>} : memref<2x77x768xf32, #tpu.memory_space<vmem>>, vector<1x1x16xf32>,
      %swap3A_1270 = vector.shape_cast %swap3A_1269 : vector<1x1x16xf32> to vector<16xf32>
      %swap3A_1271 = vector.shape_cast %get3A_1264 : vector<16xf32> to vector<1x1x16xf32>
      tpu.vector_store %arg8[%swap3A_1266, %swap3A_1267, %swap3A_1268], %swap3A_1271 {strides = array<i32>} : memref<2x77x768xf32, #tpu.memory_space<vmem>>, vector<1x1x16xf32>,
      %get3A_1272 = arith.constant 1936 : index
      %get3A_1273 = tpu.vector_load %arg7[%get3A_1272] {strides = array<i32>} : memref<3072xf32, #tpu.memory_space<vmem>>, vector<16xf32>,
      %get3A_1274 = vector.shape_cast %get3A_1273 : vector<16xf32> to vector<16xf32>
      %swap3A_1275 = arith.constant 3 : i32
      %swap3A_1276 = arith.index_cast %rem3A_26 : i32 to index
      %swap3A_1277 = arith.index_cast %swap3A_1275 : i32 to index
      %swap3A_1278 = arith.constant 400 : index
      %swap3A_1279 = tpu.vector_load %arg8[%swap3A_1276, %swap3A_1277, %swap3A_1278] {strides = array<i32>} : memref<2x77x768xf32, #tpu.memory_space<vmem>>, vector<1x1x16xf32>,
      %swap3A_1280 = vector.shape_cast %swap3A_1279 : vector<1x1x16xf32> to vector<16xf32>
      %swap3A_1281 = vector.shape_cast %get3A_1274 : vector<16xf32> to vector<1x1x16xf32>
      tpu.vector_store %arg8[%swap3A_1276, %swap3A_1277, %swap3A_1278], %swap3A_1281 {strides = array<i32>} : memref<2x77x768xf32, #tpu.memory_space<vmem>>, vector<1x1x16xf32>,
      %get3A_1282 = arith.constant 1952 : index
      %get3A_1283 = tpu.vector_load %arg7[%get3A_1282] {strides = array<i32>} : memref<3072xf32, #tpu.memory_space<vmem>>, vector<16xf32>,
      %get3A_1284 = vector.shape_cast %get3A_1283 : vector<16xf32> to vector<16xf32>
      %swap3A_1285 = arith.constant 3 : i32
      %swap3A_1286 = arith.index_cast %rem3A_26 : i32 to index
      %swap3A_1287 = arith.index_cast %swap3A_1285 : i32 to index
      %swap3A_1288 = arith.constant 416 : index
      %swap3A_1289 = tpu.vector_load %arg8[%swap3A_1286, %swap3A_1287, %swap3A_1288] {strides = array<i32>} : memref<2x77x768xf32, #tpu.memory_space<vmem>>, vector<1x1x16xf32>,
      %swap3A_1290 = vector.shape_cast %swap3A_1289 : vector<1x1x16xf32> to vector<16xf32>
      %swap3A_1291 = vector.shape_cast %get3A_1284 : vector<16xf32> to vector<1x1x16xf32>
      tpu.vector_store %arg8[%swap3A_1286, %swap3A_1287, %swap3A_1288], %swap3A_1291 {strides = array<i32>} : memref<2x77x768xf32, #tpu.memory_space<vmem>>, vector<1x1x16xf32>,
      %get3A_1292 = arith.constant 1968 : index
      %get3A_1293 = tpu.vector_load %arg7[%get3A_1292] {strides = array<i32>} : memref<3072xf32, #tpu.memory_space<vmem>>, vector<16xf32>,
      %get3A_1294 = vector.shape_cast %get3A_1293 : vector<16xf32> to vector<16xf32>
      %swap3A_1295 = arith.constant 3 : i32
      %swap3A_1296 = arith.index_cast %rem3A_26 : i32 to index
      %swap3A_1297 = arith.index_cast %swap3A_1295 : i32 to index
      %swap3A_1298 = arith.constant 432 : index
      %swap3A_1299 = tpu.vector_load %arg8[%swap3A_1296, %swap3A_1297, %swap3A_1298] {strides = array<i32>} : memref<2x77x768xf32, #tpu.memory_space<vmem>>, vector<1x1x16xf32>,
      %swap3A_1300 = vector.shape_cast %swap3A_1299 : vector<1x1x16xf32> to vector<16xf32>
      %swap3A_1301 = vector.shape_cast %get3A_1294 : vector<16xf32> to vector<1x1x16xf32>
      tpu.vector_store %arg8[%swap3A_1296, %swap3A_1297, %swap3A_1298], %swap3A_1301 {strides = array<i32>} : memref<2x77x768xf32, #tpu.memory_space<vmem>>, vector<1x1x16xf32>,
      %get3A_1302 = arith.constant 1984 : index
      %get3A_1303 = tpu.vector_load %arg7[%get3A_1302] {strides = array<i32>} : memref<3072xf32, #tpu.memory_space<vmem>>, vector<16xf32>,
      %get3A_1304 = vector.shape_cast %get3A_1303 : vector<16xf32> to vector<16xf32>
      %swap3A_1305 = arith.constant 3 : i32
      %swap3A_1306 = arith.index_cast %rem3A_26 : i32 to index
      %swap3A_1307 = arith.index_cast %swap3A_1305 : i32 to index
      %swap3A_1308 = arith.constant 448 : index
      %swap3A_1309 = tpu.vector_load %arg8[%swap3A_1306, %swap3A_1307, %swap3A_1308] {strides = array<i32>} : memref<2x77x768xf32, #tpu.memory_space<vmem>>, vector<1x1x16xf32>,
      %swap3A_1310 = vector.shape_cast %swap3A_1309 : vector<1x1x16xf32> to vector<16xf32>
      %swap3A_1311 = vector.shape_cast %get3A_1304 : vector<16xf32> to vector<1x1x16xf32>
      tpu.vector_store %arg8[%swap3A_1306, %swap3A_1307, %swap3A_1308], %swap3A_1311 {strides = array<i32>} : memref<2x77x768xf32, #tpu.memory_space<vmem>>, vector<1x1x16xf32>,
      %get3A_1312 = arith.constant 2000 : index
      %get3A_1313 = tpu.vector_load %arg7[%get3A_1312] {strides = array<i32>} : memref<3072xf32, #tpu.memory_space<vmem>>, vector<16xf32>,
      %get3A_1314 = vector.shape_cast %get3A_1313 : vector<16xf32> to vector<16xf32>
      %swap3A_1315 = arith.constant 3 : i32
      %swap3A_1316 = arith.index_cast %rem3A_26 : i32 to index
      %swap3A_1317 = arith.index_cast %swap3A_1315 : i32 to index
      %swap3A_1318 = arith.constant 464 : index
      %swap3A_1319 = tpu.vector_load %arg8[%swap3A_1316, %swap3A_1317, %swap3A_1318] {strides = array<i32>} : memref<2x77x768xf32, #tpu.memory_space<vmem>>, vector<1x1x16xf32>,
      %swap3A_1320 = vector.shape_cast %swap3A_1319 : vector<1x1x16xf32> to vector<16xf32>
      %swap3A_1321 = vector.shape_cast %get3A_1314 : vector<16xf32> to vector<1x1x16xf32>
      tpu.vector_store %arg8[%swap3A_1316, %swap3A_1317, %swap3A_1318], %swap3A_1321 {strides = array<i32>} : memref<2x77x768xf32, #tpu.memory_space<vmem>>, vector<1x1x16xf32>,
      %get3A_1322 = arith.constant 2016 : index
      %get3A_1323 = tpu.vector_load %arg7[%get3A_1322] {strides = array<i32>} : memref<3072xf32, #tpu.memory_space<vmem>>, vector<16xf32>,
      %get3A_1324 = vector.shape_cast %get3A_1323 : vector<16xf32> to vector<16xf32>
      %swap3A_1325 = arith.constant 3 : i32
      %swap3A_1326 = arith.index_cast %rem3A_26 : i32 to index
      %swap3A_1327 = arith.index_cast %swap3A_1325 : i32 to index
      %swap3A_1328 = arith.constant 480 : index
      %swap3A_1329 = tpu.vector_load %arg8[%swap3A_1326, %swap3A_1327, %swap3A_1328] {strides = array<i32>} : memref<2x77x768xf32, #tpu.memory_space<vmem>>, vector<1x1x16xf32>,
      %swap3A_1330 = vector.shape_cast %swap3A_1329 : vector<1x1x16xf32> to vector<16xf32>
      %swap3A_1331 = vector.shape_cast %get3A_1324 : vector<16xf32> to vector<1x1x16xf32>
      tpu.vector_store %arg8[%swap3A_1326, %swap3A_1327, %swap3A_1328], %swap3A_1331 {strides = array<i32>} : memref<2x77x768xf32, #tpu.memory_space<vmem>>, vector<1x1x16xf32>,
      %get3A_1332 = arith.constant 2032 : index
      %get3A_1333 = tpu.vector_load %arg7[%get3A_1332] {strides = array<i32>} : memref<3072xf32, #tpu.memory_space<vmem>>, vector<16xf32>,
      %get3A_1334 = vector.shape_cast %get3A_1333 : vector<16xf32> to vector<16xf32>
      %swap3A_1335 = arith.constant 3 : i32
      %swap3A_1336 = arith.index_cast %rem3A_26 : i32 to index
      %swap3A_1337 = arith.index_cast %swap3A_1335 : i32 to index
      %swap3A_1338 = arith.constant 496 : index
      %swap3A_1339 = tpu.vector_load %arg8[%swap3A_1336, %swap3A_1337, %swap3A_1338] {strides = array<i32>} : memref<2x77x768xf32, #tpu.memory_space<vmem>>, vector<1x1x16xf32>,
      %swap3A_1340 = vector.shape_cast %swap3A_1339 : vector<1x1x16xf32> to vector<16xf32>
      %swap3A_1341 = vector.shape_cast %get3A_1334 : vector<16xf32> to vector<1x1x16xf32>
      tpu.vector_store %arg8[%swap3A_1336, %swap3A_1337, %swap3A_1338], %swap3A_1341 {strides = array<i32>} : memref<2x77x768xf32, #tpu.memory_space<vmem>>, vector<1x1x16xf32>,
      %get3A_1342 = arith.constant 2048 : index
      %get3A_1343 = tpu.vector_load %arg7[%get3A_1342] {strides = array<i32>} : memref<3072xf32, #tpu.memory_space<vmem>>, vector<16xf32>,
      %get3A_1344 = vector.shape_cast %get3A_1343 : vector<16xf32> to vector<16xf32>
      %swap3A_1345 = arith.constant 3 : i32
      %swap3A_1346 = arith.index_cast %rem3A_26 : i32 to index
      %swap3A_1347 = arith.index_cast %swap3A_1345 : i32 to index
      %swap3A_1348 = arith.constant 512 : index
      %swap3A_1349 = tpu.vector_load %arg8[%swap3A_1346, %swap3A_1347, %swap3A_1348] {strides = array<i32>} : memref<2x77x768xf32, #tpu.memory_space<vmem>>, vector<1x1x16xf32>,
      %swap3A_1350 = vector.shape_cast %swap3A_1349 : vector<1x1x16xf32> to vector<16xf32>
      %swap3A_1351 = vector.shape_cast %get3A_1344 : vector<16xf32> to vector<1x1x16xf32>
      tpu.vector_store %arg8[%swap3A_1346, %swap3A_1347, %swap3A_1348], %swap3A_1351 {strides = array<i32>} : memref<2x77x768xf32, #tpu.memory_space<vmem>>, vector<1x1x16xf32>,
      %get3A_1352 = arith.constant 2064 : index
      %get3A_1353 = tpu.vector_load %arg7[%get3A_1352] {strides = array<i32>} : memref<3072xf32, #tpu.memory_space<vmem>>, vector<16xf32>,
      %get3A_1354 = vector.shape_cast %get3A_1353 : vector<16xf32> to vector<16xf32>
      %swap3A_1355 = arith.constant 3 : i32
      %swap3A_1356 = arith.index_cast %rem3A_26 : i32 to index
      %swap3A_1357 = arith.index_cast %swap3A_1355 : i32 to index
      %swap3A_1358 = arith.constant 528 : index
      %swap3A_1359 = tpu.vector_load %arg8[%swap3A_1356, %swap3A_1357, %swap3A_1358] {strides = array<i32>} : memref<2x77x768xf32, #tpu.memory_space<vmem>>, vector<1x1x16xf32>,
      %swap3A_1360 = vector.shape_cast %swap3A_1359 : vector<1x1x16xf32> to vector<16xf32>
      %swap3A_1361 = vector.shape_cast %get3A_1354 : vector<16xf32> to vector<1x1x16xf32>
      tpu.vector_store %arg8[%swap3A_1356, %swap3A_1357, %swap3A_1358], %swap3A_1361 {strides = array<i32>} : memref<2x77x768xf32, #tpu.memory_space<vmem>>, vector<1x1x16xf32>,
      %get3A_1362 = arith.constant 2080 : index
      %get3A_1363 = tpu.vector_load %arg7[%get3A_1362] {strides = array<i32>} : memref<3072xf32, #tpu.memory_space<vmem>>, vector<16xf32>,
      %get3A_1364 = vector.shape_cast %get3A_1363 : vector<16xf32> to vector<16xf32>
      %swap3A_1365 = arith.constant 3 : i32
      %swap3A_1366 = arith.index_cast %rem3A_26 : i32 to index
      %swap3A_1367 = arith.index_cast %swap3A_1365 : i32 to index
      %swap3A_1368 = arith.constant 544 : index
      %swap3A_1369 = tpu.vector_load %arg8[%swap3A_1366, %swap3A_1367, %swap3A_1368] {strides = array<i32>} : memref<2x77x768xf32, #tpu.memory_space<vmem>>, vector<1x1x16xf32>,
      %swap3A_1370 = vector.shape_cast %swap3A_1369 : vector<1x1x16xf32> to vector<16xf32>
      %swap3A_1371 = vector.shape_cast %get3A_1364 : vector<16xf32> to vector<1x1x16xf32>
      tpu.vector_store %arg8[%swap3A_1366, %swap3A_1367, %swap3A_1368], %swap3A_1371 {strides = array<i32>} : memref<2x77x768xf32, #tpu.memory_space<vmem>>, vector<1x1x16xf32>,
      %get3A_1372 = arith.constant 2096 : index
      %get3A_1373 = tpu.vector_load %arg7[%get3A_1372] {strides = array<i32>} : memref<3072xf32, #tpu.memory_space<vmem>>, vector<16xf32>,
      %get3A_1374 = vector.shape_cast %get3A_1373 : vector<16xf32> to vector<16xf32>
      %swap3A_1375 = arith.constant 3 : i32
      %swap3A_1376 = arith.index_cast %rem3A_26 : i32 to index
      %swap3A_1377 = arith.index_cast %swap3A_1375 : i32 to index
      %swap3A_1378 = arith.constant 560 : index
      %swap3A_1379 = tpu.vector_load %arg8[%swap3A_1376, %swap3A_1377, %swap3A_1378] {strides = array<i32>} : memref<2x77x768xf32, #tpu.memory_space<vmem>>, vector<1x1x16xf32>,
      %swap3A_1380 = vector.shape_cast %swap3A_1379 : vector<1x1x16xf32> to vector<16xf32>
      %swap3A_1381 = vector.shape_cast %get3A_1374 : vector<16xf32> to vector<1x1x16xf32>
      tpu.vector_store %arg8[%swap3A_1376, %swap3A_1377, %swap3A_1378], %swap3A_1381 {strides = array<i32>} : memref<2x77x768xf32, #tpu.memory_space<vmem>>, vector<1x1x16xf32>,
      %get3A_1382 = arith.constant 2112 : index
      %get3A_1383 = tpu.vector_load %arg7[%get3A_1382] {strides = array<i32>} : memref<3072xf32, #tpu.memory_space<vmem>>, vector<16xf32>,
      %get3A_1384 = vector.shape_cast %get3A_1383 : vector<16xf32> to vector<16xf32>
      %swap3A_1385 = arith.constant 3 : i32
      %swap3A_1386 = arith.index_cast %rem3A_26 : i32 to index
      %swap3A_1387 = arith.index_cast %swap3A_1385 : i32 to index
      %swap3A_1388 = arith.constant 576 : index
      %swap3A_1389 = tpu.vector_load %arg8[%swap3A_1386, %swap3A_1387, %swap3A_1388] {strides = array<i32>} : memref<2x77x768xf32, #tpu.memory_space<vmem>>, vector<1x1x16xf32>,
      %swap3A_1390 = vector.shape_cast %swap3A_1389 : vector<1x1x16xf32> to vector<16xf32>
      %swap3A_1391 = vector.shape_cast %get3A_1384 : vector<16xf32> to vector<1x1x16xf32>
      tpu.vector_store %arg8[%swap3A_1386, %swap3A_1387, %swap3A_1388], %swap3A_1391 {strides = array<i32>} : memref<2x77x768xf32, #tpu.memory_space<vmem>>, vector<1x1x16xf32>,
      %get3A_1392 = arith.constant 2128 : index
      %get3A_1393 = tpu.vector_load %arg7[%get3A_1392] {strides = array<i32>} : memref<3072xf32, #tpu.memory_space<vmem>>, vector<16xf32>,
      %get3A_1394 = vector.shape_cast %get3A_1393 : vector<16xf32> to vector<16xf32>
      %swap3A_1395 = arith.constant 3 : i32
      %swap3A_1396 = arith.index_cast %rem3A_26 : i32 to index
      %swap3A_1397 = arith.index_cast %swap3A_1395 : i32 to index
      %swap3A_1398 = arith.constant 592 : index
      %swap3A_1399 = tpu.vector_load %arg8[%swap3A_1396, %swap3A_1397, %swap3A_1398] {strides = array<i32>} : memref<2x77x768xf32, #tpu.memory_space<vmem>>, vector<1x1x16xf32>,
      %swap3A_1400 = vector.shape_cast %swap3A_1399 : vector<1x1x16xf32> to vector<16xf32>
      %swap3A_1401 = vector.shape_cast %get3A_1394 : vector<16xf32> to vector<1x1x16xf32>
      tpu.vector_store %arg8[%swap3A_1396, %swap3A_1397, %swap3A_1398], %swap3A_1401 {strides = array<i32>} : memref<2x77x768xf32, #tpu.memory_space<vmem>>, vector<1x1x16xf32>,
      %get3A_1402 = arith.constant 2144 : index
      %get3A_1403 = tpu.vector_load %arg7[%get3A_1402] {strides = array<i32>} : memref<3072xf32, #tpu.memory_space<vmem>>, vector<16xf32>,
      %get3A_1404 = vector.shape_cast %get3A_1403 : vector<16xf32> to vector<16xf32>
      %swap3A_1405 = arith.constant 3 : i32
      %swap3A_1406 = arith.index_cast %rem3A_26 : i32 to index
      %swap3A_1407 = arith.index_cast %swap3A_1405 : i32 to index
      %swap3A_1408 = arith.constant 608 : index
      %swap3A_1409 = tpu.vector_load %arg8[%swap3A_1406, %swap3A_1407, %swap3A_1408] {strides = array<i32>} : memref<2x77x768xf32, #tpu.memory_space<vmem>>, vector<1x1x16xf32>,
      %swap3A_1410 = vector.shape_cast %swap3A_1409 : vector<1x1x16xf32> to vector<16xf32>
      %swap3A_1411 = vector.shape_cast %get3A_1404 : vector<16xf32> to vector<1x1x16xf32>
      tpu.vector_store %arg8[%swap3A_1406, %swap3A_1407, %swap3A_1408], %swap3A_1411 {strides = array<i32>} : memref<2x77x768xf32, #tpu.memory_space<vmem>>, vector<1x1x16xf32>,
      %get3A_1412 = arith.constant 2160 : index
      %get3A_1413 = tpu.vector_load %arg7[%get3A_1412] {strides = array<i32>} : memref<3072xf32, #tpu.memory_space<vmem>>, vector<16xf32>,
      %get3A_1414 = vector.shape_cast %get3A_1413 : vector<16xf32> to vector<16xf32>
      %swap3A_1415 = arith.constant 3 : i32
      %swap3A_1416 = arith.index_cast %rem3A_26 : i32 to index
      %swap3A_1417 = arith.index_cast %swap3A_1415 : i32 to index
      %swap3A_1418 = arith.constant 624 : index
      %swap3A_1419 = tpu.vector_load %arg8[%swap3A_1416, %swap3A_1417, %swap3A_1418] {strides = array<i32>} : memref<2x77x768xf32, #tpu.memory_space<vmem>>, vector<1x1x16xf32>,
      %swap3A_1420 = vector.shape_cast %swap3A_1419 : vector<1x1x16xf32> to vector<16xf32>
      %swap3A_1421 = vector.shape_cast %get3A_1414 : vector<16xf32> to vector<1x1x16xf32>
      tpu.vector_store %arg8[%swap3A_1416, %swap3A_1417, %swap3A_1418], %swap3A_1421 {strides = array<i32>} : memref<2x77x768xf32, #tpu.memory_space<vmem>>, vector<1x1x16xf32>,
      %get3A_1422 = arith.constant 2176 : index
      %get3A_1423 = tpu.vector_load %arg7[%get3A_1422] {strides = array<i32>} : memref<3072xf32, #tpu.memory_space<vmem>>, vector<16xf32>,
      %get3A_1424 = vector.shape_cast %get3A_1423 : vector<16xf32> to vector<16xf32>
      %swap3A_1425 = arith.constant 3 : i32
      %swap3A_1426 = arith.index_cast %rem3A_26 : i32 to index
      %swap3A_1427 = arith.index_cast %swap3A_1425 : i32 to index
      %swap3A_1428 = arith.constant 640 : index
      %swap3A_1429 = tpu.vector_load %arg8[%swap3A_1426, %swap3A_1427, %swap3A_1428] {strides = array<i32>} : memref<2x77x768xf32, #tpu.memory_space<vmem>>, vector<1x1x16xf32>,
      %swap3A_1430 = vector.shape_cast %swap3A_1429 : vector<1x1x16xf32> to vector<16xf32>
      %swap3A_1431 = vector.shape_cast %get3A_1424 : vector<16xf32> to vector<1x1x16xf32>
      tpu.vector_store %arg8[%swap3A_1426, %swap3A_1427, %swap3A_1428], %swap3A_1431 {strides = array<i32>} : memref<2x77x768xf32, #tpu.memory_space<vmem>>, vector<1x1x16xf32>,
      %get3A_1432 = arith.constant 2192 : index
      %get3A_1433 = tpu.vector_load %arg7[%get3A_1432] {strides = array<i32>} : memref<3072xf32, #tpu.memory_space<vmem>>, vector<16xf32>,
      %get3A_1434 = vector.shape_cast %get3A_1433 : vector<16xf32> to vector<16xf32>
      %swap3A_1435 = arith.constant 3 : i32
      %swap3A_1436 = arith.index_cast %rem3A_26 : i32 to index
      %swap3A_1437 = arith.index_cast %swap3A_1435 : i32 to index
      %swap3A_1438 = arith.constant 656 : index
      %swap3A_1439 = tpu.vector_load %arg8[%swap3A_1436, %swap3A_1437, %swap3A_1438] {strides = array<i32>} : memref<2x77x768xf32, #tpu.memory_space<vmem>>, vector<1x1x16xf32>,
      %swap3A_1440 = vector.shape_cast %swap3A_1439 : vector<1x1x16xf32> to vector<16xf32>
      %swap3A_1441 = vector.shape_cast %get3A_1434 : vector<16xf32> to vector<1x1x16xf32>
      tpu.vector_store %arg8[%swap3A_1436, %swap3A_1437, %swap3A_1438], %swap3A_1441 {strides = array<i32>} : memref<2x77x768xf32, #tpu.memory_space<vmem>>, vector<1x1x16xf32>,
      %get3A_1442 = arith.constant 2208 : index
      %get3A_1443 = tpu.vector_load %arg7[%get3A_1442] {strides = array<i32>} : memref<3072xf32, #tpu.memory_space<vmem>>, vector<16xf32>,
      %get3A_1444 = vector.shape_cast %get3A_1443 : vector<16xf32> to vector<16xf32>
      %swap3A_1445 = arith.constant 3 : i32
      %swap3A_1446 = arith.index_cast %rem3A_26 : i32 to index
      %swap3A_1447 = arith.index_cast %swap3A_1445 : i32 to index
      %swap3A_1448 = arith.constant 672 : index
      %swap3A_1449 = tpu.vector_load %arg8[%swap3A_1446, %swap3A_1447, %swap3A_1448] {strides = array<i32>} : memref<2x77x768xf32, #tpu.memory_space<vmem>>, vector<1x1x16xf32>,
      %swap3A_1450 = vector.shape_cast %swap3A_1449 : vector<1x1x16xf32> to vector<16xf32>
      %swap3A_1451 = vector.shape_cast %get3A_1444 : vector<16xf32> to vector<1x1x16xf32>
      tpu.vector_store %arg8[%swap3A_1446, %swap3A_1447, %swap3A_1448], %swap3A_1451 {strides = array<i32>} : memref<2x77x768xf32, #tpu.memory_space<vmem>>, vector<1x1x16xf32>,
      %get3A_1452 = arith.constant 2224 : index
      %get3A_1453 = tpu.vector_load %arg7[%get3A_1452] {strides = array<i32>} : memref<3072xf32, #tpu.memory_space<vmem>>, vector<16xf32>,
      %get3A_1454 = vector.shape_cast %get3A_1453 : vector<16xf32> to vector<16xf32>
      %swap3A_1455 = arith.constant 3 : i32
      %swap3A_1456 = arith.index_cast %rem3A_26 : i32 to index
      %swap3A_1457 = arith.index_cast %swap3A_1455 : i32 to index
      %swap3A_1458 = arith.constant 688 : index
      %swap3A_1459 = tpu.vector_load %arg8[%swap3A_1456, %swap3A_1457, %swap3A_1458] {strides = array<i32>} : memref<2x77x768xf32, #tpu.memory_space<vmem>>, vector<1x1x16xf32>,
      %swap3A_1460 = vector.shape_cast %swap3A_1459 : vector<1x1x16xf32> to vector<16xf32>
      %swap3A_1461 = vector.shape_cast %get3A_1454 : vector<16xf32> to vector<1x1x16xf32>
      tpu.vector_store %arg8[%swap3A_1456, %swap3A_1457, %swap3A_1458], %swap3A_1461 {strides = array<i32>} : memref<2x77x768xf32, #tpu.memory_space<vmem>>, vector<1x1x16xf32>,
      %get3A_1462 = arith.constant 2240 : index
      %get3A_1463 = tpu.vector_load %arg7[%get3A_1462] {strides = array<i32>} : memref<3072xf32, #tpu.memory_space<vmem>>, vector<16xf32>,
      %get3A_1464 = vector.shape_cast %get3A_1463 : vector<16xf32> to vector<16xf32>
      %swap3A_1465 = arith.constant 3 : i32
      %swap3A_1466 = arith.index_cast %rem3A_26 : i32 to index
      %swap3A_1467 = arith.index_cast %swap3A_1465 : i32 to index
      %swap3A_1468 = arith.constant 704 : index
      %swap3A_1469 = tpu.vector_load %arg8[%swap3A_1466, %swap3A_1467, %swap3A_1468] {strides = array<i32>} : memref<2x77x768xf32, #tpu.memory_space<vmem>>, vector<1x1x16xf32>,
      %swap3A_1470 = vector.shape_cast %swap3A_1469 : vector<1x1x16xf32> to vector<16xf32>
      %swap3A_1471 = vector.shape_cast %get3A_1464 : vector<16xf32> to vector<1x1x16xf32>
      tpu.vector_store %arg8[%swap3A_1466, %swap3A_1467, %swap3A_1468], %swap3A_1471 {strides = array<i32>} : memref<2x77x768xf32, #tpu.memory_space<vmem>>, vector<1x1x16xf32>,
      %get3A_1472 = arith.constant 2256 : index
      %get3A_1473 = tpu.vector_load %arg7[%get3A_1472] {strides = array<i32>} : memref<3072xf32, #tpu.memory_space<vmem>>, vector<16xf32>,
      %get3A_1474 = vector.shape_cast %get3A_1473 : vector<16xf32> to vector<16xf32>
      %swap3A_1475 = arith.constant 3 : i32
      %swap3A_1476 = arith.index_cast %rem3A_26 : i32 to index
      %swap3A_1477 = arith.index_cast %swap3A_1475 : i32 to index
      %swap3A_1478 = arith.constant 720 : index
      %swap3A_1479 = tpu.vector_load %arg8[%swap3A_1476, %swap3A_1477, %swap3A_1478] {strides = array<i32>} : memref<2x77x768xf32, #tpu.memory_space<vmem>>, vector<1x1x16xf32>,
      %swap3A_1480 = vector.shape_cast %swap3A_1479 : vector<1x1x16xf32> to vector<16xf32>
      %swap3A_1481 = vector.shape_cast %get3A_1474 : vector<16xf32> to vector<1x1x16xf32>
      tpu.vector_store %arg8[%swap3A_1476, %swap3A_1477, %swap3A_1478], %swap3A_1481 {strides = array<i32>} : memref<2x77x768xf32, #tpu.memory_space<vmem>>, vector<1x1x16xf32>,
      %get3A_1482 = arith.constant 2272 : index
      %get3A_1483 = tpu.vector_load %arg7[%get3A_1482] {strides = array<i32>} : memref<3072xf32, #tpu.memory_space<vmem>>, vector<16xf32>,
      %get3A_1484 = vector.shape_cast %get3A_1483 : vector<16xf32> to vector<16xf32>
      %swap3A_1485 = arith.constant 3 : i32
      %swap3A_1486 = arith.index_cast %rem3A_26 : i32 to index
      %swap3A_1487 = arith.index_cast %swap3A_1485 : i32 to index
      %swap3A_1488 = arith.constant 736 : index
      %swap3A_1489 = tpu.vector_load %arg8[%swap3A_1486, %swap3A_1487, %swap3A_1488] {strides = array<i32>} : memref<2x77x768xf32, #tpu.memory_space<vmem>>, vector<1x1x16xf32>,
      %swap3A_1490 = vector.shape_cast %swap3A_1489 : vector<1x1x16xf32> to vector<16xf32>
      %swap3A_1491 = vector.shape_cast %get3A_1484 : vector<16xf32> to vector<1x1x16xf32>
      tpu.vector_store %arg8[%swap3A_1486, %swap3A_1487, %swap3A_1488], %swap3A_1491 {strides = array<i32>} : memref<2x77x768xf32, #tpu.memory_space<vmem>>, vector<1x1x16xf32>,
      %get3A_1492 = arith.constant 2288 : index
      %get3A_1493 = tpu.vector_load %arg7[%get3A_1492] {strides = array<i32>} : memref<3072xf32, #tpu.memory_space<vmem>>, vector<16xf32>,
      %get3A_1494 = vector.shape_cast %get3A_1493 : vector<16xf32> to vector<16xf32>
      %swap3A_1495 = arith.constant 3 : i32
      %swap3A_1496 = arith.index_cast %rem3A_26 : i32 to index
      %swap3A_1497 = arith.index_cast %swap3A_1495 : i32 to index
      %swap3A_1498 = arith.constant 752 : index
      %swap3A_1499 = tpu.vector_load %arg8[%swap3A_1496, %swap3A_1497, %swap3A_1498] {strides = array<i32>} : memref<2x77x768xf32, #tpu.memory_space<vmem>>, vector<1x1x16xf32>,
      %swap3A_1500 = vector.shape_cast %swap3A_1499 : vector<1x1x16xf32> to vector<16xf32>
      %swap3A_1501 = vector.shape_cast %get3A_1494 : vector<16xf32> to vector<1x1x16xf32>
      tpu.vector_store %arg8[%swap3A_1496, %swap3A_1497, %swap3A_1498], %swap3A_1501 {strides = array<i32>} : memref<2x77x768xf32, #tpu.memory_space<vmem>>, vector<1x1x16xf32>,
      %get3A_1502 = arith.constant 2304 : index
      %get3A_1503 = tpu.vector_load %arg7[%get3A_1502] {strides = array<i32>} : memref<3072xf32, #tpu.memory_space<vmem>>, vector<16xf32>,
      %get3A_1504 = vector.shape_cast %get3A_1503 : vector<16xf32> to vector<16xf32>
      %swap3A_1505 = arith.constant 4 : i32
      %swap3A_1506 = arith.index_cast %rem3A_26 : i32 to index
      %swap3A_1507 = arith.index_cast %swap3A_1505 : i32 to index
      %swap3A_1508 = arith.constant 0 : index
      %swap3A_1509 = tpu.vector_load %arg8[%swap3A_1506, %swap3A_1507, %swap3A_1508] {strides = array<i32>} : memref<2x77x768xf32, #tpu.memory_space<vmem>>, vector<1x1x16xf32>,
      %swap3A_1510 = vector.shape_cast %swap3A_1509 : vector<1x1x16xf32> to vector<16xf32>
      %swap3A_1511 = vector.shape_cast %get3A_1504 : vector<16xf32> to vector<1x1x16xf32>
      tpu.vector_store %arg8[%swap3A_1506, %swap3A_1507, %swap3A_1508], %swap3A_1511 {strides = array<i32>} : memref<2x77x768xf32, #tpu.memory_space<vmem>>, vector<1x1x16xf32>,
      %get3A_1512 = arith.constant 2320 : index
      %get3A_1513 = tpu.vector_load %arg7[%get3A_1512] {strides = array<i32>} : memref<3072xf32, #tpu.memory_space<vmem>>, vector<16xf32>,
      %get3A_1514 = vector.shape_cast %get3A_1513 : vector<16xf32> to vector<16xf32>
      %swap3A_1515 = arith.constant 4 : i32
      %swap3A_1516 = arith.index_cast %rem3A_26 : i32 to index
      %swap3A_1517 = arith.index_cast %swap3A_1515 : i32 to index
      %swap3A_1518 = arith.constant 16 : index
      %swap3A_1519 = tpu.vector_load %arg8[%swap3A_1516, %swap3A_1517, %swap3A_1518] {strides = array<i32>} : memref<2x77x768xf32, #tpu.memory_space<vmem>>, vector<1x1x16xf32>,
      %swap3A_1520 = vector.shape_cast %swap3A_1519 : vector<1x1x16xf32> to vector<16xf32>
      %swap3A_1521 = vector.shape_cast %get3A_1514 : vector<16xf32> to vector<1x1x16xf32>
      tpu.vector_store %arg8[%swap3A_1516, %swap3A_1517, %swap3A_1518], %swap3A_1521 {strides = array<i32>} : memref<2x77x768xf32, #tpu.memory_space<vmem>>, vector<1x1x16xf32>,
      %get3A_1522 = arith.constant 2336 : index
      %get3A_1523 = tpu.vector_load %arg7[%get3A_1522] {strides = array<i32>} : memref<3072xf32, #tpu.memory_space<vmem>>, vector<16xf32>,
      %get3A_1524 = vector.shape_cast %get3A_1523 : vector<16xf32> to vector<16xf32>
      %swap3A_1525 = arith.constant 4 : i32
      %swap3A_1526 = arith.index_cast %rem3A_26 : i32 to index
      %swap3A_1527 = arith.index_cast %swap3A_1525 : i32 to index
      %swap3A_1528 = arith.constant 32 : index
      %swap3A_1529 = tpu.vector_load %arg8[%swap3A_1526, %swap3A_1527, %swap3A_1528] {strides = array<i32>} : memref<2x77x768xf32, #tpu.memory_space<vmem>>, vector<1x1x16xf32>,
      %swap3A_1530 = vector.shape_cast %swap3A_1529 : vector<1x1x16xf32> to vector<16xf32>
      %swap3A_1531 = vector.shape_cast %get3A_1524 : vector<16xf32> to vector<1x1x16xf32>
      tpu.vector_store %arg8[%swap3A_1526, %swap3A_1527, %swap3A_1528], %swap3A_1531 {strides = array<i32>} : memref<2x77x768xf32, #tpu.memory_space<vmem>>, vector<1x1x16xf32>,
      %get3A_1532 = arith.constant 2352 : index
      %get3A_1533 = tpu.vector_load %arg7[%get3A_1532] {strides = array<i32>} : memref<3072xf32, #tpu.memory_space<vmem>>, vector<16xf32>,
      %get3A_1534 = vector.shape_cast %get3A_1533 : vector<16xf32> to vector<16xf32>
      %swap3A_1535 = arith.constant 4 : i32
      %swap3A_1536 = arith.index_cast %rem3A_26 : i32 to index
      %swap3A_1537 = arith.index_cast %swap3A_1535 : i32 to index
      %swap3A_1538 = arith.constant 48 : index
      %swap3A_1539 = tpu.vector_load %arg8[%swap3A_1536, %swap3A_1537, %swap3A_1538] {strides = array<i32>} : memref<2x77x768xf32, #tpu.memory_space<vmem>>, vector<1x1x16xf32>,
      %swap3A_1540 = vector.shape_cast %swap3A_1539 : vector<1x1x16xf32> to vector<16xf32>
      %swap3A_1541 = vector.shape_cast %get3A_1534 : vector<16xf32> to vector<1x1x16xf32>
      tpu.vector_store %arg8[%swap3A_1536, %swap3A_1537, %swap3A_1538], %swap3A_1541 {strides = array<i32>} : memref<2x77x768xf32, #tpu.memory_space<vmem>>, vector<1x1x16xf32>,
      %get3A_1542 = arith.constant 2368 : index
      %get3A_1543 = tpu.vector_load %arg7[%get3A_1542] {strides = array<i32>} : memref<3072xf32, #tpu.memory_space<vmem>>, vector<16xf32>,
      %get3A_1544 = vector.shape_cast %get3A_1543 : vector<16xf32> to vector<16xf32>
      %swap3A_1545 = arith.constant 4 : i32
      %swap3A_1546 = arith.index_cast %rem3A_26 : i32 to index
      %swap3A_1547 = arith.index_cast %swap3A_1545 : i32 to index
      %swap3A_1548 = arith.constant 64 : index
      %swap3A_1549 = tpu.vector_load %arg8[%swap3A_1546, %swap3A_1547, %swap3A_1548] {strides = array<i32>} : memref<2x77x768xf32, #tpu.memory_space<vmem>>, vector<1x1x16xf32>,
      %swap3A_1550 = vector.shape_cast %swap3A_1549 : vector<1x1x16xf32> to vector<16xf32>
      %swap3A_1551 = vector.shape_cast %get3A_1544 : vector<16xf32> to vector<1x1x16xf32>
      tpu.vector_store %arg8[%swap3A_1546, %swap3A_1547, %swap3A_1548], %swap3A_1551 {strides = array<i32>} : memref<2x77x768xf32, #tpu.memory_space<vmem>>, vector<1x1x16xf32>,
      %get3A_1552 = arith.constant 2384 : index
      %get3A_1553 = tpu.vector_load %arg7[%get3A_1552] {strides = array<i32>} : memref<3072xf32, #tpu.memory_space<vmem>>, vector<16xf32>,
      %get3A_1554 = vector.shape_cast %get3A_1553 : vector<16xf32> to vector<16xf32>
      %swap3A_1555 = arith.constant 4 : i32
      %swap3A_1556 = arith.index_cast %rem3A_26 : i32 to index
      %swap3A_1557 = arith.index_cast %swap3A_1555 : i32 to index
      %swap3A_1558 = arith.constant 80 : index
      %swap3A_1559 = tpu.vector_load %arg8[%swap3A_1556, %swap3A_1557, %swap3A_1558] {strides = array<i32>} : memref<2x77x768xf32, #tpu.memory_space<vmem>>, vector<1x1x16xf32>,
      %swap3A_1560 = vector.shape_cast %swap3A_1559 : vector<1x1x16xf32> to vector<16xf32>
      %swap3A_1561 = vector.shape_cast %get3A_1554 : vector<16xf32> to vector<1x1x16xf32>
      tpu.vector_store %arg8[%swap3A_1556, %swap3A_1557, %swap3A_1558], %swap3A_1561 {strides = array<i32>} : memref<2x77x768xf32, #tpu.memory_space<vmem>>, vector<1x1x16xf32>,
      %get3A_1562 = arith.constant 2400 : index
      %get3A_1563 = tpu.vector_load %arg7[%get3A_1562] {strides = array<i32>} : memref<3072xf32, #tpu.memory_space<vmem>>, vector<16xf32>,
      %get3A_1564 = vector.shape_cast %get3A_1563 : vector<16xf32> to vector<16xf32>
      %swap3A_1565 = arith.constant 4 : i32
      %swap3A_1566 = arith.index_cast %rem3A_26 : i32 to index
      %swap3A_1567 = arith.index_cast %swap3A_1565 : i32 to index
      %swap3A_1568 = arith.constant 96 : index
      %swap3A_1569 = tpu.vector_load %arg8[%swap3A_1566, %swap3A_1567, %swap3A_1568] {strides = array<i32>} : memref<2x77x768xf32, #tpu.memory_space<vmem>>, vector<1x1x16xf32>,
      %swap3A_1570 = vector.shape_cast %swap3A_1569 : vector<1x1x16xf32> to vector<16xf32>
      %swap3A_1571 = vector.shape_cast %get3A_1564 : vector<16xf32> to vector<1x1x16xf32>
      tpu.vector_store %arg8[%swap3A_1566, %swap3A_1567, %swap3A_1568], %swap3A_1571 {strides = array<i32>} : memref<2x77x768xf32, #tpu.memory_space<vmem>>, vector<1x1x16xf32>,
      %get3A_1572 = arith.constant 2416 : index
      %get3A_1573 = tpu.vector_load %arg7[%get3A_1572] {strides = array<i32>} : memref<3072xf32, #tpu.memory_space<vmem>>, vector<16xf32>,
      %get3A_1574 = vector.shape_cast %get3A_1573 : vector<16xf32> to vector<16xf32>
      %swap3A_1575 = arith.constant 4 : i32
      %swap3A_1576 = arith.index_cast %rem3A_26 : i32 to index
      %swap3A_1577 = arith.index_cast %swap3A_1575 : i32 to index
      %swap3A_1578 = arith.constant 112 : index
      %swap3A_1579 = tpu.vector_load %arg8[%swap3A_1576, %swap3A_1577, %swap3A_1578] {strides = array<i32>} : memref<2x77x768xf32, #tpu.memory_space<vmem>>, vector<1x1x16xf32>,
      %swap3A_1580 = vector.shape_cast %swap3A_1579 : vector<1x1x16xf32> to vector<16xf32>
      %swap3A_1581 = vector.shape_cast %get3A_1574 : vector<16xf32> to vector<1x1x16xf32>
      tpu.vector_store %arg8[%swap3A_1576, %swap3A_1577, %swap3A_1578], %swap3A_1581 {strides = array<i32>} : memref<2x77x768xf32, #tpu.memory_space<vmem>>, vector<1x1x16xf32>,
      %get3A_1582 = arith.constant 2432 : index
      %get3A_1583 = tpu.vector_load %arg7[%get3A_1582] {strides = array<i32>} : memref<3072xf32, #tpu.memory_space<vmem>>, vector<16xf32>,
      %get3A_1584 = vector.shape_cast %get3A_1583 : vector<16xf32> to vector<16xf32>
      %swap3A_1585 = arith.constant 4 : i32
      %swap3A_1586 = arith.index_cast %rem3A_26 : i32 to index
      %swap3A_1587 = arith.index_cast %swap3A_1585 : i32 to index
      %swap3A_1588 = arith.constant 128 : index
      %swap3A_1589 = tpu.vector_load %arg8[%swap3A_1586, %swap3A_1587, %swap3A_1588] {strides = array<i32>} : memref<2x77x768xf32, #tpu.memory_space<vmem>>, vector<1x1x16xf32>,
      %swap3A_1590 = vector.shape_cast %swap3A_1589 : vector<1x1x16xf32> to vector<16xf32>
      %swap3A_1591 = vector.shape_cast %get3A_1584 : vector<16xf32> to vector<1x1x16xf32>
      tpu.vector_store %arg8[%swap3A_1586, %swap3A_1587, %swap3A_1588], %swap3A_1591 {strides = array<i32>} : memref<2x77x768xf32, #tpu.memory_space<vmem>>, vector<1x1x16xf32>,
      %get3A_1592 = arith.constant 2448 : index
      %get3A_1593 = tpu.vector_load %arg7[%get3A_1592] {strides = array<i32>} : memref<3072xf32, #tpu.memory_space<vmem>>, vector<16xf32>,
      %get3A_1594 = vector.shape_cast %get3A_1593 : vector<16xf32> to vector<16xf32>
      %swap3A_1595 = arith.constant 4 : i32
      %swap3A_1596 = arith.index_cast %rem3A_26 : i32 to index
      %swap3A_1597 = arith.index_cast %swap3A_1595 : i32 to index
      %swap3A_1598 = arith.constant 144 : index
      %swap3A_1599 = tpu.vector_load %arg8[%swap3A_1596, %swap3A_1597, %swap3A_1598] {strides = array<i32>} : memref<2x77x768xf32, #tpu.memory_space<vmem>>, vector<1x1x16xf32>,
      %swap3A_1600 = vector.shape_cast %swap3A_1599 : vector<1x1x16xf32> to vector<16xf32>
      %swap3A_1601 = vector.shape_cast %get3A_1594 : vector<16xf32> to vector<1x1x16xf32>
      tpu.vector_store %arg8[%swap3A_1596, %swap3A_1597, %swap3A_1598], %swap3A_1601 {strides = array<i32>} : memref<2x77x768xf32, #tpu.memory_space<vmem>>, vector<1x1x16xf32>,
      %get3A_1602 = arith.constant 2464 : index
      %get3A_1603 = tpu.vector_load %arg7[%get3A_1602] {strides = array<i32>} : memref<3072xf32, #tpu.memory_space<vmem>>, vector<16xf32>,
      %get3A_1604 = vector.shape_cast %get3A_1603 : vector<16xf32> to vector<16xf32>
      %swap3A_1605 = arith.constant 4 : i32
      %swap3A_1606 = arith.index_cast %rem3A_26 : i32 to index
      %swap3A_1607 = arith.index_cast %swap3A_1605 : i32 to index
      %swap3A_1608 = arith.constant 160 : index
      %swap3A_1609 = tpu.vector_load %arg8[%swap3A_1606, %swap3A_1607, %swap3A_1608] {strides = array<i32>} : memref<2x77x768xf32, #tpu.memory_space<vmem>>, vector<1x1x16xf32>,
      %swap3A_1610 = vector.shape_cast %swap3A_1609 : vector<1x1x16xf32> to vector<16xf32>
      %swap3A_1611 = vector.shape_cast %get3A_1604 : vector<16xf32> to vector<1x1x16xf32>
      tpu.vector_store %arg8[%swap3A_1606, %swap3A_1607, %swap3A_1608], %swap3A_1611 {strides = array<i32>} : memref<2x77x768xf32, #tpu.memory_space<vmem>>, vector<1x1x16xf32>,
      %get3A_1612 = arith.constant 2480 : index
      %get3A_1613 = tpu.vector_load %arg7[%get3A_1612] {strides = array<i32>} : memref<3072xf32, #tpu.memory_space<vmem>>, vector<16xf32>,
      %get3A_1614 = vector.shape_cast %get3A_1613 : vector<16xf32> to vector<16xf32>
      %swap3A_1615 = arith.constant 4 : i32
      %swap3A_1616 = arith.index_cast %rem3A_26 : i32 to index
      %swap3A_1617 = arith.index_cast %swap3A_1615 : i32 to index
      %swap3A_1618 = arith.constant 176 : index
      %swap3A_1619 = tpu.vector_load %arg8[%swap3A_1616, %swap3A_1617, %swap3A_1618] {strides = array<i32>} : memref<2x77x768xf32, #tpu.memory_space<vmem>>, vector<1x1x16xf32>,
      %swap3A_1620 = vector.shape_cast %swap3A_1619 : vector<1x1x16xf32> to vector<16xf32>
      %swap3A_1621 = vector.shape_cast %get3A_1614 : vector<16xf32> to vector<1x1x16xf32>
      tpu.vector_store %arg8[%swap3A_1616, %swap3A_1617, %swap3A_1618], %swap3A_1621 {strides = array<i32>} : memref<2x77x768xf32, #tpu.memory_space<vmem>>, vector<1x1x16xf32>,
      %get3A_1622 = arith.constant 2496 : index
      %get3A_1623 = tpu.vector_load %arg7[%get3A_1622] {strides = array<i32>} : memref<3072xf32, #tpu.memory_space<vmem>>, vector<16xf32>,
      %get3A_1624 = vector.shape_cast %get3A_1623 : vector<16xf32> to vector<16xf32>
      %swap3A_1625 = arith.constant 4 : i32
      %swap3A_1626 = arith.index_cast %rem3A_26 : i32 to index
      %swap3A_1627 = arith.index_cast %swap3A_1625 : i32 to index
      %swap3A_1628 = arith.constant 192 : index
      %swap3A_1629 = tpu.vector_load %arg8[%swap3A_1626, %swap3A_1627, %swap3A_1628] {strides = array<i32>} : memref<2x77x768xf32, #tpu.memory_space<vmem>>, vector<1x1x16xf32>,
      %swap3A_1630 = vector.shape_cast %swap3A_1629 : vector<1x1x16xf32> to vector<16xf32>
      %swap3A_1631 = vector.shape_cast %get3A_1624 : vector<16xf32> to vector<1x1x16xf32>
      tpu.vector_store %arg8[%swap3A_1626, %swap3A_1627, %swap3A_1628], %swap3A_1631 {strides = array<i32>} : memref<2x77x768xf32, #tpu.memory_space<vmem>>, vector<1x1x16xf32>,
      %get3A_1632 = arith.constant 2512 : index
      %get3A_1633 = tpu.vector_load %arg7[%get3A_1632] {strides = array<i32>} : memref<3072xf32, #tpu.memory_space<vmem>>, vector<16xf32>,
      %get3A_1634 = vector.shape_cast %get3A_1633 : vector<16xf32> to vector<16xf32>
      %swap3A_1635 = arith.constant 4 : i32
      %swap3A_1636 = arith.index_cast %rem3A_26 : i32 to index
      %swap3A_1637 = arith.index_cast %swap3A_1635 : i32 to index
      %swap3A_1638 = arith.constant 208 : index
      %swap3A_1639 = tpu.vector_load %arg8[%swap3A_1636, %swap3A_1637, %swap3A_1638] {strides = array<i32>} : memref<2x77x768xf32, #tpu.memory_space<vmem>>, vector<1x1x16xf32>,
      %swap3A_1640 = vector.shape_cast %swap3A_1639 : vector<1x1x16xf32> to vector<16xf32>
      %swap3A_1641 = vector.shape_cast %get3A_1634 : vector<16xf32> to vector<1x1x16xf32>
      tpu.vector_store %arg8[%swap3A_1636, %swap3A_1637, %swap3A_1638], %swap3A_1641 {strides = array<i32>} : memref<2x77x768xf32, #tpu.memory_space<vmem>>, vector<1x1x16xf32>,
      %get3A_1642 = arith.constant 2528 : index
      %get3A_1643 = tpu.vector_load %arg7[%get3A_1642] {strides = array<i32>} : memref<3072xf32, #tpu.memory_space<vmem>>, vector<16xf32>,
      %get3A_1644 = vector.shape_cast %get3A_1643 : vector<16xf32> to vector<16xf32>
      %swap3A_1645 = arith.constant 4 : i32
      %swap3A_1646 = arith.index_cast %rem3A_26 : i32 to index
      %swap3A_1647 = arith.index_cast %swap3A_1645 : i32 to index
      %swap3A_1648 = arith.constant 224 : index
      %swap3A_1649 = tpu.vector_load %arg8[%swap3A_1646, %swap3A_1647, %swap3A_1648] {strides = array<i32>} : memref<2x77x768xf32, #tpu.memory_space<vmem>>, vector<1x1x16xf32>,
      %swap3A_1650 = vector.shape_cast %swap3A_1649 : vector<1x1x16xf32> to vector<16xf32>
      %swap3A_1651 = vector.shape_cast %get3A_1644 : vector<16xf32> to vector<1x1x16xf32>
      tpu.vector_store %arg8[%swap3A_1646, %swap3A_1647, %swap3A_1648], %swap3A_1651 {strides = array<i32>} : memref<2x77x768xf32, #tpu.memory_space<vmem>>, vector<1x1x16xf32>,
      %get3A_1652 = arith.constant 2544 : index
      %get3A_1653 = tpu.vector_load %arg7[%get3A_1652] {strides = array<i32>} : memref<3072xf32, #tpu.memory_space<vmem>>, vector<16xf32>,
      %get3A_1654 = vector.shape_cast %get3A_1653 : vector<16xf32> to vector<16xf32>
      %swap3A_1655 = arith.constant 4 : i32
      %swap3A_1656 = arith.index_cast %rem3A_26 : i32 to index
      %swap3A_1657 = arith.index_cast %swap3A_1655 : i32 to index
      %swap3A_1658 = arith.constant 240 : index
      %swap3A_1659 = tpu.vector_load %arg8[%swap3A_1656, %swap3A_1657, %swap3A_1658] {strides = array<i32>} : memref<2x77x768xf32, #tpu.memory_space<vmem>>, vector<1x1x16xf32>,
      %swap3A_1660 = vector.shape_cast %swap3A_1659 : vector<1x1x16xf32> to vector<16xf32>
      %swap3A_1661 = vector.shape_cast %get3A_1654 : vector<16xf32> to vector<1x1x16xf32>
      tpu.vector_store %arg8[%swap3A_1656, %swap3A_1657, %swap3A_1658], %swap3A_1661 {strides = array<i32>} : memref<2x77x768xf32, #tpu.memory_space<vmem>>, vector<1x1x16xf32>,
      %get3A_1662 = arith.constant 2560 : index
      %get3A_1663 = tpu.vector_load %arg7[%get3A_1662] {strides = array<i32>} : memref<3072xf32, #tpu.memory_space<vmem>>, vector<16xf32>,
      %get3A_1664 = vector.shape_cast %get3A_1663 : vector<16xf32> to vector<16xf32>
      %swap3A_1665 = arith.constant 4 : i32
      %swap3A_1666 = arith.index_cast %rem3A_26 : i32 to index
      %swap3A_1667 = arith.index_cast %swap3A_1665 : i32 to index
      %swap3A_1668 = arith.constant 256 : index
      %swap3A_1669 = tpu.vector_load %arg8[%swap3A_1666, %swap3A_1667, %swap3A_1668] {strides = array<i32>} : memref<2x77x768xf32, #tpu.memory_space<vmem>>, vector<1x1x16xf32>,
      %swap3A_1670 = vector.shape_cast %swap3A_1669 : vector<1x1x16xf32> to vector<16xf32>
      %swap3A_1671 = vector.shape_cast %get3A_1664 : vector<16xf32> to vector<1x1x16xf32>
      tpu.vector_store %arg8[%swap3A_1666, %swap3A_1667, %swap3A_1668], %swap3A_1671 {strides = array<i32>} : memref<2x77x768xf32, #tpu.memory_space<vmem>>, vector<1x1x16xf32>,
      %get3A_1672 = arith.constant 2576 : index
      %get3A_1673 = tpu.vector_load %arg7[%get3A_1672] {strides = array<i32>} : memref<3072xf32, #tpu.memory_space<vmem>>, vector<16xf32>,
      %get3A_1674 = vector.shape_cast %get3A_1673 : vector<16xf32> to vector<16xf32>
      %swap3A_1675 = arith.constant 4 : i32
      %swap3A_1676 = arith.index_cast %rem3A_26 : i32 to index
      %swap3A_1677 = arith.index_cast %swap3A_1675 : i32 to index
      %swap3A_1678 = arith.constant 272 : index
      %swap3A_1679 = tpu.vector_load %arg8[%swap3A_1676, %swap3A_1677, %swap3A_1678] {strides = array<i32>} : memref<2x77x768xf32, #tpu.memory_space<vmem>>, vector<1x1x16xf32>,
      %swap3A_1680 = vector.shape_cast %swap3A_1679 : vector<1x1x16xf32> to vector<16xf32>
      %swap3A_1681 = vector.shape_cast %get3A_1674 : vector<16xf32> to vector<1x1x16xf32>
      tpu.vector_store %arg8[%swap3A_1676, %swap3A_1677, %swap3A_1678], %swap3A_1681 {strides = array<i32>} : memref<2x77x768xf32, #tpu.memory_space<vmem>>, vector<1x1x16xf32>,
      %get3A_1682 = arith.constant 2592 : index
      %get3A_1683 = tpu.vector_load %arg7[%get3A_1682] {strides = array<i32>} : memref<3072xf32, #tpu.memory_space<vmem>>, vector<16xf32>,
      %get3A_1684 = vector.shape_cast %get3A_1683 : vector<16xf32> to vector<16xf32>
      %swap3A_1685 = arith.constant 4 : i32
      %swap3A_1686 = arith.index_cast %rem3A_26 : i32 to index
      %swap3A_1687 = arith.index_cast %swap3A_1685 : i32 to index
      %swap3A_1688 = arith.constant 288 : index
      %swap3A_1689 = tpu.vector_load %arg8[%swap3A_1686, %swap3A_1687, %swap3A_1688] {strides = array<i32>} : memref<2x77x768xf32, #tpu.memory_space<vmem>>, vector<1x1x16xf32>,
      %swap3A_1690 = vector.shape_cast %swap3A_1689 : vector<1x1x16xf32> to vector<16xf32>
      %swap3A_1691 = vector.shape_cast %get3A_1684 : vector<16xf32> to vector<1x1x16xf32>
      tpu.vector_store %arg8[%swap3A_1686, %swap3A_1687, %swap3A_1688], %swap3A_1691 {strides = array<i32>} : memref<2x77x768xf32, #tpu.memory_space<vmem>>, vector<1x1x16xf32>,
      %get3A_1692 = arith.constant 2608 : index
      %get3A_1693 = tpu.vector_load %arg7[%get3A_1692] {strides = array<i32>} : memref<3072xf32, #tpu.memory_space<vmem>>, vector<16xf32>,
      %get3A_1694 = vector.shape_cast %get3A_1693 : vector<16xf32> to vector<16xf32>
      %swap3A_1695 = arith.constant 4 : i32
      %swap3A_1696 = arith.index_cast %rem3A_26 : i32 to index
      %swap3A_1697 = arith.index_cast %swap3A_1695 : i32 to index
      %swap3A_1698 = arith.constant 304 : index
      %swap3A_1699 = tpu.vector_load %arg8[%swap3A_1696, %swap3A_1697, %swap3A_1698] {strides = array<i32>} : memref<2x77x768xf32, #tpu.memory_space<vmem>>, vector<1x1x16xf32>,
      %swap3A_1700 = vector.shape_cast %swap3A_1699 : vector<1x1x16xf32> to vector<16xf32>
      %swap3A_1701 = vector.shape_cast %get3A_1694 : vector<16xf32> to vector<1x1x16xf32>
      tpu.vector_store %arg8[%swap3A_1696, %swap3A_1697, %swap3A_1698], %swap3A_1701 {strides = array<i32>} : memref<2x77x768xf32, #tpu.memory_space<vmem>>, vector<1x1x16xf32>,
      %get3A_1702 = arith.constant 2624 : index
      %get3A_1703 = tpu.vector_load %arg7[%get3A_1702] {strides = array<i32>} : memref<3072xf32, #tpu.memory_space<vmem>>, vector<16xf32>,
      %get3A_1704 = vector.shape_cast %get3A_1703 : vector<16xf32> to vector<16xf32>
      %swap3A_1705 = arith.constant 4 : i32
      %swap3A_1706 = arith.index_cast %rem3A_26 : i32 to index
      %swap3A_1707 = arith.index_cast %swap3A_1705 : i32 to index
      %swap3A_1708 = arith.constant 320 : index
      %swap3A_1709 = tpu.vector_load %arg8[%swap3A_1706, %swap3A_1707, %swap3A_1708] {strides = array<i32>} : memref<2x77x768xf32, #tpu.memory_space<vmem>>, vector<1x1x16xf32>,
      %swap3A_1710 = vector.shape_cast %swap3A_1709 : vector<1x1x16xf32> to vector<16xf32>
      %swap3A_1711 = vector.shape_cast %get3A_1704 : vector<16xf32> to vector<1x1x16xf32>
      tpu.vector_store %arg8[%swap3A_1706, %swap3A_1707, %swap3A_1708], %swap3A_1711 {strides = array<i32>} : memref<2x77x768xf32, #tpu.memory_space<vmem>>, vector<1x1x16xf32>,
      %get3A_1712 = arith.constant 2640 : index
      %get3A_1713 = tpu.vector_load %arg7[%get3A_1712] {strides = array<i32>} : memref<3072xf32, #tpu.memory_space<vmem>>, vector<16xf32>,
      %get3A_1714 = vector.shape_cast %get3A_1713 : vector<16xf32> to vector<16xf32>
      %swap3A_1715 = arith.constant 4 : i32
      %swap3A_1716 = arith.index_cast %rem3A_26 : i32 to index
      %swap3A_1717 = arith.index_cast %swap3A_1715 : i32 to index
      %swap3A_1718 = arith.constant 336 : index
      %swap3A_1719 = tpu.vector_load %arg8[%swap3A_1716, %swap3A_1717, %swap3A_1718] {strides = array<i32>} : memref<2x77x768xf32, #tpu.memory_space<vmem>>, vector<1x1x16xf32>,
      %swap3A_1720 = vector.shape_cast %swap3A_1719 : vector<1x1x16xf32> to vector<16xf32>
      %swap3A_1721 = vector.shape_cast %get3A_1714 : vector<16xf32> to vector<1x1x16xf32>
      tpu.vector_store %arg8[%swap3A_1716, %swap3A_1717, %swap3A_1718], %swap3A_1721 {strides = array<i32>} : memref<2x77x768xf32, #tpu.memory_space<vmem>>, vector<1x1x16xf32>,
      %get3A_1722 = arith.constant 2656 : index
      %get3A_1723 = tpu.vector_load %arg7[%get3A_1722] {strides = array<i32>} : memref<3072xf32, #tpu.memory_space<vmem>>, vector<16xf32>,
      %get3A_1724 = vector.shape_cast %get3A_1723 : vector<16xf32> to vector<16xf32>
      %swap3A_1725 = arith.constant 4 : i32
      %swap3A_1726 = arith.index_cast %rem3A_26 : i32 to index
      %swap3A_1727 = arith.index_cast %swap3A_1725 : i32 to index
      %swap3A_1728 = arith.constant 352 : index
      %swap3A_1729 = tpu.vector_load %arg8[%swap3A_1726, %swap3A_1727, %swap3A_1728] {strides = array<i32>} : memref<2x77x768xf32, #tpu.memory_space<vmem>>, vector<1x1x16xf32>,
      %swap3A_1730 = vector.shape_cast %swap3A_1729 : vector<1x1x16xf32> to vector<16xf32>
      %swap3A_1731 = vector.shape_cast %get3A_1724 : vector<16xf32> to vector<1x1x16xf32>
      tpu.vector_store %arg8[%swap3A_1726, %swap3A_1727, %swap3A_1728], %swap3A_1731 {strides = array<i32>} : memref<2x77x768xf32, #tpu.memory_space<vmem>>, vector<1x1x16xf32>,
      %get3A_1732 = arith.constant 2672 : index
      %get3A_1733 = tpu.vector_load %arg7[%get3A_1732] {strides = array<i32>} : memref<3072xf32, #tpu.memory_space<vmem>>, vector<16xf32>,
      %get3A_1734 = vector.shape_cast %get3A_1733 : vector<16xf32> to vector<16xf32>
      %swap3A_1735 = arith.constant 4 : i32
      %swap3A_1736 = arith.index_cast %rem3A_26 : i32 to index
      %swap3A_1737 = arith.index_cast %swap3A_1735 : i32 to index
      %swap3A_1738 = arith.constant 368 : index
      %swap3A_1739 = tpu.vector_load %arg8[%swap3A_1736, %swap3A_1737, %swap3A_1738] {strides = array<i32>} : memref<2x77x768xf32, #tpu.memory_space<vmem>>, vector<1x1x16xf32>,
      %swap3A_1740 = vector.shape_cast %swap3A_1739 : vector<1x1x16xf32> to vector<16xf32>
      %swap3A_1741 = vector.shape_cast %get3A_1734 : vector<16xf32> to vector<1x1x16xf32>
      tpu.vector_store %arg8[%swap3A_1736, %swap3A_1737, %swap3A_1738], %swap3A_1741 {strides = array<i32>} : memref<2x77x768xf32, #tpu.memory_space<vmem>>, vector<1x1x16xf32>,
      %get3A_1742 = arith.constant 2688 : index
      %get3A_1743 = tpu.vector_load %arg7[%get3A_1742] {strides = array<i32>} : memref<3072xf32, #tpu.memory_space<vmem>>, vector<16xf32>,
      %get3A_1744 = vector.shape_cast %get3A_1743 : vector<16xf32> to vector<16xf32>
      %swap3A_1745 = arith.constant 4 : i32
      %swap3A_1746 = arith.index_cast %rem3A_26 : i32 to index
      %swap3A_1747 = arith.index_cast %swap3A_1745 : i32 to index
      %swap3A_1748 = arith.constant 384 : index
      %swap3A_1749 = tpu.vector_load %arg8[%swap3A_1746, %swap3A_1747, %swap3A_1748] {strides = array<i32>} : memref<2x77x768xf32, #tpu.memory_space<vmem>>, vector<1x1x16xf32>,
      %swap3A_1750 = vector.shape_cast %swap3A_1749 : vector<1x1x16xf32> to vector<16xf32>
      %swap3A_1751 = vector.shape_cast %get3A_1744 : vector<16xf32> to vector<1x1x16xf32>
      tpu.vector_store %arg8[%swap3A_1746, %swap3A_1747, %swap3A_1748], %swap3A_1751 {strides = array<i32>} : memref<2x77x768xf32, #tpu.memory_space<vmem>>, vector<1x1x16xf32>,
      %get3A_1752 = arith.constant 2704 : index
      %get3A_1753 = tpu.vector_load %arg7[%get3A_1752] {strides = array<i32>} : memref<3072xf32, #tpu.memory_space<vmem>>, vector<16xf32>,
      %get3A_1754 = vector.shape_cast %get3A_1753 : vector<16xf32> to vector<16xf32>
      %swap3A_1755 = arith.constant 4 : i32
      %swap3A_1756 = arith.index_cast %rem3A_26 : i32 to index
      %swap3A_1757 = arith.index_cast %swap3A_1755 : i32 to index
      %swap3A_1758 = arith.constant 400 : index
      %swap3A_1759 = tpu.vector_load %arg8[%swap3A_1756, %swap3A_1757, %swap3A_1758] {strides = array<i32>} : memref<2x77x768xf32, #tpu.memory_space<vmem>>, vector<1x1x16xf32>,
      %swap3A_1760 = vector.shape_cast %swap3A_1759 : vector<1x1x16xf32> to vector<16xf32>
      %swap3A_1761 = vector.shape_cast %get3A_1754 : vector<16xf32> to vector<1x1x16xf32>
      tpu.vector_store %arg8[%swap3A_1756, %swap3A_1757, %swap3A_1758], %swap3A_1761 {strides = array<i32>} : memref<2x77x768xf32, #tpu.memory_space<vmem>>, vector<1x1x16xf32>,
      %get3A_1762 = arith.constant 2720 : index
      %get3A_1763 = tpu.vector_load %arg7[%get3A_1762] {strides = array<i32>} : memref<3072xf32, #tpu.memory_space<vmem>>, vector<16xf32>,
      %get3A_1764 = vector.shape_cast %get3A_1763 : vector<16xf32> to vector<16xf32>
      %swap3A_1765 = arith.constant 4 : i32
      %swap3A_1766 = arith.index_cast %rem3A_26 : i32 to index
      %swap3A_1767 = arith.index_cast %swap3A_1765 : i32 to index
      %swap3A_1768 = arith.constant 416 : index
      %swap3A_1769 = tpu.vector_load %arg8[%swap3A_1766, %swap3A_1767, %swap3A_1768] {strides = array<i32>} : memref<2x77x768xf32, #tpu.memory_space<vmem>>, vector<1x1x16xf32>,
      %swap3A_1770 = vector.shape_cast %swap3A_1769 : vector<1x1x16xf32> to vector<16xf32>
      %swap3A_1771 = vector.shape_cast %get3A_1764 : vector<16xf32> to vector<1x1x16xf32>
      tpu.vector_store %arg8[%swap3A_1766, %swap3A_1767, %swap3A_1768], %swap3A_1771 {strides = array<i32>} : memref<2x77x768xf32, #tpu.memory_space<vmem>>, vector<1x1x16xf32>,
      %get3A_1772 = arith.constant 2736 : index
      %get3A_1773 = tpu.vector_load %arg7[%get3A_1772] {strides = array<i32>} : memref<3072xf32, #tpu.memory_space<vmem>>, vector<16xf32>,
      %get3A_1774 = vector.shape_cast %get3A_1773 : vector<16xf32> to vector<16xf32>
      %swap3A_1775 = arith.constant 4 : i32
      %swap3A_1776 = arith.index_cast %rem3A_26 : i32 to index
      %swap3A_1777 = arith.index_cast %swap3A_1775 : i32 to index
      %swap3A_1778 = arith.constant 432 : index
      %swap3A_1779 = tpu.vector_load %arg8[%swap3A_1776, %swap3A_1777, %swap3A_1778] {strides = array<i32>} : memref<2x77x768xf32, #tpu.memory_space<vmem>>, vector<1x1x16xf32>,
      %swap3A_1780 = vector.shape_cast %swap3A_1779 : vector<1x1x16xf32> to vector<16xf32>
      %swap3A_1781 = vector.shape_cast %get3A_1774 : vector<16xf32> to vector<1x1x16xf32>
      tpu.vector_store %arg8[%swap3A_1776, %swap3A_1777, %swap3A_1778], %swap3A_1781 {strides = array<i32>} : memref<2x77x768xf32, #tpu.memory_space<vmem>>, vector<1x1x16xf32>,
      %get3A_1782 = arith.constant 2752 : index
      %get3A_1783 = tpu.vector_load %arg7[%get3A_1782] {strides = array<i32>} : memref<3072xf32, #tpu.memory_space<vmem>>, vector<16xf32>,
      %get3A_1784 = vector.shape_cast %get3A_1783 : vector<16xf32> to vector<16xf32>
      %swap3A_1785 = arith.constant 4 : i32
      %swap3A_1786 = arith.index_cast %rem3A_26 : i32 to index
      %swap3A_1787 = arith.index_cast %swap3A_1785 : i32 to index
      %swap3A_1788 = arith.constant 448 : index
      %swap3A_1789 = tpu.vector_load %arg8[%swap3A_1786, %swap3A_1787, %swap3A_1788] {strides = array<i32>} : memref<2x77x768xf32, #tpu.memory_space<vmem>>, vector<1x1x16xf32>,
      %swap3A_1790 = vector.shape_cast %swap3A_1789 : vector<1x1x16xf32> to vector<16xf32>
      %swap3A_1791 = vector.shape_cast %get3A_1784 : vector<16xf32> to vector<1x1x16xf32>
      tpu.vector_store %arg8[%swap3A_1786, %swap3A_1787, %swap3A_1788], %swap3A_1791 {strides = array<i32>} : memref<2x77x768xf32, #tpu.memory_space<vmem>>, vector<1x1x16xf32>,
      %get3A_1792 = arith.constant 2768 : index
      %get3A_1793 = tpu.vector_load %arg7[%get3A_1792] {strides = array<i32>} : memref<3072xf32, #tpu.memory_space<vmem>>, vector<16xf32>,
      %get3A_1794 = vector.shape_cast %get3A_1793 : vector<16xf32> to vector<16xf32>
      %swap3A_1795 = arith.constant 4 : i32
      %swap3A_1796 = arith.index_cast %rem3A_26 : i32 to index
      %swap3A_1797 = arith.index_cast %swap3A_1795 : i32 to index
      %swap3A_1798 = arith.constant 464 : index
      %swap3A_1799 = tpu.vector_load %arg8[%swap3A_1796, %swap3A_1797, %swap3A_1798] {strides = array<i32>} : memref<2x77x768xf32, #tpu.memory_space<vmem>>, vector<1x1x16xf32>,
      %swap3A_1800 = vector.shape_cast %swap3A_1799 : vector<1x1x16xf32> to vector<16xf32>
      %swap3A_1801 = vector.shape_cast %get3A_1794 : vector<16xf32> to vector<1x1x16xf32>
      tpu.vector_store %arg8[%swap3A_1796, %swap3A_1797, %swap3A_1798], %swap3A_1801 {strides = array<i32>} : memref<2x77x768xf32, #tpu.memory_space<vmem>>, vector<1x1x16xf32>,
      %get3A_1802 = arith.constant 2784 : index
      %get3A_1803 = tpu.vector_load %arg7[%get3A_1802] {strides = array<i32>} : memref<3072xf32, #tpu.memory_space<vmem>>, vector<16xf32>,
      %get3A_1804 = vector.shape_cast %get3A_1803 : vector<16xf32> to vector<16xf32>
      %swap3A_1805 = arith.constant 4 : i32
      %swap3A_1806 = arith.index_cast %rem3A_26 : i32 to index
      %swap3A_1807 = arith.index_cast %swap3A_1805 : i32 to index
      %swap3A_1808 = arith.constant 480 : index
      %swap3A_1809 = tpu.vector_load %arg8[%swap3A_1806, %swap3A_1807, %swap3A_1808] {strides = array<i32>} : memref<2x77x768xf32, #tpu.memory_space<vmem>>, vector<1x1x16xf32>,
      %swap3A_1810 = vector.shape_cast %swap3A_1809 : vector<1x1x16xf32> to vector<16xf32>
      %swap3A_1811 = vector.shape_cast %get3A_1804 : vector<16xf32> to vector<1x1x16xf32>
      tpu.vector_store %arg8[%swap3A_1806, %swap3A_1807, %swap3A_1808], %swap3A_1811 {strides = array<i32>} : memref<2x77x768xf32, #tpu.memory_space<vmem>>, vector<1x1x16xf32>,
      %get3A_1812 = arith.constant 2800 : index
      %get3A_1813 = tpu.vector_load %arg7[%get3A_1812] {strides = array<i32>} : memref<3072xf32, #tpu.memory_space<vmem>>, vector<16xf32>,
      %get3A_1814 = vector.shape_cast %get3A_1813 : vector<16xf32> to vector<16xf32>
      %swap3A_1815 = arith.constant 4 : i32
      %swap3A_1816 = arith.index_cast %rem3A_26 : i32 to index
      %swap3A_1817 = arith.index_cast %swap3A_1815 : i32 to index
      %swap3A_1818 = arith.constant 496 : index
      %swap3A_1819 = tpu.vector_load %arg8[%swap3A_1816, %swap3A_1817, %swap3A_1818] {strides = array<i32>} : memref<2x77x768xf32, #tpu.memory_space<vmem>>, vector<1x1x16xf32>,
      %swap3A_1820 = vector.shape_cast %swap3A_1819 : vector<1x1x16xf32> to vector<16xf32>
      %swap3A_1821 = vector.shape_cast %get3A_1814 : vector<16xf32> to vector<1x1x16xf32>
      tpu.vector_store %arg8[%swap3A_1816, %swap3A_1817, %swap3A_1818], %swap3A_1821 {strides = array<i32>} : memref<2x77x768xf32, #tpu.memory_space<vmem>>, vector<1x1x16xf32>,
      %get3A_1822 = arith.constant 2816 : index
      %get3A_1823 = tpu.vector_load %arg7[%get3A_1822] {strides = array<i32>} : memref<3072xf32, #tpu.memory_space<vmem>>, vector<16xf32>,
      %get3A_1824 = vector.shape_cast %get3A_1823 : vector<16xf32> to vector<16xf32>
      %swap3A_1825 = arith.constant 4 : i32
      %swap3A_1826 = arith.index_cast %rem3A_26 : i32 to index
      %swap3A_1827 = arith.index_cast %swap3A_1825 : i32 to index
      %swap3A_1828 = arith.constant 512 : index
      %swap3A_1829 = tpu.vector_load %arg8[%swap3A_1826, %swap3A_1827, %swap3A_1828] {strides = array<i32>} : memref<2x77x768xf32, #tpu.memory_space<vmem>>, vector<1x1x16xf32>,
      %swap3A_1830 = vector.shape_cast %swap3A_1829 : vector<1x1x16xf32> to vector<16xf32>
      %swap3A_1831 = vector.shape_cast %get3A_1824 : vector<16xf32> to vector<1x1x16xf32>
      tpu.vector_store %arg8[%swap3A_1826, %swap3A_1827, %swap3A_1828], %swap3A_1831 {strides = array<i32>} : memref<2x77x768xf32, #tpu.memory_space<vmem>>, vector<1x1x16xf32>,
      %get3A_1832 = arith.constant 2832 : index
      %get3A_1833 = tpu.vector_load %arg7[%get3A_1832] {strides = array<i32>} : memref<3072xf32, #tpu.memory_space<vmem>>, vector<16xf32>,
      %get3A_1834 = vector.shape_cast %get3A_1833 : vector<16xf32> to vector<16xf32>
      %swap3A_1835 = arith.constant 4 : i32
      %swap3A_1836 = arith.index_cast %rem3A_26 : i32 to index
      %swap3A_1837 = arith.index_cast %swap3A_1835 : i32 to index
      %swap3A_1838 = arith.constant 528 : index
      %swap3A_1839 = tpu.vector_load %arg8[%swap3A_1836, %swap3A_1837, %swap3A_1838] {strides = array<i32>} : memref<2x77x768xf32, #tpu.memory_space<vmem>>, vector<1x1x16xf32>,
      %swap3A_1840 = vector.shape_cast %swap3A_1839 : vector<1x1x16xf32> to vector<16xf32>
      %swap3A_1841 = vector.shape_cast %get3A_1834 : vector<16xf32> to vector<1x1x16xf32>
      tpu.vector_store %arg8[%swap3A_1836, %swap3A_1837, %swap3A_1838], %swap3A_1841 {strides = array<i32>} : memref<2x77x768xf32, #tpu.memory_space<vmem>>, vector<1x1x16xf32>,
      %get3A_1842 = arith.constant 2848 : index
      %get3A_1843 = tpu.vector_load %arg7[%get3A_1842] {strides = array<i32>} : memref<3072xf32, #tpu.memory_space<vmem>>, vector<16xf32>,
      %get3A_1844 = vector.shape_cast %get3A_1843 : vector<16xf32> to vector<16xf32>
      %swap3A_1845 = arith.constant 4 : i32
      %swap3A_1846 = arith.index_cast %rem3A_26 : i32 to index
      %swap3A_1847 = arith.index_cast %swap3A_1845 : i32 to index
      %swap3A_1848 = arith.constant 544 : index
      %swap3A_1849 = tpu.vector_load %arg8[%swap3A_1846, %swap3A_1847, %swap3A_1848] {strides = array<i32>} : memref<2x77x768xf32, #tpu.memory_space<vmem>>, vector<1x1x16xf32>,
      %swap3A_1850 = vector.shape_cast %swap3A_1849 : vector<1x1x16xf32> to vector<16xf32>
      %swap3A_1851 = vector.shape_cast %get3A_1844 : vector<16xf32> to vector<1x1x16xf32>
      tpu.vector_store %arg8[%swap3A_1846, %swap3A_1847, %swap3A_1848], %swap3A_1851 {strides = array<i32>} : memref<2x77x768xf32, #tpu.memory_space<vmem>>, vector<1x1x16xf32>,
      %get3A_1852 = arith.constant 2864 : index
      %get3A_1853 = tpu.vector_load %arg7[%get3A_1852] {strides = array<i32>} : memref<3072xf32, #tpu.memory_space<vmem>>, vector<16xf32>,
      %get3A_1854 = vector.shape_cast %get3A_1853 : vector<16xf32> to vector<16xf32>
      %swap3A_1855 = arith.constant 4 : i32
      %swap3A_1856 = arith.index_cast %rem3A_26 : i32 to index
      %swap3A_1857 = arith.index_cast %swap3A_1855 : i32 to index
      %swap3A_1858 = arith.constant 560 : index
      %swap3A_1859 = tpu.vector_load %arg8[%swap3A_1856, %swap3A_1857, %swap3A_1858] {strides = array<i32>} : memref<2x77x768xf32, #tpu.memory_space<vmem>>, vector<1x1x16xf32>,
      %swap3A_1860 = vector.shape_cast %swap3A_1859 : vector<1x1x16xf32> to vector<16xf32>
      %swap3A_1861 = vector.shape_cast %get3A_1854 : vector<16xf32> to vector<1x1x16xf32>
      tpu.vector_store %arg8[%swap3A_1856, %swap3A_1857, %swap3A_1858], %swap3A_1861 {strides = array<i32>} : memref<2x77x768xf32, #tpu.memory_space<vmem>>, vector<1x1x16xf32>,
      %get3A_1862 = arith.constant 2880 : index
      %get3A_1863 = tpu.vector_load %arg7[%get3A_1862] {strides = array<i32>} : memref<3072xf32, #tpu.memory_space<vmem>>, vector<16xf32>,
      %get3A_1864 = vector.shape_cast %get3A_1863 : vector<16xf32> to vector<16xf32>
      %swap3A_1865 = arith.constant 4 : i32
      %swap3A_1866 = arith.index_cast %rem3A_26 : i32 to index
      %swap3A_1867 = arith.index_cast %swap3A_1865 : i32 to index
      %swap3A_1868 = arith.constant 576 : index
      %swap3A_1869 = tpu.vector_load %arg8[%swap3A_1866, %swap3A_1867, %swap3A_1868] {strides = array<i32>} : memref<2x77x768xf32, #tpu.memory_space<vmem>>, vector<1x1x16xf32>,
      %swap3A_1870 = vector.shape_cast %swap3A_1869 : vector<1x1x16xf32> to vector<16xf32>
      %swap3A_1871 = vector.shape_cast %get3A_1864 : vector<16xf32> to vector<1x1x16xf32>
      tpu.vector_store %arg8[%swap3A_1866, %swap3A_1867, %swap3A_1868], %swap3A_1871 {strides = array<i32>} : memref<2x77x768xf32, #tpu.memory_space<vmem>>, vector<1x1x16xf32>,
      %get3A_1872 = arith.constant 2896 : index
      %get3A_1873 = tpu.vector_load %arg7[%get3A_1872] {strides = array<i32>} : memref<3072xf32, #tpu.memory_space<vmem>>, vector<16xf32>,
      %get3A_1874 = vector.shape_cast %get3A_1873 : vector<16xf32> to vector<16xf32>
      %swap3A_1875 = arith.constant 4 : i32
      %swap3A_1876 = arith.index_cast %rem3A_26 : i32 to index
      %swap3A_1877 = arith.index_cast %swap3A_1875 : i32 to index
      %swap3A_1878 = arith.constant 592 : index
      %swap3A_1879 = tpu.vector_load %arg8[%swap3A_1876, %swap3A_1877, %swap3A_1878] {strides = array<i32>} : memref<2x77x768xf32, #tpu.memory_space<vmem>>, vector<1x1x16xf32>,
      %swap3A_1880 = vector.shape_cast %swap3A_1879 : vector<1x1x16xf32> to vector<16xf32>
      %swap3A_1881 = vector.shape_cast %get3A_1874 : vector<16xf32> to vector<1x1x16xf32>
      tpu.vector_store %arg8[%swap3A_1876, %swap3A_1877, %swap3A_1878], %swap3A_1881 {strides = array<i32>} : memref<2x77x768xf32, #tpu.memory_space<vmem>>, vector<1x1x16xf32>,
      %get3A_1882 = arith.constant 2912 : index
      %get3A_1883 = tpu.vector_load %arg7[%get3A_1882] {strides = array<i32>} : memref<3072xf32, #tpu.memory_space<vmem>>, vector<16xf32>,
      %get3A_1884 = vector.shape_cast %get3A_1883 : vector<16xf32> to vector<16xf32>
      %swap3A_1885 = arith.constant 4 : i32
      %swap3A_1886 = arith.index_cast %rem3A_26 : i32 to index
      %swap3A_1887 = arith.index_cast %swap3A_1885 : i32 to index
      %swap3A_1888 = arith.constant 608 : index
      %swap3A_1889 = tpu.vector_load %arg8[%swap3A_1886, %swap3A_1887, %swap3A_1888] {strides = array<i32>} : memref<2x77x768xf32, #tpu.memory_space<vmem>>, vector<1x1x16xf32>,
      %swap3A_1890 = vector.shape_cast %swap3A_1889 : vector<1x1x16xf32> to vector<16xf32>
      %swap3A_1891 = vector.shape_cast %get3A_1884 : vector<16xf32> to vector<1x1x16xf32>
      tpu.vector_store %arg8[%swap3A_1886, %swap3A_1887, %swap3A_1888], %swap3A_1891 {strides = array<i32>} : memref<2x77x768xf32, #tpu.memory_space<vmem>>, vector<1x1x16xf32>,
      %get3A_1892 = arith.constant 2928 : index
      %get3A_1893 = tpu.vector_load %arg7[%get3A_1892] {strides = array<i32>} : memref<3072xf32, #tpu.memory_space<vmem>>, vector<16xf32>,
      %get3A_1894 = vector.shape_cast %get3A_1893 : vector<16xf32> to vector<16xf32>
      %swap3A_1895 = arith.constant 4 : i32
      %swap3A_1896 = arith.index_cast %rem3A_26 : i32 to index
      %swap3A_1897 = arith.index_cast %swap3A_1895 : i32 to index
      %swap3A_1898 = arith.constant 624 : index
      %swap3A_1899 = tpu.vector_load %arg8[%swap3A_1896, %swap3A_1897, %swap3A_1898] {strides = array<i32>} : memref<2x77x768xf32, #tpu.memory_space<vmem>>, vector<1x1x16xf32>,
      %swap3A_1900 = vector.shape_cast %swap3A_1899 : vector<1x1x16xf32> to vector<16xf32>
      %swap3A_1901 = vector.shape_cast %get3A_1894 : vector<16xf32> to vector<1x1x16xf32>
      tpu.vector_store %arg8[%swap3A_1896, %swap3A_1897, %swap3A_1898], %swap3A_1901 {strides = array<i32>} : memref<2x77x768xf32, #tpu.memory_space<vmem>>, vector<1x1x16xf32>,
      %get3A_1902 = arith.constant 2944 : index
      %get3A_1903 = tpu.vector_load %arg7[%get3A_1902] {strides = array<i32>} : memref<3072xf32, #tpu.memory_space<vmem>>, vector<16xf32>,
      %get3A_1904 = vector.shape_cast %get3A_1903 : vector<16xf32> to vector<16xf32>
      %swap3A_1905 = arith.constant 4 : i32
      %swap3A_1906 = arith.index_cast %rem3A_26 : i32 to index
      %swap3A_1907 = arith.index_cast %swap3A_1905 : i32 to index
      %swap3A_1908 = arith.constant 640 : index
      %swap3A_1909 = tpu.vector_load %arg8[%swap3A_1906, %swap3A_1907, %swap3A_1908] {strides = array<i32>} : memref<2x77x768xf32, #tpu.memory_space<vmem>>, vector<1x1x16xf32>,
      %swap3A_1910 = vector.shape_cast %swap3A_1909 : vector<1x1x16xf32> to vector<16xf32>
      %swap3A_1911 = vector.shape_cast %get3A_1904 : vector<16xf32> to vector<1x1x16xf32>
      tpu.vector_store %arg8[%swap3A_1906, %swap3A_1907, %swap3A_1908], %swap3A_1911 {strides = array<i32>} : memref<2x77x768xf32, #tpu.memory_space<vmem>>, vector<1x1x16xf32>,
      %get3A_1912 = arith.constant 2960 : index
      %get3A_1913 = tpu.vector_load %arg7[%get3A_1912] {strides = array<i32>} : memref<3072xf32, #tpu.memory_space<vmem>>, vector<16xf32>,
      %get3A_1914 = vector.shape_cast %get3A_1913 : vector<16xf32> to vector<16xf32>
      %swap3A_1915 = arith.constant 4 : i32
      %swap3A_1916 = arith.index_cast %rem3A_26 : i32 to index
      %swap3A_1917 = arith.index_cast %swap3A_1915 : i32 to index
      %swap3A_1918 = arith.constant 656 : index
      %swap3A_1919 = tpu.vector_load %arg8[%swap3A_1916, %swap3A_1917, %swap3A_1918] {strides = array<i32>} : memref<2x77x768xf32, #tpu.memory_space<vmem>>, vector<1x1x16xf32>,
      %swap3A_1920 = vector.shape_cast %swap3A_1919 : vector<1x1x16xf32> to vector<16xf32>
      %swap3A_1921 = vector.shape_cast %get3A_1914 : vector<16xf32> to vector<1x1x16xf32>
      tpu.vector_store %arg8[%swap3A_1916, %swap3A_1917, %swap3A_1918], %swap3A_1921 {strides = array<i32>} : memref<2x77x768xf32, #tpu.memory_space<vmem>>, vector<1x1x16xf32>,
      %get3A_1922 = arith.constant 2976 : index
      %get3A_1923 = tpu.vector_load %arg7[%get3A_1922] {strides = array<i32>} : memref<3072xf32, #tpu.memory_space<vmem>>, vector<16xf32>,
      %get3A_1924 = vector.shape_cast %get3A_1923 : vector<16xf32> to vector<16xf32>
      %swap3A_1925 = arith.constant 4 : i32
      %swap3A_1926 = arith.index_cast %rem3A_26 : i32 to index
      %swap3A_1927 = arith.index_cast %swap3A_1925 : i32 to index
      %swap3A_1928 = arith.constant 672 : index
      %swap3A_1929 = tpu.vector_load %arg8[%swap3A_1926, %swap3A_1927, %swap3A_1928] {strides = array<i32>} : memref<2x77x768xf32, #tpu.memory_space<vmem>>, vector<1x1x16xf32>,
      %swap3A_1930 = vector.shape_cast %swap3A_1929 : vector<1x1x16xf32> to vector<16xf32>
      %swap3A_1931 = vector.shape_cast %get3A_1924 : vector<16xf32> to vector<1x1x16xf32>
      tpu.vector_store %arg8[%swap3A_1926, %swap3A_1927, %swap3A_1928], %swap3A_1931 {strides = array<i32>} : memref<2x77x768xf32, #tpu.memory_space<vmem>>, vector<1x1x16xf32>,
      %get3A_1932 = arith.constant 2992 : index
      %get3A_1933 = tpu.vector_load %arg7[%get3A_1932] {strides = array<i32>} : memref<3072xf32, #tpu.memory_space<vmem>>, vector<16xf32>,
      %get3A_1934 = vector.shape_cast %get3A_1933 : vector<16xf32> to vector<16xf32>
      %swap3A_1935 = arith.constant 4 : i32
      %swap3A_1936 = arith.index_cast %rem3A_26 : i32 to index
      %swap3A_1937 = arith.index_cast %swap3A_1935 : i32 to index
      %swap3A_1938 = arith.constant 688 : index
      %swap3A_1939 = tpu.vector_load %arg8[%swap3A_1936, %swap3A_1937, %swap3A_1938] {strides = array<i32>} : memref<2x77x768xf32, #tpu.memory_space<vmem>>, vector<1x1x16xf32>,
      %swap3A_1940 = vector.shape_cast %swap3A_1939 : vector<1x1x16xf32> to vector<16xf32>
      %swap3A_1941 = vector.shape_cast %get3A_1934 : vector<16xf32> to vector<1x1x16xf32>
      tpu.vector_store %arg8[%swap3A_1936, %swap3A_1937, %swap3A_1938], %swap3A_1941 {strides = array<i32>} : memref<2x77x768xf32, #tpu.memory_space<vmem>>, vector<1x1x16xf32>,
      %get3A_1942 = arith.constant 3008 : index
      %get3A_1943 = tpu.vector_load %arg7[%get3A_1942] {strides = array<i32>} : memref<3072xf32, #tpu.memory_space<vmem>>, vector<16xf32>,
      %get3A_1944 = vector.shape_cast %get3A_1943 : vector<16xf32> to vector<16xf32>
      %swap3A_1945 = arith.constant 4 : i32
      %swap3A_1946 = arith.index_cast %rem3A_26 : i32 to index
      %swap3A_1947 = arith.index_cast %swap3A_1945 : i32 to index
      %swap3A_1948 = arith.constant 704 : index
      %swap3A_1949 = tpu.vector_load %arg8[%swap3A_1946, %swap3A_1947, %swap3A_1948] {strides = array<i32>} : memref<2x77x768xf32, #tpu.memory_space<vmem>>, vector<1x1x16xf32>,
      %swap3A_1950 = vector.shape_cast %swap3A_1949 : vector<1x1x16xf32> to vector<16xf32>
      %swap3A_1951 = vector.shape_cast %get3A_1944 : vector<16xf32> to vector<1x1x16xf32>
      tpu.vector_store %arg8[%swap3A_1946, %swap3A_1947, %swap3A_1948], %swap3A_1951 {strides = array<i32>} : memref<2x77x768xf32, #tpu.memory_space<vmem>>, vector<1x1x16xf32>,
      %get3A_1952 = arith.constant 3024 : index
      %get3A_1953 = tpu.vector_load %arg7[%get3A_1952] {strides = array<i32>} : memref<3072xf32, #tpu.memory_space<vmem>>, vector<16xf32>,
      %get3A_1954 = vector.shape_cast %get3A_1953 : vector<16xf32> to vector<16xf32>
      %swap3A_1955 = arith.constant 4 : i32
      %swap3A_1956 = arith.index_cast %rem3A_26 : i32 to index
      %swap3A_1957 = arith.index_cast %swap3A_1955 : i32 to index
      %swap3A_1958 = arith.constant 720 : index
      %swap3A_1959 = tpu.vector_load %arg8[%swap3A_1956, %swap3A_1957, %swap3A_1958] {strides = array<i32>} : memref<2x77x768xf32, #tpu.memory_space<vmem>>, vector<1x1x16xf32>,
      %swap3A_1960 = vector.shape_cast %swap3A_1959 : vector<1x1x16xf32> to vector<16xf32>
      %swap3A_1961 = vector.shape_cast %get3A_1954 : vector<16xf32> to vector<1x1x16xf32>
      tpu.vector_store %arg8[%swap3A_1956, %swap3A_1957, %swap3A_1958], %swap3A_1961 {strides = array<i32>} : memref<2x77x768xf32, #tpu.memory_space<vmem>>, vector<1x1x16xf32>,
      %get3A_1962 = arith.constant 3040 : index
      %get3A_1963 = tpu.vector_load %arg7[%get3A_1962] {strides = array<i32>} : memref<3072xf32, #tpu.memory_space<vmem>>, vector<16xf32>,
      %get3A_1964 = vector.shape_cast %get3A_1963 : vector<16xf32> to vector<16xf32>
      %swap3A_1965 = arith.constant 4 : i32
      %swap3A_1966 = arith.index_cast %rem3A_26 : i32 to index
      %swap3A_1967 = arith.index_cast %swap3A_1965 : i32 to index
      %swap3A_1968 = arith.constant 736 : index
      %swap3A_1969 = tpu.vector_load %arg8[%swap3A_1966, %swap3A_1967, %swap3A_1968] {strides = array<i32>} : memref<2x77x768xf32, #tpu.memory_space<vmem>>, vector<1x1x16xf32>,
      %swap3A_1970 = vector.shape_cast %swap3A_1969 : vector<1x1x16xf32> to vector<16xf32>
      %swap3A_1971 = vector.shape_cast %get3A_1964 : vector<16xf32> to vector<1x1x16xf32>
      tpu.vector_store %arg8[%swap3A_1966, %swap3A_1967, %swap3A_1968], %swap3A_1971 {strides = array<i32>} : memref<2x77x768xf32, #tpu.memory_space<vmem>>, vector<1x1x16xf32>,
      %get3A_1972 = arith.constant 3056 : index
      %get3A_1973 = tpu.vector_load %arg7[%get3A_1972] {strides = array<i32>} : memref<3072xf32, #tpu.memory_space<vmem>>, vector<16xf32>,
      %get3A_1974 = vector.shape_cast %get3A_1973 : vector<16xf32> to vector<16xf32>
      %swap3A_1975 = arith.constant 4 : i32
      %swap3A_1976 = arith.index_cast %rem3A_26 : i32 to index
      %swap3A_1977 = arith.index_cast %swap3A_1975 : i32 to index
      %swap3A_1978 = arith.constant 752 : index
      %swap3A_1979 = tpu.vector_load %arg8[%swap3A_1976, %swap3A_1977, %swap3A_1978] {strides = array<i32>} : memref<2x77x768xf32, #tpu.memory_space<vmem>>, vector<1x1x16xf32>,
      %swap3A_1980 = vector.shape_cast %swap3A_1979 : vector<1x1x16xf32> to vector<16xf32>
      %swap3A_1981 = vector.shape_cast %get3A_1974 : vector<16xf32> to vector<1x1x16xf32>
      tpu.vector_store %arg8[%swap3A_1976, %swap3A_1977, %swap3A_1978], %swap3A_1981 {strides = array<i32>} : memref<2x77x768xf32, #tpu.memory_space<vmem>>, vector<1x1x16xf32>,
      %dma_start3A_1982 = arith.constant 0 : i32
      %dma_start3A_1983 = arith.constant 0 : i32
      %dma_start3A_1984 = tpu.memref_slice %arg8[%rem3A_26, %dma_start3A_1982, %dma_start3A_1983] : memref<2x77x768xf32, #tpu.memory_space<vmem>> -> memref<1x77x768xf32, #tpu.memory_space<vmem>>
      %dma_start3A_1985 = tpu.memref_squeeze %dma_start3A_1984 : memref<1x77x768xf32, #tpu.memory_space<vmem>> -> memref<77x768xf32, #tpu.memory_space<vmem>>
      %dma_start3A_1986 = arith.constant 0 : i32
      %dma_start3A_1987 = arith.constant 0 : i32
      %dma_start3A_1988 = tpu.memref_slice %arg5[%add3A_27, %dma_start3A_1986, %dma_start3A_1987] : memref<1000x77x768xf32, #tpu.memory_space<hbm>> -> memref<1x77x768xf32, #tpu.memory_space<hbm>>
      %dma_start3A_1989 = tpu.memref_squeeze %dma_start3A_1988 : memref<1x77x768xf32, #tpu.memory_space<hbm>> -> memref<77x768xf32, #tpu.memory_space<hbm>>
      %dma_start3A_1990 = arith.constant 0 : i32
      %dma_start3A_1991 = arith.constant 0 : i32
      %dma_start3A_1992 = tpu.memref_slice %arg5[%add3A_27, %dma_start3A_1990, %dma_start3A_1991] : memref<1000x77x768xf32, #tpu.memory_space<hbm>> -> memref<1x77x768xf32, #tpu.memory_space<hbm>>
      %dma_start3A_1993 = tpu.memref_squeeze %dma_start3A_1992 : memref<1x77x768xf32, #tpu.memory_space<hbm>> -> memref<77x768xf32, #tpu.memory_space<hbm>>
      %dma_start3A_1994 = arith.constant 0 : i32
      %dma_start3A_1995 = arith.constant 0 : i32
      %dma_start3A_1996 = tpu.memref_slice %arg8[%rem3A_26, %dma_start3A_1994, %dma_start3A_1995] : memref<2x77x768xf32, #tpu.memory_space<vmem>> -> memref<1x77x768xf32, #tpu.memory_space<vmem>>
      %dma_start3A_1997 = tpu.memref_squeeze %dma_start3A_1996 : memref<1x77x768xf32, #tpu.memory_space<vmem>> -> memref<77x768xf32, #tpu.memory_space<vmem>>
      tpu.enqueue_dma source(%dma_start3A_1997 : memref<77x768xf32, #tpu.memory_space<vmem>>) target(%dma_start3A_1993 : memref<77x768xf32, #tpu.memory_space<hbm>>) target_semaphore(%arg11 : memref<!tpu.dma_semaphore, #tpu.memory_space<semaphore_mem>>)
    }
    %ge3A = arith.constant 1 : i32
    %ge3A_18 = arith.cmpi sge, %add3A_8, %ge3A : i32
    %convert_element_type3A = arith.extui %ge3A_18 : i1 to i32
    %cond3A = arith.constant 0 : i32
    %cond3A_19 = arith.cmpi ne, %convert_element_type3A, %cond3A : i32
    scf.if %cond3A_19 {
      %dma_wait3A = arith.constant 0 : i32
      %dma_wait3A_25 = arith.constant 0 : i32
      %dma_wait3A_26 = arith.constant 0 : i32
      %dma_wait3A_27 = tpu.memref_slice %arg8[%dma_wait3A, %dma_wait3A_25, %dma_wait3A_26] : memref<2x77x768xf32, #tpu.memory_space<vmem>> -> memref<1x77x768xf32, #tpu.memory_space<vmem>>
      %dma_wait3A_28 = tpu.memref_squeeze %dma_wait3A_27 : memref<1x77x768xf32, #tpu.memory_space<vmem>> -> memref<77x768xf32, #tpu.memory_space<vmem>>
      %dma_wait3A_29 = arith.constant 0 : i32
      %dma_wait3A_30 = arith.constant 0 : i32
      %dma_wait3A_31 = tpu.memref_slice %arg5[%add3A_4, %dma_wait3A_29, %dma_wait3A_30] : memref<1000x77x768xf32, #tpu.memory_space<hbm>> -> memref<1x77x768xf32, #tpu.memory_space<hbm>>
      %dma_wait3A_32 = tpu.memref_squeeze %dma_wait3A_31 : memref<1x77x768xf32, #tpu.memory_space<hbm>> -> memref<77x768xf32, #tpu.memory_space<hbm>>
      %dma_wait3A_33 = arith.constant 0 : i32
      %dma_wait3A_34 = arith.constant 0 : i32
      %dma_wait3A_35 = tpu.memref_slice %arg5[%add3A_4, %dma_wait3A_33, %dma_wait3A_34] : memref<1000x77x768xf32, #tpu.memory_space<hbm>> -> memref<1x77x768xf32, #tpu.memory_space<hbm>>
      %dma_wait3A_36 = tpu.memref_squeeze %dma_wait3A_35 : memref<1x77x768xf32, #tpu.memory_space<hbm>> -> memref<77x768xf32, #tpu.memory_space<hbm>>
      %dma_wait3A_37 = arith.constant 0 : i32
      %dma_wait3A_38 = arith.constant 0 : i32
      %dma_wait3A_39 = tpu.memref_slice %arg8[%dma_wait3A, %dma_wait3A_37, %dma_wait3A_38] : memref<2x77x768xf32, #tpu.memory_space<vmem>> -> memref<1x77x768xf32, #tpu.memory_space<vmem>>
      %dma_wait3A_40 = tpu.memref_squeeze %dma_wait3A_39 : memref<1x77x768xf32, #tpu.memory_space<vmem>> -> memref<77x768xf32, #tpu.memory_space<vmem>>
      tpu.wait_dma2 semaphore(%arg11 : memref<!tpu.dma_semaphore, #tpu.memory_space<semaphore_mem>>) src(%dma_wait3A_40 : memref<77x768xf32, #tpu.memory_space<vmem>>) dst(%dma_wait3A_36 : memref<77x768xf32, #tpu.memory_space<hbm>>)
    } else {
    }
    %ge3A_20 = arith.constant 2 : i32
    %ge3A_21 = arith.cmpi sge, %add3A_8, %ge3A_20 : i32
    %convert_element_type3A_22 = arith.extui %ge3A_21 : i1 to i32
    %cond3A_23 = arith.constant 0 : i32
    %cond3A_24 = arith.cmpi ne, %convert_element_type3A_22, %cond3A_23 : i32
    scf.if %cond3A_24 {
      %dma_wait3A = arith.constant 1 : i32
      %dma_wait3A_25 = arith.constant 0 : i32
      %dma_wait3A_26 = arith.constant 0 : i32
      %dma_wait3A_27 = tpu.memref_slice %arg8[%dma_wait3A, %dma_wait3A_25, %dma_wait3A_26] : memref<2x77x768xf32, #tpu.memory_space<vmem>> -> memref<1x77x768xf32, #tpu.memory_space<vmem>>
      %dma_wait3A_28 = tpu.memref_squeeze %dma_wait3A_27 : memref<1x77x768xf32, #tpu.memory_space<vmem>> -> memref<77x768xf32, #tpu.memory_space<vmem>>
      %dma_wait3A_29 = arith.constant 0 : i32
      %dma_wait3A_30 = arith.constant 0 : i32
      %dma_wait3A_31 = tpu.memref_slice %arg5[%add3A_4, %dma_wait3A_29, %dma_wait3A_30] : memref<1000x77x768xf32, #tpu.memory_space<hbm>> -> memref<1x77x768xf32, #tpu.memory_space<hbm>>
      %dma_wait3A_32 = tpu.memref_squeeze %dma_wait3A_31 : memref<1x77x768xf32, #tpu.memory_space<hbm>> -> memref<77x768xf32, #tpu.memory_space<hbm>>
      %dma_wait3A_33 = arith.constant 0 : i32
      %dma_wait3A_34 = arith.constant 0 : i32
      %dma_wait3A_35 = tpu.memref_slice %arg5[%add3A_4, %dma_wait3A_33, %dma_wait3A_34] : memref<1000x77x768xf32, #tpu.memory_space<hbm>> -> memref<1x77x768xf32, #tpu.memory_space<hbm>>
      %dma_wait3A_36 = tpu.memref_squeeze %dma_wait3A_35 : memref<1x77x768xf32, #tpu.memory_space<hbm>> -> memref<77x768xf32, #tpu.memory_space<hbm>>
      %dma_wait3A_37 = arith.constant 0 : i32
      %dma_wait3A_38 = arith.constant 0 : i32
      %dma_wait3A_39 = tpu.memref_slice %arg8[%dma_wait3A, %dma_wait3A_37, %dma_wait3A_38] : memref<2x77x768xf32, #tpu.memory_space<vmem>> -> memref<1x77x768xf32, #tpu.memory_space<vmem>>
      %dma_wait3A_40 = tpu.memref_squeeze %dma_wait3A_39 : memref<1x77x768xf32, #tpu.memory_space<vmem>> -> memref<77x768xf32, #tpu.memory_space<vmem>>
      tpu.wait_dma2 semaphore(%arg11 : memref<!tpu.dma_semaphore, #tpu.memory_space<semaphore_mem>>) src(%dma_wait3A_40 : memref<77x768xf32, #tpu.memory_space<vmem>>) dst(%dma_wait3A_36 : memref<77x768xf32, #tpu.memory_space<hbm>>)
    } else {
    }
    return
  }
}

</mosaic_0001>

<sc_bundles>
// kernel: kernel.3.cloned.1.call-start
scs
__scs_entry_jumppad:
0x0: {  	(pc) =	sbr.rel $0x88, $3  }
0x1: {  	(tag) =	ssettag $0x0;
	lr =	simm.s32 $0x1  }
0x2: {  	[smem:$0x3F9E] =	sst lr;
	_ =	strace $0xD0000000  }
0x3: {  	_ = 	snop  }
0x4: {  	_ = 	snop  }
0x5: {  	_ = 	snop  }
0x6: {  	_ = 	snop  }
0x7: {  	_ = 	snop  }
__scs_overlays_trampoline_lowered:
0x8: {  	[smem:$0x3FAD] =	sst s0  }
0x9: {  	[smem:$0x3FAE] =	sst s1  }
0xa: {  	[smem:$0x3FAF] =	sst s2  }
0xb: {  	[smem:$0x3FB0] =	sst s3  }
0xc: {  	[smem:$0x3FB1] =	sst s4  }
0xd: {  	[smem:$0x3FB2] =	sst s5  }
0xe: {  	[smem:$0x3FB3] =	sst s6  }
0xf: {  	[smem:$0x3FB4] =	sst s7  }
0x10: {  	[smem:$0x3FB5] =	sst s8  }
0x11: {  	[smem:$0x3FB6] =	sst s9;
	s0 =	simm.s32 @!p0 $0x0  }
0x12: {  	s1 =	sld [smem:$0x3F9C];
	s0 =	simm.s32 @p0 $0x1  }
0x13: {  	[smem:$0x3FB7] =	sst s0;
	s0 =	simm.s32 @!p1 $0x0  }
0x14: {  	s2 =	sld [smem:$0x3F9B];
	s0 =	simm.s32 @p1 $0x1  }
0x15: {  	[smem:$0x3FB8] =	sst s0;
	s0 =	simm.s32 @!p2 $0x0  }
0x16: {  	s3 =	sld [smem:$0x3FDB];
	s0 =	simm.s32 @p2 $0x1  }
0x17: {  	s4 =	simm.s32 $0x1BF5;
	[smem:$0x3FBA] =	sst s0  }
0x18: {  	s0 =	sld [smem:$0x3F9D];
	_ =	swait.ge [sflag:s4], $0x0  }
0x19: {  	s7 =	sld [smem:$0x3F9E]  }
0x1a: {  	s8 =	sadd.s32 $0xFFFFE003, lr  }
0x1b: {  	s9 =	sadd.s32 $0xFFFFFEF7, lr;
	s5 =	simm.s32 $0xFFFFFFFF;
	p2 =	slt.u32 s8, $0xFFFFF086  }
0x1c: {  	p1 =	slt.u32 s9, $0xF7A;
	s5 =	simm.s32 @!p2 $0x0  }
0x1d: {  	s5 =	simm.s32 @p1 $0x1;
	p0 =	seq.s32 s7, s2  }
0x1e: {  	s7 =	smul.u32 @!p0 $0xF7A, s2;
	p2 =	seq.s32 @!p0 s5, $0x0  }
0x1f: {  	s9 =	smul.u32 $0xF7A, s1;
	s8 =	simm.s32 @!p0 $0x1BF5;
	p2 =	por !p2, p0  }
0x20: {  	[sflag:s8] =	ssyncset.s32 @!p0 $0xFFFFF086;
	s6 =	sadd.s32 @!p0 s3, s7;
	s7 =	simm.s32 @!p0 $0x108  }
0x21: {  	s3 =	sadd.s32 s3, s9;
	s6 =	sadd.s32 @!p0 $0x88, s6;
	s7 =	simm.s32 @p2 $0x1082  }
0x22: {  	[simem:s7], [sflag:s8] =	dma.local @!p0 [hbm:s6], $0xF7A  }
0x23: {  	s9 =	sor.u32 $0xD0000000, s2;
	s6 =	simm.s32 $0x108;
	_ =	swait.ge @!p0 [sflag:s8], $0x0  }
0x24: {  	s3 =	sadd.s32 $0x88, s3;
	s6 =	simm.s32 @!p1 $0x1082;
	[sflag:s4] =	ssyncset.s32 $0xFFFFF086  }
0x25: {  	[simem:s6], [sflag:s4] =	dma.local [hbm:s3], $0xF7A  }
0x26: {  	[smem:$0x3F9E] =	sst s1;
	(tag) =	ssettag s2;
	_ =	strace s9  }
0x27: {  	s1 =	sld [smem:$0x3FAE]  }
0x28: {  	s2 =	sld [smem:$0x3FAF]  }
0x29: {  	s4 =	sld [smem:$0x3FB1]  }
0x2a: {  	p0 =	seq.s32 s5, $0x0;
	s5 =	sld [smem:$0x3FB2]  }
0x2b: {  	s6 =	sld [smem:$0x3FB3]  }
0x2c: {  	s7 =	sld [smem:$0x3FB4]  }
0x2d: {  	s3 =	simm.s32 $0x108;
	s8 =	sld [smem:$0x3FB5]  }
0x2e: {  	s3 =	simm.s32 @!p0 $0x1082;
	s9 =	sld [smem:$0x3FB6]  }
0x2f: {  	lr =	sadd.s32 s0, s3;
	s0 =	sld [smem:$0x3FAD]  }
0x30: {  	s3 =	sld [smem:$0x3FB0]  }
0x31: {  	[smem:$0x3FB9] =	sst s10  }
0x32: {  	s10 =	sld [smem:$0x3FB7];
	_ =	sdelay $0x3  }
0x33: {  	p0 =	seq.s32 s10, $0x1;
	s10 =	sld [smem:$0x3FB9];
	_ =	sdelay $0x3  }
0x34: {  	[smem:$0x3FB9] =	sst s10  }
0x35: {  	s10 =	sld [smem:$0x3FB8];
	_ =	sdelay $0x3  }
0x36: {  	p1 =	seq.s32 s10, $0x1;
	s10 =	sld [smem:$0x3FB9];
	_ =	sdelay $0x3  }
0x37: {  	[smem:$0x3FB9] =	sst s10  }
0x38: {  	s10 =	sld [smem:$0x3FBA]  }
0x39: {  	_ = 	snop;
	(pc) =	sbr.ind lr, $3  }
0x3a: {  	_ = 	snop  }
0x3b: {  	_ = 	snop  }
0x3c: {  	p2 =	seq.s32 s10, $0x1;
	s10 =	sld [smem:$0x3FB9]  }
0x3d: {  	_ =	shalt  }
0x3e: {  	_ =	shalt  }
0x3f: {  	_ =	shalt  }
0x40: {  	_ =	shalt  }
0x41: {  	_ =	shalt  }
0x42: {  	_ =	shalt  }
0x43: {  	_ =	shalt  }
0x44: {  	_ =	shalt  }
0x45: {  	_ =	shalt  }
0x46: {  	_ =	shalt  }
0x47: {  	_ =	shalt  }
0x48: {  	_ =	shalt  }
0x49: {  	_ =	shalt  }
0x4a: {  	_ =	shalt  }
0x4b: {  	_ =	shalt  }
0x4c: {  	_ =	shalt  }
0x4d: {  	_ =	shalt  }
0x4e: {  	_ =	shalt  }
0x4f: {  	_ =	shalt  }
0x50: {  	_ =	shalt  }
0x51: {  	_ =	shalt  }
0x52: {  	_ =	shalt  }
0x53: {  	_ =	shalt  }
0x54: {  	_ =	shalt  }
0x55: {  	_ =	shalt  }
0x56: {  	_ =	shalt  }
0x57: {  	_ =	shalt  }
0x58: {  	_ =	shalt  }
0x59: {  	_ =	shalt  }
0x5a: {  	_ =	shalt  }
0x5b: {  	_ =	shalt  }
0x5c: {  	_ =	shalt  }
0x5d: {  	_ =	shalt  }
0x5e: {  	_ =	shalt  }
0x5f: {  	_ =	shalt  }
0x60: {  	_ =	shalt  }
0x61: {  	_ =	shalt  }
0x62: {  	_ =	shalt  }
0x63: {  	_ =	shalt  }
0x64: {  	_ =	shalt  }
0x65: {  	_ =	shalt  }
0x66: {  	_ =	shalt  }
0x67: {  	_ =	shalt  }
0x68: {  	_ =	shalt  }
0x69: {  	_ =	shalt  }
0x6a: {  	_ =	shalt  }
0x6b: {  	_ =	shalt  }
0x6c: {  	_ =	shalt  }
0x6d: {  	_ =	shalt  }
0x6e: {  	_ =	shalt  }
0x6f: {  	_ =	shalt  }
0x70: {  	_ =	shalt  }
0x71: {  	_ =	shalt  }
0x72: {  	_ =	shalt  }
0x73: {  	_ =	shalt  }
0x74: {  	_ =	shalt  }
0x75: {  	_ =	shalt  }
0x76: {  	_ =	shalt  }
0x77: {  	_ =	shalt  }
0x78: {  	_ =	shalt  }
0x79: {  	_ =	shalt  }
0x7a: {  	_ =	shalt  }
0x7b: {  	_ =	shalt  }
0x7c: {  	_ =	shalt  }
0x7d: {  	_ =	shalt  }
0x7e: {  	_ =	shalt  }
0x7f: {  	_ =	shalt  }
0x80: {  	_ =	shalt  }
0x81: {  	_ =	shalt  }
0x82: {  	_ =	shalt  }
0x83: {  	_ =	shalt  }
0x84: {  	_ =	shalt  }
0x85: {  	_ =	shalt  }
0x86: {  	_ =	shalt  }
0x87: {  	_ =	shalt  }
.Lfunc_end0:
.L_simem_size_0:
called_computation_lowered:
.L_overlay_start_0:
0x88: {  	s2 =	sld [smem:$0x3FD9]  }
0x89: {  	s3 =	sld [smem:$0x3FFE];
	_ =	sdelay $0x1  }
0x8a: {  	s1 =	srdreg.scid  }
0x8b: {  	s0 =	sand.u32 $0x1, s1  }
0x8c: {  	s17 =	sshll.u32 s0, $0xA;
	s2 =	sadd.s32 s3, s2  }
0x8d: {  	s2 =	sadd.s32 s2, s17  }
0x8e: {  	[smem:$0x3FC5] =	sst s2  }
0x8f: {  	_ = 	snop  }
0x90: {  	s2 =	sld [smem:$0x3FC8]  }
0x91: {  	s18 =	sld [smem:$0x3FD0];
	(tm) =	ssettm $0x1  }
0x92: {  	s4 =	sld [smem:$0x3FFB];
	_ =	sdelay $0x3  }
0x93: {  	_ =	strace s4  }
0x94: {  	s4 =	sld [smem:$0x3FFC];
	_ =	sdelay $0x3  }
0x95: {  	_ =	strace s4  }
0x96: {  	s4 =	sld [smem:$0x3FFD];
	_ =	sdelay $0x3  }
0x97: {  	_ =	strace s4  }
0x98: {  	_ =	strace $0x8FFFFFFF  }
0x99: {  	s19 =	sld [smem:$0x3FDB];
	_ =	sdelay $0x1  }
0x9a: {  	s5 =	simm.s32 $_scs_section_size  }
0x9b: {  	s6 =	simm.s32 $_size__tile_overlayer_lowered;
	s7 =	simm.s32 $_tile_overlayer_lowered  }
0x9c: {  	s22 =	simm.s32 $0x1BFF;
	s21 =	sshll.u32 s7, $0x1;
	s4 =	sadd.s32 s5, s19  }
0x9d: {  	s8 =	simm.s32 $0x0;
	s20 =	sshll.u32 s6, $0x1;
	s6 =	sadd.s32 s21, s4  }
0x9e: {  	[timem:s8], [sflag:s22] =	dma.local [hbm:s6], s20  }
0x9f: {  	_ =	swait.ge [sflag:s22], s20  }
0xa0: {  	s5 =	ssub.s32 $0x0, s20;
	[sflag:s22] =	ssyncset.done $0x0  }
0xa1: {  	[sflag:s22] =	ssyncadd.s32 s5;
	_ =	sdelay $0x1  }
0xa2: {  	s23 =	simm.s32 $0x1B8B  }
0xa3: {  	_ =	swait.ge [sflag:s23], $0x1  }
0xa4: {  	[sflag:s23] =	ssyncset.done $0x0  }
0xa5: {  	s25 =	simm.s32 $0x1B8E;
	s24 =	sld [smem:$0x3FFE];
	[sflag:s23] =	ssyncadd.s32 $0xFFFFFFFF  }
0xa6: {  	s26 =	simm.s32 $execute0_lowered;
	[smem:$0x3FD2] =	sst s25  }
0xa7: {  	s6 =	sshll.u32 s26, $0x1;
	_ =	strace $0x80000046;
	[dreg:$0x1] =	wrdreg $0xFFFFFFFF  }
0xa8: {  	s28 =	simm.s32 $_size_execute0_lowered;
	s4 =	sadd.s32 s4, s6;
	[dreg:$0x0] =	wrdreg $0x0  }
0xa9: {  	s6 =	sshll.u32 s28, $0x1;
	[dreg:$0x2] =	wrdreg s4  }
0xaa: {  	[dreg:$0x3] =	wrdreg s6  }
0xab: {  	[dreg:$0x4] =	wrdreg $0xC0  }
0xac: {  	_ =	task [dreg:s8], $0x5FFFF  }
0xad: {  	[dreg:$0x1] =	wrdreg $0xFFFFFFFF  }
0xae: {  	[dreg:$0x0] =	wrdreg $0x60  }
0xaf: {  	[dreg:$0x2] =	wrdreg s18  }
0xb0: {  	[dreg:$0x3] =	wrdreg s2  }
0xb1: {  	[dreg:$0x4] =	wrdreg s24  }
0xb2: {  	[dreg:$0x5] =	wrdreg $0x9  }
0xb3: {  	_ =	task.clear_ibuf [dreg:s8], $0x6FFFF;
	_ =	strace $0x90000046  }
0xb4: {  	s29 =	simm.s32 $0x9;
	_ =	strace $0x80000048  }
0xb5: {  	_ =	swait.ge [sflag:s29], $0x1  }
0xb6: {  	[sflag:s29] =	ssyncadd.s32 $0xFFFFFFFF  }
0xb7: {  	_ =	strace $0x90000048  }
0xb8: {  	_ =	sfence  }
0xb9: {  	s30 =	sld [smem:$0x0];
	_ =	sdelay $0x2  }
0xba: {  	s31 =	sshll.u32 s1, $0xD;
	s1 =	sshrl.u32 s1, $0x2  }
0xbb: {  	s3 =	sand.u32 $0x4000, s31;
	s1 =	sadd.s32 s1, s30  }
0xbc: {  	s0 =	sor.u32 s3, s0;
	s1 =	sshll.u32 s1, $0x11  }
0xbd: {  	s0 =	sor.u32 s1, s0  }
0xbe: {  	s0 =	sadd.s32 $0x8F2B, s0  }
0xbf: {  	[sflag:s0] =	ssyncadd.remote.s32 $0x1  }
0xc0: {  	_ =	sfence.sel $0xFFFF  }
0xc1: {  	[dreg:$0x0] =	wrdreg $0xFFFFFFFF;
	(pc) =	sbr.abs _section_cstart, $3  }
0xc2: {  	[dreg:$0x1] =	wrdreg $0xFFFFFFFF  }
0xc3: {  	_ =	task.clear_ibuf [dreg:s8], $0x2FFFF;
	_ =	strace $0x9FFFFFFF  }
0xc4: {  	(tm) =	ssettm $0x7FFFFFFF  }
0xc5: {  	_ =	shalt  }
tec
execute0_lowered:
.L_overlay_start_1:
0x0: {  	(tag) =	ssettag $0x1  }
0x1: {  	s1 =	srdreg.scid;
	s3 =	rddreg [dreg:$0x1]  }
0x2: {  	s0 =	stileid.u32;
	s9 =	rddreg [dreg:$0x2];
	s4 =	simm.s32 $0x0  }
0x3: {  	s14 =	simm.s32 $0x4;
	s15 =	simm.s32 $0x2;
	s16 =	simm.s32 $0x3  }
0x4: {  	s17 =	simm.s32 $0x0;
	s5 =	sand.u32 $0x1, s1;
	s1 =	rddreg [dreg:$0x0]  }
0x5: {  	s2 =	sshll.u32 s0, $0x1;
	s30 =	smul.u32 $0x3E, s0;
	[smem:$0x7FF] =	sst s4  }
0x6: {  	p0 =	slt.u32 s0, $0x4;
	s6 =	sor.u32 s5, s2;
	s8 =	smul.u32 $0x1F, s5  }
0x7: {  	s2 =	rddreg [dreg:$0x3];
	_ =	strace $0x80000047;
	s11 =	ssub.s32 $0x2, s5  }
0x8: {  	s7 =	smin.u32 s6, $0x8;
	s6 =	smul.u32 $0x1F, s6;
	s31 =	sshrl.u32 s11, $0x1  }
0x9: {  	s5 =	sadd.s32 $0x400, s9;
	s10 =	sadd.s32 s30, s7;
	s11 =	ssub.s32 s11, s31  }
0xa: {  	s10 =	sadd.s32 s8, s10;
	s7 =	sadd.s32 s7, s6;
	s6 =	simm.s32 $0x20  }
0xb: {  	s8 =	smul.u32 $0x1E00, s10;
	s6 =	simm.s32 @!p0 $0x1F;
	s7 =	sshll.u32 s7, $0x4  }
0xc: {  	v2 =	vlaneseq.u32;
	vm1 =	vcmask $0x3320;
	vm2 =	vcmask $0x1300;
	s13 =	sshll.u32 s10, $0x7;
	s10 =	smax.u32 s11, $0x1;
	s7 =	sadd.s32 s1, s7  }
0xd: {  	vm0 =	vmmov $0xffff;
	v0 =	vand.u32 $0x7, v2;
	v1 =	vshrl.u32 v2, $0x3;
	s11 =	sadd.s32 $0x80, s13;
	s13 =	simm.s32 $0x100;
	s12 =	sadd.s32 s8, s9  }
0xe: {  	v2 =	vor.u32 $0x8, v2;
	vm1 =	vmor vm2, vm1;
	v1 =	vmul.u32 $0x8, v1;
	s8 =	sadd.s32 $0x100, s3;
	s9 =	sadd.s32 $0x200, s3;
	s12 =	sadd.s32 $0x600, s12  }
.LBB2_1:
0xf: {  	[tilespmem:s13], [sflag:$0x4] =	stream.linear.gather [hbm4b:s5+s4], $0xC00, $0x38;
	[tilespmem:$0x1ED00] =	vst v63  }
0x10: {  	_ =	swait.ge [sflag:s14], $0xC00  }
0x11: {  	[sflag:s14] =	ssyncset.done $0x0  }
0x12: {  	[sflag:s14] =	ssyncadd.s32 $0xFFFFF400  }
0x13: {  	[tilespmem:s4], [sflag:$0x4] =	stream.linear.gather [hbm4b:s7+s4], $0x80, $0x38;
	[tilespmem:$0x1ED00] =	vst v63  }
0x14: {  	_ =	swait.ge [sflag:s14], $0x80  }
0x15: {  	s18 =	smov.u32 s12;
	[sflag:s14] =	ssyncset.done $0x0  }
0x16: {  	s19 =	smov.u32 s11;
	s20 =	simm.s32 $0x0;
	[sflag:s14] =	ssyncadd.s32 $0xFFFFFF80  }
.LBB2_2:
0x17: {  	p0 =	seq.s32 s20, $0x0  }
0x18: {  	s21 =	simm.s32 @!p0 $0x1  }
0x19: {  	p1 =	seq.s32 @!p0 s20, $0x1;
	_ =	swait.ge @!p0 [sflag:s21], $0x80  }
0x1a: {  	p1 =	por p1, p0;
	[sflag:s21] =	ssyncset.done @!p0 $0x0  }
0x1b: {  	[sflag:s21] =	ssyncadd.s32 @!p0 $0xFFFFFF80;
	s21 =	simm.s32 @!p1 $0x3  }
0x1c: {  	_ =	swait.ge @!p1 [sflag:s21], $0xF000  }
0x1d: {  	s23 =	sand.u32 $0x1, s20;
	[sflag:s21] =	ssyncset.done @!p1 $0x0  }
0x1e: {  	s24 =	sshll.u32 s23, $0x7;
	[sflag:s21] =	ssyncadd.s32 @!p1 $0xFFFF1000  }
0x1f: {  	v3 =	vld [tilespmem:s24+$0x0];
	_ =	sdelay $0x4  }
0x20: {  	v4 =	vshrl.u32 v3, $0x3  }
0x21: {  	v4 =	vmul.u32 $0x30, v4  }
0x22: {  	v3 =	vand.u32 $0x7, v3  }
0x23: {  	v3 =	vor.u32 v3, v4  }
0x24: {  	v4 =	vperm.xlane v3, v0;
	_ =	sdelay $0x1  }
0x25: {  	v4 =	vadd.s32 v1, v4  }
0x26: {  	s29 =	smul.u32 $0x3C000, s23;
	_ =	sdelay $0x1  }
0x27: {  	s21 =	sshrl.u32 s29, $0x2  }
0x28: {  	s22 =	sor.u32 $0xD00, s21;
	v3 =	vperm.xlane v3, v2  }
0x29: {  	[tilespmem:s22], [sflag:$0x2] =	stream.indirect_vreg.gather [hbm4b:s3+s4], $0x80, v4, vm0, $0xb8;
	[tilespmem:$0x1ED00] =	vst v63  }
0x2a: {  	s25 =	sadd.s32 $0x1500, s21;
	v3 =	vadd.s32 v1, v3  }
0x2b: {  	[tilespmem:s25], [sflag:$0x2] =	stream.indirect_vreg.gather [hbm4b:s8+s4], $0x80, v4, vm0, $0xb8;
	[tilespmem:$0x1ED00] =	vst v63  }
0x2c: {  	s30 =	sadd.s32 $0x1D00, s21  }
0x2d: {  	[tilespmem:s30], [sflag:$0x2] =	stream.indirect_vreg.gather [hbm4b:s9+s4], $0x80, v4, vm0, $0xb8;
	[tilespmem:$0x1ED00] =	vst v63  }
0x2e: {  	s31 =	sadd.s32 $0x2500, s21  }
0x2f: {  	[tilespmem:s31], [sflag:$0x2] =	stream.indirect_vreg.gather [hbm4b:s3+s4], $0x80, v3, vm0, $0xb8;
	[tilespmem:$0x1ED00] =	vst v63  }
0x30: {  	s26 =	sadd.s32 $0x2D00, s21  }
0x31: {  	[tilespmem:s26], [sflag:$0x2] =	stream.indirect_vreg.gather [hbm4b:s8+s4], $0x80, v3, vm0, $0xb8;
	[tilespmem:$0x1ED00] =	vst v63  }
0x32: {  	s28 =	sadd.s32 $0x3500, s21  }
0x33: {  	[tilespmem:s28], [sflag:$0x2] =	stream.indirect_vreg.gather [hbm4b:s9+s4], $0x80, v3, vm0, $0xb8;
	[tilespmem:$0x1ED00] =	vst v63  }
0x34: {  	v3 =	vld [tilespmem:s24+$0x10];
	_ =	sdelay $0x4  }
0x35: {  	v60 =	vshrl.u32 v3, $0x3  }
0x36: {  	v4 =	vmul.u32 $0x30, v60  }
0x37: {  	v3 =	vand.u32 $0x7, v3  }
0x38: {  	v3 =	vor.u32 v3, v4  }
0x39: {  	v4 =	vperm.xlane v3, v0;
	_ =	sdelay $0x1  }
0x3a: {  	v4 =	vadd.s32 v1, v4;
	_ =	sdelay $0x3  }
0x3b: {  	s29 =	sadd.s32 $0x3D00, s21;
	v3 =	vperm.xlane v3, v2  }
0x3c: {  	[tilespmem:s29], [sflag:$0x2] =	stream.indirect_vreg.gather [hbm4b:s3+s4], $0x80, v4, vm0, $0xb8;
	[tilespmem:$0x1ED00] =	vst v63  }
0x3d: {  	s30 =	sadd.s32 $0x4500, s21;
	v3 =	vadd.s32 v1, v3  }
0x3e: {  	[tilespmem:s30], [sflag:$0x2] =	stream.indirect_vreg.gather [hbm4b:s8+s4], $0x80, v4, vm0, $0xb8;
	[tilespmem:$0x1ED00] =	vst v63  }
0x3f: {  	s31 =	sadd.s32 $0x4D00, s21  }
0x40: {  	[tilespmem:s31], [sflag:$0x2] =	stream.indirect_vreg.gather [hbm4b:s9+s4], $0x80, v4, vm0, $0xb8;
	[tilespmem:$0x1ED00] =	vst v63  }
0x41: {  	s26 =	sadd.s32 $0x5500, s21  }
0x42: {  	[tilespmem:s26], [sflag:$0x2] =	stream.indirect_vreg.gather [hbm4b:s3+s4], $0x80, v3, vm0, $0xb8;
	[tilespmem:$0x1ED00] =	vst v63  }
0x43: {  	s28 =	sadd.s32 $0x5D00, s21  }
0x44: {  	[tilespmem:s28], [sflag:$0x2] =	stream.indirect_vreg.gather [hbm4b:s8+s4], $0x80, v3, vm0, $0xb8;
	[tilespmem:$0x1ED00] =	vst v63  }
0x45: {  	s29 =	sadd.s32 $0x6500, s21  }
0x46: {  	[tilespmem:s29], [sflag:$0x2] =	stream.indirect_vreg.gather [hbm4b:s9+s4], $0x80, v3, vm0, $0xb8;
	[tilespmem:$0x1ED00] =	vst v63  }
0x47: {  	v3 =	vld [tilespmem:s24+$0x20];
	_ =	sdelay $0x4  }
0x48: {  	v61 =	vshrl.u32 v3, $0x3  }
0x49: {  	v4 =	vmul.u32 $0x30, v61  }
0x4a: {  	v3 =	vand.u32 $0x7, v3  }
0x4b: {  	v3 =	vor.u32 v3, v4  }
0x4c: {  	v4 =	vperm.xlane v3, v0;
	_ =	sdelay $0x1  }
0x4d: {  	v4 =	vadd.s32 v1, v4;
	_ =	sdelay $0x3  }
0x4e: {  	s30 =	sadd.s32 $0x6D00, s21;
	v3 =	vperm.xlane v3, v2  }
0x4f: {  	[tilespmem:s30], [sflag:$0x2] =	stream.indirect_vreg.gather [hbm4b:s3+s4], $0x80, v4, vm0, $0xb8;
	[tilespmem:$0x1ED00] =	vst v63  }
0x50: {  	s31 =	sadd.s32 $0x7500, s21;
	v3 =	vadd.s32 v1, v3  }
0x51: {  	[tilespmem:s31], [sflag:$0x2] =	stream.indirect_vreg.gather [hbm4b:s8+s4], $0x80, v4, vm0, $0xb8;
	[tilespmem:$0x1ED00] =	vst v63  }
0x52: {  	s26 =	sadd.s32 $0x7D00, s21  }
0x53: {  	[tilespmem:s26], [sflag:$0x2] =	stream.indirect_vreg.gather [hbm4b:s9+s4], $0x80, v4, vm0, $0xb8;
	[tilespmem:$0x1ED00] =	vst v63  }
0x54: {  	s28 =	sadd.s32 $0x8500, s21  }
0x55: {  	[tilespmem:s28], [sflag:$0x2] =	stream.indirect_vreg.gather [hbm4b:s3+s4], $0x80, v3, vm0, $0xb8;
	[tilespmem:$0x1ED00] =	vst v63  }
0x56: {  	s29 =	sadd.s32 $0x8D00, s21  }
0x57: {  	[tilespmem:s29], [sflag:$0x2] =	stream.indirect_vreg.gather [hbm4b:s8+s4], $0x80, v3, vm0, $0xb8;
	[tilespmem:$0x1ED00] =	vst v63  }
0x58: {  	s30 =	sadd.s32 $0x9500, s21  }
0x59: {  	[tilespmem:s30], [sflag:$0x2] =	stream.indirect_vreg.gather [hbm4b:s9+s4], $0x80, v3, vm0, $0xb8;
	[tilespmem:$0x1ED00] =	vst v63  }
0x5a: {  	v3 =	vld [tilespmem:s24+$0x30];
	_ =	sdelay $0x4  }
0x5b: {  	v62 =	vshrl.u32 v3, $0x3  }
0x5c: {  	v4 =	vmul.u32 $0x30, v62  }
0x5d: {  	v3 =	vand.u32 $0x7, v3  }
0x5e: {  	v3 =	vor.u32 v3, v4  }
0x5f: {  	v4 =	vperm.xlane v3, v0;
	_ =	sdelay $0x1  }
0x60: {  	v4 =	vadd.s32 v1, v4;
	_ =	sdelay $0x3  }
0x61: {  	s31 =	sadd.s32 $0x9D00, s21;
	v3 =	vperm.xlane v3, v2  }
0x62: {  	[tilespmem:s31], [sflag:$0x2] =	stream.indirect_vreg.gather [hbm4b:s3+s4], $0x80, v4, vm0, $0xb8;
	[tilespmem:$0x1ED00] =	vst v63  }
0x63: {  	s26 =	sadd.s32 $0xA500, s21;
	v3 =	vadd.s32 v1, v3  }
0x64: {  	[tilespmem:s26], [sflag:$0x2] =	stream.indirect_vreg.gather [hbm4b:s8+s4], $0x80, v4, vm0, $0xb8;
	[tilespmem:$0x1ED00] =	vst v63  }
0x65: {  	s28 =	sadd.s32 $0xAD00, s21  }
0x66: {  	[tilespmem:s28], [sflag:$0x2] =	stream.indirect_vreg.gather [hbm4b:s9+s4], $0x80, v4, vm0, $0xb8;
	[tilespmem:$0x1ED00] =	vst v63  }
0x67: {  	s29 =	sadd.s32 $0xB500, s21  }
0x68: {  	[tilespmem:s29], [sflag:$0x2] =	stream.indirect_vreg.gather [hbm4b:s3+s4], $0x80, v3, vm0, $0xb8;
	[tilespmem:$0x1ED00] =	vst v63  }
0x69: {  	s30 =	sadd.s32 $0xBD00, s21  }
0x6a: {  	[tilespmem:s30], [sflag:$0x2] =	stream.indirect_vreg.gather [hbm4b:s8+s4], $0x80, v3, vm0, $0xb8;
	[tilespmem:$0x1ED00] =	vst v63  }
0x6b: {  	s24 =	sor.u32 $0x40, s24;
	s31 =	sadd.s32 $0xC500, s21  }
0x6c: {  	[tilespmem:s31], [sflag:$0x2] =	stream.indirect_vreg.gather [hbm4b:s9+s4], $0x80, v3, vm0, $0xb8;
	[tilespmem:$0x1ED00] =	vst v63  }
0x6d: {  	v3 =	vld.msk [tilespmem:s24+$0x0], $0x1fff;
	_ =	sdelay $0x4  }
0x6e: {  	v63 =	vshrl.u32 v3, $0x3  }
0x6f: {  	v4 =	vmul.u32 $0x30, v63  }
0x70: {  	v3 =	vand.u32 $0x7, v3  }
0x71: {  	v3 =	vor.u32 v3, v4  }
0x72: {  	v4 =	vperm.xlane v3, v0;
	_ =	sdelay $0x1  }
0x73: {  	v4 =	vadd.s32 v1, v4;
	_ =	sdelay $0x3  }
0x74: {  	s25 =	sadd.s32 $0xCD00, s21;
	v3 =	vperm.xlane v3, v2  }
0x75: {  	[tilespmem:s25], [sflag:$0x2] =	stream.indirect_vreg.gather [hbm4b:s3+s4], $0x80, v4, vm0, $0xb8;
	[tilespmem:$0x1ED00] =	vst v63  }
0x76: {  	s26 =	sadd.s32 $0xD500, s21;
	v3 =	vadd.s32 v1, v3  }
0x77: {  	[tilespmem:s26], [sflag:$0x2] =	stream.indirect_vreg.gather [hbm4b:s8+s4], $0x80, v4, vm0, $0xb8;
	[tilespmem:$0x1ED00] =	vst v63  }
0x78: {  	s28 =	sadd.s32 $0xDD00, s21  }
0x79: {  	[tilespmem:s28], [sflag:$0x2] =	stream.indirect_vreg.gather [hbm4b:s9+s4], $0x80, v4, vm0, $0xb8;
	[tilespmem:$0x1ED00] =	vst v63  }
0x7a: {  	s20 =	sadd.s32 $0x1, s20;
	s29 =	sadd.s32 $0xE500, s21  }
0x7b: {  	[tilespmem:s29], [sflag:$0x2] =	stream.indirect_vreg.gather [hbm4b:s3+s4], $0x80, v3, vm1, $0xb8;
	[tilespmem:$0x1ED00] =	vst v63  }
0x7c: {  	p0 =	sge.u32 s20, s6;
	s30 =	sadd.s32 $0xED00, s21  }
0x7d: {  	[tilespmem:s30], [sflag:$0x2] =	stream.indirect_vreg.gather [hbm4b:s8+s4], $0x80, v3, vm1, $0xb8;
	[tilespmem:$0x1ED00] =	vst v63  }
0x7e: {  	s23 =	sshll.u32 @!p0 s23, $0x7;
	s31 =	sadd.s32 $0xF500, s21;
	s24 =	sshrl.u32 @!p0 s19, $0x3  }
0x7f: {  	[tilespmem:s31], [sflag:$0x2] =	stream.indirect_vreg.gather [hbm4b:s9+s4], $0x80, v3, vm1, $0xb8;
	[tilespmem:$0x1ED00] =	vst v63  }
0x80: {  	s23 =	sxor.u32 @!p0 $0x80, s23;
	s24 =	sadd.s32 @!p0 s1, s24;
	s25 =	simm.s32 @!p0 $0x0  }
0x81: {  	[tilespmem:s23], [sflag:$0x1] =	stream.linear.gather @!p0 [hbm4b:s24+s25], $0x80, $0x38;
	[tilespmem:$0x1ED00] =	vst v63  }
0x82: {  	_ =	swait.ge [sflag:s15], $0xE700  }
0x83: {  	[sflag:s15] =	ssyncset.done $0x0  }
0x84: {  	[sflag:s15] =	ssyncadd.s32 $0xFFFF1900  }
0x85: {  	v3 =	vld [tilespmem:$0x100];
	_ =	sdelay $0x4  }
0x86: {  	[tilespmem:s21+$0xD80] =	vst v3  }
0x87: {  	v3 =	vld [tilespmem:$0x110];
	_ =	sdelay $0x4  }
0x88: {  	[tilespmem:s21+$0xD90] =	vst v3  }
0x89: {  	v3 =	vld [tilespmem:$0x120];
	_ =	sdelay $0x4  }
0x8a: {  	[tilespmem:s21+$0xDA0] =	vst v3  }
0x8b: {  	v3 =	vld [tilespmem:$0x130];
	_ =	sdelay $0x4  }
0x8c: {  	[tilespmem:s21+$0xDB0] =	vst v3  }
0x8d: {  	v3 =	vld [tilespmem:$0x140];
	_ =	sdelay $0x4  }
0x8e: {  	[tilespmem:s21+$0xDC0] =	vst v3  }
0x8f: {  	v3 =	vld [tilespmem:$0x150];
	_ =	sdelay $0x4  }
0x90: {  	[tilespmem:s21+$0xDD0] =	vst v3  }
0x91: {  	v3 =	vld [tilespmem:$0x160];
	_ =	sdelay $0x4  }
0x92: {  	[tilespmem:s21+$0xDE0] =	vst v3  }
0x93: {  	v3 =	vld [tilespmem:$0x170];
	_ =	sdelay $0x4  }
0x94: {  	[tilespmem:s21+$0xDF0] =	vst v3  }
0x95: {  	v3 =	vld [tilespmem:$0x180];
	_ =	sdelay $0x4  }
0x96: {  	[tilespmem:s21+$0x1180] =	vst v3  }
0x97: {  	v3 =	vld [tilespmem:$0x190];
	_ =	sdelay $0x4  }
0x98: {  	[tilespmem:s21+$0x1190] =	vst v3  }
0x99: {  	v3 =	vld [tilespmem:$0x1A0];
	_ =	sdelay $0x4  }
0x9a: {  	[tilespmem:s21+$0x11A0] =	vst v3  }
0x9b: {  	v3 =	vld [tilespmem:$0x1B0];
	_ =	sdelay $0x4  }
0x9c: {  	[tilespmem:s21+$0x11B0] =	vst v3  }
0x9d: {  	v3 =	vld [tilespmem:$0x1C0];
	_ =	sdelay $0x4  }
0x9e: {  	[tilespmem:s21+$0x11C0] =	vst v3  }
0x9f: {  	v3 =	vld [tilespmem:$0x1D0];
	_ =	sdelay $0x4  }
0xa0: {  	[tilespmem:s21+$0x11D0] =	vst v3  }
0xa1: {  	v3 =	vld [tilespmem:$0x1E0];
	_ =	sdelay $0x4  }
0xa2: {  	[tilespmem:s21+$0x11E0] =	vst v3  }
0xa3: {  	v3 =	vld [tilespmem:$0x1F0];
	_ =	sdelay $0x4  }
0xa4: {  	[tilespmem:s21+$0x11F0] =	vst v3  }
0xa5: {  	v3 =	vld [tilespmem:$0x200];
	_ =	sdelay $0x4  }
0xa6: {  	[tilespmem:s21+$0x1580] =	vst v3  }
0xa7: {  	v3 =	vld [tilespmem:$0x210];
	_ =	sdelay $0x4  }
0xa8: {  	[tilespmem:s21+$0x1590] =	vst v3  }
0xa9: {  	v3 =	vld [tilespmem:$0x220];
	_ =	sdelay $0x4  }
0xaa: {  	[tilespmem:s21+$0x15A0] =	vst v3  }
0xab: {  	v3 =	vld [tilespmem:$0x230];
	_ =	sdelay $0x4  }
0xac: {  	[tilespmem:s21+$0x15B0] =	vst v3  }
0xad: {  	v3 =	vld [tilespmem:$0x240];
	_ =	sdelay $0x4  }
0xae: {  	[tilespmem:s21+$0x15C0] =	vst v3  }
0xaf: {  	v3 =	vld [tilespmem:$0x250];
	_ =	sdelay $0x4  }
0xb0: {  	[tilespmem:s21+$0x15D0] =	vst v3  }
0xb1: {  	v3 =	vld [tilespmem:$0x260];
	_ =	sdelay $0x4  }
0xb2: {  	[tilespmem:s21+$0x15E0] =	vst v3  }
0xb3: {  	v3 =	vld [tilespmem:$0x270];
	_ =	sdelay $0x4  }
0xb4: {  	[tilespmem:s21+$0x15F0] =	vst v3  }
0xb5: {  	v3 =	vld [tilespmem:$0x280];
	_ =	sdelay $0x4  }
0xb6: {  	[tilespmem:s21+$0x1980] =	vst v3  }
0xb7: {  	v3 =	vld [tilespmem:$0x290];
	_ =	sdelay $0x4  }
0xb8: {  	[tilespmem:s21+$0x1990] =	vst v3  }
0xb9: {  	v3 =	vld [tilespmem:$0x2A0];
	_ =	sdelay $0x4  }
0xba: {  	[tilespmem:s21+$0x19A0] =	vst v3  }
0xbb: {  	v3 =	vld [tilespmem:$0x2B0];
	_ =	sdelay $0x4  }
0xbc: {  	[tilespmem:s21+$0x19B0] =	vst v3  }
0xbd: {  	v3 =	vld [tilespmem:$0x2C0];
	_ =	sdelay $0x4  }
0xbe: {  	[tilespmem:s21+$0x19C0] =	vst v3  }
0xbf: {  	v3 =	vld [tilespmem:$0x2D0];
	_ =	sdelay $0x4  }
0xc0: {  	[tilespmem:s21+$0x19D0] =	vst v3  }
0xc1: {  	v3 =	vld [tilespmem:$0x2E0];
	_ =	sdelay $0x4  }
0xc2: {  	[tilespmem:s21+$0x19E0] =	vst v3  }
0xc3: {  	v3 =	vld [tilespmem:$0x2F0];
	_ =	sdelay $0x4  }
0xc4: {  	[tilespmem:s21+$0x19F0] =	vst v3  }
0xc5: {  	v3 =	vld [tilespmem:$0x300];
	_ =	sdelay $0x4  }
0xc6: {  	[tilespmem:s21+$0x1D80] =	vst v3  }
0xc7: {  	v3 =	vld [tilespmem:$0x310];
	_ =	sdelay $0x4  }
0xc8: {  	[tilespmem:s21+$0x1D90] =	vst v3  }
0xc9: {  	v3 =	vld [tilespmem:$0x320];
	_ =	sdelay $0x4  }
0xca: {  	[tilespmem:s21+$0x1DA0] =	vst v3  }
0xcb: {  	v3 =	vld [tilespmem:$0x330];
	_ =	sdelay $0x4  }
0xcc: {  	[tilespmem:s21+$0x1DB0] =	vst v3  }
0xcd: {  	v3 =	vld [tilespmem:$0x340];
	_ =	sdelay $0x4  }
0xce: {  	[tilespmem:s21+$0x1DC0] =	vst v3  }
0xcf: {  	v3 =	vld [tilespmem:$0x350];
	_ =	sdelay $0x4  }
0xd0: {  	[tilespmem:s21+$0x1DD0] =	vst v3  }
0xd1: {  	v3 =	vld [tilespmem:$0x360];
	_ =	sdelay $0x4  }
0xd2: {  	[tilespmem:s21+$0x1DE0] =	vst v3  }
0xd3: {  	v3 =	vld [tilespmem:$0x370];
	_ =	sdelay $0x4  }
0xd4: {  	[tilespmem:s21+$0x1DF0] =	vst v3  }
0xd5: {  	v3 =	vld [tilespmem:$0x380];
	_ =	sdelay $0x4  }
0xd6: {  	[tilespmem:s21+$0x2180] =	vst v3  }
0xd7: {  	v3 =	vld [tilespmem:$0x390];
	_ =	sdelay $0x4  }
0xd8: {  	[tilespmem:s21+$0x2190] =	vst v3  }
0xd9: {  	v3 =	vld [tilespmem:$0x3A0];
	_ =	sdelay $0x4  }
0xda: {  	[tilespmem:s21+$0x21A0] =	vst v3  }
0xdb: {  	v3 =	vld [tilespmem:$0x3B0];
	_ =	sdelay $0x4  }
0xdc: {  	[tilespmem:s21+$0x21B0] =	vst v3  }
0xdd: {  	v3 =	vld [tilespmem:$0x3C0];
	_ =	sdelay $0x4  }
0xde: {  	[tilespmem:s21+$0x21C0] =	vst v3  }
0xdf: {  	v3 =	vld [tilespmem:$0x3D0];
	_ =	sdelay $0x4  }
0xe0: {  	[tilespmem:s21+$0x21D0] =	vst v3  }
0xe1: {  	v3 =	vld [tilespmem:$0x3E0];
	_ =	sdelay $0x4  }
0xe2: {  	[tilespmem:s21+$0x21E0] =	vst v3  }
0xe3: {  	v3 =	vld [tilespmem:$0x3F0];
	_ =	sdelay $0x4  }
0xe4: {  	[tilespmem:s21+$0x21F0] =	vst v3  }
0xe5: {  	v3 =	vld [tilespmem:$0x400];
	_ =	sdelay $0x4  }
0xe6: {  	[tilespmem:s21+$0xE00] =	vst v3  }
0xe7: {  	v3 =	vld [tilespmem:$0x410];
	_ =	sdelay $0x4  }
0xe8: {  	[tilespmem:s21+$0xE10] =	vst v3  }
0xe9: {  	v3 =	vld [tilespmem:$0x420];
	_ =	sdelay $0x4  }
0xea: {  	[tilespmem:s21+$0xE20] =	vst v3  }
0xeb: {  	v3 =	vld [tilespmem:$0x430];
	_ =	sdelay $0x4  }
0xec: {  	[tilespmem:s21+$0xE30] =	vst v3  }
0xed: {  	v3 =	vld [tilespmem:$0x440];
	_ =	sdelay $0x4  }
0xee: {  	[tilespmem:s21+$0xE40] =	vst v3  }
0xef: {  	v3 =	vld [tilespmem:$0x450];
	_ =	sdelay $0x4  }
0xf0: {  	[tilespmem:s21+$0xE50] =	vst v3  }
0xf1: {  	v3 =	vld [tilespmem:$0x460];
	_ =	sdelay $0x4  }
0xf2: {  	[tilespmem:s21+$0xE60] =	vst v3  }
0xf3: {  	v3 =	vld [tilespmem:$0x470];
	_ =	sdelay $0x4  }
0xf4: {  	[tilespmem:s21+$0xE70] =	vst v3  }
0xf5: {  	v3 =	vld [tilespmem:$0x480];
	_ =	sdelay $0x4  }
0xf6: {  	[tilespmem:s21+$0x1200] =	vst v3  }
0xf7: {  	v3 =	vld [tilespmem:$0x490];
	_ =	sdelay $0x4  }
0xf8: {  	[tilespmem:s21+$0x1210] =	vst v3  }
0xf9: {  	v3 =	vld [tilespmem:$0x4A0];
	_ =	sdelay $0x4  }
0xfa: {  	[tilespmem:s21+$0x1220] =	vst v3  }
0xfb: {  	v3 =	vld [tilespmem:$0x4B0];
	_ =	sdelay $0x4  }
0xfc: {  	[tilespmem:s21+$0x1230] =	vst v3  }
0xfd: {  	v3 =	vld [tilespmem:$0x4C0];
	_ =	sdelay $0x4  }
0xfe: {  	[tilespmem:s21+$0x1240] =	vst v3  }
0xff: {  	v3 =	vld [tilespmem:$0x4D0];
	_ =	sdelay $0x4  }
0x100: {  	[tilespmem:s21+$0x1250] =	vst v3  }
0x101: {  	v3 =	vld [tilespmem:$0x4E0];
	_ =	sdelay $0x4  }
0x102: {  	[tilespmem:s21+$0x1260] =	vst v3  }
0x103: {  	v3 =	vld [tilespmem:$0x4F0];
	_ =	sdelay $0x4  }
0x104: {  	[tilespmem:s21+$0x1270] =	vst v3  }
0x105: {  	v3 =	vld [tilespmem:$0x500];
	_ =	sdelay $0x4  }
0x106: {  	[tilespmem:s21+$0x1600] =	vst v3  }
0x107: {  	v3 =	vld [tilespmem:$0x510];
	_ =	sdelay $0x4  }
0x108: {  	[tilespmem:s21+$0x1610] =	vst v3  }
0x109: {  	v3 =	vld [tilespmem:$0x520];
	_ =	sdelay $0x4  }
0x10a: {  	[tilespmem:s21+$0x1620] =	vst v3  }
0x10b: {  	v3 =	vld [tilespmem:$0x530];
	_ =	sdelay $0x4  }
0x10c: {  	[tilespmem:s21+$0x1630] =	vst v3  }
0x10d: {  	v3 =	vld [tilespmem:$0x540];
	_ =	sdelay $0x4  }
0x10e: {  	[tilespmem:s21+$0x1640] =	vst v3  }
0x10f: {  	v3 =	vld [tilespmem:$0x550];
	_ =	sdelay $0x4  }
0x110: {  	[tilespmem:s21+$0x1650] =	vst v3  }
0x111: {  	v3 =	vld [tilespmem:$0x560];
	_ =	sdelay $0x4  }
0x112: {  	[tilespmem:s21+$0x1660] =	vst v3  }
0x113: {  	v3 =	vld [tilespmem:$0x570];
	_ =	sdelay $0x4  }
0x114: {  	[tilespmem:s21+$0x1670] =	vst v3  }
0x115: {  	v3 =	vld [tilespmem:$0x580];
	_ =	sdelay $0x4  }
0x116: {  	[tilespmem:s21+$0x1A00] =	vst v3  }
0x117: {  	v3 =	vld [tilespmem:$0x590];
	_ =	sdelay $0x4  }
0x118: {  	[tilespmem:s21+$0x1A10] =	vst v3  }
0x119: {  	v3 =	vld [tilespmem:$0x5A0];
	_ =	sdelay $0x4  }
0x11a: {  	[tilespmem:s21+$0x1A20] =	vst v3  }
0x11b: {  	v3 =	vld [tilespmem:$0x5B0];
	_ =	sdelay $0x4  }
0x11c: {  	[tilespmem:s21+$0x1A30] =	vst v3  }
0x11d: {  	v3 =	vld [tilespmem:$0x5C0];
	_ =	sdelay $0x4  }
0x11e: {  	[tilespmem:s21+$0x1A40] =	vst v3  }
0x11f: {  	v3 =	vld [tilespmem:$0x5D0];
	_ =	sdelay $0x4  }
0x120: {  	[tilespmem:s21+$0x1A50] =	vst v3  }
0x121: {  	v3 =	vld [tilespmem:$0x5E0];
	_ =	sdelay $0x4  }
0x122: {  	[tilespmem:s21+$0x1A60] =	vst v3  }
0x123: {  	v3 =	vld [tilespmem:$0x5F0];
	_ =	sdelay $0x4  }
0x124: {  	[tilespmem:s21+$0x1A70] =	vst v3  }
0x125: {  	v3 =	vld [tilespmem:$0x600];
	_ =	sdelay $0x4  }
0x126: {  	[tilespmem:s21+$0x1E00] =	vst v3  }
0x127: {  	v3 =	vld [tilespmem:$0x610];
	_ =	sdelay $0x4  }
0x128: {  	[tilespmem:s21+$0x1E10] =	vst v3  }
0x129: {  	v3 =	vld [tilespmem:$0x620];
	_ =	sdelay $0x4  }
0x12a: {  	[tilespmem:s21+$0x1E20] =	vst v3  }
0x12b: {  	v3 =	vld [tilespmem:$0x630];
	_ =	sdelay $0x4  }
0x12c: {  	[tilespmem:s21+$0x1E30] =	vst v3  }
0x12d: {  	v3 =	vld [tilespmem:$0x640];
	_ =	sdelay $0x4  }
0x12e: {  	[tilespmem:s21+$0x1E40] =	vst v3  }
0x12f: {  	v3 =	vld [tilespmem:$0x650];
	_ =	sdelay $0x4  }
0x130: {  	[tilespmem:s21+$0x1E50] =	vst v3  }
0x131: {  	v3 =	vld [tilespmem:$0x660];
	_ =	sdelay $0x4  }
0x132: {  	[tilespmem:s21+$0x1E60] =	vst v3  }
0x133: {  	v3 =	vld [tilespmem:$0x670];
	_ =	sdelay $0x4  }
0x134: {  	[tilespmem:s21+$0x1E70] =	vst v3  }
0x135: {  	v3 =	vld [tilespmem:$0x680];
	_ =	sdelay $0x4  }
0x136: {  	[tilespmem:s21+$0x2200] =	vst v3  }
0x137: {  	v3 =	vld [tilespmem:$0x690];
	_ =	sdelay $0x4  }
0x138: {  	[tilespmem:s21+$0x2210] =	vst v3  }
0x139: {  	v3 =	vld [tilespmem:$0x6A0];
	_ =	sdelay $0x4  }
0x13a: {  	[tilespmem:s21+$0x2220] =	vst v3  }
0x13b: {  	v3 =	vld [tilespmem:$0x6B0];
	_ =	sdelay $0x4  }
0x13c: {  	[tilespmem:s21+$0x2230] =	vst v3  }
0x13d: {  	v3 =	vld [tilespmem:$0x6C0];
	_ =	sdelay $0x4  }
0x13e: {  	[tilespmem:s21+$0x2240] =	vst v3  }
0x13f: {  	v3 =	vld [tilespmem:$0x6D0];
	_ =	sdelay $0x4  }
0x140: {  	[tilespmem:s21+$0x2250] =	vst v3  }
0x141: {  	v3 =	vld [tilespmem:$0x6E0];
	_ =	sdelay $0x4  }
0x142: {  	[tilespmem:s21+$0x2260] =	vst v3  }
0x143: {  	v3 =	vld [tilespmem:$0x6F0];
	_ =	sdelay $0x4  }
0x144: {  	[tilespmem:s21+$0x2270] =	vst v3  }
0x145: {  	v3 =	vld [tilespmem:$0x700];
	_ =	sdelay $0x4  }
0x146: {  	[tilespmem:s21+$0xE80] =	vst v3  }
0x147: {  	v3 =	vld [tilespmem:$0x710];
	_ =	sdelay $0x4  }
0x148: {  	[tilespmem:s21+$0xE90] =	vst v3  }
0x149: {  	v3 =	vld [tilespmem:$0x720];
	_ =	sdelay $0x4  }
0x14a: {  	[tilespmem:s21+$0xEA0] =	vst v3  }
0x14b: {  	v3 =	vld [tilespmem:$0x730];
	_ =	sdelay $0x4  }
0x14c: {  	[tilespmem:s21+$0xEB0] =	vst v3  }
0x14d: {  	v3 =	vld [tilespmem:$0x740];
	_ =	sdelay $0x4  }
0x14e: {  	[tilespmem:s21+$0xEC0] =	vst v3  }
0x14f: {  	v3 =	vld [tilespmem:$0x750];
	_ =	sdelay $0x4  }
0x150: {  	[tilespmem:s21+$0xED0] =	vst v3  }
0x151: {  	v3 =	vld [tilespmem:$0x760];
	_ =	sdelay $0x4  }
0x152: {  	[tilespmem:s21+$0xEE0] =	vst v3  }
0x153: {  	v3 =	vld [tilespmem:$0x770];
	_ =	sdelay $0x4  }
0x154: {  	[tilespmem:s21+$0xEF0] =	vst v3  }
0x155: {  	v3 =	vld [tilespmem:$0x780];
	_ =	sdelay $0x4  }
0x156: {  	[tilespmem:s21+$0x1280] =	vst v3  }
0x157: {  	v3 =	vld [tilespmem:$0x790];
	_ =	sdelay $0x4  }
0x158: {  	[tilespmem:s21+$0x1290] =	vst v3  }
0x159: {  	v3 =	vld [tilespmem:$0x7A0];
	_ =	sdelay $0x4  }
0x15a: {  	[tilespmem:s21+$0x12A0] =	vst v3  }
0x15b: {  	v3 =	vld [tilespmem:$0x7B0];
	_ =	sdelay $0x4  }
0x15c: {  	[tilespmem:s21+$0x12B0] =	vst v3  }
0x15d: {  	v3 =	vld [tilespmem:$0x7C0];
	_ =	sdelay $0x4  }
0x15e: {  	[tilespmem:s21+$0x12C0] =	vst v3  }
0x15f: {  	v3 =	vld [tilespmem:$0x7D0];
	_ =	sdelay $0x4  }
0x160: {  	[tilespmem:s21+$0x12D0] =	vst v3  }
0x161: {  	v3 =	vld [tilespmem:$0x7E0];
	_ =	sdelay $0x4  }
0x162: {  	[tilespmem:s21+$0x12E0] =	vst v3  }
0x163: {  	v3 =	vld [tilespmem:$0x7F0];
	_ =	sdelay $0x4  }
0x164: {  	[tilespmem:s21+$0x12F0] =	vst v3  }
0x165: {  	v3 =	vld [tilespmem:$0x800];
	_ =	sdelay $0x4  }
0x166: {  	[tilespmem:s21+$0x1680] =	vst v3  }
0x167: {  	v3 =	vld [tilespmem:$0x810];
	_ =	sdelay $0x4  }
0x168: {  	[tilespmem:s21+$0x1690] =	vst v3  }
0x169: {  	v3 =	vld [tilespmem:$0x820];
	_ =	sdelay $0x4  }
0x16a: {  	[tilespmem:s21+$0x16A0] =	vst v3  }
0x16b: {  	v3 =	vld [tilespmem:$0x830];
	_ =	sdelay $0x4  }
0x16c: {  	[tilespmem:s21+$0x16B0] =	vst v3  }
0x16d: {  	v3 =	vld [tilespmem:$0x840];
	_ =	sdelay $0x4  }
0x16e: {  	[tilespmem:s21+$0x16C0] =	vst v3  }
0x16f: {  	v3 =	vld [tilespmem:$0x850];
	_ =	sdelay $0x4  }
0x170: {  	[tilespmem:s21+$0x16D0] =	vst v3  }
0x171: {  	v3 =	vld [tilespmem:$0x860];
	_ =	sdelay $0x4  }
0x172: {  	[tilespmem:s21+$0x16E0] =	vst v3  }
0x173: {  	v3 =	vld [tilespmem:$0x870];
	_ =	sdelay $0x4  }
0x174: {  	[tilespmem:s21+$0x16F0] =	vst v3  }
0x175: {  	v3 =	vld [tilespmem:$0x880];
	_ =	sdelay $0x4  }
0x176: {  	[tilespmem:s21+$0x1A80] =	vst v3  }
0x177: {  	v3 =	vld [tilespmem:$0x890];
	_ =	sdelay $0x4  }
0x178: {  	[tilespmem:s21+$0x1A90] =	vst v3  }
0x179: {  	v3 =	vld [tilespmem:$0x8A0];
	_ =	sdelay $0x4  }
0x17a: {  	[tilespmem:s21+$0x1AA0] =	vst v3  }
0x17b: {  	v3 =	vld [tilespmem:$0x8B0];
	_ =	sdelay $0x4  }
0x17c: {  	[tilespmem:s21+$0x1AB0] =	vst v3  }
0x17d: {  	v3 =	vld [tilespmem:$0x8C0];
	_ =	sdelay $0x4  }
0x17e: {  	[tilespmem:s21+$0x1AC0] =	vst v3  }
0x17f: {  	v3 =	vld [tilespmem:$0x8D0];
	_ =	sdelay $0x4  }
0x180: {  	[tilespmem:s21+$0x1AD0] =	vst v3  }
0x181: {  	v3 =	vld [tilespmem:$0x8E0];
	_ =	sdelay $0x4  }
0x182: {  	[tilespmem:s21+$0x1AE0] =	vst v3  }
0x183: {  	v3 =	vld [tilespmem:$0x8F0];
	_ =	sdelay $0x4  }
0x184: {  	[tilespmem:s21+$0x1AF0] =	vst v3  }
0x185: {  	v3 =	vld [tilespmem:$0x900];
	_ =	sdelay $0x4  }
0x186: {  	[tilespmem:s21+$0x1E80] =	vst v3  }
0x187: {  	v3 =	vld [tilespmem:$0x910];
	_ =	sdelay $0x4  }
0x188: {  	[tilespmem:s21+$0x1E90] =	vst v3  }
0x189: {  	v3 =	vld [tilespmem:$0x920];
	_ =	sdelay $0x4  }
0x18a: {  	[tilespmem:s21+$0x1EA0] =	vst v3  }
0x18b: {  	v3 =	vld [tilespmem:$0x930];
	_ =	sdelay $0x4  }
0x18c: {  	[tilespmem:s21+$0x1EB0] =	vst v3  }
0x18d: {  	v3 =	vld [tilespmem:$0x940];
	_ =	sdelay $0x4  }
0x18e: {  	[tilespmem:s21+$0x1EC0] =	vst v3  }
0x18f: {  	v3 =	vld [tilespmem:$0x950];
	_ =	sdelay $0x4  }
0x190: {  	[tilespmem:s21+$0x1ED0] =	vst v3  }
0x191: {  	v3 =	vld [tilespmem:$0x960];
	_ =	sdelay $0x4  }
0x192: {  	[tilespmem:s21+$0x1EE0] =	vst v3  }
0x193: {  	v3 =	vld [tilespmem:$0x970];
	_ =	sdelay $0x4  }
0x194: {  	[tilespmem:s21+$0x1EF0] =	vst v3  }
0x195: {  	v3 =	vld [tilespmem:$0x980];
	_ =	sdelay $0x4  }
0x196: {  	[tilespmem:s21+$0x2280] =	vst v3  }
0x197: {  	v3 =	vld [tilespmem:$0x990];
	_ =	sdelay $0x4  }
0x198: {  	[tilespmem:s21+$0x2290] =	vst v3  }
0x199: {  	v3 =	vld [tilespmem:$0x9A0];
	_ =	sdelay $0x4  }
0x19a: {  	[tilespmem:s21+$0x22A0] =	vst v3  }
0x19b: {  	v3 =	vld [tilespmem:$0x9B0];
	_ =	sdelay $0x4  }
0x19c: {  	[tilespmem:s21+$0x22B0] =	vst v3  }
0x19d: {  	v3 =	vld [tilespmem:$0x9C0];
	_ =	sdelay $0x4  }
0x19e: {  	[tilespmem:s21+$0x22C0] =	vst v3  }
0x19f: {  	v3 =	vld [tilespmem:$0x9D0];
	_ =	sdelay $0x4  }
0x1a0: {  	[tilespmem:s21+$0x22D0] =	vst v3  }
0x1a1: {  	v3 =	vld [tilespmem:$0x9E0];
	_ =	sdelay $0x4  }
0x1a2: {  	[tilespmem:s21+$0x22E0] =	vst v3  }
0x1a3: {  	v3 =	vld [tilespmem:$0x9F0];
	_ =	sdelay $0x4  }
0x1a4: {  	[tilespmem:s21+$0x22F0] =	vst v3  }
0x1a5: {  	v3 =	vld [tilespmem:$0xA00];
	_ =	sdelay $0x4  }
0x1a6: {  	[tilespmem:s21+$0xF00] =	vst v3  }
0x1a7: {  	v3 =	vld [tilespmem:$0xA10];
	_ =	sdelay $0x4  }
0x1a8: {  	[tilespmem:s21+$0xF10] =	vst v3  }
0x1a9: {  	v3 =	vld [tilespmem:$0xA20];
	_ =	sdelay $0x4  }
0x1aa: {  	[tilespmem:s21+$0xF20] =	vst v3  }
0x1ab: {  	v3 =	vld [tilespmem:$0xA30];
	_ =	sdelay $0x4  }
0x1ac: {  	[tilespmem:s21+$0xF30] =	vst v3  }
0x1ad: {  	v3 =	vld [tilespmem:$0xA40];
	_ =	sdelay $0x4  }
0x1ae: {  	[tilespmem:s21+$0xF40] =	vst v3  }
0x1af: {  	v3 =	vld [tilespmem:$0xA50];
	_ =	sdelay $0x4  }
0x1b0: {  	[tilespmem:s21+$0xF50] =	vst v3  }
0x1b1: {  	v3 =	vld [tilespmem:$0xA60];
	_ =	sdelay $0x4  }
0x1b2: {  	[tilespmem:s21+$0xF60] =	vst v3  }
0x1b3: {  	v3 =	vld [tilespmem:$0xA70];
	_ =	sdelay $0x4  }
0x1b4: {  	[tilespmem:s21+$0xF70] =	vst v3  }
0x1b5: {  	v3 =	vld [tilespmem:$0xA80];
	_ =	sdelay $0x4  }
0x1b6: {  	[tilespmem:s21+$0x1300] =	vst v3  }
0x1b7: {  	v3 =	vld [tilespmem:$0xA90];
	_ =	sdelay $0x4  }
0x1b8: {  	[tilespmem:s21+$0x1310] =	vst v3  }
0x1b9: {  	v3 =	vld [tilespmem:$0xAA0];
	_ =	sdelay $0x4  }
0x1ba: {  	[tilespmem:s21+$0x1320] =	vst v3  }
0x1bb: {  	v3 =	vld [tilespmem:$0xAB0];
	_ =	sdelay $0x4  }
0x1bc: {  	[tilespmem:s21+$0x1330] =	vst v3  }
0x1bd: {  	v3 =	vld [tilespmem:$0xAC0];
	_ =	sdelay $0x4  }
0x1be: {  	[tilespmem:s21+$0x1340] =	vst v3  }
0x1bf: {  	v3 =	vld [tilespmem:$0xAD0];
	_ =	sdelay $0x4  }
0x1c0: {  	[tilespmem:s21+$0x1350] =	vst v3  }
0x1c1: {  	v3 =	vld [tilespmem:$0xAE0];
	_ =	sdelay $0x4  }
0x1c2: {  	[tilespmem:s21+$0x1360] =	vst v3  }
0x1c3: {  	v3 =	vld [tilespmem:$0xAF0];
	_ =	sdelay $0x4  }
0x1c4: {  	[tilespmem:s21+$0x1370] =	vst v3  }
0x1c5: {  	v3 =	vld [tilespmem:$0xB00];
	_ =	sdelay $0x4  }
0x1c6: {  	[tilespmem:s21+$0x1700] =	vst v3  }
0x1c7: {  	v3 =	vld [tilespmem:$0xB10];
	_ =	sdelay $0x4  }
0x1c8: {  	[tilespmem:s21+$0x1710] =	vst v3  }
0x1c9: {  	v3 =	vld [tilespmem:$0xB20];
	_ =	sdelay $0x4  }
0x1ca: {  	[tilespmem:s21+$0x1720] =	vst v3  }
0x1cb: {  	v3 =	vld [tilespmem:$0xB30];
	_ =	sdelay $0x4  }
0x1cc: {  	[tilespmem:s21+$0x1730] =	vst v3  }
0x1cd: {  	v3 =	vld [tilespmem:$0xB40];
	_ =	sdelay $0x4  }
0x1ce: {  	[tilespmem:s21+$0x1740] =	vst v3  }
0x1cf: {  	v3 =	vld [tilespmem:$0xB50];
	_ =	sdelay $0x4  }
0x1d0: {  	[tilespmem:s21+$0x1750] =	vst v3  }
0x1d1: {  	v3 =	vld [tilespmem:$0xB60];
	_ =	sdelay $0x4  }
0x1d2: {  	[tilespmem:s21+$0x1760] =	vst v3  }
0x1d3: {  	v3 =	vld [tilespmem:$0xB70];
	_ =	sdelay $0x4  }
0x1d4: {  	[tilespmem:s21+$0x1770] =	vst v3  }
0x1d5: {  	v3 =	vld [tilespmem:$0xB80];
	_ =	sdelay $0x4  }
0x1d6: {  	[tilespmem:s21+$0x1B00] =	vst v3  }
0x1d7: {  	v3 =	vld [tilespmem:$0xB90];
	_ =	sdelay $0x4  }
0x1d8: {  	[tilespmem:s21+$0x1B10] =	vst v3  }
0x1d9: {  	v3 =	vld [tilespmem:$0xBA0];
	_ =	sdelay $0x4  }
0x1da: {  	[tilespmem:s21+$0x1B20] =	vst v3  }
0x1db: {  	v3 =	vld [tilespmem:$0xBB0];
	_ =	sdelay $0x4  }
0x1dc: {  	[tilespmem:s21+$0x1B30] =	vst v3  }
0x1dd: {  	v3 =	vld [tilespmem:$0xBC0];
	_ =	sdelay $0x4  }
0x1de: {  	[tilespmem:s21+$0x1B40] =	vst v3  }
0x1df: {  	v3 =	vld [tilespmem:$0xBD0];
	_ =	sdelay $0x4  }
0x1e0: {  	[tilespmem:s21+$0x1B50] =	vst v3  }
0x1e1: {  	v3 =	vld [tilespmem:$0xBE0];
	_ =	sdelay $0x4  }
0x1e2: {  	[tilespmem:s21+$0x1B60] =	vst v3  }
0x1e3: {  	v3 =	vld [tilespmem:$0xBF0];
	_ =	sdelay $0x4  }
0x1e4: {  	[tilespmem:s21+$0x1B70] =	vst v3  }
0x1e5: {  	v3 =	vld [tilespmem:$0xC00];
	_ =	sdelay $0x4  }
0x1e6: {  	[tilespmem:s21+$0x1F00] =	vst v3  }
0x1e7: {  	v3 =	vld [tilespmem:$0xC10];
	_ =	sdelay $0x4  }
0x1e8: {  	[tilespmem:s21+$0x1F10] =	vst v3  }
0x1e9: {  	v3 =	vld [tilespmem:$0xC20];
	_ =	sdelay $0x4  }
0x1ea: {  	[tilespmem:s21+$0x1F20] =	vst v3  }
0x1eb: {  	v3 =	vld [tilespmem:$0xC30];
	_ =	sdelay $0x4  }
0x1ec: {  	[tilespmem:s21+$0x1F30] =	vst v3  }
0x1ed: {  	v3 =	vld [tilespmem:$0xC40];
	_ =	sdelay $0x4  }
0x1ee: {  	[tilespmem:s21+$0x1F40] =	vst v3  }
0x1ef: {  	v3 =	vld [tilespmem:$0xC50];
	_ =	sdelay $0x4  }
0x1f0: {  	[tilespmem:s21+$0x1F50] =	vst v3  }
0x1f1: {  	v3 =	vld [tilespmem:$0xC60];
	_ =	sdelay $0x4  }
0x1f2: {  	[tilespmem:s21+$0x1F60] =	vst v3  }
0x1f3: {  	v3 =	vld [tilespmem:$0xC70];
	_ =	sdelay $0x4  }
0x1f4: {  	[tilespmem:s21+$0x1F70] =	vst v3  }
0x1f5: {  	v3 =	vld [tilespmem:$0xC80];
	_ =	sdelay $0x4  }
0x1f6: {  	[tilespmem:s21+$0x2300] =	vst v3  }
0x1f7: {  	v3 =	vld [tilespmem:$0xC90];
	_ =	sdelay $0x4  }
0x1f8: {  	[tilespmem:s21+$0x2310] =	vst v3  }
0x1f9: {  	v3 =	vld [tilespmem:$0xCA0];
	_ =	sdelay $0x4  }
0x1fa: {  	[tilespmem:s21+$0x2320] =	vst v3  }
0x1fb: {  	v3 =	vld [tilespmem:$0xCB0];
	_ =	sdelay $0x4  }
0x1fc: {  	[tilespmem:s21+$0x2330] =	vst v3  }
0x1fd: {  	v3 =	vld [tilespmem:$0xCC0];
	_ =	sdelay $0x4  }
0x1fe: {  	[tilespmem:s21+$0x2340] =	vst v3  }
0x1ff: {  	v3 =	vld [tilespmem:$0xCD0];
	_ =	sdelay $0x4  }
0x200: {  	[tilespmem:s21+$0x2350] =	vst v3  }
0x201: {  	v3 =	vld [tilespmem:$0xCE0];
	_ =	sdelay $0x4  }
0x202: {  	[tilespmem:s21+$0x2360] =	vst v3  }
0x203: {  	v3 =	vld [tilespmem:$0xCF0];
	_ =	sdelay $0x1  }
0x204: {  	p0 =	sne.s32 s6, s20  }
.Ltmp0:
0x205: {  	_ = 	snop;
	(pc) =	sbr.rel @p0 .LBB2_2-.Ltmp0, $4  }
0x206: {  	_ = 	snop  }
0x207: {  	[tilespmem:s21+$0x2370] =	vst v3  }
0x208: {  	[hbm4b:s18+s4] =	stream.linear.scatter [tilespmem:s22], [sflag:$0x3], $0xF000, $0x38;
	[tilespmem:$0x1ED00] =	vst v63  }
0x209: {  	s19 =	sadd.s32 $0x80, s19;
	s18 =	sadd.s32 $0x1E00, s18  }
0x20a: {  	s17 =	sadd.s32 $0x1, s17  }
0x20b: {  	_ =	swait.ge [sflag:s16], $0xF000;
	p0 =	sne.s32 s17, s10  }
.Ltmp1:
0x20c: {  	[sflag:s16] =	ssyncset.done $0x0;
	(pc) =	sbr.rel @p0 .LBB2_1-.Ltmp1, $4  }
0x20d: {  	[sflag:s16] =	ssyncadd.s32 $0xFFFF1000  }
0x20e: {  	_ =	swait.ge [sflag:s16], $0xF000  }
0x20f: {  	[sflag:s16] =	ssyncset.done $0x0  }
0x210: {  	[sflag:s16] =	ssyncadd.s32 $0xFFFF1000  }
0x211: {  	_ =	sfence.sel $0x180000  }
0x212: {  	[bflag:$0x0] =	sbarrier.arrive $0xFFFF  }
0x213: {  	p0 =	sne.s32 s0, $0x0;
	_ =	strace $0x90000047  }
0x214: {  	s0 =	sadd.s32 @!p0 $0x100000, s2;
	[bflag:$0x2] =	sbarrier.arrive $0xFFFF  }
0x215: {  	[sflag:s0] =	ssyncadd.tile.s32 @!p0 $0x1;
	_ =	shalt  }
.Lfunc_end2:
_tile_overlayer_lowered:
.L_overlay_start_2:
0x216: {  	(tag) =	ssettag $0x2  }
0x217: {  	s0 =	rddreg [dreg:$0x0];
	s2 =	stileid.u32  }
0x218: {  	s1 =	rddreg [dreg:$0x1];
	p0 =	sne.s32 s2, $0x0  }
0x219: {  	s3 =	rddreg [dreg:$0x2];
	[bflag:$0x3] =	sbarrier.arrive $0xFFFF;
	s2 =	simm.s32 @!p0 $0x1C04  }
0x21a: {  	[timem:s3], [sflag:s2] =	dma.local @!p0 [hbm:s0], s1  }
0x21b: {  	s0 =	simm.s32 @!p0 $0x4  }
0x21c: {  	_ =	swait.ge @!p0 [sflag:s0], s1  }
0x21d: {  	s1 =	ssub.s32 @!p0 $0x0, s1;
	[sflag:s0] =	ssyncset.done @!p0 $0x0  }
0x21e: {  	[sflag:s0] =	ssyncadd.s32 @!p0 s1  }
0x21f: {  	[bflag:$0x3] =	sbarrier.arrive $0xFFFF  }
0x220: {  	_ =	shalt  }

</sc_bundles>
